<compile_context>
chip_gen: v7x
topology: tpu7x:2x2x1
jax: 0.10.2.dev20260603
libtpu: 0.0.44.dev20260713+nightly
codegen_flags: <defaults>
</compile_context>

<pallas_src>
import dataclasses
import functools

import jax
import jax.numpy as jnp
from jax import lax
from jax.experimental import pallas as pl
from jax.experimental.pallas import tpu as pltpu
from jax.experimental.pallas import tpu_sc as plsc

BB, NQ, CC = 2, 50176, 96
HH, WW = 224, 224
NH, NP = 4, 4
HD = CC // NH
HDP = 32
R_TBL = BB * NH * HH * WW
PW = 4 * HDP

BLK = 1792
NQB = NQ // BLK
NBLK = BB * NQB
NTILES = 32
QPT = BB * NQ // NTILES
QB = 16
NIT = QPT // QB
NS = NH * NP
GW = 128
NG = QB * NS // GW


def _prework_body(q_ref, rp_ref, v_ref, wox_ref, box_ref, woy_ref, boy_ref,
                  wa_ref, ba_ref, wv_ref, bv_ref,
                  vp_ref, aux_ref):
    b = pl.program_id(0)
    q = q_ref[0]
    vp_ref[...] = jnp.dot(v_ref[0], wv_ref[...],
                          preferred_element_type=jnp.float32) + bv_ref[...]
    a = jnp.dot(q, wa_ref[...], preferred_element_type=jnp.float32) + ba_ref[...]
    e = jnp.exp(a)
    col = lax.broadcasted_iota(jnp.int32, (NS, NS), 0) // NP
    row = lax.broadcasted_iota(jnp.int32, (NS, NS), 1) // NP
    g = (col == row).astype(jnp.float32)
    s = jnp.dot(e, g, preferred_element_type=jnp.float32)
    aw = e / s
    offx = jnp.dot(q, wox_ref[...], preferred_element_type=jnp.float32) + box_ref[...]
    offy = jnp.dot(q, woy_ref[...], preferred_element_type=jnp.float32) + boy_ref[...]
    rx = rp_ref[0, :, 0:1]
    ry = rp_ref[0, :, 1:2]
    locx = jnp.clip(rx + offx * (0.1 / WW), 0.0, 1.0)
    locy = jnp.clip(ry + offy * (0.1 / HH), 0.0, 1.0)
    ix = jnp.clip(locx * WW - 0.5, 0.0, WW - 1.0)
    iy = jnp.clip(locy * HH - 0.5, 0.0, HH - 1.0)
    x0 = jnp.floor(ix)
    y0 = jnp.floor(iy)
    wx1 = ix - x0
    wy1 = iy - y0
    wx0 = 1.0 - wx1
    wy0 = 1.0 - wy1
    wcat = jnp.concatenate(
        [aw * wy0 * wx0, aw * wy0 * wx1, aw * wy1 * wx0, aw * wy1 * wx1],
        axis=1)
    jo = lax.broadcasted_iota(jnp.int32, (4 * NS, 4 * NS), 0)
    jn = lax.broadcasted_iota(jnp.int32, (4 * NS, 4 * NS), 1)
    perm = ((jo % NS // NP) * 16 + (jo % NP) * 4 + jo // NS == jn)
    w4 = jnp.dot(wcat, perm.astype(jnp.float32),
                 preferred_element_type=jnp.float32)
    h = lax.broadcasted_iota(jnp.int32, (BLK, NS), 1) // NP
    r0 = (((b * NH + h) * HH + y0.astype(jnp.int32)) * WW
          + x0.astype(jnp.int32))
    aux_ref[...] = jnp.concatenate(
        [w4, lax.bitcast_convert_type(r0, jnp.float32),
         jnp.zeros((BLK, PW - 5 * NS), jnp.float32)], axis=1)


def _run_prework(query3, rp3, value3, wox, box, woy, boy, wa, ba, wv, bv):
    full = lambda s: pl.BlockSpec(s, lambda b, j: tuple(0 for _ in s))
    inblk = lambda n: pl.BlockSpec((1, BLK, n), lambda b, j: (b, j, 0))
    rowblk = lambda n: pl.BlockSpec((BLK, n), lambda b, j: (b * NQB + j, 0))
    return pl.pallas_call(
        _prework_body,
        grid=(BB, NQB),
        in_specs=[inblk(CC), inblk(2), inblk(CC),
                  full((CC, NS)), full((NS,)), full((CC, NS)), full((NS,)),
                  full((CC, NS)), full((NS,)), full((CC, PW)), full((PW,))],
        out_specs=[rowblk(PW), rowblk(PW)],
        out_shape=[jax.ShapeDtypeStruct((BB * NQ, PW), jnp.float32),
                   jax.ShapeDtypeStruct((BB * NQ, PW), jnp.float32)],
    )(query3, rp3, value3, wox, box, woy, boy, wa, ba, wv, bv)


YB = 16
NYB = HH // YB
NSTEP = BB * NYB


def _table_body(vp_hbm, tbl_hbm, in_a, in_b, out_a, out_b, sem_in, sem_out):
    g = pl.program_id(0)
    in_bufs = (in_a, in_b)
    out_bufs = (out_a, out_b)

    def in_copies(s, buf):
        b = s // NYB
        yb = s % NYB
        row0 = b * NQ + yb * YB * WW
        start9 = jnp.where(yb == NYB - 1, row0 + (YB - 1) * WW,
                           row0 + YB * WW)
        return (pltpu.make_async_copy(vp_hbm.at[pl.ds(row0, YB * WW)],
                                      buf.at[pl.ds(0, YB * WW)], sem_in),
                pltpu.make_async_copy(vp_hbm.at[pl.ds(start9, WW)],
                                      buf.at[pl.ds(YB * WW, WW)], sem_in))

    def out_row(s, h):
        return ((s // NYB) * NH + h) * HH + (s % NYB) * YB

    @pl.when(g == 0)
    def _():
        for cp in in_copies(0, in_a):
            cp.start()

    def do_step(s, par):
        for cp in in_copies(s, in_bufs[par]):
            cp.wait()

        @pl.when(s + 1 < NSTEP)
        def _():
            for cp in in_copies(s + 1, in_bufs[1 - par]):
                cp.start()

        x = in_bufs[par][...].reshape(YB + 1, WW, PW)
        for h in range(NH):
            ob = out_bufs[h % 2]
            if h >= 2:
                pltpu.make_async_copy(
                    ob, tbl_hbm.at[pl.ds(out_row(s, h - 2), YB)],
                    sem_out).wait()
            else:
                @pl.when(s > 0)
                def _():
                    pltpu.make_async_copy(
                        ob, tbl_hbm.at[pl.ds(out_row(s - 1, h + 2), YB)],
                        sem_out).wait()
            c = x[:, :, h * HDP:(h + 1) * HDP]
            r0 = c[0:YB]
            r1 = c[1:YB + 1]
            r0s = jnp.concatenate([r0[:, 1:WW, :], r0[:, WW - 1:WW, :]],
                                  axis=1)
            r1s = jnp.concatenate([r1[:, 1:WW, :], r1[:, WW - 1:WW, :]],
                                  axis=1)
            ob[...] = jnp.concatenate([r0, r0s, r1, r1s], axis=2)
            pltpu.make_async_copy(
                ob, tbl_hbm.at[pl.ds(out_row(s, h), YB)], sem_out).start()

    do_step(2 * g, 0)
    do_step(2 * g + 1, 1)

    @pl.when(g == NSTEP // 2 - 1)
    def _():
        for h in (2, 3):
            pltpu.make_async_copy(
                out_bufs[h % 2],
                tbl_hbm.at[pl.ds(out_row(NSTEP - 1, h), YB)],
                sem_out).wait()


def _run_table_build(vp):
    return pl.pallas_call(
        _table_body,
        grid=(NSTEP // 2,),
        in_specs=[pl.BlockSpec(memory_space=pl.ANY)],
        out_specs=pl.BlockSpec(memory_space=pl.ANY),
        out_shape=jax.ShapeDtypeStruct((BB * NH * HH, WW, PW), jnp.float32),
        scratch_shapes=[pltpu.VMEM(((YB + 1) * WW, PW), jnp.float32),
                        pltpu.VMEM(((YB + 1) * WW, PW), jnp.float32),
                        pltpu.VMEM((YB, WW, PW), jnp.float32),
                        pltpu.VMEM((YB, WW, PW), jnp.float32),
                        pltpu.SemaphoreType.DMA,
                        pltpu.SemaphoreType.DMA],
    )(vp)


def _sc_sample_combine(table, aux):
    mesh = plsc.VectorSubcoreMesh(core_axis_name="c", subcore_axis_name="s")
    cp = pltpu.CompilerParams()
    if "needs_layout_passes" in pltpu.CompilerParams.__dataclass_fields__:
        cp = dataclasses.replace(cp, needs_layout_passes=False)

    @functools.partial(
        pl.kernel, mesh=mesh, compiler_params=cp,
        out_type=jax.ShapeDtypeStruct((BB * NQ, NH * HDP), jnp.float32),
        scratch_types=[
            pltpu.VMEM((QB, PW), jnp.float32),
            pltpu.VMEM((QB, PW), jnp.float32),
            pltpu.VMEM((QB * NS,), jnp.int32),
            pltpu.VMEM((QB * NS,), jnp.int32),
            pltpu.VMEM((QB * NS, PW), jnp.float32),
            pltpu.VMEM((QB * NS, PW), jnp.float32),
            pltpu.VMEM((QB, NH * HDP), jnp.float32),
            pltpu.VMEM((QB, NH * HDP), jnp.float32),
            pltpu.SemaphoreType.DMA,
            pltpu.SemaphoreType.DMA,
            pltpu.SemaphoreType.DMA,
            pltpu.SemaphoreType.DMA,
        ])
    def sck(tbl_hbm, aux_hbm, out_hbm, aux_v0, aux_v1, idx_v0, idx_v1,
            patch_v0, patch_v1, out_v0, out_v1, gsem0, gsem1, osem0, osem1):
        wid = lax.axis_index("s") * 2 + lax.axis_index("c")
        base = wid * QPT
        aux_v = (aux_v0, aux_v1)
        idx_v = (idx_v0, idx_v1)
        patch_v = (patch_v0, patch_v1)
        out_v = (out_v0, out_v1)
        gsem = (gsem0, gsem1)
        osem = (osem0, osem1)

        def stage1(i, p):
            qb = base + i * QB
            pltpu.sync_copy(aux_hbm.at[pl.ds(qb, QB)], aux_v[p])
            for q in range(QB):
                iv = plsc.bitcast(aux_v[p][q, pl.ds(4 * NS, NS)], jnp.int32)
                idx_v[p][pl.ds(q * NS, NS)] = iv
            for gi in range(NG):
                pltpu.async_copy(
                    tbl_hbm.at[idx_v[p].at[pl.ds(gi * GW, GW)]],
                    patch_v[p].at[pl.ds(gi * GW, GW)], gsem[p])

        wcols = [jnp.full((16,), c, jnp.int32) for c in range(4 * NS)]

        def stage2(i, p, wait_out):
            qb = base + i * QB
            for gi in range(NG):
                pltpu.make_async_copy(
                    tbl_hbm.at[idx_v[p].at[pl.ds(gi * GW, GW)]],
                    patch_v[p].at[pl.ds(gi * GW, GW)], gsem[p]).wait()
            qb2 = base + (i - 2) * QB
            @pl.when(wait_out)
            def _():
                pltpu.make_async_copy(
                    out_v[p], out_hbm.at[pl.ds(qb2, QB)], osem[p]).wait()

            @pl.loop(0, QB)
            def _(q):
                qv = jnp.full((16,), q, jnp.int32)
                for h in range(NH):
                    acc = [jnp.zeros((16,), jnp.float32) for _ in range(2)]
                    for pp in range(NP):
                        s = q * NS + h * NP + pp
                        for ci in range(4):
                            wb = plsc.load_gather(
                                aux_v[p], [qv, wcols[h * 16 + pp * 4 + ci]])
                            for ch in range(HDP // 16):
                                acc[ch] = acc[ch] + wb * patch_v[p][
                                    s, pl.ds(ci * HDP + ch * 16, 16)]
                    for ch in range(HDP // 16):
                        out_v[p][q, pl.ds(h * HDP + ch * 16, 16)] = acc[ch]

            pltpu.async_copy(out_v[p], out_hbm.at[pl.ds(qb, QB)], osem[p])

        stage1(0, 0)

        @pl.loop(0, NIT, step=2)
        def _(k):
            stage1(k + 1, 1)
            stage2(k, 0, wait_out=k >= 2)

            @pl.when(k + 2 < NIT)
            def _():
                stage1(k + 2, 0)

            stage2(k + 1, 1, wait_out=k >= 2)

        for p in range(2):
            qbf = base + (NIT - 2 + p) * QB
            pltpu.make_async_copy(
                out_v[p], out_hbm.at[pl.ds(qbf, QB)], osem[p]).wait()

    return sck(table, aux)


def _proj_body(x_ref, w_ref, b_ref, o_ref):
    o_ref[0] = jnp.dot(x_ref[...], w_ref[...],
                       preferred_element_type=jnp.float32) + b_ref[...]


def _run_out_proj(samp, wo_pad, bo):
    full = lambda s: pl.BlockSpec(s, lambda b, j: tuple(0 for _ in s))
    return pl.pallas_call(
        _proj_body,
        grid=(BB, NQB),
        in_specs=[pl.BlockSpec((BLK, NH * HDP),
                               lambda b, j: (b * NQB + j, 0)),
                  full((NH * HDP, CC)), full((CC,))],
        out_specs=pl.BlockSpec((1, BLK, CC), lambda b, j: (b, j, 0)),
        out_shape=jax.ShapeDtypeStruct((BB, NQ, CC), jnp.float32),
    )(samp, wo_pad, bo)


def kernel(query, reference_points, value, spatial_shapes, W_off, b_off,
           W_attn, b_attn, W_v, b_v, W_o, b_o):
    del spatial_shapes
    wox, woy = W_off[:, 0::2], W_off[:, 1::2]
    box, boy = b_off[0::2], b_off[1::2]

    wv_pad = jnp.pad(W_v.reshape(CC, NH, HD),
                     ((0, 0), (0, 0), (0, HDP - HD))).reshape(CC, PW)
    bv_pad = jnp.pad(b_v.reshape(NH, HD), ((0, 0), (0, HDP - HD))).reshape(PW)

    vp, aux = _run_prework(query, reference_points, value, wox, box, woy,
                           boy, W_attn, b_attn, wv_pad, bv_pad)

    table = _run_table_build(vp).reshape(R_TBL, PW)

    samp = _sc_sample_combine(table, aux)

    wo = W_o.reshape(NH, HD, CC)
    wo_pad = jnp.pad(wo, ((0, 0), (0, HDP - HD), (0, 0))).reshape(NH * HDP, CC)
    return _run_out_proj(samp, wo_pad, b_o)

# --- scband reference (transcript-rebuilt; emitter-appended) ---
"""Pipeline reference for scband-efficient-deformable-attention-17703855194636 (READ-ONLY COPY).

The authoritative reference and input builder live on the scoring server;
editing this copy changes nothing except your own understanding.
"""

import jax, jax.numpy as jnp
import numpy as np

B, NQ, C = 2, 50176, 96
H, W = 224, 224
NH, NP = 4, 4
HD = C // NH


def setup_inputs(seed: int = 0) -> dict:
    key = jax.random.key(seed)
    ks = jax.random.split(key, 12)
    s = 1.0 / np.sqrt(C)
    return {
        "query": jax.random.normal(ks[0], (B, NQ, C), jnp.float32),
        "reference_points": jax.random.uniform(ks[1], (B, NQ, 2), jnp.float32),
        "value": jax.random.normal(ks[2], (B, NQ, C), jnp.float32),
        "spatial_shapes": jnp.array([H, W], jnp.int32),
        "W_off": jax.random.normal(ks[3], (C, NH * NP * 2), jnp.float32) * 0.02,
        "b_off": jax.random.normal(ks[4], (NH * NP * 2,), jnp.float32) * 0.5,
        "W_attn": jax.random.normal(ks[5], (C, NH * NP), jnp.float32) * 0.02,
        "b_attn": jax.random.normal(ks[6], (NH * NP,), jnp.float32) * 0.02,
        "W_v": jax.random.normal(ks[7], (C, C), jnp.float32) * s,
        "b_v": jnp.zeros((C,), jnp.float32),
        "W_o": jax.random.normal(ks[8], (C, C), jnp.float32) * s,
        "b_o": jnp.zeros((C,), jnp.float32),
    }


def _grid_sample_bilinear_border(img, gx, gy):
    # img: [N, Cc, Hh, Ww]; gx, gy: [N, P] in [-1, 1]; align_corners=False, padding_mode='border'
    n, cc, hh, ww = img.shape
    ix = jnp.clip((gx + 1.0) * ww / 2.0 - 0.5, 0.0, ww - 1.0)
    iy = jnp.clip((gy + 1.0) * hh / 2.0 - 0.5, 0.0, hh - 1.0)
    x0 = jnp.floor(ix)
    y0 = jnp.floor(iy)
    wx1 = ix - x0
    wx0 = 1.0 - wx1
    wy1 = iy - y0
    wy0 = 1.0 - wy1
    x0i = x0.astype(jnp.int32)
    y0i = y0.astype(jnp.int32)
    x1i = jnp.clip(x0i + 1, 0, ww - 1)
    y1i = jnp.clip(y0i + 1, 0, hh - 1)
    flat = img.reshape(n, cc, hh * ww)

    def gat(yi, xi):
        idx = yi * ww + xi  # [N, P]
        return jnp.take_along_axis(flat, idx[:, None, :], axis=2)  # [N, Cc, P]

    v00 = gat(y0i, x0i)
    v01 = gat(y0i, x1i)
    v10 = gat(y1i, x0i)
    v11 = gat(y1i, x1i)
    out = (v00 * (wy0 * wx0)[:, None, :] + v01 * (wy0 * wx1)[:, None, :]
           + v10 * (wy1 * wx0)[:, None, :] + v11 * (wy1 * wx1)[:, None, :])
    return out  # [N, Cc, P]


def reference(query, reference_points, value, spatial_shapes, W_off, b_off, W_attn, b_attn, W_v, b_v, W_o, b_o):
    h_, w_ = H, W
    b, nq, c = query.shape
    offs = (query @ W_off + b_off).reshape(b, nq, NH, NP, 2)
    aw = jax.nn.softmax((query @ W_attn + b_attn).reshape(b, nq, NH, NP), axis=-1)
    ox = offs[..., 0] / spatial_shapes[1].astype(jnp.float32) * 0.1
    oy = offs[..., 1] / spatial_shapes[0].astype(jnp.float32) * 0.1
    offs = jnp.stack([ox, oy], axis=-1)
    loc = jnp.clip(reference_points[:, :, None, None, :] + offs, 0.0, 1.0)
    vp = value @ W_v + b_v
    vsp = vp.reshape(b, h_, w_, NH, HD).transpose(0, 3, 4, 1, 2).reshape(b * NH, HD, h_, w_)
    grid = loc.transpose(0, 2, 1, 3, 4).reshape(b * NH, nq * NP, 2) * 2.0 - 1.0
    samp = _grid_sample_bilinear_border(vsp, grid[..., 0], grid[..., 1])  # [b*NH, HD, nq*NP]
    samp = samp.reshape(b, NH, HD, nq, NP).transpose(0, 3, 1, 4, 2)  # [b, nq, NH, NP, HD]
    out = (samp * aw[..., None]).sum(axis=3).reshape(b, nq, c)
    return out @ W_o + b_o

if __name__ == "__main__":
    import jax
    _d = setup_inputs()
    print(jax.jit(kernel)(*tuple(_d.values())))

</pallas_src>

<mosaic_0001>
#map = affine_map<(d0, d1) -> (0, 0)>
module attributes {stable_mosaic.version = 14 : i64} {
  func.func @sck(%arg0: i32, %arg1: i32, %arg2: memref<401408x128xf32, #tpu.memory_space<hbm>>, %arg3: memref<100352x128xf32, #tpu.memory_space<hbm>>, %arg4: memref<100352x128xf32, #tpu.memory_space<hbm>>, %arg5: memref<16x128xf32, #tpu.memory_space<vmem>>, %arg6: memref<16x128xf32, #tpu.memory_space<vmem>>, %arg7: memref<256xi32, #tpu.memory_space<vmem>>, %arg8: memref<256xi32, #tpu.memory_space<vmem>>, %arg9: memref<256x128xf32, #tpu.memory_space<vmem>>, %arg10: memref<256x128xf32, #tpu.memory_space<vmem>>, %arg11: memref<16x128xf32, #tpu.memory_space<vmem>>, %arg12: memref<16x128xf32, #tpu.memory_space<vmem>>, %arg13: memref<!tpu.dma_semaphore, #tpu.memory_space<semaphore_mem>>, %arg14: memref<!tpu.dma_semaphore, #tpu.memory_space<semaphore_mem>>, %arg15: memref<!tpu.dma_semaphore, #tpu.memory_space<semaphore_mem>>, %arg16: memref<!tpu.dma_semaphore, #tpu.memory_space<semaphore_mem>>) attributes {dimension_semantics = [#tpu.dimension_semantics<core_parallel>, #tpu.dimension_semantics<subcore_parallel>], iteration_bounds = array<i64: 2, 16>, scalar_prefetch = 0 : i64, scratch_operands = 12 : i64, tpu.core_type = #tpu.core_type<sc_vector_subcore>, window_params = [{transform_indices = #map}, {transform_indices = #map}, {transform_indices = #map}]} {
    %mul3A = arith.constant 2 : i32
    %mul3A_0 = arith.muli %arg1, %mul3A : i32
    %add3A = arith.addi %mul3A_0, %arg0 : i32
    %mul3A_1 = arith.constant 3136 : i32
    %mul3A_2 = arith.muli %add3A, %mul3A_1 : i32
    %broadcast_in_dim3A = arith.constant 0 : i32
    %broadcast_in_dim3A_3 = vector.broadcast %broadcast_in_dim3A : i32 to vector<16xi32>
    %broadcast_in_dim3A_4 = arith.constant 1 : i32
    %broadcast_in_dim3A_5 = vector.broadcast %broadcast_in_dim3A_4 : i32 to vector<16xi32>
    %broadcast_in_dim3A_6 = arith.constant 2 : i32
    %broadcast_in_dim3A_7 = vector.broadcast %broadcast_in_dim3A_6 : i32 to vector<16xi32>
    %broadcast_in_dim3A_8 = arith.constant 3 : i32
    %broadcast_in_dim3A_9 = vector.broadcast %broadcast_in_dim3A_8 : i32 to vector<16xi32>
    %broadcast_in_dim3A_10 = arith.constant 4 : i32
    %broadcast_in_dim3A_11 = vector.broadcast %broadcast_in_dim3A_10 : i32 to vector<16xi32>
    %broadcast_in_dim3A_12 = arith.constant 5 : i32
    %broadcast_in_dim3A_13 = vector.broadcast %broadcast_in_dim3A_12 : i32 to vector<16xi32>
    %broadcast_in_dim3A_14 = arith.constant 6 : i32
    %broadcast_in_dim3A_15 = vector.broadcast %broadcast_in_dim3A_14 : i32 to vector<16xi32>
    %broadcast_in_dim3A_16 = arith.constant 7 : i32
    %broadcast_in_dim3A_17 = vector.broadcast %broadcast_in_dim3A_16 : i32 to vector<16xi32>
    %broadcast_in_dim3A_18 = arith.constant 8 : i32
    %broadcast_in_dim3A_19 = vector.broadcast %broadcast_in_dim3A_18 : i32 to vector<16xi32>
    %broadcast_in_dim3A_20 = arith.constant 9 : i32
    %broadcast_in_dim3A_21 = vector.broadcast %broadcast_in_dim3A_20 : i32 to vector<16xi32>
    %broadcast_in_dim3A_22 = arith.constant 10 : i32
    %broadcast_in_dim3A_23 = vector.broadcast %broadcast_in_dim3A_22 : i32 to vector<16xi32>
    %broadcast_in_dim3A_24 = arith.constant 11 : i32
    %broadcast_in_dim3A_25 = vector.broadcast %broadcast_in_dim3A_24 : i32 to vector<16xi32>
    %broadcast_in_dim3A_26 = arith.constant 12 : i32
    %broadcast_in_dim3A_27 = vector.broadcast %broadcast_in_dim3A_26 : i32 to vector<16xi32>
    %broadcast_in_dim3A_28 = arith.constant 13 : i32
    %broadcast_in_dim3A_29 = vector.broadcast %broadcast_in_dim3A_28 : i32 to vector<16xi32>
    %broadcast_in_dim3A_30 = arith.constant 14 : i32
    %broadcast_in_dim3A_31 = vector.broadcast %broadcast_in_dim3A_30 : i32 to vector<16xi32>
    %broadcast_in_dim3A_32 = arith.constant 15 : i32
    %broadcast_in_dim3A_33 = vector.broadcast %broadcast_in_dim3A_32 : i32 to vector<16xi32>
    %broadcast_in_dim3A_34 = arith.constant 16 : i32
    %broadcast_in_dim3A_35 = vector.broadcast %broadcast_in_dim3A_34 : i32 to vector<16xi32>
    %broadcast_in_dim3A_36 = arith.constant 17 : i32
    %broadcast_in_dim3A_37 = vector.broadcast %broadcast_in_dim3A_36 : i32 to vector<16xi32>
    %broadcast_in_dim3A_38 = arith.constant 18 : i32
    %broadcast_in_dim3A_39 = vector.broadcast %broadcast_in_dim3A_38 : i32 to vector<16xi32>
    %broadcast_in_dim3A_40 = arith.constant 19 : i32
    %broadcast_in_dim3A_41 = vector.broadcast %broadcast_in_dim3A_40 : i32 to vector<16xi32>
    %broadcast_in_dim3A_42 = arith.constant 20 : i32
    %broadcast_in_dim3A_43 = vector.broadcast %broadcast_in_dim3A_42 : i32 to vector<16xi32>
    %broadcast_in_dim3A_44 = arith.constant 21 : i32
    %broadcast_in_dim3A_45 = vector.broadcast %broadcast_in_dim3A_44 : i32 to vector<16xi32>
    %broadcast_in_dim3A_46 = arith.constant 22 : i32
    %broadcast_in_dim3A_47 = vector.broadcast %broadcast_in_dim3A_46 : i32 to vector<16xi32>
    %broadcast_in_dim3A_48 = arith.constant 23 : i32
    %broadcast_in_dim3A_49 = vector.broadcast %broadcast_in_dim3A_48 : i32 to vector<16xi32>
    %broadcast_in_dim3A_50 = arith.constant 24 : i32
    %broadcast_in_dim3A_51 = vector.broadcast %broadcast_in_dim3A_50 : i32 to vector<16xi32>
    %broadcast_in_dim3A_52 = arith.constant 25 : i32
    %broadcast_in_dim3A_53 = vector.broadcast %broadcast_in_dim3A_52 : i32 to vector<16xi32>
    %broadcast_in_dim3A_54 = arith.constant 26 : i32
    %broadcast_in_dim3A_55 = vector.broadcast %broadcast_in_dim3A_54 : i32 to vector<16xi32>
    %broadcast_in_dim3A_56 = arith.constant 27 : i32
    %broadcast_in_dim3A_57 = vector.broadcast %broadcast_in_dim3A_56 : i32 to vector<16xi32>
    %broadcast_in_dim3A_58 = arith.constant 28 : i32
    %broadcast_in_dim3A_59 = vector.broadcast %broadcast_in_dim3A_58 : i32 to vector<16xi32>
    %broadcast_in_dim3A_60 = arith.constant 29 : i32
    %broadcast_in_dim3A_61 = vector.broadcast %broadcast_in_dim3A_60 : i32 to vector<16xi32>
    %broadcast_in_dim3A_62 = arith.constant 30 : i32
    %broadcast_in_dim3A_63 = vector.broadcast %broadcast_in_dim3A_62 : i32 to vector<16xi32>
    %broadcast_in_dim3A_64 = arith.constant 31 : i32
    %broadcast_in_dim3A_65 = vector.broadcast %broadcast_in_dim3A_64 : i32 to vector<16xi32>
    %broadcast_in_dim3A_66 = arith.constant 32 : i32
    %broadcast_in_dim3A_67 = vector.broadcast %broadcast_in_dim3A_66 : i32 to vector<16xi32>
    %broadcast_in_dim3A_68 = arith.constant 33 : i32
    %broadcast_in_dim3A_69 = vector.broadcast %broadcast_in_dim3A_68 : i32 to vector<16xi32>
    %broadcast_in_dim3A_70 = arith.constant 34 : i32
    %broadcast_in_dim3A_71 = vector.broadcast %broadcast_in_dim3A_70 : i32 to vector<16xi32>
    %broadcast_in_dim3A_72 = arith.constant 35 : i32
    %broadcast_in_dim3A_73 = vector.broadcast %broadcast_in_dim3A_72 : i32 to vector<16xi32>
    %broadcast_in_dim3A_74 = arith.constant 36 : i32
    %broadcast_in_dim3A_75 = vector.broadcast %broadcast_in_dim3A_74 : i32 to vector<16xi32>
    %broadcast_in_dim3A_76 = arith.constant 37 : i32
    %broadcast_in_dim3A_77 = vector.broadcast %broadcast_in_dim3A_76 : i32 to vector<16xi32>
    %broadcast_in_dim3A_78 = arith.constant 38 : i32
    %broadcast_in_dim3A_79 = vector.broadcast %broadcast_in_dim3A_78 : i32 to vector<16xi32>
    %broadcast_in_dim3A_80 = arith.constant 39 : i32
    %broadcast_in_dim3A_81 = vector.broadcast %broadcast_in_dim3A_80 : i32 to vector<16xi32>
    %broadcast_in_dim3A_82 = arith.constant 40 : i32
    %broadcast_in_dim3A_83 = vector.broadcast %broadcast_in_dim3A_82 : i32 to vector<16xi32>
    %broadcast_in_dim3A_84 = arith.constant 41 : i32
    %broadcast_in_dim3A_85 = vector.broadcast %broadcast_in_dim3A_84 : i32 to vector<16xi32>
    %broadcast_in_dim3A_86 = arith.constant 42 : i32
    %broadcast_in_dim3A_87 = vector.broadcast %broadcast_in_dim3A_86 : i32 to vector<16xi32>
    %broadcast_in_dim3A_88 = arith.constant 43 : i32
    %broadcast_in_dim3A_89 = vector.broadcast %broadcast_in_dim3A_88 : i32 to vector<16xi32>
    %broadcast_in_dim3A_90 = arith.constant 44 : i32
    %broadcast_in_dim3A_91 = vector.broadcast %broadcast_in_dim3A_90 : i32 to vector<16xi32>
    %broadcast_in_dim3A_92 = arith.constant 45 : i32
    %broadcast_in_dim3A_93 = vector.broadcast %broadcast_in_dim3A_92 : i32 to vector<16xi32>
    %broadcast_in_dim3A_94 = arith.constant 46 : i32
    %broadcast_in_dim3A_95 = vector.broadcast %broadcast_in_dim3A_94 : i32 to vector<16xi32>
    %broadcast_in_dim3A_96 = arith.constant 47 : i32
    %broadcast_in_dim3A_97 = vector.broadcast %broadcast_in_dim3A_96 : i32 to vector<16xi32>
    %broadcast_in_dim3A_98 = arith.constant 48 : i32
    %broadcast_in_dim3A_99 = vector.broadcast %broadcast_in_dim3A_98 : i32 to vector<16xi32>
    %broadcast_in_dim3A_100 = arith.constant 49 : i32
    %broadcast_in_dim3A_101 = vector.broadcast %broadcast_in_dim3A_100 : i32 to vector<16xi32>
    %broadcast_in_dim3A_102 = arith.constant 50 : i32
    %broadcast_in_dim3A_103 = vector.broadcast %broadcast_in_dim3A_102 : i32 to vector<16xi32>
    %broadcast_in_dim3A_104 = arith.constant 51 : i32
    %broadcast_in_dim3A_105 = vector.broadcast %broadcast_in_dim3A_104 : i32 to vector<16xi32>
    %broadcast_in_dim3A_106 = arith.constant 52 : i32
    %broadcast_in_dim3A_107 = vector.broadcast %broadcast_in_dim3A_106 : i32 to vector<16xi32>
    %broadcast_in_dim3A_108 = arith.constant 53 : i32
    %broadcast_in_dim3A_109 = vector.broadcast %broadcast_in_dim3A_108 : i32 to vector<16xi32>
    %broadcast_in_dim3A_110 = arith.constant 54 : i32
    %broadcast_in_dim3A_111 = vector.broadcast %broadcast_in_dim3A_110 : i32 to vector<16xi32>
    %broadcast_in_dim3A_112 = arith.constant 55 : i32
    %broadcast_in_dim3A_113 = vector.broadcast %broadcast_in_dim3A_112 : i32 to vector<16xi32>
    %broadcast_in_dim3A_114 = arith.constant 56 : i32
    %broadcast_in_dim3A_115 = vector.broadcast %broadcast_in_dim3A_114 : i32 to vector<16xi32>
    %broadcast_in_dim3A_116 = arith.constant 57 : i32
    %broadcast_in_dim3A_117 = vector.broadcast %broadcast_in_dim3A_116 : i32 to vector<16xi32>
    %broadcast_in_dim3A_118 = arith.constant 58 : i32
    %broadcast_in_dim3A_119 = vector.broadcast %broadcast_in_dim3A_118 : i32 to vector<16xi32>
    %broadcast_in_dim3A_120 = arith.constant 59 : i32
    %broadcast_in_dim3A_121 = vector.broadcast %broadcast_in_dim3A_120 : i32 to vector<16xi32>
    %broadcast_in_dim3A_122 = arith.constant 60 : i32
    %broadcast_in_dim3A_123 = vector.broadcast %broadcast_in_dim3A_122 : i32 to vector<16xi32>
    %broadcast_in_dim3A_124 = arith.constant 61 : i32
    %broadcast_in_dim3A_125 = vector.broadcast %broadcast_in_dim3A_124 : i32 to vector<16xi32>
    %broadcast_in_dim3A_126 = arith.constant 62 : i32
    %broadcast_in_dim3A_127 = vector.broadcast %broadcast_in_dim3A_126 : i32 to vector<16xi32>
    %broadcast_in_dim3A_128 = arith.constant 63 : i32
    %broadcast_in_dim3A_129 = vector.broadcast %broadcast_in_dim3A_128 : i32 to vector<16xi32>
    %add3A_130 = arith.constant 0 : i32
    %add3A_131 = arith.addi %mul3A_2, %add3A_130 : i32
    "tpu.region"() ({
      %run_scoped3A = tpu.sem_alloc : memref<!tpu.dma_semaphore, #tpu.memory_space<semaphore_mem>>
      %dma_start3A_271 = arith.constant 0 : i32
      %dma_start3A_272 = tpu.memref_slice %arg3[%add3A_131, %dma_start3A_271] : memref<100352x128xf32, #tpu.memory_space<hbm>> -> memref<16x128xf32, #tpu.memory_space<hbm>>
      %dma_start3A_273 = arith.constant 0 : i32
      %dma_start3A_274 = tpu.memref_slice %arg3[%add3A_131, %dma_start3A_273] : memref<100352x128xf32, #tpu.memory_space<hbm>> -> memref<16x128xf32, #tpu.memory_space<hbm>>
      tpu.enqueue_dma source(%dma_start3A_274 : memref<16x128xf32, #tpu.memory_space<hbm>>) target(%arg5 : memref<16x128xf32, #tpu.memory_space<vmem>>) target_semaphore(%run_scoped3A : memref<!tpu.dma_semaphore, #tpu.memory_space<semaphore_mem>>)
      %dma_wait3A_275 = arith.constant 0 : i32
      %dma_wait3A_276 = tpu.memref_slice %arg3[%add3A_131, %dma_wait3A_275] : memref<100352x128xf32, #tpu.memory_space<hbm>> -> memref<16x128xf32, #tpu.memory_space<hbm>>
      %dma_wait3A_277 = arith.constant 0 : i32
      %dma_wait3A_278 = tpu.memref_slice %arg3[%add3A_131, %dma_wait3A_277] : memref<100352x128xf32, #tpu.memory_space<hbm>> -> memref<16x128xf32, #tpu.memory_space<hbm>>
      tpu.wait_dma2 semaphore(%run_scoped3A : memref<!tpu.dma_semaphore, #tpu.memory_space<semaphore_mem>>) src(%dma_wait3A_278 : memref<16x128xf32, #tpu.memory_space<hbm>>) dst(%arg5 : memref<16x128xf32, #tpu.memory_space<vmem>>)
      tpu.yield
    }) : () -> ()
    %get3A = arith.constant 0 : i32
    %get3A_132 = arith.index_cast %get3A : i32 to index
    %get3A_133 = arith.constant 64 : index
    %get3A_134 = tpu.vector_load %arg5[%get3A_132, %get3A_133] {strides = array<i32>} : memref<16x128xf32, #tpu.memory_space<vmem>>, vector<16xf32>,
    %bitcast3A = vector.bitcast %get3A_134 : vector<16xf32> to vector<16xi32>
    %swap3A = arith.constant 0 : index
    %swap3A_135 = tpu.vector_load %arg7[%swap3A] {strides = array<i32>} : memref<256xi32, #tpu.memory_space<vmem>>, vector<16xi32>,
    tpu.vector_store %arg7[%swap3A], %bitcast3A {strides = array<i32>} : memref<256xi32, #tpu.memory_space<vmem>>, vector<16xi32>,
    %get3A_136 = arith.constant 1 : i32
    %get3A_137 = arith.index_cast %get3A_136 : i32 to index
    %get3A_138 = arith.constant 64 : index
    %get3A_139 = tpu.vector_load %arg5[%get3A_137, %get3A_138] {strides = array<i32>} : memref<16x128xf32, #tpu.memory_space<vmem>>, vector<16xf32>,
    %bitcast3A_140 = vector.bitcast %get3A_139 : vector<16xf32> to vector<16xi32>
    %swap3A_141 = arith.constant 16 : index
    %swap3A_142 = tpu.vector_load %arg7[%swap3A_141] {strides = array<i32>} : memref<256xi32, #tpu.memory_space<vmem>>, vector<16xi32>,
    tpu.vector_store %arg7[%swap3A_141], %bitcast3A_140 {strides = array<i32>} : memref<256xi32, #tpu.memory_space<vmem>>, vector<16xi32>,
    %get3A_143 = arith.constant 2 : i32
    %get3A_144 = arith.index_cast %get3A_143 : i32 to index
    %get3A_145 = arith.constant 64 : index
    %get3A_146 = tpu.vector_load %arg5[%get3A_144, %get3A_145] {strides = array<i32>} : memref<16x128xf32, #tpu.memory_space<vmem>>, vector<16xf32>,
    %bitcast3A_147 = vector.bitcast %get3A_146 : vector<16xf32> to vector<16xi32>
    %swap3A_148 = arith.constant 32 : index
    %swap3A_149 = tpu.vector_load %arg7[%swap3A_148] {strides = array<i32>} : memref<256xi32, #tpu.memory_space<vmem>>, vector<16xi32>,
    tpu.vector_store %arg7[%swap3A_148], %bitcast3A_147 {strides = array<i32>} : memref<256xi32, #tpu.memory_space<vmem>>, vector<16xi32>,
    %get3A_150 = arith.constant 3 : i32
    %get3A_151 = arith.index_cast %get3A_150 : i32 to index
    %get3A_152 = arith.constant 64 : index
    %get3A_153 = tpu.vector_load %arg5[%get3A_151, %get3A_152] {strides = array<i32>} : memref<16x128xf32, #tpu.memory_space<vmem>>, vector<16xf32>,
    %bitcast3A_154 = vector.bitcast %get3A_153 : vector<16xf32> to vector<16xi32>
    %swap3A_155 = arith.constant 48 : index
    %swap3A_156 = tpu.vector_load %arg7[%swap3A_155] {strides = array<i32>} : memref<256xi32, #tpu.memory_space<vmem>>, vector<16xi32>,
    tpu.vector_store %arg7[%swap3A_155], %bitcast3A_154 {strides = array<i32>} : memref<256xi32, #tpu.memory_space<vmem>>, vector<16xi32>,
    %get3A_157 = arith.constant 4 : i32
    %get3A_158 = arith.index_cast %get3A_157 : i32 to index
    %get3A_159 = arith.constant 64 : index
    %get3A_160 = tpu.vector_load %arg5[%get3A_158, %get3A_159] {strides = array<i32>} : memref<16x128xf32, #tpu.memory_space<vmem>>, vector<16xf32>,
    %bitcast3A_161 = vector.bitcast %get3A_160 : vector<16xf32> to vector<16xi32>
    %swap3A_162 = arith.constant 64 : index
    %swap3A_163 = tpu.vector_load %arg7[%swap3A_162] {strides = array<i32>} : memref<256xi32, #tpu.memory_space<vmem>>, vector<16xi32>,
    tpu.vector_store %arg7[%swap3A_162], %bitcast3A_161 {strides = array<i32>} : memref<256xi32, #tpu.memory_space<vmem>>, vector<16xi32>,
    %get3A_164 = arith.constant 5 : i32
    %get3A_165 = arith.index_cast %get3A_164 : i32 to index
    %get3A_166 = arith.constant 64 : index
    %get3A_167 = tpu.vector_load %arg5[%get3A_165, %get3A_166] {strides = array<i32>} : memref<16x128xf32, #tpu.memory_space<vmem>>, vector<16xf32>,
    %bitcast3A_168 = vector.bitcast %get3A_167 : vector<16xf32> to vector<16xi32>
    %swap3A_169 = arith.constant 80 : index
    %swap3A_170 = tpu.vector_load %arg7[%swap3A_169] {strides = array<i32>} : memref<256xi32, #tpu.memory_space<vmem>>, vector<16xi32>,
    tpu.vector_store %arg7[%swap3A_169], %bitcast3A_168 {strides = array<i32>} : memref<256xi32, #tpu.memory_space<vmem>>, vector<16xi32>,
    %get3A_171 = arith.constant 6 : i32
    %get3A_172 = arith.index_cast %get3A_171 : i32 to index
    %get3A_173 = arith.constant 64 : index
    %get3A_174 = tpu.vector_load %arg5[%get3A_172, %get3A_173] {strides = array<i32>} : memref<16x128xf32, #tpu.memory_space<vmem>>, vector<16xf32>,
    %bitcast3A_175 = vector.bitcast %get3A_174 : vector<16xf32> to vector<16xi32>
    %swap3A_176 = arith.constant 96 : index
    %swap3A_177 = tpu.vector_load %arg7[%swap3A_176] {strides = array<i32>} : memref<256xi32, #tpu.memory_space<vmem>>, vector<16xi32>,
    tpu.vector_store %arg7[%swap3A_176], %bitcast3A_175 {strides = array<i32>} : memref<256xi32, #tpu.memory_space<vmem>>, vector<16xi32>,
    %get3A_178 = arith.constant 7 : i32
    %get3A_179 = arith.index_cast %get3A_178 : i32 to index
    %get3A_180 = arith.constant 64 : index
    %get3A_181 = tpu.vector_load %arg5[%get3A_179, %get3A_180] {strides = array<i32>} : memref<16x128xf32, #tpu.memory_space<vmem>>, vector<16xf32>,
    %bitcast3A_182 = vector.bitcast %get3A_181 : vector<16xf32> to vector<16xi32>
    %swap3A_183 = arith.constant 112 : index
    %swap3A_184 = tpu.vector_load %arg7[%swap3A_183] {strides = array<i32>} : memref<256xi32, #tpu.memory_space<vmem>>, vector<16xi32>,
    tpu.vector_store %arg7[%swap3A_183], %bitcast3A_182 {strides = array<i32>} : memref<256xi32, #tpu.memory_space<vmem>>, vector<16xi32>,
    %get3A_185 = arith.constant 8 : i32
    %get3A_186 = arith.index_cast %get3A_185 : i32 to index
    %get3A_187 = arith.constant 64 : index
    %get3A_188 = tpu.vector_load %arg5[%get3A_186, %get3A_187] {strides = array<i32>} : memref<16x128xf32, #tpu.memory_space<vmem>>, vector<16xf32>,
    %bitcast3A_189 = vector.bitcast %get3A_188 : vector<16xf32> to vector<16xi32>
    %swap3A_190 = arith.constant 128 : index
    %swap3A_191 = tpu.vector_load %arg7[%swap3A_190] {strides = array<i32>} : memref<256xi32, #tpu.memory_space<vmem>>, vector<16xi32>,
    tpu.vector_store %arg7[%swap3A_190], %bitcast3A_189 {strides = array<i32>} : memref<256xi32, #tpu.memory_space<vmem>>, vector<16xi32>,
    %get3A_192 = arith.constant 9 : i32
    %get3A_193 = arith.index_cast %get3A_192 : i32 to index
    %get3A_194 = arith.constant 64 : index
    %get3A_195 = tpu.vector_load %arg5[%get3A_193, %get3A_194] {strides = array<i32>} : memref<16x128xf32, #tpu.memory_space<vmem>>, vector<16xf32>,
    %bitcast3A_196 = vector.bitcast %get3A_195 : vector<16xf32> to vector<16xi32>
    %swap3A_197 = arith.constant 144 : index
    %swap3A_198 = tpu.vector_load %arg7[%swap3A_197] {strides = array<i32>} : memref<256xi32, #tpu.memory_space<vmem>>, vector<16xi32>,
    tpu.vector_store %arg7[%swap3A_197], %bitcast3A_196 {strides = array<i32>} : memref<256xi32, #tpu.memory_space<vmem>>, vector<16xi32>,
    %get3A_199 = arith.constant 10 : i32
    %get3A_200 = arith.index_cast %get3A_199 : i32 to index
    %get3A_201 = arith.constant 64 : index
    %get3A_202 = tpu.vector_load %arg5[%get3A_200, %get3A_201] {strides = array<i32>} : memref<16x128xf32, #tpu.memory_space<vmem>>, vector<16xf32>,
    %bitcast3A_203 = vector.bitcast %get3A_202 : vector<16xf32> to vector<16xi32>
    %swap3A_204 = arith.constant 160 : index
    %swap3A_205 = tpu.vector_load %arg7[%swap3A_204] {strides = array<i32>} : memref<256xi32, #tpu.memory_space<vmem>>, vector<16xi32>,
    tpu.vector_store %arg7[%swap3A_204], %bitcast3A_203 {strides = array<i32>} : memref<256xi32, #tpu.memory_space<vmem>>, vector<16xi32>,
    %get3A_206 = arith.constant 11 : i32
    %get3A_207 = arith.index_cast %get3A_206 : i32 to index
    %get3A_208 = arith.constant 64 : index
    %get3A_209 = tpu.vector_load %arg5[%get3A_207, %get3A_208] {strides = array<i32>} : memref<16x128xf32, #tpu.memory_space<vmem>>, vector<16xf32>,
    %bitcast3A_210 = vector.bitcast %get3A_209 : vector<16xf32> to vector<16xi32>
    %swap3A_211 = arith.constant 176 : index
    %swap3A_212 = tpu.vector_load %arg7[%swap3A_211] {strides = array<i32>} : memref<256xi32, #tpu.memory_space<vmem>>, vector<16xi32>,
    tpu.vector_store %arg7[%swap3A_211], %bitcast3A_210 {strides = array<i32>} : memref<256xi32, #tpu.memory_space<vmem>>, vector<16xi32>,
    %get3A_213 = arith.constant 12 : i32
    %get3A_214 = arith.index_cast %get3A_213 : i32 to index
    %get3A_215 = arith.constant 64 : index
    %get3A_216 = tpu.vector_load %arg5[%get3A_214, %get3A_215] {strides = array<i32>} : memref<16x128xf32, #tpu.memory_space<vmem>>, vector<16xf32>,
    %bitcast3A_217 = vector.bitcast %get3A_216 : vector<16xf32> to vector<16xi32>
    %swap3A_218 = arith.constant 192 : index
    %swap3A_219 = tpu.vector_load %arg7[%swap3A_218] {strides = array<i32>} : memref<256xi32, #tpu.memory_space<vmem>>, vector<16xi32>,
    tpu.vector_store %arg7[%swap3A_218], %bitcast3A_217 {strides = array<i32>} : memref<256xi32, #tpu.memory_space<vmem>>, vector<16xi32>,
    %get3A_220 = arith.constant 13 : i32
    %get3A_221 = arith.index_cast %get3A_220 : i32 to index
    %get3A_222 = arith.constant 64 : index
    %get3A_223 = tpu.vector_load %arg5[%get3A_221, %get3A_222] {strides = array<i32>} : memref<16x128xf32, #tpu.memory_space<vmem>>, vector<16xf32>,
    %bitcast3A_224 = vector.bitcast %get3A_223 : vector<16xf32> to vector<16xi32>
    %swap3A_225 = arith.constant 208 : index
    %swap3A_226 = tpu.vector_load %arg7[%swap3A_225] {strides = array<i32>} : memref<256xi32, #tpu.memory_space<vmem>>, vector<16xi32>,
    tpu.vector_store %arg7[%swap3A_225], %bitcast3A_224 {strides = array<i32>} : memref<256xi32, #tpu.memory_space<vmem>>, vector<16xi32>,
    %get3A_227 = arith.constant 14 : i32
    %get3A_228 = arith.index_cast %get3A_227 : i32 to index
    %get3A_229 = arith.constant 64 : index
    %get3A_230 = tpu.vector_load %arg5[%get3A_228, %get3A_229] {strides = array<i32>} : memref<16x128xf32, #tpu.memory_space<vmem>>, vector<16xf32>,
    %bitcast3A_231 = vector.bitcast %get3A_230 : vector<16xf32> to vector<16xi32>
    %swap3A_232 = arith.constant 224 : index
    %swap3A_233 = tpu.vector_load %arg7[%swap3A_232] {strides = array<i32>} : memref<256xi32, #tpu.memory_space<vmem>>, vector<16xi32>,
    tpu.vector_store %arg7[%swap3A_232], %bitcast3A_231 {strides = array<i32>} : memref<256xi32, #tpu.memory_space<vmem>>, vector<16xi32>,
    %get3A_234 = arith.constant 15 : i32
    %get3A_235 = arith.index_cast %get3A_234 : i32 to index
    %get3A_236 = arith.constant 64 : index
    %get3A_237 = tpu.vector_load %arg5[%get3A_235, %get3A_236] {strides = array<i32>} : memref<16x128xf32, #tpu.memory_space<vmem>>, vector<16xf32>,
    %bitcast3A_238 = vector.bitcast %get3A_237 : vector<16xf32> to vector<16xi32>
    %swap3A_239 = arith.constant 240 : index
    %swap3A_240 = tpu.vector_load %arg7[%swap3A_239] {strides = array<i32>} : memref<256xi32, #tpu.memory_space<vmem>>, vector<16xi32>,
    tpu.vector_store %arg7[%swap3A_239], %bitcast3A_238 {strides = array<i32>} : memref<256xi32, #tpu.memory_space<vmem>>, vector<16xi32>,
    %dma_start3A = arith.constant 0 : i32
    %dma_start3A_241 = arith.constant 0 : i32
    %dma_start3A_242 = tpu.memref_slice %arg9[%dma_start3A, %dma_start3A_241] : memref<256x128xf32, #tpu.memory_space<vmem>> -> memref<128x128xf32, #tpu.memory_space<vmem>>
    %dma_start3A_243 = arith.constant 0 : i32
    %dma_start3A_244 = tpu.memref_slice %arg7[%dma_start3A_243] : memref<256xi32, #tpu.memory_space<vmem>> -> memref<128xi32, #tpu.memory_space<vmem>>
    %dma_start3A_245 = arith.constant 0 : i32
    %dma_start3A_246 = arith.constant 0 : i32
    %dma_start3A_247 = tpu.memref_slice %arg2[%dma_start3A_245, %dma_start3A_246] : memref<401408x128xf32, #tpu.memory_space<hbm>> -> memref<401408x128xf32, #tpu.memory_space<hbm>>
    tpu.enqueue_indirect_dma source(%dma_start3A_247 : memref<401408x128xf32, #tpu.memory_space<hbm>>) target(%dma_start3A_242 : memref<128x128xf32, #tpu.memory_space<vmem>>) offsets(%dma_start3A_244 : memref<128xi32, #tpu.memory_space<vmem>>) semaphore(%arg13 : memref<!tpu.dma_semaphore, #tpu.memory_space<semaphore_mem>>)
    %dma_start3A_248 = arith.constant 128 : i32
    %dma_start3A_249 = arith.constant 0 : i32
    %dma_start3A_250 = tpu.memref_slice %arg9[%dma_start3A_248, %dma_start3A_249] : memref<256x128xf32, #tpu.memory_space<vmem>> -> memref<128x128xf32, #tpu.memory_space<vmem>>
    %dma_start3A_251 = arith.constant 128 : i32
    %dma_start3A_252 = tpu.memref_slice %arg7[%dma_start3A_251] : memref<256xi32, #tpu.memory_space<vmem>> -> memref<128xi32, #tpu.memory_space<vmem>>
    %dma_start3A_253 = arith.constant 0 : i32
    %dma_start3A_254 = arith.constant 0 : i32
    %dma_start3A_255 = tpu.memref_slice %arg2[%dma_start3A_253, %dma_start3A_254] : memref<401408x128xf32, #tpu.memory_space<hbm>> -> memref<401408x128xf32, #tpu.memory_space<hbm>>
    tpu.enqueue_indirect_dma source(%dma_start3A_255 : memref<401408x128xf32, #tpu.memory_space<hbm>>) target(%dma_start3A_250 : memref<128x128xf32, #tpu.memory_space<vmem>>) offsets(%dma_start3A_252 : memref<128xi32, #tpu.memory_space<vmem>>) semaphore(%arg13 : memref<!tpu.dma_semaphore, #tpu.memory_space<semaphore_mem>>)
    %scan3A = arith.constant 0 : i32
    %scan3A_256 = arith.constant 98 : i32
    %scan3A_257 = arith.addi %scan3A, %scan3A_256 : i32
    %scan3A_258 = arith.constant 1 : i32
    scf.for %scan3A_271 = %scan3A to %scan3A_257 step %scan3A_258  : i32 {
      %mul3A_272 = arith.constant 2 : i32
      %mul3A_273 = arith.muli %scan3A_271, %mul3A_272 : i32
      %add3A_274 = arith.constant 0 : i32
      %add3A_275 = arith.addi %add3A_274, %mul3A_273 : i32
      %add3A_276 = arith.constant 1 : i32
      %add3A_277 = arith.addi %add3A_275, %add3A_276 : i32
      %mul3A_278 = arith.constant 16 : i32
      %mul3A_279 = arith.muli %add3A_277, %mul3A_278 : i32
      %add3A_280 = arith.addi %mul3A_2, %mul3A_279 : i32
      "tpu.region"() ({
        %run_scoped3A = tpu.sem_alloc : memref<!tpu.dma_semaphore, #tpu.memory_space<semaphore_mem>>
        %dma_start3A_489 = arith.constant 0 : i32
        %dma_start3A_490 = tpu.memref_slice %arg3[%add3A_280, %dma_start3A_489] : memref<100352x128xf32, #tpu.memory_space<hbm>> -> memref<16x128xf32, #tpu.memory_space<hbm>>
        %dma_start3A_491 = arith.constant 0 : i32
        %dma_start3A_492 = tpu.memref_slice %arg3[%add3A_280, %dma_start3A_491] : memref<100352x128xf32, #tpu.memory_space<hbm>> -> memref<16x128xf32, #tpu.memory_space<hbm>>
        tpu.enqueue_dma source(%dma_start3A_492 : memref<16x128xf32, #tpu.memory_space<hbm>>) target(%arg6 : memref<16x128xf32, #tpu.memory_space<vmem>>) target_semaphore(%run_scoped3A : memref<!tpu.dma_semaphore, #tpu.memory_space<semaphore_mem>>)
        %dma_wait3A_493 = arith.constant 0 : i32
        %dma_wait3A_494 = tpu.memref_slice %arg3[%add3A_280, %dma_wait3A_493] : memref<100352x128xf32, #tpu.memory_space<hbm>> -> memref<16x128xf32, #tpu.memory_space<hbm>>
        %dma_wait3A_495 = arith.constant 0 : i32
        %dma_wait3A_496 = tpu.memref_slice %arg3[%add3A_280, %dma_wait3A_495] : memref<100352x128xf32, #tpu.memory_space<hbm>> -> memref<16x128xf32, #tpu.memory_space<hbm>>
        tpu.wait_dma2 semaphore(%run_scoped3A : memref<!tpu.dma_semaphore, #tpu.memory_space<semaphore_mem>>) src(%dma_wait3A_496 : memref<16x128xf32, #tpu.memory_space<hbm>>) dst(%arg6 : memref<16x128xf32, #tpu.memory_space<vmem>>)
        tpu.yield
      }) : () -> ()
      %get3A_281 = arith.constant 0 : i32
      %get3A_282 = arith.index_cast %get3A_281 : i32 to index
      %get3A_283 = arith.constant 64 : index
      %get3A_284 = tpu.vector_load %arg6[%get3A_282, %get3A_283] {strides = array<i32>} : memref<16x128xf32, #tpu.memory_space<vmem>>, vector<16xf32>,
      %bitcast3A_285 = vector.bitcast %get3A_284 : vector<16xf32> to vector<16xi32>
      %swap3A_286 = arith.constant 0 : index
      %swap3A_287 = tpu.vector_load %arg8[%swap3A_286] {strides = array<i32>} : memref<256xi32, #tpu.memory_space<vmem>>, vector<16xi32>,
      tpu.vector_store %arg8[%swap3A_286], %bitcast3A_285 {strides = array<i32>} : memref<256xi32, #tpu.memory_space<vmem>>, vector<16xi32>,
      %get3A_288 = arith.constant 1 : i32
      %get3A_289 = arith.index_cast %get3A_288 : i32 to index
      %get3A_290 = arith.constant 64 : index
      %get3A_291 = tpu.vector_load %arg6[%get3A_289, %get3A_290] {strides = array<i32>} : memref<16x128xf32, #tpu.memory_space<vmem>>, vector<16xf32>,
      %bitcast3A_292 = vector.bitcast %get3A_291 : vector<16xf32> to vector<16xi32>
      %swap3A_293 = arith.constant 16 : index
      %swap3A_294 = tpu.vector_load %arg8[%swap3A_293] {strides = array<i32>} : memref<256xi32, #tpu.memory_space<vmem>>, vector<16xi32>,
      tpu.vector_store %arg8[%swap3A_293], %bitcast3A_292 {strides = array<i32>} : memref<256xi32, #tpu.memory_space<vmem>>, vector<16xi32>,
      %get3A_295 = arith.constant 2 : i32
      %get3A_296 = arith.index_cast %get3A_295 : i32 to index
      %get3A_297 = arith.constant 64 : index
      %get3A_298 = tpu.vector_load %arg6[%get3A_296, %get3A_297] {strides = array<i32>} : memref<16x128xf32, #tpu.memory_space<vmem>>, vector<16xf32>,
      %bitcast3A_299 = vector.bitcast %get3A_298 : vector<16xf32> to vector<16xi32>
      %swap3A_300 = arith.constant 32 : index
      %swap3A_301 = tpu.vector_load %arg8[%swap3A_300] {strides = array<i32>} : memref<256xi32, #tpu.memory_space<vmem>>, vector<16xi32>,
      tpu.vector_store %arg8[%swap3A_300], %bitcast3A_299 {strides = array<i32>} : memref<256xi32, #tpu.memory_space<vmem>>, vector<16xi32>,
      %get3A_302 = arith.constant 3 : i32
      %get3A_303 = arith.index_cast %get3A_302 : i32 to index
      %get3A_304 = arith.constant 64 : index
      %get3A_305 = tpu.vector_load %arg6[%get3A_303, %get3A_304] {strides = array<i32>} : memref<16x128xf32, #tpu.memory_space<vmem>>, vector<16xf32>,
      %bitcast3A_306 = vector.bitcast %get3A_305 : vector<16xf32> to vector<16xi32>
      %swap3A_307 = arith.constant 48 : index
      %swap3A_308 = tpu.vector_load %arg8[%swap3A_307] {strides = array<i32>} : memref<256xi32, #tpu.memory_space<vmem>>, vector<16xi32>,
      tpu.vector_store %arg8[%swap3A_307], %bitcast3A_306 {strides = array<i32>} : memref<256xi32, #tpu.memory_space<vmem>>, vector<16xi32>,
      %get3A_309 = arith.constant 4 : i32
      %get3A_310 = arith.index_cast %get3A_309 : i32 to index
      %get3A_311 = arith.constant 64 : index
      %get3A_312 = tpu.vector_load %arg6[%get3A_310, %get3A_311] {strides = array<i32>} : memref<16x128xf32, #tpu.memory_space<vmem>>, vector<16xf32>,
      %bitcast3A_313 = vector.bitcast %get3A_312 : vector<16xf32> to vector<16xi32>
      %swap3A_314 = arith.constant 64 : index
      %swap3A_315 = tpu.vector_load %arg8[%swap3A_314] {strides = array<i32>} : memref<256xi32, #tpu.memory_space<vmem>>, vector<16xi32>,
      tpu.vector_store %arg8[%swap3A_314], %bitcast3A_313 {strides = array<i32>} : memref<256xi32, #tpu.memory_space<vmem>>, vector<16xi32>,
      %get3A_316 = arith.constant 5 : i32
      %get3A_317 = arith.index_cast %get3A_316 : i32 to index
      %get3A_318 = arith.constant 64 : index
      %get3A_319 = tpu.vector_load %arg6[%get3A_317, %get3A_318] {strides = array<i32>} : memref<16x128xf32, #tpu.memory_space<vmem>>, vector<16xf32>,
      %bitcast3A_320 = vector.bitcast %get3A_319 : vector<16xf32> to vector<16xi32>
      %swap3A_321 = arith.constant 80 : index
      %swap3A_322 = tpu.vector_load %arg8[%swap3A_321] {strides = array<i32>} : memref<256xi32, #tpu.memory_space<vmem>>, vector<16xi32>,
      tpu.vector_store %arg8[%swap3A_321], %bitcast3A_320 {strides = array<i32>} : memref<256xi32, #tpu.memory_space<vmem>>, vector<16xi32>,
      %get3A_323 = arith.constant 6 : i32
      %get3A_324 = arith.index_cast %get3A_323 : i32 to index
      %get3A_325 = arith.constant 64 : index
      %get3A_326 = tpu.vector_load %arg6[%get3A_324, %get3A_325] {strides = array<i32>} : memref<16x128xf32, #tpu.memory_space<vmem>>, vector<16xf32>,
      %bitcast3A_327 = vector.bitcast %get3A_326 : vector<16xf32> to vector<16xi32>
      %swap3A_328 = arith.constant 96 : index
      %swap3A_329 = tpu.vector_load %arg8[%swap3A_328] {strides = array<i32>} : memref<256xi32, #tpu.memory_space<vmem>>, vector<16xi32>,
      tpu.vector_store %arg8[%swap3A_328], %bitcast3A_327 {strides = array<i32>} : memref<256xi32, #tpu.memory_space<vmem>>, vector<16xi32>,
      %get3A_330 = arith.constant 7 : i32
      %get3A_331 = arith.index_cast %get3A_330 : i32 to index
      %get3A_332 = arith.constant 64 : index
      %get3A_333 = tpu.vector_load %arg6[%get3A_331, %get3A_332] {strides = array<i32>} : memref<16x128xf32, #tpu.memory_space<vmem>>, vector<16xf32>,
      %bitcast3A_334 = vector.bitcast %get3A_333 : vector<16xf32> to vector<16xi32>
      %swap3A_335 = arith.constant 112 : index
      %swap3A_336 = tpu.vector_load %arg8[%swap3A_335] {strides = array<i32>} : memref<256xi32, #tpu.memory_space<vmem>>, vector<16xi32>,
      tpu.vector_store %arg8[%swap3A_335], %bitcast3A_334 {strides = array<i32>} : memref<256xi32, #tpu.memory_space<vmem>>, vector<16xi32>,
      %get3A_337 = arith.constant 8 : i32
      %get3A_338 = arith.index_cast %get3A_337 : i32 to index
      %get3A_339 = arith.constant 64 : index
      %get3A_340 = tpu.vector_load %arg6[%get3A_338, %get3A_339] {strides = array<i32>} : memref<16x128xf32, #tpu.memory_space<vmem>>, vector<16xf32>,
      %bitcast3A_341 = vector.bitcast %get3A_340 : vector<16xf32> to vector<16xi32>
      %swap3A_342 = arith.constant 128 : index
      %swap3A_343 = tpu.vector_load %arg8[%swap3A_342] {strides = array<i32>} : memref<256xi32, #tpu.memory_space<vmem>>, vector<16xi32>,
      tpu.vector_store %arg8[%swap3A_342], %bitcast3A_341 {strides = array<i32>} : memref<256xi32, #tpu.memory_space<vmem>>, vector<16xi32>,
      %get3A_344 = arith.constant 9 : i32
      %get3A_345 = arith.index_cast %get3A_344 : i32 to index
      %get3A_346 = arith.constant 64 : index
      %get3A_347 = tpu.vector_load %arg6[%get3A_345, %get3A_346] {strides = array<i32>} : memref<16x128xf32, #tpu.memory_space<vmem>>, vector<16xf32>,
      %bitcast3A_348 = vector.bitcast %get3A_347 : vector<16xf32> to vector<16xi32>
      %swap3A_349 = arith.constant 144 : index
      %swap3A_350 = tpu.vector_load %arg8[%swap3A_349] {strides = array<i32>} : memref<256xi32, #tpu.memory_space<vmem>>, vector<16xi32>,
      tpu.vector_store %arg8[%swap3A_349], %bitcast3A_348 {strides = array<i32>} : memref<256xi32, #tpu.memory_space<vmem>>, vector<16xi32>,
      %get3A_351 = arith.constant 10 : i32
      %get3A_352 = arith.index_cast %get3A_351 : i32 to index
      %get3A_353 = arith.constant 64 : index
      %get3A_354 = tpu.vector_load %arg6[%get3A_352, %get3A_353] {strides = array<i32>} : memref<16x128xf32, #tpu.memory_space<vmem>>, vector<16xf32>,
      %bitcast3A_355 = vector.bitcast %get3A_354 : vector<16xf32> to vector<16xi32>
      %swap3A_356 = arith.constant 160 : index
      %swap3A_357 = tpu.vector_load %arg8[%swap3A_356] {strides = array<i32>} : memref<256xi32, #tpu.memory_space<vmem>>, vector<16xi32>,
      tpu.vector_store %arg8[%swap3A_356], %bitcast3A_355 {strides = array<i32>} : memref<256xi32, #tpu.memory_space<vmem>>, vector<16xi32>,
      %get3A_358 = arith.constant 11 : i32
      %get3A_359 = arith.index_cast %get3A_358 : i32 to index
      %get3A_360 = arith.constant 64 : index
      %get3A_361 = tpu.vector_load %arg6[%get3A_359, %get3A_360] {strides = array<i32>} : memref<16x128xf32, #tpu.memory_space<vmem>>, vector<16xf32>,
      %bitcast3A_362 = vector.bitcast %get3A_361 : vector<16xf32> to vector<16xi32>
      %swap3A_363 = arith.constant 176 : index
      %swap3A_364 = tpu.vector_load %arg8[%swap3A_363] {strides = array<i32>} : memref<256xi32, #tpu.memory_space<vmem>>, vector<16xi32>,
      tpu.vector_store %arg8[%swap3A_363], %bitcast3A_362 {strides = array<i32>} : memref<256xi32, #tpu.memory_space<vmem>>, vector<16xi32>,
      %get3A_365 = arith.constant 12 : i32
      %get3A_366 = arith.index_cast %get3A_365 : i32 to index
      %get3A_367 = arith.constant 64 : index
      %get3A_368 = tpu.vector_load %arg6[%get3A_366, %get3A_367] {strides = array<i32>} : memref<16x128xf32, #tpu.memory_space<vmem>>, vector<16xf32>,
      %bitcast3A_369 = vector.bitcast %get3A_368 : vector<16xf32> to vector<16xi32>
      %swap3A_370 = arith.constant 192 : index
      %swap3A_371 = tpu.vector_load %arg8[%swap3A_370] {strides = array<i32>} : memref<256xi32, #tpu.memory_space<vmem>>, vector<16xi32>,
      tpu.vector_store %arg8[%swap3A_370], %bitcast3A_369 {strides = array<i32>} : memref<256xi32, #tpu.memory_space<vmem>>, vector<16xi32>,
      %get3A_372 = arith.constant 13 : i32
      %get3A_373 = arith.index_cast %get3A_372 : i32 to index
      %get3A_374 = arith.constant 64 : index
      %get3A_375 = tpu.vector_load %arg6[%get3A_373, %get3A_374] {strides = array<i32>} : memref<16x128xf32, #tpu.memory_space<vmem>>, vector<16xf32>,
      %bitcast3A_376 = vector.bitcast %get3A_375 : vector<16xf32> to vector<16xi32>
      %swap3A_377 = arith.constant 208 : index
      %swap3A_378 = tpu.vector_load %arg8[%swap3A_377] {strides = array<i32>} : memref<256xi32, #tpu.memory_space<vmem>>, vector<16xi32>,
      tpu.vector_store %arg8[%swap3A_377], %bitcast3A_376 {strides = array<i32>} : memref<256xi32, #tpu.memory_space<vmem>>, vector<16xi32>,
      %get3A_379 = arith.constant 14 : i32
      %get3A_380 = arith.index_cast %get3A_379 : i32 to index
      %get3A_381 = arith.constant 64 : index
      %get3A_382 = tpu.vector_load %arg6[%get3A_380, %get3A_381] {strides = array<i32>} : memref<16x128xf32, #tpu.memory_space<vmem>>, vector<16xf32>,
      %bitcast3A_383 = vector.bitcast %get3A_382 : vector<16xf32> to vector<16xi32>
      %swap3A_384 = arith.constant 224 : index
      %swap3A_385 = tpu.vector_load %arg8[%swap3A_384] {strides = array<i32>} : memref<256xi32, #tpu.memory_space<vmem>>, vector<16xi32>,
      tpu.vector_store %arg8[%swap3A_384], %bitcast3A_383 {strides = array<i32>} : memref<256xi32, #tpu.memory_space<vmem>>, vector<16xi32>,
      %get3A_386 = arith.constant 15 : i32
      %get3A_387 = arith.index_cast %get3A_386 : i32 to index
      %get3A_388 = arith.constant 64 : index
      %get3A_389 = tpu.vector_load %arg6[%get3A_387, %get3A_388] {strides = array<i32>} : memref<16x128xf32, #tpu.memory_space<vmem>>, vector<16xf32>,
      %bitcast3A_390 = vector.bitcast %get3A_389 : vector<16xf32> to vector<16xi32>
      %swap3A_391 = arith.constant 240 : index
      %swap3A_392 = tpu.vector_load %arg8[%swap3A_391] {strides = array<i32>} : memref<256xi32, #tpu.memory_space<vmem>>, vector<16xi32>,
      tpu.vector_store %arg8[%swap3A_391], %bitcast3A_390 {strides = array<i32>} : memref<256xi32, #tpu.memory_space<vmem>>, vector<16xi32>,
      %dma_start3A_393 = arith.constant 0 : i32
      %dma_start3A_394 = arith.constant 0 : i32
      %dma_start3A_395 = tpu.memref_slice %arg10[%dma_start3A_393, %dma_start3A_394] : memref<256x128xf32, #tpu.memory_space<vmem>> -> memref<128x128xf32, #tpu.memory_space<vmem>>
      %dma_start3A_396 = arith.constant 0 : i32
      %dma_start3A_397 = tpu.memref_slice %arg8[%dma_start3A_396] : memref<256xi32, #tpu.memory_space<vmem>> -> memref<128xi32, #tpu.memory_space<vmem>>
      %dma_start3A_398 = arith.constant 0 : i32
      %dma_start3A_399 = arith.constant 0 : i32
      %dma_start3A_400 = tpu.memref_slice %arg2[%dma_start3A_398, %dma_start3A_399] : memref<401408x128xf32, #tpu.memory_space<hbm>> -> memref<401408x128xf32, #tpu.memory_space<hbm>>
      tpu.enqueue_indirect_dma source(%dma_start3A_400 : memref<401408x128xf32, #tpu.memory_space<hbm>>) target(%dma_start3A_395 : memref<128x128xf32, #tpu.memory_space<vmem>>) offsets(%dma_start3A_397 : memref<128xi32, #tpu.memory_space<vmem>>) semaphore(%arg14 : memref<!tpu.dma_semaphore, #tpu.memory_space<semaphore_mem>>)
      %dma_start3A_401 = arith.constant 128 : i32
      %dma_start3A_402 = arith.constant 0 : i32
      %dma_start3A_403 = tpu.memref_slice %arg10[%dma_start3A_401, %dma_start3A_402] : memref<256x128xf32, #tpu.memory_space<vmem>> -> memref<128x128xf32, #tpu.memory_space<vmem>>
      %dma_start3A_404 = arith.constant 128 : i32
      %dma_start3A_405 = tpu.memref_slice %arg8[%dma_start3A_404] : memref<256xi32, #tpu.memory_space<vmem>> -> memref<128xi32, #tpu.memory_space<vmem>>
      %dma_start3A_406 = arith.constant 0 : i32
      %dma_start3A_407 = arith.constant 0 : i32
      %dma_start3A_408 = tpu.memref_slice %arg2[%dma_start3A_406, %dma_start3A_407] : memref<401408x128xf32, #tpu.memory_space<hbm>> -> memref<401408x128xf32, #tpu.memory_space<hbm>>
      tpu.enqueue_indirect_dma source(%dma_start3A_408 : memref<401408x128xf32, #tpu.memory_space<hbm>>) target(%dma_start3A_403 : memref<128x128xf32, #tpu.memory_space<vmem>>) offsets(%dma_start3A_405 : memref<128xi32, #tpu.memory_space<vmem>>) semaphore(%arg14 : memref<!tpu.dma_semaphore, #tpu.memory_space<semaphore_mem>>)
      %ge3A = arith.constant 2 : i32
      %ge3A_409 = arith.cmpi sge, %add3A_275, %ge3A : i32
      %mul3A_410 = arith.constant 16 : i32
      %mul3A_411 = arith.muli %add3A_275, %mul3A_410 : i32
      %add3A_412 = arith.addi %mul3A_2, %mul3A_411 : i32
      %dma_wait3A_413 = arith.constant 0 : i32
      %dma_wait3A_414 = arith.constant 0 : i32
      %dma_wait3A_415 = tpu.memref_slice %arg9[%dma_wait3A_413, %dma_wait3A_414] : memref<256x128xf32, #tpu.memory_space<vmem>> -> memref<128x128xf32, #tpu.memory_space<vmem>>
      %dma_wait3A_416 = arith.constant 0 : i32
      %dma_wait3A_417 = tpu.memref_slice %arg7[%dma_wait3A_416] : memref<256xi32, #tpu.memory_space<vmem>> -> memref<128xi32, #tpu.memory_space<vmem>>
      %dma_wait3A_418 = arith.constant 0 : i32
      %dma_wait3A_419 = arith.constant 0 : i32
      %dma_wait3A_420 = tpu.memref_slice %arg2[%dma_wait3A_418, %dma_wait3A_419] : memref<401408x128xf32, #tpu.memory_space<hbm>> -> memref<401408x128xf32, #tpu.memory_space<hbm>>
      tpu.wait_indirect_dma semaphore(%arg13 : memref<!tpu.dma_semaphore, #tpu.memory_space<semaphore_mem>>) src(%dma_wait3A_420 : memref<401408x128xf32, #tpu.memory_space<hbm>>) dst(%dma_wait3A_415 : memref<128x128xf32, #tpu.memory_space<vmem>>)
      %dma_wait3A_421 = arith.constant 128 : i32
      %dma_wait3A_422 = arith.constant 0 : i32
      %dma_wait3A_423 = tpu.memref_slice %arg9[%dma_wait3A_421, %dma_wait3A_422] : memref<256x128xf32, #tpu.memory_space<vmem>> -> memref<128x128xf32, #tpu.memory_space<vmem>>
      %dma_wait3A_424 = arith.constant 128 : i32
      %dma_wait3A_425 = tpu.memref_slice %arg7[%dma_wait3A_424] : memref<256xi32, #tpu.memory_space<vmem>> -> memref<128xi32, #tpu.memory_space<vmem>>
      %dma_wait3A_426 = arith.constant 0 : i32
      %dma_wait3A_427 = arith.constant 0 : i32
      %dma_wait3A_428 = tpu.memref_slice %arg2[%dma_wait3A_426, %dma_wait3A_427] : memref<401408x128xf32, #tpu.memory_space<hbm>> -> memref<401408x128xf32, #tpu.memory_space<hbm>>
      tpu.wait_indirect_dma semaphore(%arg13 : memref<!tpu.dma_semaphore, #tpu.memory_space<semaphore_mem>>) src(%dma_wait3A_428 : memref<401408x128xf32, #tpu.memory_space<hbm>>) dst(%dma_wait3A_423 : memref<128x128xf32, #tpu.memory_space<vmem>>)
      %sub3A = arith.constant 2 : i32
      %sub3A_429 = arith.subi %add3A_275, %sub3A : i32
      %mul3A_430 = arith.constant 16 : i32
      %mul3A_431 = arith.muli %sub3A_429, %mul3A_430 : i32
      %add3A_432 = arith.addi %mul3A_2, %mul3A_431 : i32
      %convert_element_type3A = arith.extui %ge3A_409 : i1 to i32
      %cond3A = arith.constant 0 : i32
      %cond3A_433 = arith.cmpi ne, %convert_element_type3A, %cond3A : i32
      scf.if %cond3A_433 {
        %dma_wait3A_489 = arith.constant 0 : i32
        %dma_wait3A_490 = tpu.memref_slice %arg4[%add3A_432, %dma_wait3A_489] : memref<100352x128xf32, #tpu.memory_space<hbm>> -> memref<16x128xf32, #tpu.memory_space<hbm>>
        %dma_wait3A_491 = arith.constant 0 : i32
        %dma_wait3A_492 = tpu.memref_slice %arg4[%add3A_432, %dma_wait3A_491] : memref<100352x128xf32, #tpu.memory_space<hbm>> -> memref<16x128xf32, #tpu.memory_space<hbm>>
        tpu.wait_dma2 semaphore(%arg15 : memref<!tpu.dma_semaphore, #tpu.memory_space<semaphore_mem>>) src(%arg11 : memref<16x128xf32, #tpu.memory_space<vmem>>) dst(%dma_wait3A_492 : memref<16x128xf32, #tpu.memory_space<hbm>>)
      } else {
      }
      %scan3A_434 = arith.constant 0 : i32
      %scan3A_435 = arith.constant 16 : i32
      %scan3A_436 = arith.addi %scan3A_434, %scan3A_435 : i32
      %scan3A_437 = arith.constant 1 : i32
      scf.for %scan3A_489 = %scan3A_434 to %scan3A_436 step %scan3A_437  : i32 {
        %mul3A_490 = arith.constant 1 : i32
        %mul3A_491 = arith.muli %scan3A_489, %mul3A_490 : i32
        %add3A_492 = arith.constant 0 : i32
        %add3A_493 = arith.addi %add3A_492, %mul3A_491 : i32
        %broadcast_in_dim3A_494 = vector.broadcast %add3A_493 : i32 to vector<16xi32>
        %broadcast_in_dim3A_495 = arith.constant 0.000000e+00 : f32
        %broadcast_in_dim3A_496 = vector.broadcast %broadcast_in_dim3A_495 : f32 to vector<16xf32>
        %broadcast_in_dim3A_497 = arith.constant 0.000000e+00 : f32
        %broadcast_in_dim3A_498 = vector.broadcast %broadcast_in_dim3A_497 : f32 to vector<16xf32>
        %mul3A_499 = arith.constant 16 : i32
        %mul3A_500 = arith.muli %add3A_493, %mul3A_499 : i32
        %add3A_501 = arith.constant 0 : i32
        %add3A_502 = arith.addi %mul3A_500, %add3A_501 : i32
        %add3A_503 = arith.constant 0 : i32
        %add3A_504 = arith.addi %add3A_502, %add3A_503 : i32
        %gather3A = tpu.vector_load_idx %arg5[%broadcast_in_dim3A_494, %broadcast_in_dim3A_3] : memref<16x128xf32, #tpu.memory_space<vmem>>[vector<16xi32>, vector<16xi32>], vector<16xf32>,
        %get3A_505 = arith.index_cast %add3A_504 : i32 to index
        %get3A_506 = arith.constant 0 : index
        %get3A_507 = tpu.vector_load %arg9[%get3A_505, %get3A_506] {strides = array<i32>} : memref<256x128xf32, #tpu.memory_space<vmem>>, vector<16xf32>,
        %mul3A_508 = arith.mulf %gather3A, %get3A_507 : vector<16xf32>
        %add3A_509 = arith.addf %broadcast_in_dim3A_496, %mul3A_508 : vector<16xf32>
        %get3A_510 = arith.index_cast %add3A_504 : i32 to index
        %get3A_511 = arith.constant 16 : index
        %get3A_512 = tpu.vector_load %arg9[%get3A_510, %get3A_511] {strides = array<i32>} : memref<256x128xf32, #tpu.memory_space<vmem>>, vector<16xf32>,
        %mul3A_513 = arith.mulf %gather3A, %get3A_512 : vector<16xf32>
        %add3A_514 = arith.addf %broadcast_in_dim3A_498, %mul3A_513 : vector<16xf32>
        %gather3A_515 = tpu.vector_load_idx %arg5[%broadcast_in_dim3A_494, %broadcast_in_dim3A_5] : memref<16x128xf32, #tpu.memory_space<vmem>>[vector<16xi32>, vector<16xi32>], vector<16xf32>,
        %get3A_516 = arith.index_cast %add3A_504 : i32 to index
        %get3A_517 = arith.constant 32 : index
        %get3A_518 = tpu.vector_load %arg9[%get3A_516, %get3A_517] {strides = array<i32>} : memref<256x128xf32, #tpu.memory_space<vmem>>, vector<16xf32>,
        %mul3A_519 = arith.mulf %gather3A_515, %get3A_518 : vector<16xf32>
        %add3A_520 = arith.addf %add3A_509, %mul3A_519 : vector<16xf32>
        %get3A_521 = arith.index_cast %add3A_504 : i32 to index
        %get3A_522 = arith.constant 48 : index
        %get3A_523 = tpu.vector_load %arg9[%get3A_521, %get3A_522] {strides = array<i32>} : memref<256x128xf32, #tpu.memory_space<vmem>>, vector<16xf32>,
        %mul3A_524 = arith.mulf %gather3A_515, %get3A_523 : vector<16xf32>
        %add3A_525 = arith.addf %add3A_514, %mul3A_524 : vector<16xf32>
        %gather3A_526 = tpu.vector_load_idx %arg5[%broadcast_in_dim3A_494, %broadcast_in_dim3A_7] : memref<16x128xf32, #tpu.memory_space<vmem>>[vector<16xi32>, vector<16xi32>], vector<16xf32>,
        %get3A_527 = arith.index_cast %add3A_504 : i32 to index
        %get3A_528 = arith.constant 64 : index
        %get3A_529 = tpu.vector_load %arg9[%get3A_527, %get3A_528] {strides = array<i32>} : memref<256x128xf32, #tpu.memory_space<vmem>>, vector<16xf32>,
        %mul3A_530 = arith.mulf %gather3A_526, %get3A_529 : vector<16xf32>
        %add3A_531 = arith.addf %add3A_520, %mul3A_530 : vector<16xf32>
        %get3A_532 = arith.index_cast %add3A_504 : i32 to index
        %get3A_533 = arith.constant 80 : index
        %get3A_534 = tpu.vector_load %arg9[%get3A_532, %get3A_533] {strides = array<i32>} : memref<256x128xf32, #tpu.memory_space<vmem>>, vector<16xf32>,
        %mul3A_535 = arith.mulf %gather3A_526, %get3A_534 : vector<16xf32>
        %add3A_536 = arith.addf %add3A_525, %mul3A_535 : vector<16xf32>
        %gather3A_537 = tpu.vector_load_idx %arg5[%broadcast_in_dim3A_494, %broadcast_in_dim3A_9] : memref<16x128xf32, #tpu.memory_space<vmem>>[vector<16xi32>, vector<16xi32>], vector<16xf32>,
        %get3A_538 = arith.index_cast %add3A_504 : i32 to index
        %get3A_539 = arith.constant 96 : index
        %get3A_540 = tpu.vector_load %arg9[%get3A_538, %get3A_539] {strides = array<i32>} : memref<256x128xf32, #tpu.memory_space<vmem>>, vector<16xf32>,
        %mul3A_541 = arith.mulf %gather3A_537, %get3A_540 : vector<16xf32>
        %add3A_542 = arith.addf %add3A_531, %mul3A_541 : vector<16xf32>
        %get3A_543 = arith.index_cast %add3A_504 : i32 to index
        %get3A_544 = arith.constant 112 : index
        %get3A_545 = tpu.vector_load %arg9[%get3A_543, %get3A_544] {strides = array<i32>} : memref<256x128xf32, #tpu.memory_space<vmem>>, vector<16xf32>,
        %mul3A_546 = arith.mulf %gather3A_537, %get3A_545 : vector<16xf32>
        %add3A_547 = arith.addf %add3A_536, %mul3A_546 : vector<16xf32>
        %mul3A_548 = arith.constant 16 : i32
        %mul3A_549 = arith.muli %add3A_493, %mul3A_548 : i32
        %add3A_550 = arith.constant 0 : i32
        %add3A_551 = arith.addi %mul3A_549, %add3A_550 : i32
        %add3A_552 = arith.constant 1 : i32
        %add3A_553 = arith.addi %add3A_551, %add3A_552 : i32
        %gather3A_554 = tpu.vector_load_idx %arg5[%broadcast_in_dim3A_494, %broadcast_in_dim3A_11] : memref<16x128xf32, #tpu.memory_space<vmem>>[vector<16xi32>, vector<16xi32>], vector<16xf32>,
        %get3A_555 = arith.index_cast %add3A_553 : i32 to index
        %get3A_556 = arith.constant 0 : index
        %get3A_557 = tpu.vector_load %arg9[%get3A_555, %get3A_556] {strides = array<i32>} : memref<256x128xf32, #tpu.memory_space<vmem>>, vector<16xf32>,
        %mul3A_558 = arith.mulf %gather3A_554, %get3A_557 : vector<16xf32>
        %add3A_559 = arith.addf %add3A_542, %mul3A_558 : vector<16xf32>
        %get3A_560 = arith.index_cast %add3A_553 : i32 to index
        %get3A_561 = arith.constant 16 : index
        %get3A_562 = tpu.vector_load %arg9[%get3A_560, %get3A_561] {strides = array<i32>} : memref<256x128xf32, #tpu.memory_space<vmem>>, vector<16xf32>,
        %mul3A_563 = arith.mulf %gather3A_554, %get3A_562 : vector<16xf32>
        %add3A_564 = arith.addf %add3A_547, %mul3A_563 : vector<16xf32>
        %gather3A_565 = tpu.vector_load_idx %arg5[%broadcast_in_dim3A_494, %broadcast_in_dim3A_13] : memref<16x128xf32, #tpu.memory_space<vmem>>[vector<16xi32>, vector<16xi32>], vector<16xf32>,
        %get3A_566 = arith.index_cast %add3A_553 : i32 to index
        %get3A_567 = arith.constant 32 : index
        %get3A_568 = tpu.vector_load %arg9[%get3A_566, %get3A_567] {strides = array<i32>} : memref<256x128xf32, #tpu.memory_space<vmem>>, vector<16xf32>,
        %mul3A_569 = arith.mulf %gather3A_565, %get3A_568 : vector<16xf32>
        %add3A_570 = arith.addf %add3A_559, %mul3A_569 : vector<16xf32>
        %get3A_571 = arith.index_cast %add3A_553 : i32 to index
        %get3A_572 = arith.constant 48 : index
        %get3A_573 = tpu.vector_load %arg9[%get3A_571, %get3A_572] {strides = array<i32>} : memref<256x128xf32, #tpu.memory_space<vmem>>, vector<16xf32>,
        %mul3A_574 = arith.mulf %gather3A_565, %get3A_573 : vector<16xf32>
        %add3A_575 = arith.addf %add3A_564, %mul3A_574 : vector<16xf32>
        %gather3A_576 = tpu.vector_load_idx %arg5[%broadcast_in_dim3A_494, %broadcast_in_dim3A_15] : memref<16x128xf32, #tpu.memory_space<vmem>>[vector<16xi32>, vector<16xi32>], vector<16xf32>,
        %get3A_577 = arith.index_cast %add3A_553 : i32 to index
        %get3A_578 = arith.constant 64 : index
        %get3A_579 = tpu.vector_load %arg9[%get3A_577, %get3A_578] {strides = array<i32>} : memref<256x128xf32, #tpu.memory_space<vmem>>, vector<16xf32>,
        %mul3A_580 = arith.mulf %gather3A_576, %get3A_579 : vector<16xf32>
        %add3A_581 = arith.addf %add3A_570, %mul3A_580 : vector<16xf32>
        %get3A_582 = arith.index_cast %add3A_553 : i32 to index
        %get3A_583 = arith.constant 80 : index
        %get3A_584 = tpu.vector_load %arg9[%get3A_582, %get3A_583] {strides = array<i32>} : memref<256x128xf32, #tpu.memory_space<vmem>>, vector<16xf32>,
        %mul3A_585 = arith.mulf %gather3A_576, %get3A_584 : vector<16xf32>
        %add3A_586 = arith.addf %add3A_575, %mul3A_585 : vector<16xf32>
        %gather3A_587 = tpu.vector_load_idx %arg5[%broadcast_in_dim3A_494, %broadcast_in_dim3A_17] : memref<16x128xf32, #tpu.memory_space<vmem>>[vector<16xi32>, vector<16xi32>], vector<16xf32>,
        %get3A_588 = arith.index_cast %add3A_553 : i32 to index
        %get3A_589 = arith.constant 96 : index
        %get3A_590 = tpu.vector_load %arg9[%get3A_588, %get3A_589] {strides = array<i32>} : memref<256x128xf32, #tpu.memory_space<vmem>>, vector<16xf32>,
        %mul3A_591 = arith.mulf %gather3A_587, %get3A_590 : vector<16xf32>
        %add3A_592 = arith.addf %add3A_581, %mul3A_591 : vector<16xf32>
        %get3A_593 = arith.index_cast %add3A_553 : i32 to index
        %get3A_594 = arith.constant 112 : index
        %get3A_595 = tpu.vector_load %arg9[%get3A_593, %get3A_594] {strides = array<i32>} : memref<256x128xf32, #tpu.memory_space<vmem>>, vector<16xf32>,
        %mul3A_596 = arith.mulf %gather3A_587, %get3A_595 : vector<16xf32>
        %add3A_597 = arith.addf %add3A_586, %mul3A_596 : vector<16xf32>
        %mul3A_598 = arith.constant 16 : i32
        %mul3A_599 = arith.muli %add3A_493, %mul3A_598 : i32
        %add3A_600 = arith.constant 0 : i32
        %add3A_601 = arith.addi %mul3A_599, %add3A_600 : i32
        %add3A_602 = arith.constant 2 : i32
        %add3A_603 = arith.addi %add3A_601, %add3A_602 : i32
        %gather3A_604 = tpu.vector_load_idx %arg5[%broadcast_in_dim3A_494, %broadcast_in_dim3A_19] : memref<16x128xf32, #tpu.memory_space<vmem>>[vector<16xi32>, vector<16xi32>], vector<16xf32>,
        %get3A_605 = arith.index_cast %add3A_603 : i32 to index
        %get3A_606 = arith.constant 0 : index
        %get3A_607 = tpu.vector_load %arg9[%get3A_605, %get3A_606] {strides = array<i32>} : memref<256x128xf32, #tpu.memory_space<vmem>>, vector<16xf32>,
        %mul3A_608 = arith.mulf %gather3A_604, %get3A_607 : vector<16xf32>
        %add3A_609 = arith.addf %add3A_592, %mul3A_608 : vector<16xf32>
        %get3A_610 = arith.index_cast %add3A_603 : i32 to index
        %get3A_611 = arith.constant 16 : index
        %get3A_612 = tpu.vector_load %arg9[%get3A_610, %get3A_611] {strides = array<i32>} : memref<256x128xf32, #tpu.memory_space<vmem>>, vector<16xf32>,
        %mul3A_613 = arith.mulf %gather3A_604, %get3A_612 : vector<16xf32>
        %add3A_614 = arith.addf %add3A_597, %mul3A_613 : vector<16xf32>
        %gather3A_615 = tpu.vector_load_idx %arg5[%broadcast_in_dim3A_494, %broadcast_in_dim3A_21] : memref<16x128xf32, #tpu.memory_space<vmem>>[vector<16xi32>, vector<16xi32>], vector<16xf32>,
        %get3A_616 = arith.index_cast %add3A_603 : i32 to index
        %get3A_617 = arith.constant 32 : index
        %get3A_618 = tpu.vector_load %arg9[%get3A_616, %get3A_617] {strides = array<i32>} : memref<256x128xf32, #tpu.memory_space<vmem>>, vector<16xf32>,
        %mul3A_619 = arith.mulf %gather3A_615, %get3A_618 : vector<16xf32>
        %add3A_620 = arith.addf %add3A_609, %mul3A_619 : vector<16xf32>
        %get3A_621 = arith.index_cast %add3A_603 : i32 to index
        %get3A_622 = arith.constant 48 : index
        %get3A_623 = tpu.vector_load %arg9[%get3A_621, %get3A_622] {strides = array<i32>} : memref<256x128xf32, #tpu.memory_space<vmem>>, vector<16xf32>,
        %mul3A_624 = arith.mulf %gather3A_615, %get3A_623 : vector<16xf32>
        %add3A_625 = arith.addf %add3A_614, %mul3A_624 : vector<16xf32>
        %gather3A_626 = tpu.vector_load_idx %arg5[%broadcast_in_dim3A_494, %broadcast_in_dim3A_23] : memref<16x128xf32, #tpu.memory_space<vmem>>[vector<16xi32>, vector<16xi32>], vector<16xf32>,
        %get3A_627 = arith.index_cast %add3A_603 : i32 to index
        %get3A_628 = arith.constant 64 : index
        %get3A_629 = tpu.vector_load %arg9[%get3A_627, %get3A_628] {strides = array<i32>} : memref<256x128xf32, #tpu.memory_space<vmem>>, vector<16xf32>,
        %mul3A_630 = arith.mulf %gather3A_626, %get3A_629 : vector<16xf32>
        %add3A_631 = arith.addf %add3A_620, %mul3A_630 : vector<16xf32>
        %get3A_632 = arith.index_cast %add3A_603 : i32 to index
        %get3A_633 = arith.constant 80 : index
        %get3A_634 = tpu.vector_load %arg9[%get3A_632, %get3A_633] {strides = array<i32>} : memref<256x128xf32, #tpu.memory_space<vmem>>, vector<16xf32>,
        %mul3A_635 = arith.mulf %gather3A_626, %get3A_634 : vector<16xf32>
        %add3A_636 = arith.addf %add3A_625, %mul3A_635 : vector<16xf32>
        %gather3A_637 = tpu.vector_load_idx %arg5[%broadcast_in_dim3A_494, %broadcast_in_dim3A_25] : memref<16x128xf32, #tpu.memory_space<vmem>>[vector<16xi32>, vector<16xi32>], vector<16xf32>,
        %get3A_638 = arith.index_cast %add3A_603 : i32 to index
        %get3A_639 = arith.constant 96 : index
        %get3A_640 = tpu.vector_load %arg9[%get3A_638, %get3A_639] {strides = array<i32>} : memref<256x128xf32, #tpu.memory_space<vmem>>, vector<16xf32>,
        %mul3A_641 = arith.mulf %gather3A_637, %get3A_640 : vector<16xf32>
        %add3A_642 = arith.addf %add3A_631, %mul3A_641 : vector<16xf32>
        %get3A_643 = arith.index_cast %add3A_603 : i32 to index
        %get3A_644 = arith.constant 112 : index
        %get3A_645 = tpu.vector_load %arg9[%get3A_643, %get3A_644] {strides = array<i32>} : memref<256x128xf32, #tpu.memory_space<vmem>>, vector<16xf32>,
        %mul3A_646 = arith.mulf %gather3A_637, %get3A_645 : vector<16xf32>
        %add3A_647 = arith.addf %add3A_636, %mul3A_646 : vector<16xf32>
        %mul3A_648 = arith.constant 16 : i32
        %mul3A_649 = arith.muli %add3A_493, %mul3A_648 : i32
        %add3A_650 = arith.constant 0 : i32
        %add3A_651 = arith.addi %mul3A_649, %add3A_650 : i32
        %add3A_652 = arith.constant 3 : i32
        %add3A_653 = arith.addi %add3A_651, %add3A_652 : i32
        %gather3A_654 = tpu.vector_load_idx %arg5[%broadcast_in_dim3A_494, %broadcast_in_dim3A_27] : memref<16x128xf32, #tpu.memory_space<vmem>>[vector<16xi32>, vector<16xi32>], vector<16xf32>,
        %get3A_655 = arith.index_cast %add3A_653 : i32 to index
        %get3A_656 = arith.constant 0 : index
        %get3A_657 = tpu.vector_load %arg9[%get3A_655, %get3A_656] {strides = array<i32>} : memref<256x128xf32, #tpu.memory_space<vmem>>, vector<16xf32>,
        %mul3A_658 = arith.mulf %gather3A_654, %get3A_657 : vector<16xf32>
        %add3A_659 = arith.addf %add3A_642, %mul3A_658 : vector<16xf32>
        %get3A_660 = arith.index_cast %add3A_653 : i32 to index
        %get3A_661 = arith.constant 16 : index
        %get3A_662 = tpu.vector_load %arg9[%get3A_660, %get3A_661] {strides = array<i32>} : memref<256x128xf32, #tpu.memory_space<vmem>>, vector<16xf32>,
        %mul3A_663 = arith.mulf %gather3A_654, %get3A_662 : vector<16xf32>
        %add3A_664 = arith.addf %add3A_647, %mul3A_663 : vector<16xf32>
        %gather3A_665 = tpu.vector_load_idx %arg5[%broadcast_in_dim3A_494, %broadcast_in_dim3A_29] : memref<16x128xf32, #tpu.memory_space<vmem>>[vector<16xi32>, vector<16xi32>], vector<16xf32>,
        %get3A_666 = arith.index_cast %add3A_653 : i32 to index
        %get3A_667 = arith.constant 32 : index
        %get3A_668 = tpu.vector_load %arg9[%get3A_666, %get3A_667] {strides = array<i32>} : memref<256x128xf32, #tpu.memory_space<vmem>>, vector<16xf32>,
        %mul3A_669 = arith.mulf %gather3A_665, %get3A_668 : vector<16xf32>
        %add3A_670 = arith.addf %add3A_659, %mul3A_669 : vector<16xf32>
        %get3A_671 = arith.index_cast %add3A_653 : i32 to index
        %get3A_672 = arith.constant 48 : index
        %get3A_673 = tpu.vector_load %arg9[%get3A_671, %get3A_672] {strides = array<i32>} : memref<256x128xf32, #tpu.memory_space<vmem>>, vector<16xf32>,
        %mul3A_674 = arith.mulf %gather3A_665, %get3A_673 : vector<16xf32>
        %add3A_675 = arith.addf %add3A_664, %mul3A_674 : vector<16xf32>
        %gather3A_676 = tpu.vector_load_idx %arg5[%broadcast_in_dim3A_494, %broadcast_in_dim3A_31] : memref<16x128xf32, #tpu.memory_space<vmem>>[vector<16xi32>, vector<16xi32>], vector<16xf32>,
        %get3A_677 = arith.index_cast %add3A_653 : i32 to index
        %get3A_678 = arith.constant 64 : index
        %get3A_679 = tpu.vector_load %arg9[%get3A_677, %get3A_678] {strides = array<i32>} : memref<256x128xf32, #tpu.memory_space<vmem>>, vector<16xf32>,
        %mul3A_680 = arith.mulf %gather3A_676, %get3A_679 : vector<16xf32>
        %add3A_681 = arith.addf %add3A_670, %mul3A_680 : vector<16xf32>
        %get3A_682 = arith.index_cast %add3A_653 : i32 to index
        %get3A_683 = arith.constant 80 : index
        %get3A_684 = tpu.vector_load %arg9[%get3A_682, %get3A_683] {strides = array<i32>} : memref<256x128xf32, #tpu.memory_space<vmem>>, vector<16xf32>,
        %mul3A_685 = arith.mulf %gather3A_676, %get3A_684 : vector<16xf32>
        %add3A_686 = arith.addf %add3A_675, %mul3A_685 : vector<16xf32>
        %gather3A_687 = tpu.vector_load_idx %arg5[%broadcast_in_dim3A_494, %broadcast_in_dim3A_33] : memref<16x128xf32, #tpu.memory_space<vmem>>[vector<16xi32>, vector<16xi32>], vector<16xf32>,
        %get3A_688 = arith.index_cast %add3A_653 : i32 to index
        %get3A_689 = arith.constant 96 : index
        %get3A_690 = tpu.vector_load %arg9[%get3A_688, %get3A_689] {strides = array<i32>} : memref<256x128xf32, #tpu.memory_space<vmem>>, vector<16xf32>,
        %mul3A_691 = arith.mulf %gather3A_687, %get3A_690 : vector<16xf32>
        %add3A_692 = arith.addf %add3A_681, %mul3A_691 : vector<16xf32>
        %get3A_693 = arith.index_cast %add3A_653 : i32 to index
        %get3A_694 = arith.constant 112 : index
        %get3A_695 = tpu.vector_load %arg9[%get3A_693, %get3A_694] {strides = array<i32>} : memref<256x128xf32, #tpu.memory_space<vmem>>, vector<16xf32>,
        %mul3A_696 = arith.mulf %gather3A_687, %get3A_695 : vector<16xf32>
        %add3A_697 = arith.addf %add3A_686, %mul3A_696 : vector<16xf32>
        %swap3A_698 = arith.index_cast %add3A_493 : i32 to index
        %swap3A_699 = arith.constant 0 : index
        %swap3A_700 = tpu.vector_load %arg11[%swap3A_698, %swap3A_699] {strides = array<i32>} : memref<16x128xf32, #tpu.memory_space<vmem>>, vector<16xf32>,
        tpu.vector_store %arg11[%swap3A_698, %swap3A_699], %add3A_692 {strides = array<i32>} : memref<16x128xf32, #tpu.memory_space<vmem>>, vector<16xf32>,
        %swap3A_701 = arith.index_cast %add3A_493 : i32 to index
        %swap3A_702 = arith.constant 16 : index
        %swap3A_703 = tpu.vector_load %arg11[%swap3A_701, %swap3A_702] {strides = array<i32>} : memref<16x128xf32, #tpu.memory_space<vmem>>, vector<16xf32>,
        tpu.vector_store %arg11[%swap3A_701, %swap3A_702], %add3A_697 {strides = array<i32>} : memref<16x128xf32, #tpu.memory_space<vmem>>, vector<16xf32>,
        %broadcast_in_dim3A_704 = arith.constant 0.000000e+00 : f32
        %broadcast_in_dim3A_705 = vector.broadcast %broadcast_in_dim3A_704 : f32 to vector<16xf32>
        %broadcast_in_dim3A_706 = arith.constant 0.000000e+00 : f32
        %broadcast_in_dim3A_707 = vector.broadcast %broadcast_in_dim3A_706 : f32 to vector<16xf32>
        %mul3A_708 = arith.constant 16 : i32
        %mul3A_709 = arith.muli %add3A_493, %mul3A_708 : i32
        %add3A_710 = arith.constant 4 : i32
        %add3A_711 = arith.addi %mul3A_709, %add3A_710 : i32
        %add3A_712 = arith.constant 0 : i32
        %add3A_713 = arith.addi %add3A_711, %add3A_712 : i32
        %gather3A_714 = tpu.vector_load_idx %arg5[%broadcast_in_dim3A_494, %broadcast_in_dim3A_35] : memref<16x128xf32, #tpu.memory_space<vmem>>[vector<16xi32>, vector<16xi32>], vector<16xf32>,
        %get3A_715 = arith.index_cast %add3A_713 : i32 to index
        %get3A_716 = arith.constant 0 : index
        %get3A_717 = tpu.vector_load %arg9[%get3A_715, %get3A_716] {strides = array<i32>} : memref<256x128xf32, #tpu.memory_space<vmem>>, vector<16xf32>,
        %mul3A_718 = arith.mulf %gather3A_714, %get3A_717 : vector<16xf32>
        %add3A_719 = arith.addf %broadcast_in_dim3A_705, %mul3A_718 : vector<16xf32>
        %get3A_720 = arith.index_cast %add3A_713 : i32 to index
        %get3A_721 = arith.constant 16 : index
        %get3A_722 = tpu.vector_load %arg9[%get3A_720, %get3A_721] {strides = array<i32>} : memref<256x128xf32, #tpu.memory_space<vmem>>, vector<16xf32>,
        %mul3A_723 = arith.mulf %gather3A_714, %get3A_722 : vector<16xf32>
        %add3A_724 = arith.addf %broadcast_in_dim3A_707, %mul3A_723 : vector<16xf32>
        %gather3A_725 = tpu.vector_load_idx %arg5[%broadcast_in_dim3A_494, %broadcast_in_dim3A_37] : memref<16x128xf32, #tpu.memory_space<vmem>>[vector<16xi32>, vector<16xi32>], vector<16xf32>,
        %get3A_726 = arith.index_cast %add3A_713 : i32 to index
        %get3A_727 = arith.constant 32 : index
        %get3A_728 = tpu.vector_load %arg9[%get3A_726, %get3A_727] {strides = array<i32>} : memref<256x128xf32, #tpu.memory_space<vmem>>, vector<16xf32>,
        %mul3A_729 = arith.mulf %gather3A_725, %get3A_728 : vector<16xf32>
        %add3A_730 = arith.addf %add3A_719, %mul3A_729 : vector<16xf32>
        %get3A_731 = arith.index_cast %add3A_713 : i32 to index
        %get3A_732 = arith.constant 48 : index
        %get3A_733 = tpu.vector_load %arg9[%get3A_731, %get3A_732] {strides = array<i32>} : memref<256x128xf32, #tpu.memory_space<vmem>>, vector<16xf32>,
        %mul3A_734 = arith.mulf %gather3A_725, %get3A_733 : vector<16xf32>
        %add3A_735 = arith.addf %add3A_724, %mul3A_734 : vector<16xf32>
        %gather3A_736 = tpu.vector_load_idx %arg5[%broadcast_in_dim3A_494, %broadcast_in_dim3A_39] : memref<16x128xf32, #tpu.memory_space<vmem>>[vector<16xi32>, vector<16xi32>], vector<16xf32>,
        %get3A_737 = arith.index_cast %add3A_713 : i32 to index
        %get3A_738 = arith.constant 64 : index
        %get3A_739 = tpu.vector_load %arg9[%get3A_737, %get3A_738] {strides = array<i32>} : memref<256x128xf32, #tpu.memory_space<vmem>>, vector<16xf32>,
        %mul3A_740 = arith.mulf %gather3A_736, %get3A_739 : vector<16xf32>
        %add3A_741 = arith.addf %add3A_730, %mul3A_740 : vector<16xf32>
        %get3A_742 = arith.index_cast %add3A_713 : i32 to index
        %get3A_743 = arith.constant 80 : index
        %get3A_744 = tpu.vector_load %arg9[%get3A_742, %get3A_743] {strides = array<i32>} : memref<256x128xf32, #tpu.memory_space<vmem>>, vector<16xf32>,
        %mul3A_745 = arith.mulf %gather3A_736, %get3A_744 : vector<16xf32>
        %add3A_746 = arith.addf %add3A_735, %mul3A_745 : vector<16xf32>
        %gather3A_747 = tpu.vector_load_idx %arg5[%broadcast_in_dim3A_494, %broadcast_in_dim3A_41] : memref<16x128xf32, #tpu.memory_space<vmem>>[vector<16xi32>, vector<16xi32>], vector<16xf32>,
        %get3A_748 = arith.index_cast %add3A_713 : i32 to index
        %get3A_749 = arith.constant 96 : index
        %get3A_750 = tpu.vector_load %arg9[%get3A_748, %get3A_749] {strides = array<i32>} : memref<256x128xf32, #tpu.memory_space<vmem>>, vector<16xf32>,
        %mul3A_751 = arith.mulf %gather3A_747, %get3A_750 : vector<16xf32>
        %add3A_752 = arith.addf %add3A_741, %mul3A_751 : vector<16xf32>
        %get3A_753 = arith.index_cast %add3A_713 : i32 to index
        %get3A_754 = arith.constant 112 : index
        %get3A_755 = tpu.vector_load %arg9[%get3A_753, %get3A_754] {strides = array<i32>} : memref<256x128xf32, #tpu.memory_space<vmem>>, vector<16xf32>,
        %mul3A_756 = arith.mulf %gather3A_747, %get3A_755 : vector<16xf32>
        %add3A_757 = arith.addf %add3A_746, %mul3A_756 : vector<16xf32>
        %mul3A_758 = arith.constant 16 : i32
        %mul3A_759 = arith.muli %add3A_493, %mul3A_758 : i32
        %add3A_760 = arith.constant 4 : i32
        %add3A_761 = arith.addi %mul3A_759, %add3A_760 : i32
        %add3A_762 = arith.constant 1 : i32
        %add3A_763 = arith.addi %add3A_761, %add3A_762 : i32
        %gather3A_764 = tpu.vector_load_idx %arg5[%broadcast_in_dim3A_494, %broadcast_in_dim3A_43] : memref<16x128xf32, #tpu.memory_space<vmem>>[vector<16xi32>, vector<16xi32>], vector<16xf32>,
        %get3A_765 = arith.index_cast %add3A_763 : i32 to index
        %get3A_766 = arith.constant 0 : index
        %get3A_767 = tpu.vector_load %arg9[%get3A_765, %get3A_766] {strides = array<i32>} : memref<256x128xf32, #tpu.memory_space<vmem>>, vector<16xf32>,
        %mul3A_768 = arith.mulf %gather3A_764, %get3A_767 : vector<16xf32>
        %add3A_769 = arith.addf %add3A_752, %mul3A_768 : vector<16xf32>
        %get3A_770 = arith.index_cast %add3A_763 : i32 to index
        %get3A_771 = arith.constant 16 : index
        %get3A_772 = tpu.vector_load %arg9[%get3A_770, %get3A_771] {strides = array<i32>} : memref<256x128xf32, #tpu.memory_space<vmem>>, vector<16xf32>,
        %mul3A_773 = arith.mulf %gather3A_764, %get3A_772 : vector<16xf32>
        %add3A_774 = arith.addf %add3A_757, %mul3A_773 : vector<16xf32>
        %gather3A_775 = tpu.vector_load_idx %arg5[%broadcast_in_dim3A_494, %broadcast_in_dim3A_45] : memref<16x128xf32, #tpu.memory_space<vmem>>[vector<16xi32>, vector<16xi32>], vector<16xf32>,
        %get3A_776 = arith.index_cast %add3A_763 : i32 to index
        %get3A_777 = arith.constant 32 : index
        %get3A_778 = tpu.vector_load %arg9[%get3A_776, %get3A_777] {strides = array<i32>} : memref<256x128xf32, #tpu.memory_space<vmem>>, vector<16xf32>,
        %mul3A_779 = arith.mulf %gather3A_775, %get3A_778 : vector<16xf32>
        %add3A_780 = arith.addf %add3A_769, %mul3A_779 : vector<16xf32>
        %get3A_781 = arith.index_cast %add3A_763 : i32 to index
        %get3A_782 = arith.constant 48 : index
        %get3A_783 = tpu.vector_load %arg9[%get3A_781, %get3A_782] {strides = array<i32>} : memref<256x128xf32, #tpu.memory_space<vmem>>, vector<16xf32>,
        %mul3A_784 = arith.mulf %gather3A_775, %get3A_783 : vector<16xf32>
        %add3A_785 = arith.addf %add3A_774, %mul3A_784 : vector<16xf32>
        %gather3A_786 = tpu.vector_load_idx %arg5[%broadcast_in_dim3A_494, %broadcast_in_dim3A_47] : memref<16x128xf32, #tpu.memory_space<vmem>>[vector<16xi32>, vector<16xi32>], vector<16xf32>,
        %get3A_787 = arith.index_cast %add3A_763 : i32 to index
        %get3A_788 = arith.constant 64 : index
        %get3A_789 = tpu.vector_load %arg9[%get3A_787, %get3A_788] {strides = array<i32>} : memref<256x128xf32, #tpu.memory_space<vmem>>, vector<16xf32>,
        %mul3A_790 = arith.mulf %gather3A_786, %get3A_789 : vector<16xf32>
        %add3A_791 = arith.addf %add3A_780, %mul3A_790 : vector<16xf32>
        %get3A_792 = arith.index_cast %add3A_763 : i32 to index
        %get3A_793 = arith.constant 80 : index
        %get3A_794 = tpu.vector_load %arg9[%get3A_792, %get3A_793] {strides = array<i32>} : memref<256x128xf32, #tpu.memory_space<vmem>>, vector<16xf32>,
        %mul3A_795 = arith.mulf %gather3A_786, %get3A_794 : vector<16xf32>
        %add3A_796 = arith.addf %add3A_785, %mul3A_795 : vector<16xf32>
        %gather3A_797 = tpu.vector_load_idx %arg5[%broadcast_in_dim3A_494, %broadcast_in_dim3A_49] : memref<16x128xf32, #tpu.memory_space<vmem>>[vector<16xi32>, vector<16xi32>], vector<16xf32>,
        %get3A_798 = arith.index_cast %add3A_763 : i32 to index
        %get3A_799 = arith.constant 96 : index
        %get3A_800 = tpu.vector_load %arg9[%get3A_798, %get3A_799] {strides = array<i32>} : memref<256x128xf32, #tpu.memory_space<vmem>>, vector<16xf32>,
        %mul3A_801 = arith.mulf %gather3A_797, %get3A_800 : vector<16xf32>
        %add3A_802 = arith.addf %add3A_791, %mul3A_801 : vector<16xf32>
        %get3A_803 = arith.index_cast %add3A_763 : i32 to index
        %get3A_804 = arith.constant 112 : index
        %get3A_805 = tpu.vector_load %arg9[%get3A_803, %get3A_804] {strides = array<i32>} : memref<256x128xf32, #tpu.memory_space<vmem>>, vector<16xf32>,
        %mul3A_806 = arith.mulf %gather3A_797, %get3A_805 : vector<16xf32>
        %add3A_807 = arith.addf %add3A_796, %mul3A_806 : vector<16xf32>
        %mul3A_808 = arith.constant 16 : i32
        %mul3A_809 = arith.muli %add3A_493, %mul3A_808 : i32
        %add3A_810 = arith.constant 4 : i32
        %add3A_811 = arith.addi %mul3A_809, %add3A_810 : i32
        %add3A_812 = arith.constant 2 : i32
        %add3A_813 = arith.addi %add3A_811, %add3A_812 : i32
        %gather3A_814 = tpu.vector_load_idx %arg5[%broadcast_in_dim3A_494, %broadcast_in_dim3A_51] : memref<16x128xf32, #tpu.memory_space<vmem>>[vector<16xi32>, vector<16xi32>], vector<16xf32>,
        %get3A_815 = arith.index_cast %add3A_813 : i32 to index
        %get3A_816 = arith.constant 0 : index
        %get3A_817 = tpu.vector_load %arg9[%get3A_815, %get3A_816] {strides = array<i32>} : memref<256x128xf32, #tpu.memory_space<vmem>>, vector<16xf32>,
        %mul3A_818 = arith.mulf %gather3A_814, %get3A_817 : vector<16xf32>
        %add3A_819 = arith.addf %add3A_802, %mul3A_818 : vector<16xf32>
        %get3A_820 = arith.index_cast %add3A_813 : i32 to index
        %get3A_821 = arith.constant 16 : index
        %get3A_822 = tpu.vector_load %arg9[%get3A_820, %get3A_821] {strides = array<i32>} : memref<256x128xf32, #tpu.memory_space<vmem>>, vector<16xf32>,
        %mul3A_823 = arith.mulf %gather3A_814, %get3A_822 : vector<16xf32>
        %add3A_824 = arith.addf %add3A_807, %mul3A_823 : vector<16xf32>
        %gather3A_825 = tpu.vector_load_idx %arg5[%broadcast_in_dim3A_494, %broadcast_in_dim3A_53] : memref<16x128xf32, #tpu.memory_space<vmem>>[vector<16xi32>, vector<16xi32>], vector<16xf32>,
        %get3A_826 = arith.index_cast %add3A_813 : i32 to index
        %get3A_827 = arith.constant 32 : index
        %get3A_828 = tpu.vector_load %arg9[%get3A_826, %get3A_827] {strides = array<i32>} : memref<256x128xf32, #tpu.memory_space<vmem>>, vector<16xf32>,
        %mul3A_829 = arith.mulf %gather3A_825, %get3A_828 : vector<16xf32>
        %add3A_830 = arith.addf %add3A_819, %mul3A_829 : vector<16xf32>
        %get3A_831 = arith.index_cast %add3A_813 : i32 to index
        %get3A_832 = arith.constant 48 : index
        %get3A_833 = tpu.vector_load %arg9[%get3A_831, %get3A_832] {strides = array<i32>} : memref<256x128xf32, #tpu.memory_space<vmem>>, vector<16xf32>,
        %mul3A_834 = arith.mulf %gather3A_825, %get3A_833 : vector<16xf32>
        %add3A_835 = arith.addf %add3A_824, %mul3A_834 : vector<16xf32>
        %gather3A_836 = tpu.vector_load_idx %arg5[%broadcast_in_dim3A_494, %broadcast_in_dim3A_55] : memref<16x128xf32, #tpu.memory_space<vmem>>[vector<16xi32>, vector<16xi32>], vector<16xf32>,
        %get3A_837 = arith.index_cast %add3A_813 : i32 to index
        %get3A_838 = arith.constant 64 : index
        %get3A_839 = tpu.vector_load %arg9[%get3A_837, %get3A_838] {strides = array<i32>} : memref<256x128xf32, #tpu.memory_space<vmem>>, vector<16xf32>,
        %mul3A_840 = arith.mulf %gather3A_836, %get3A_839 : vector<16xf32>
        %add3A_841 = arith.addf %add3A_830, %mul3A_840 : vector<16xf32>
        %get3A_842 = arith.index_cast %add3A_813 : i32 to index
        %get3A_843 = arith.constant 80 : index
        %get3A_844 = tpu.vector_load %arg9[%get3A_842, %get3A_843] {strides = array<i32>} : memref<256x128xf32, #tpu.memory_space<vmem>>, vector<16xf32>,
        %mul3A_845 = arith.mulf %gather3A_836, %get3A_844 : vector<16xf32>
        %add3A_846 = arith.addf %add3A_835, %mul3A_845 : vector<16xf32>
        %gather3A_847 = tpu.vector_load_idx %arg5[%broadcast_in_dim3A_494, %broadcast_in_dim3A_57] : memref<16x128xf32, #tpu.memory_space<vmem>>[vector<16xi32>, vector<16xi32>], vector<16xf32>,
        %get3A_848 = arith.index_cast %add3A_813 : i32 to index
        %get3A_849 = arith.constant 96 : index
        %get3A_850 = tpu.vector_load %arg9[%get3A_848, %get3A_849] {strides = array<i32>} : memref<256x128xf32, #tpu.memory_space<vmem>>, vector<16xf32>,
        %mul3A_851 = arith.mulf %gather3A_847, %get3A_850 : vector<16xf32>
        %add3A_852 = arith.addf %add3A_841, %mul3A_851 : vector<16xf32>
        %get3A_853 = arith.index_cast %add3A_813 : i32 to index
        %get3A_854 = arith.constant 112 : index
        %get3A_855 = tpu.vector_load %arg9[%get3A_853, %get3A_854] {strides = array<i32>} : memref<256x128xf32, #tpu.memory_space<vmem>>, vector<16xf32>,
        %mul3A_856 = arith.mulf %gather3A_847, %get3A_855 : vector<16xf32>
        %add3A_857 = arith.addf %add3A_846, %mul3A_856 : vector<16xf32>
        %mul3A_858 = arith.constant 16 : i32
        %mul3A_859 = arith.muli %add3A_493, %mul3A_858 : i32
        %add3A_860 = arith.constant 4 : i32
        %add3A_861 = arith.addi %mul3A_859, %add3A_860 : i32
        %add3A_862 = arith.constant 3 : i32
        %add3A_863 = arith.addi %add3A_861, %add3A_862 : i32
        %gather3A_864 = tpu.vector_load_idx %arg5[%broadcast_in_dim3A_494, %broadcast_in_dim3A_59] : memref<16x128xf32, #tpu.memory_space<vmem>>[vector<16xi32>, vector<16xi32>], vector<16xf32>,
        %get3A_865 = arith.index_cast %add3A_863 : i32 to index
        %get3A_866 = arith.constant 0 : index
        %get3A_867 = tpu.vector_load %arg9[%get3A_865, %get3A_866] {strides = array<i32>} : memref<256x128xf32, #tpu.memory_space<vmem>>, vector<16xf32>,
        %mul3A_868 = arith.mulf %gather3A_864, %get3A_867 : vector<16xf32>
        %add3A_869 = arith.addf %add3A_852, %mul3A_868 : vector<16xf32>
        %get3A_870 = arith.index_cast %add3A_863 : i32 to index
        %get3A_871 = arith.constant 16 : index
        %get3A_872 = tpu.vector_load %arg9[%get3A_870, %get3A_871] {strides = array<i32>} : memref<256x128xf32, #tpu.memory_space<vmem>>, vector<16xf32>,
        %mul3A_873 = arith.mulf %gather3A_864, %get3A_872 : vector<16xf32>
        %add3A_874 = arith.addf %add3A_857, %mul3A_873 : vector<16xf32>
        %gather3A_875 = tpu.vector_load_idx %arg5[%broadcast_in_dim3A_494, %broadcast_in_dim3A_61] : memref<16x128xf32, #tpu.memory_space<vmem>>[vector<16xi32>, vector<16xi32>], vector<16xf32>,
        %get3A_876 = arith.index_cast %add3A_863 : i32 to index
        %get3A_877 = arith.constant 32 : index
        %get3A_878 = tpu.vector_load %arg9[%get3A_876, %get3A_877] {strides = array<i32>} : memref<256x128xf32, #tpu.memory_space<vmem>>, vector<16xf32>,
        %mul3A_879 = arith.mulf %gather3A_875, %get3A_878 : vector<16xf32>
        %add3A_880 = arith.addf %add3A_869, %mul3A_879 : vector<16xf32>
        %get3A_881 = arith.index_cast %add3A_863 : i32 to index
        %get3A_882 = arith.constant 48 : index
        %get3A_883 = tpu.vector_load %arg9[%get3A_881, %get3A_882] {strides = array<i32>} : memref<256x128xf32, #tpu.memory_space<vmem>>, vector<16xf32>,
        %mul3A_884 = arith.mulf %gather3A_875, %get3A_883 : vector<16xf32>
        %add3A_885 = arith.addf %add3A_874, %mul3A_884 : vector<16xf32>
        %gather3A_886 = tpu.vector_load_idx %arg5[%broadcast_in_dim3A_494, %broadcast_in_dim3A_63] : memref<16x128xf32, #tpu.memory_space<vmem>>[vector<16xi32>, vector<16xi32>], vector<16xf32>,
        %get3A_887 = arith.index_cast %add3A_863 : i32 to index
        %get3A_888 = arith.constant 64 : index
        %get3A_889 = tpu.vector_load %arg9[%get3A_887, %get3A_888] {strides = array<i32>} : memref<256x128xf32, #tpu.memory_space<vmem>>, vector<16xf32>,
        %mul3A_890 = arith.mulf %gather3A_886, %get3A_889 : vector<16xf32>
        %add3A_891 = arith.addf %add3A_880, %mul3A_890 : vector<16xf32>
        %get3A_892 = arith.index_cast %add3A_863 : i32 to index
        %get3A_893 = arith.constant 80 : index
        %get3A_894 = tpu.vector_load %arg9[%get3A_892, %get3A_893] {strides = array<i32>} : memref<256x128xf32, #tpu.memory_space<vmem>>, vector<16xf32>,
        %mul3A_895 = arith.mulf %gather3A_886, %get3A_894 : vector<16xf32>
        %add3A_896 = arith.addf %add3A_885, %mul3A_895 : vector<16xf32>
        %gather3A_897 = tpu.vector_load_idx %arg5[%broadcast_in_dim3A_494, %broadcast_in_dim3A_65] : memref<16x128xf32, #tpu.memory_space<vmem>>[vector<16xi32>, vector<16xi32>], vector<16xf32>,
        %get3A_898 = arith.index_cast %add3A_863 : i32 to index
        %get3A_899 = arith.constant 96 : index
        %get3A_900 = tpu.vector_load %arg9[%get3A_898, %get3A_899] {strides = array<i32>} : memref<256x128xf32, #tpu.memory_space<vmem>>, vector<16xf32>,
        %mul3A_901 = arith.mulf %gather3A_897, %get3A_900 : vector<16xf32>
        %add3A_902 = arith.addf %add3A_891, %mul3A_901 : vector<16xf32>
        %get3A_903 = arith.index_cast %add3A_863 : i32 to index
        %get3A_904 = arith.constant 112 : index
        %get3A_905 = tpu.vector_load %arg9[%get3A_903, %get3A_904] {strides = array<i32>} : memref<256x128xf32, #tpu.memory_space<vmem>>, vector<16xf32>,
        %mul3A_906 = arith.mulf %gather3A_897, %get3A_905 : vector<16xf32>
        %add3A_907 = arith.addf %add3A_896, %mul3A_906 : vector<16xf32>
        %swap3A_908 = arith.index_cast %add3A_493 : i32 to index
        %swap3A_909 = arith.constant 32 : index
        %swap3A_910 = tpu.vector_load %arg11[%swap3A_908, %swap3A_909] {strides = array<i32>} : memref<16x128xf32, #tpu.memory_space<vmem>>, vector<16xf32>,
        tpu.vector_store %arg11[%swap3A_908, %swap3A_909], %add3A_902 {strides = array<i32>} : memref<16x128xf32, #tpu.memory_space<vmem>>, vector<16xf32>,
        %swap3A_911 = arith.index_cast %add3A_493 : i32 to index
        %swap3A_912 = arith.constant 48 : index
        %swap3A_913 = tpu.vector_load %arg11[%swap3A_911, %swap3A_912] {strides = array<i32>} : memref<16x128xf32, #tpu.memory_space<vmem>>, vector<16xf32>,
        tpu.vector_store %arg11[%swap3A_911, %swap3A_912], %add3A_907 {strides = array<i32>} : memref<16x128xf32, #tpu.memory_space<vmem>>, vector<16xf32>,
        %broadcast_in_dim3A_914 = arith.constant 0.000000e+00 : f32
        %broadcast_in_dim3A_915 = vector.broadcast %broadcast_in_dim3A_914 : f32 to vector<16xf32>
        %broadcast_in_dim3A_916 = arith.constant 0.000000e+00 : f32
        %broadcast_in_dim3A_917 = vector.broadcast %broadcast_in_dim3A_916 : f32 to vector<16xf32>
        %mul3A_918 = arith.constant 16 : i32
        %mul3A_919 = arith.muli %add3A_493, %mul3A_918 : i32
        %add3A_920 = arith.constant 8 : i32
        %add3A_921 = arith.addi %mul3A_919, %add3A_920 : i32
        %add3A_922 = arith.constant 0 : i32
        %add3A_923 = arith.addi %add3A_921, %add3A_922 : i32
        %gather3A_924 = tpu.vector_load_idx %arg5[%broadcast_in_dim3A_494, %broadcast_in_dim3A_67] : memref<16x128xf32, #tpu.memory_space<vmem>>[vector<16xi32>, vector<16xi32>], vector<16xf32>,
        %get3A_925 = arith.index_cast %add3A_923 : i32 to index
        %get3A_926 = arith.constant 0 : index
        %get3A_927 = tpu.vector_load %arg9[%get3A_925, %get3A_926] {strides = array<i32>} : memref<256x128xf32, #tpu.memory_space<vmem>>, vector<16xf32>,
        %mul3A_928 = arith.mulf %gather3A_924, %get3A_927 : vector<16xf32>
        %add3A_929 = arith.addf %broadcast_in_dim3A_915, %mul3A_928 : vector<16xf32>
        %get3A_930 = arith.index_cast %add3A_923 : i32 to index
        %get3A_931 = arith.constant 16 : index
        %get3A_932 = tpu.vector_load %arg9[%get3A_930, %get3A_931] {strides = array<i32>} : memref<256x128xf32, #tpu.memory_space<vmem>>, vector<16xf32>,
        %mul3A_933 = arith.mulf %gather3A_924, %get3A_932 : vector<16xf32>
        %add3A_934 = arith.addf %broadcast_in_dim3A_917, %mul3A_933 : vector<16xf32>
        %gather3A_935 = tpu.vector_load_idx %arg5[%broadcast_in_dim3A_494, %broadcast_in_dim3A_69] : memref<16x128xf32, #tpu.memory_space<vmem>>[vector<16xi32>, vector<16xi32>], vector<16xf32>,
        %get3A_936 = arith.index_cast %add3A_923 : i32 to index
        %get3A_937 = arith.constant 32 : index
        %get3A_938 = tpu.vector_load %arg9[%get3A_936, %get3A_937] {strides = array<i32>} : memref<256x128xf32, #tpu.memory_space<vmem>>, vector<16xf32>,
        %mul3A_939 = arith.mulf %gather3A_935, %get3A_938 : vector<16xf32>
        %add3A_940 = arith.addf %add3A_929, %mul3A_939 : vector<16xf32>
        %get3A_941 = arith.index_cast %add3A_923 : i32 to index
        %get3A_942 = arith.constant 48 : index
        %get3A_943 = tpu.vector_load %arg9[%get3A_941, %get3A_942] {strides = array<i32>} : memref<256x128xf32, #tpu.memory_space<vmem>>, vector<16xf32>,
        %mul3A_944 = arith.mulf %gather3A_935, %get3A_943 : vector<16xf32>
        %add3A_945 = arith.addf %add3A_934, %mul3A_944 : vector<16xf32>
        %gather3A_946 = tpu.vector_load_idx %arg5[%broadcast_in_dim3A_494, %broadcast_in_dim3A_71] : memref<16x128xf32, #tpu.memory_space<vmem>>[vector<16xi32>, vector<16xi32>], vector<16xf32>,
        %get3A_947 = arith.index_cast %add3A_923 : i32 to index
        %get3A_948 = arith.constant 64 : index
        %get3A_949 = tpu.vector_load %arg9[%get3A_947, %get3A_948] {strides = array<i32>} : memref<256x128xf32, #tpu.memory_space<vmem>>, vector<16xf32>,
        %mul3A_950 = arith.mulf %gather3A_946, %get3A_949 : vector<16xf32>
        %add3A_951 = arith.addf %add3A_940, %mul3A_950 : vector<16xf32>
        %get3A_952 = arith.index_cast %add3A_923 : i32 to index
        %get3A_953 = arith.constant 80 : index
        %get3A_954 = tpu.vector_load %arg9[%get3A_952, %get3A_953] {strides = array<i32>} : memref<256x128xf32, #tpu.memory_space<vmem>>, vector<16xf32>,
        %mul3A_955 = arith.mulf %gather3A_946, %get3A_954 : vector<16xf32>
        %add3A_956 = arith.addf %add3A_945, %mul3A_955 : vector<16xf32>
        %gather3A_957 = tpu.vector_load_idx %arg5[%broadcast_in_dim3A_494, %broadcast_in_dim3A_73] : memref<16x128xf32, #tpu.memory_space<vmem>>[vector<16xi32>, vector<16xi32>], vector<16xf32>,
        %get3A_958 = arith.index_cast %add3A_923 : i32 to index
        %get3A_959 = arith.constant 96 : index
        %get3A_960 = tpu.vector_load %arg9[%get3A_958, %get3A_959] {strides = array<i32>} : memref<256x128xf32, #tpu.memory_space<vmem>>, vector<16xf32>,
        %mul3A_961 = arith.mulf %gather3A_957, %get3A_960 : vector<16xf32>
        %add3A_962 = arith.addf %add3A_951, %mul3A_961 : vector<16xf32>
        %get3A_963 = arith.index_cast %add3A_923 : i32 to index
        %get3A_964 = arith.constant 112 : index
        %get3A_965 = tpu.vector_load %arg9[%get3A_963, %get3A_964] {strides = array<i32>} : memref<256x128xf32, #tpu.memory_space<vmem>>, vector<16xf32>,
        %mul3A_966 = arith.mulf %gather3A_957, %get3A_965 : vector<16xf32>
        %add3A_967 = arith.addf %add3A_956, %mul3A_966 : vector<16xf32>
        %mul3A_968 = arith.constant 16 : i32
        %mul3A_969 = arith.muli %add3A_493, %mul3A_968 : i32
        %add3A_970 = arith.constant 8 : i32
        %add3A_971 = arith.addi %mul3A_969, %add3A_970 : i32
        %add3A_972 = arith.constant 1 : i32
        %add3A_973 = arith.addi %add3A_971, %add3A_972 : i32
        %gather3A_974 = tpu.vector_load_idx %arg5[%broadcast_in_dim3A_494, %broadcast_in_dim3A_75] : memref<16x128xf32, #tpu.memory_space<vmem>>[vector<16xi32>, vector<16xi32>], vector<16xf32>,
        %get3A_975 = arith.index_cast %add3A_973 : i32 to index
        %get3A_976 = arith.constant 0 : index
        %get3A_977 = tpu.vector_load %arg9[%get3A_975, %get3A_976] {strides = array<i32>} : memref<256x128xf32, #tpu.memory_space<vmem>>, vector<16xf32>,
        %mul3A_978 = arith.mulf %gather3A_974, %get3A_977 : vector<16xf32>
        %add3A_979 = arith.addf %add3A_962, %mul3A_978 : vector<16xf32>
        %get3A_980 = arith.index_cast %add3A_973 : i32 to index
        %get3A_981 = arith.constant 16 : index
        %get3A_982 = tpu.vector_load %arg9[%get3A_980, %get3A_981] {strides = array<i32>} : memref<256x128xf32, #tpu.memory_space<vmem>>, vector<16xf32>,
        %mul3A_983 = arith.mulf %gather3A_974, %get3A_982 : vector<16xf32>
        %add3A_984 = arith.addf %add3A_967, %mul3A_983 : vector<16xf32>
        %gather3A_985 = tpu.vector_load_idx %arg5[%broadcast_in_dim3A_494, %broadcast_in_dim3A_77] : memref<16x128xf32, #tpu.memory_space<vmem>>[vector<16xi32>, vector<16xi32>], vector<16xf32>,
        %get3A_986 = arith.index_cast %add3A_973 : i32 to index
        %get3A_987 = arith.constant 32 : index
        %get3A_988 = tpu.vector_load %arg9[%get3A_986, %get3A_987] {strides = array<i32>} : memref<256x128xf32, #tpu.memory_space<vmem>>, vector<16xf32>,
        %mul3A_989 = arith.mulf %gather3A_985, %get3A_988 : vector<16xf32>
        %add3A_990 = arith.addf %add3A_979, %mul3A_989 : vector<16xf32>
        %get3A_991 = arith.index_cast %add3A_973 : i32 to index
        %get3A_992 = arith.constant 48 : index
        %get3A_993 = tpu.vector_load %arg9[%get3A_991, %get3A_992] {strides = array<i32>} : memref<256x128xf32, #tpu.memory_space<vmem>>, vector<16xf32>,
        %mul3A_994 = arith.mulf %gather3A_985, %get3A_993 : vector<16xf32>
        %add3A_995 = arith.addf %add3A_984, %mul3A_994 : vector<16xf32>
        %gather3A_996 = tpu.vector_load_idx %arg5[%broadcast_in_dim3A_494, %broadcast_in_dim3A_79] : memref<16x128xf32, #tpu.memory_space<vmem>>[vector<16xi32>, vector<16xi32>], vector<16xf32>,
        %get3A_997 = arith.index_cast %add3A_973 : i32 to index
        %get3A_998 = arith.constant 64 : index
        %get3A_999 = tpu.vector_load %arg9[%get3A_997, %get3A_998] {strides = array<i32>} : memref<256x128xf32, #tpu.memory_space<vmem>>, vector<16xf32>,
        %mul3A_1000 = arith.mulf %gather3A_996, %get3A_999 : vector<16xf32>
        %add3A_1001 = arith.addf %add3A_990, %mul3A_1000 : vector<16xf32>
        %get3A_1002 = arith.index_cast %add3A_973 : i32 to index
        %get3A_1003 = arith.constant 80 : index
        %get3A_1004 = tpu.vector_load %arg9[%get3A_1002, %get3A_1003] {strides = array<i32>} : memref<256x128xf32, #tpu.memory_space<vmem>>, vector<16xf32>,
        %mul3A_1005 = arith.mulf %gather3A_996, %get3A_1004 : vector<16xf32>
        %add3A_1006 = arith.addf %add3A_995, %mul3A_1005 : vector<16xf32>
        %gather3A_1007 = tpu.vector_load_idx %arg5[%broadcast_in_dim3A_494, %broadcast_in_dim3A_81] : memref<16x128xf32, #tpu.memory_space<vmem>>[vector<16xi32>, vector<16xi32>], vector<16xf32>,
        %get3A_1008 = arith.index_cast %add3A_973 : i32 to index
        %get3A_1009 = arith.constant 96 : index
        %get3A_1010 = tpu.vector_load %arg9[%get3A_1008, %get3A_1009] {strides = array<i32>} : memref<256x128xf32, #tpu.memory_space<vmem>>, vector<16xf32>,
        %mul3A_1011 = arith.mulf %gather3A_1007, %get3A_1010 : vector<16xf32>
        %add3A_1012 = arith.addf %add3A_1001, %mul3A_1011 : vector<16xf32>
        %get3A_1013 = arith.index_cast %add3A_973 : i32 to index
        %get3A_1014 = arith.constant 112 : index
        %get3A_1015 = tpu.vector_load %arg9[%get3A_1013, %get3A_1014] {strides = array<i32>} : memref<256x128xf32, #tpu.memory_space<vmem>>, vector<16xf32>,
        %mul3A_1016 = arith.mulf %gather3A_1007, %get3A_1015 : vector<16xf32>
        %add3A_1017 = arith.addf %add3A_1006, %mul3A_1016 : vector<16xf32>
        %mul3A_1018 = arith.constant 16 : i32
        %mul3A_1019 = arith.muli %add3A_493, %mul3A_1018 : i32
        %add3A_1020 = arith.constant 8 : i32
        %add3A_1021 = arith.addi %mul3A_1019, %add3A_1020 : i32
        %add3A_1022 = arith.constant 2 : i32
        %add3A_1023 = arith.addi %add3A_1021, %add3A_1022 : i32
        %gather3A_1024 = tpu.vector_load_idx %arg5[%broadcast_in_dim3A_494, %broadcast_in_dim3A_83] : memref<16x128xf32, #tpu.memory_space<vmem>>[vector<16xi32>, vector<16xi32>], vector<16xf32>,
        %get3A_1025 = arith.index_cast %add3A_1023 : i32 to index
        %get3A_1026 = arith.constant 0 : index
        %get3A_1027 = tpu.vector_load %arg9[%get3A_1025, %get3A_1026] {strides = array<i32>} : memref<256x128xf32, #tpu.memory_space<vmem>>, vector<16xf32>,
        %mul3A_1028 = arith.mulf %gather3A_1024, %get3A_1027 : vector<16xf32>
        %add3A_1029 = arith.addf %add3A_1012, %mul3A_1028 : vector<16xf32>
        %get3A_1030 = arith.index_cast %add3A_1023 : i32 to index
        %get3A_1031 = arith.constant 16 : index
        %get3A_1032 = tpu.vector_load %arg9[%get3A_1030, %get3A_1031] {strides = array<i32>} : memref<256x128xf32, #tpu.memory_space<vmem>>, vector<16xf32>,
        %mul3A_1033 = arith.mulf %gather3A_1024, %get3A_1032 : vector<16xf32>
        %add3A_1034 = arith.addf %add3A_1017, %mul3A_1033 : vector<16xf32>
        %gather3A_1035 = tpu.vector_load_idx %arg5[%broadcast_in_dim3A_494, %broadcast_in_dim3A_85] : memref<16x128xf32, #tpu.memory_space<vmem>>[vector<16xi32>, vector<16xi32>], vector<16xf32>,
        %get3A_1036 = arith.index_cast %add3A_1023 : i32 to index
        %get3A_1037 = arith.constant 32 : index
        %get3A_1038 = tpu.vector_load %arg9[%get3A_1036, %get3A_1037] {strides = array<i32>} : memref<256x128xf32, #tpu.memory_space<vmem>>, vector<16xf32>,
        %mul3A_1039 = arith.mulf %gather3A_1035, %get3A_1038 : vector<16xf32>
        %add3A_1040 = arith.addf %add3A_1029, %mul3A_1039 : vector<16xf32>
        %get3A_1041 = arith.index_cast %add3A_1023 : i32 to index
        %get3A_1042 = arith.constant 48 : index
        %get3A_1043 = tpu.vector_load %arg9[%get3A_1041, %get3A_1042] {strides = array<i32>} : memref<256x128xf32, #tpu.memory_space<vmem>>, vector<16xf32>,
        %mul3A_1044 = arith.mulf %gather3A_1035, %get3A_1043 : vector<16xf32>
        %add3A_1045 = arith.addf %add3A_1034, %mul3A_1044 : vector<16xf32>
        %gather3A_1046 = tpu.vector_load_idx %arg5[%broadcast_in_dim3A_494, %broadcast_in_dim3A_87] : memref<16x128xf32, #tpu.memory_space<vmem>>[vector<16xi32>, vector<16xi32>], vector<16xf32>,
        %get3A_1047 = arith.index_cast %add3A_1023 : i32 to index
        %get3A_1048 = arith.constant 64 : index
        %get3A_1049 = tpu.vector_load %arg9[%get3A_1047, %get3A_1048] {strides = array<i32>} : memref<256x128xf32, #tpu.memory_space<vmem>>, vector<16xf32>,
        %mul3A_1050 = arith.mulf %gather3A_1046, %get3A_1049 : vector<16xf32>
        %add3A_1051 = arith.addf %add3A_1040, %mul3A_1050 : vector<16xf32>
        %get3A_1052 = arith.index_cast %add3A_1023 : i32 to index
        %get3A_1053 = arith.constant 80 : index
        %get3A_1054 = tpu.vector_load %arg9[%get3A_1052, %get3A_1053] {strides = array<i32>} : memref<256x128xf32, #tpu.memory_space<vmem>>, vector<16xf32>,
        %mul3A_1055 = arith.mulf %gather3A_1046, %get3A_1054 : vector<16xf32>
        %add3A_1056 = arith.addf %add3A_1045, %mul3A_1055 : vector<16xf32>
        %gather3A_1057 = tpu.vector_load_idx %arg5[%broadcast_in_dim3A_494, %broadcast_in_dim3A_89] : memref<16x128xf32, #tpu.memory_space<vmem>>[vector<16xi32>, vector<16xi32>], vector<16xf32>,
        %get3A_1058 = arith.index_cast %add3A_1023 : i32 to index
        %get3A_1059 = arith.constant 96 : index
        %get3A_1060 = tpu.vector_load %arg9[%get3A_1058, %get3A_1059] {strides = array<i32>} : memref<256x128xf32, #tpu.memory_space<vmem>>, vector<16xf32>,
        %mul3A_1061 = arith.mulf %gather3A_1057, %get3A_1060 : vector<16xf32>
        %add3A_1062 = arith.addf %add3A_1051, %mul3A_1061 : vector<16xf32>
        %get3A_1063 = arith.index_cast %add3A_1023 : i32 to index
        %get3A_1064 = arith.constant 112 : index
        %get3A_1065 = tpu.vector_load %arg9[%get3A_1063, %get3A_1064] {strides = array<i32>} : memref<256x128xf32, #tpu.memory_space<vmem>>, vector<16xf32>,
        %mul3A_1066 = arith.mulf %gather3A_1057, %get3A_1065 : vector<16xf32>
        %add3A_1067 = arith.addf %add3A_1056, %mul3A_1066 : vector<16xf32>
        %mul3A_1068 = arith.constant 16 : i32
        %mul3A_1069 = arith.muli %add3A_493, %mul3A_1068 : i32
        %add3A_1070 = arith.constant 8 : i32
        %add3A_1071 = arith.addi %mul3A_1069, %add3A_1070 : i32
        %add3A_1072 = arith.constant 3 : i32
        %add3A_1073 = arith.addi %add3A_1071, %add3A_1072 : i32
        %gather3A_1074 = tpu.vector_load_idx %arg5[%broadcast_in_dim3A_494, %broadcast_in_dim3A_91] : memref<16x128xf32, #tpu.memory_space<vmem>>[vector<16xi32>, vector<16xi32>], vector<16xf32>,
        %get3A_1075 = arith.index_cast %add3A_1073 : i32 to index
        %get3A_1076 = arith.constant 0 : index
        %get3A_1077 = tpu.vector_load %arg9[%get3A_1075, %get3A_1076] {strides = array<i32>} : memref<256x128xf32, #tpu.memory_space<vmem>>, vector<16xf32>,
        %mul3A_1078 = arith.mulf %gather3A_1074, %get3A_1077 : vector<16xf32>
        %add3A_1079 = arith.addf %add3A_1062, %mul3A_1078 : vector<16xf32>
        %get3A_1080 = arith.index_cast %add3A_1073 : i32 to index
        %get3A_1081 = arith.constant 16 : index
        %get3A_1082 = tpu.vector_load %arg9[%get3A_1080, %get3A_1081] {strides = array<i32>} : memref<256x128xf32, #tpu.memory_space<vmem>>, vector<16xf32>,
        %mul3A_1083 = arith.mulf %gather3A_1074, %get3A_1082 : vector<16xf32>
        %add3A_1084 = arith.addf %add3A_1067, %mul3A_1083 : vector<16xf32>
        %gather3A_1085 = tpu.vector_load_idx %arg5[%broadcast_in_dim3A_494, %broadcast_in_dim3A_93] : memref<16x128xf32, #tpu.memory_space<vmem>>[vector<16xi32>, vector<16xi32>], vector<16xf32>,
        %get3A_1086 = arith.index_cast %add3A_1073 : i32 to index
        %get3A_1087 = arith.constant 32 : index
        %get3A_1088 = tpu.vector_load %arg9[%get3A_1086, %get3A_1087] {strides = array<i32>} : memref<256x128xf32, #tpu.memory_space<vmem>>, vector<16xf32>,
        %mul3A_1089 = arith.mulf %gather3A_1085, %get3A_1088 : vector<16xf32>
        %add3A_1090 = arith.addf %add3A_1079, %mul3A_1089 : vector<16xf32>
        %get3A_1091 = arith.index_cast %add3A_1073 : i32 to index
        %get3A_1092 = arith.constant 48 : index
        %get3A_1093 = tpu.vector_load %arg9[%get3A_1091, %get3A_1092] {strides = array<i32>} : memref<256x128xf32, #tpu.memory_space<vmem>>, vector<16xf32>,
        %mul3A_1094 = arith.mulf %gather3A_1085, %get3A_1093 : vector<16xf32>
        %add3A_1095 = arith.addf %add3A_1084, %mul3A_1094 : vector<16xf32>
        %gather3A_1096 = tpu.vector_load_idx %arg5[%broadcast_in_dim3A_494, %broadcast_in_dim3A_95] : memref<16x128xf32, #tpu.memory_space<vmem>>[vector<16xi32>, vector<16xi32>], vector<16xf32>,
        %get3A_1097 = arith.index_cast %add3A_1073 : i32 to index
        %get3A_1098 = arith.constant 64 : index
        %get3A_1099 = tpu.vector_load %arg9[%get3A_1097, %get3A_1098] {strides = array<i32>} : memref<256x128xf32, #tpu.memory_space<vmem>>, vector<16xf32>,
        %mul3A_1100 = arith.mulf %gather3A_1096, %get3A_1099 : vector<16xf32>
        %add3A_1101 = arith.addf %add3A_1090, %mul3A_1100 : vector<16xf32>
        %get3A_1102 = arith.index_cast %add3A_1073 : i32 to index
        %get3A_1103 = arith.constant 80 : index
        %get3A_1104 = tpu.vector_load %arg9[%get3A_1102, %get3A_1103] {strides = array<i32>} : memref<256x128xf32, #tpu.memory_space<vmem>>, vector<16xf32>,
        %mul3A_1105 = arith.mulf %gather3A_1096, %get3A_1104 : vector<16xf32>
        %add3A_1106 = arith.addf %add3A_1095, %mul3A_1105 : vector<16xf32>
        %gather3A_1107 = tpu.vector_load_idx %arg5[%broadcast_in_dim3A_494, %broadcast_in_dim3A_97] : memref<16x128xf32, #tpu.memory_space<vmem>>[vector<16xi32>, vector<16xi32>], vector<16xf32>,
        %get3A_1108 = arith.index_cast %add3A_1073 : i32 to index
        %get3A_1109 = arith.constant 96 : index
        %get3A_1110 = tpu.vector_load %arg9[%get3A_1108, %get3A_1109] {strides = array<i32>} : memref<256x128xf32, #tpu.memory_space<vmem>>, vector<16xf32>,
        %mul3A_1111 = arith.mulf %gather3A_1107, %get3A_1110 : vector<16xf32>
        %add3A_1112 = arith.addf %add3A_1101, %mul3A_1111 : vector<16xf32>
        %get3A_1113 = arith.index_cast %add3A_1073 : i32 to index
        %get3A_1114 = arith.constant 112 : index
        %get3A_1115 = tpu.vector_load %arg9[%get3A_1113, %get3A_1114] {strides = array<i32>} : memref<256x128xf32, #tpu.memory_space<vmem>>, vector<16xf32>,
        %mul3A_1116 = arith.mulf %gather3A_1107, %get3A_1115 : vector<16xf32>
        %add3A_1117 = arith.addf %add3A_1106, %mul3A_1116 : vector<16xf32>
        %swap3A_1118 = arith.index_cast %add3A_493 : i32 to index
        %swap3A_1119 = arith.constant 64 : index
        %swap3A_1120 = tpu.vector_load %arg11[%swap3A_1118, %swap3A_1119] {strides = array<i32>} : memref<16x128xf32, #tpu.memory_space<vmem>>, vector<16xf32>,
        tpu.vector_store %arg11[%swap3A_1118, %swap3A_1119], %add3A_1112 {strides = array<i32>} : memref<16x128xf32, #tpu.memory_space<vmem>>, vector<16xf32>,
        %swap3A_1121 = arith.index_cast %add3A_493 : i32 to index
        %swap3A_1122 = arith.constant 80 : index
        %swap3A_1123 = tpu.vector_load %arg11[%swap3A_1121, %swap3A_1122] {strides = array<i32>} : memref<16x128xf32, #tpu.memory_space<vmem>>, vector<16xf32>,
        tpu.vector_store %arg11[%swap3A_1121, %swap3A_1122], %add3A_1117 {strides = array<i32>} : memref<16x128xf32, #tpu.memory_space<vmem>>, vector<16xf32>,
        %broadcast_in_dim3A_1124 = arith.constant 0.000000e+00 : f32
        %broadcast_in_dim3A_1125 = vector.broadcast %broadcast_in_dim3A_1124 : f32 to vector<16xf32>
        %broadcast_in_dim3A_1126 = arith.constant 0.000000e+00 : f32
        %broadcast_in_dim3A_1127 = vector.broadcast %broadcast_in_dim3A_1126 : f32 to vector<16xf32>
        %mul3A_1128 = arith.constant 16 : i32
        %mul3A_1129 = arith.muli %add3A_493, %mul3A_1128 : i32
        %add3A_1130 = arith.constant 12 : i32
        %add3A_1131 = arith.addi %mul3A_1129, %add3A_1130 : i32
        %add3A_1132 = arith.constant 0 : i32
        %add3A_1133 = arith.addi %add3A_1131, %add3A_1132 : i32
        %gather3A_1134 = tpu.vector_load_idx %arg5[%broadcast_in_dim3A_494, %broadcast_in_dim3A_99] : memref<16x128xf32, #tpu.memory_space<vmem>>[vector<16xi32>, vector<16xi32>], vector<16xf32>,
        %get3A_1135 = arith.index_cast %add3A_1133 : i32 to index
        %get3A_1136 = arith.constant 0 : index
        %get3A_1137 = tpu.vector_load %arg9[%get3A_1135, %get3A_1136] {strides = array<i32>} : memref<256x128xf32, #tpu.memory_space<vmem>>, vector<16xf32>,
        %mul3A_1138 = arith.mulf %gather3A_1134, %get3A_1137 : vector<16xf32>
        %add3A_1139 = arith.addf %broadcast_in_dim3A_1125, %mul3A_1138 : vector<16xf32>
        %get3A_1140 = arith.index_cast %add3A_1133 : i32 to index
        %get3A_1141 = arith.constant 16 : index
        %get3A_1142 = tpu.vector_load %arg9[%get3A_1140, %get3A_1141] {strides = array<i32>} : memref<256x128xf32, #tpu.memory_space<vmem>>, vector<16xf32>,
        %mul3A_1143 = arith.mulf %gather3A_1134, %get3A_1142 : vector<16xf32>
        %add3A_1144 = arith.addf %broadcast_in_dim3A_1127, %mul3A_1143 : vector<16xf32>
        %gather3A_1145 = tpu.vector_load_idx %arg5[%broadcast_in_dim3A_494, %broadcast_in_dim3A_101] : memref<16x128xf32, #tpu.memory_space<vmem>>[vector<16xi32>, vector<16xi32>], vector<16xf32>,
        %get3A_1146 = arith.index_cast %add3A_1133 : i32 to index
        %get3A_1147 = arith.constant 32 : index
        %get3A_1148 = tpu.vector_load %arg9[%get3A_1146, %get3A_1147] {strides = array<i32>} : memref<256x128xf32, #tpu.memory_space<vmem>>, vector<16xf32>,
        %mul3A_1149 = arith.mulf %gather3A_1145, %get3A_1148 : vector<16xf32>
        %add3A_1150 = arith.addf %add3A_1139, %mul3A_1149 : vector<16xf32>
        %get3A_1151 = arith.index_cast %add3A_1133 : i32 to index
        %get3A_1152 = arith.constant 48 : index
        %get3A_1153 = tpu.vector_load %arg9[%get3A_1151, %get3A_1152] {strides = array<i32>} : memref<256x128xf32, #tpu.memory_space<vmem>>, vector<16xf32>,
        %mul3A_1154 = arith.mulf %gather3A_1145, %get3A_1153 : vector<16xf32>
        %add3A_1155 = arith.addf %add3A_1144, %mul3A_1154 : vector<16xf32>
        %gather3A_1156 = tpu.vector_load_idx %arg5[%broadcast_in_dim3A_494, %broadcast_in_dim3A_103] : memref<16x128xf32, #tpu.memory_space<vmem>>[vector<16xi32>, vector<16xi32>], vector<16xf32>,
        %get3A_1157 = arith.index_cast %add3A_1133 : i32 to index
        %get3A_1158 = arith.constant 64 : index
        %get3A_1159 = tpu.vector_load %arg9[%get3A_1157, %get3A_1158] {strides = array<i32>} : memref<256x128xf32, #tpu.memory_space<vmem>>, vector<16xf32>,
        %mul3A_1160 = arith.mulf %gather3A_1156, %get3A_1159 : vector<16xf32>
        %add3A_1161 = arith.addf %add3A_1150, %mul3A_1160 : vector<16xf32>
        %get3A_1162 = arith.index_cast %add3A_1133 : i32 to index
        %get3A_1163 = arith.constant 80 : index
        %get3A_1164 = tpu.vector_load %arg9[%get3A_1162, %get3A_1163] {strides = array<i32>} : memref<256x128xf32, #tpu.memory_space<vmem>>, vector<16xf32>,
        %mul3A_1165 = arith.mulf %gather3A_1156, %get3A_1164 : vector<16xf32>
        %add3A_1166 = arith.addf %add3A_1155, %mul3A_1165 : vector<16xf32>
        %gather3A_1167 = tpu.vector_load_idx %arg5[%broadcast_in_dim3A_494, %broadcast_in_dim3A_105] : memref<16x128xf32, #tpu.memory_space<vmem>>[vector<16xi32>, vector<16xi32>], vector<16xf32>,
        %get3A_1168 = arith.index_cast %add3A_1133 : i32 to index
        %get3A_1169 = arith.constant 96 : index
        %get3A_1170 = tpu.vector_load %arg9[%get3A_1168, %get3A_1169] {strides = array<i32>} : memref<256x128xf32, #tpu.memory_space<vmem>>, vector<16xf32>,
        %mul3A_1171 = arith.mulf %gather3A_1167, %get3A_1170 : vector<16xf32>
        %add3A_1172 = arith.addf %add3A_1161, %mul3A_1171 : vector<16xf32>
        %get3A_1173 = arith.index_cast %add3A_1133 : i32 to index
        %get3A_1174 = arith.constant 112 : index
        %get3A_1175 = tpu.vector_load %arg9[%get3A_1173, %get3A_1174] {strides = array<i32>} : memref<256x128xf32, #tpu.memory_space<vmem>>, vector<16xf32>,
        %mul3A_1176 = arith.mulf %gather3A_1167, %get3A_1175 : vector<16xf32>
        %add3A_1177 = arith.addf %add3A_1166, %mul3A_1176 : vector<16xf32>
        %mul3A_1178 = arith.constant 16 : i32
        %mul3A_1179 = arith.muli %add3A_493, %mul3A_1178 : i32
        %add3A_1180 = arith.constant 12 : i32
        %add3A_1181 = arith.addi %mul3A_1179, %add3A_1180 : i32
        %add3A_1182 = arith.constant 1 : i32
        %add3A_1183 = arith.addi %add3A_1181, %add3A_1182 : i32
        %gather3A_1184 = tpu.vector_load_idx %arg5[%broadcast_in_dim3A_494, %broadcast_in_dim3A_107] : memref<16x128xf32, #tpu.memory_space<vmem>>[vector<16xi32>, vector<16xi32>], vector<16xf32>,
        %get3A_1185 = arith.index_cast %add3A_1183 : i32 to index
        %get3A_1186 = arith.constant 0 : index
        %get3A_1187 = tpu.vector_load %arg9[%get3A_1185, %get3A_1186] {strides = array<i32>} : memref<256x128xf32, #tpu.memory_space<vmem>>, vector<16xf32>,
        %mul3A_1188 = arith.mulf %gather3A_1184, %get3A_1187 : vector<16xf32>
        %add3A_1189 = arith.addf %add3A_1172, %mul3A_1188 : vector<16xf32>
        %get3A_1190 = arith.index_cast %add3A_1183 : i32 to index
        %get3A_1191 = arith.constant 16 : index
        %get3A_1192 = tpu.vector_load %arg9[%get3A_1190, %get3A_1191] {strides = array<i32>} : memref<256x128xf32, #tpu.memory_space<vmem>>, vector<16xf32>,
        %mul3A_1193 = arith.mulf %gather3A_1184, %get3A_1192 : vector<16xf32>
        %add3A_1194 = arith.addf %add3A_1177, %mul3A_1193 : vector<16xf32>
        %gather3A_1195 = tpu.vector_load_idx %arg5[%broadcast_in_dim3A_494, %broadcast_in_dim3A_109] : memref<16x128xf32, #tpu.memory_space<vmem>>[vector<16xi32>, vector<16xi32>], vector<16xf32>,
        %get3A_1196 = arith.index_cast %add3A_1183 : i32 to index
        %get3A_1197 = arith.constant 32 : index
        %get3A_1198 = tpu.vector_load %arg9[%get3A_1196, %get3A_1197] {strides = array<i32>} : memref<256x128xf32, #tpu.memory_space<vmem>>, vector<16xf32>,
        %mul3A_1199 = arith.mulf %gather3A_1195, %get3A_1198 : vector<16xf32>
        %add3A_1200 = arith.addf %add3A_1189, %mul3A_1199 : vector<16xf32>
        %get3A_1201 = arith.index_cast %add3A_1183 : i32 to index
        %get3A_1202 = arith.constant 48 : index
        %get3A_1203 = tpu.vector_load %arg9[%get3A_1201, %get3A_1202] {strides = array<i32>} : memref<256x128xf32, #tpu.memory_space<vmem>>, vector<16xf32>,
        %mul3A_1204 = arith.mulf %gather3A_1195, %get3A_1203 : vector<16xf32>
        %add3A_1205 = arith.addf %add3A_1194, %mul3A_1204 : vector<16xf32>
        %gather3A_1206 = tpu.vector_load_idx %arg5[%broadcast_in_dim3A_494, %broadcast_in_dim3A_111] : memref<16x128xf32, #tpu.memory_space<vmem>>[vector<16xi32>, vector<16xi32>], vector<16xf32>,
        %get3A_1207 = arith.index_cast %add3A_1183 : i32 to index
        %get3A_1208 = arith.constant 64 : index
        %get3A_1209 = tpu.vector_load %arg9[%get3A_1207, %get3A_1208] {strides = array<i32>} : memref<256x128xf32, #tpu.memory_space<vmem>>, vector<16xf32>,
        %mul3A_1210 = arith.mulf %gather3A_1206, %get3A_1209 : vector<16xf32>
        %add3A_1211 = arith.addf %add3A_1200, %mul3A_1210 : vector<16xf32>
        %get3A_1212 = arith.index_cast %add3A_1183 : i32 to index
        %get3A_1213 = arith.constant 80 : index
        %get3A_1214 = tpu.vector_load %arg9[%get3A_1212, %get3A_1213] {strides = array<i32>} : memref<256x128xf32, #tpu.memory_space<vmem>>, vector<16xf32>,
        %mul3A_1215 = arith.mulf %gather3A_1206, %get3A_1214 : vector<16xf32>
        %add3A_1216 = arith.addf %add3A_1205, %mul3A_1215 : vector<16xf32>
        %gather3A_1217 = tpu.vector_load_idx %arg5[%broadcast_in_dim3A_494, %broadcast_in_dim3A_113] : memref<16x128xf32, #tpu.memory_space<vmem>>[vector<16xi32>, vector<16xi32>], vector<16xf32>,
        %get3A_1218 = arith.index_cast %add3A_1183 : i32 to index
        %get3A_1219 = arith.constant 96 : index
        %get3A_1220 = tpu.vector_load %arg9[%get3A_1218, %get3A_1219] {strides = array<i32>} : memref<256x128xf32, #tpu.memory_space<vmem>>, vector<16xf32>,
        %mul3A_1221 = arith.mulf %gather3A_1217, %get3A_1220 : vector<16xf32>
        %add3A_1222 = arith.addf %add3A_1211, %mul3A_1221 : vector<16xf32>
        %get3A_1223 = arith.index_cast %add3A_1183 : i32 to index
        %get3A_1224 = arith.constant 112 : index
        %get3A_1225 = tpu.vector_load %arg9[%get3A_1223, %get3A_1224] {strides = array<i32>} : memref<256x128xf32, #tpu.memory_space<vmem>>, vector<16xf32>,
        %mul3A_1226 = arith.mulf %gather3A_1217, %get3A_1225 : vector<16xf32>
        %add3A_1227 = arith.addf %add3A_1216, %mul3A_1226 : vector<16xf32>
        %mul3A_1228 = arith.constant 16 : i32
        %mul3A_1229 = arith.muli %add3A_493, %mul3A_1228 : i32
        %add3A_1230 = arith.constant 12 : i32
        %add3A_1231 = arith.addi %mul3A_1229, %add3A_1230 : i32
        %add3A_1232 = arith.constant 2 : i32
        %add3A_1233 = arith.addi %add3A_1231, %add3A_1232 : i32
        %gather3A_1234 = tpu.vector_load_idx %arg5[%broadcast_in_dim3A_494, %broadcast_in_dim3A_115] : memref<16x128xf32, #tpu.memory_space<vmem>>[vector<16xi32>, vector<16xi32>], vector<16xf32>,
        %get3A_1235 = arith.index_cast %add3A_1233 : i32 to index
        %get3A_1236 = arith.constant 0 : index
        %get3A_1237 = tpu.vector_load %arg9[%get3A_1235, %get3A_1236] {strides = array<i32>} : memref<256x128xf32, #tpu.memory_space<vmem>>, vector<16xf32>,
        %mul3A_1238 = arith.mulf %gather3A_1234, %get3A_1237 : vector<16xf32>
        %add3A_1239 = arith.addf %add3A_1222, %mul3A_1238 : vector<16xf32>
        %get3A_1240 = arith.index_cast %add3A_1233 : i32 to index
        %get3A_1241 = arith.constant 16 : index
        %get3A_1242 = tpu.vector_load %arg9[%get3A_1240, %get3A_1241] {strides = array<i32>} : memref<256x128xf32, #tpu.memory_space<vmem>>, vector<16xf32>,
        %mul3A_1243 = arith.mulf %gather3A_1234, %get3A_1242 : vector<16xf32>
        %add3A_1244 = arith.addf %add3A_1227, %mul3A_1243 : vector<16xf32>
        %gather3A_1245 = tpu.vector_load_idx %arg5[%broadcast_in_dim3A_494, %broadcast_in_dim3A_117] : memref<16x128xf32, #tpu.memory_space<vmem>>[vector<16xi32>, vector<16xi32>], vector<16xf32>,
        %get3A_1246 = arith.index_cast %add3A_1233 : i32 to index
        %get3A_1247 = arith.constant 32 : index
        %get3A_1248 = tpu.vector_load %arg9[%get3A_1246, %get3A_1247] {strides = array<i32>} : memref<256x128xf32, #tpu.memory_space<vmem>>, vector<16xf32>,
        %mul3A_1249 = arith.mulf %gather3A_1245, %get3A_1248 : vector<16xf32>
        %add3A_1250 = arith.addf %add3A_1239, %mul3A_1249 : vector<16xf32>
        %get3A_1251 = arith.index_cast %add3A_1233 : i32 to index
        %get3A_1252 = arith.constant 48 : index
        %get3A_1253 = tpu.vector_load %arg9[%get3A_1251, %get3A_1252] {strides = array<i32>} : memref<256x128xf32, #tpu.memory_space<vmem>>, vector<16xf32>,
        %mul3A_1254 = arith.mulf %gather3A_1245, %get3A_1253 : vector<16xf32>
        %add3A_1255 = arith.addf %add3A_1244, %mul3A_1254 : vector<16xf32>
        %gather3A_1256 = tpu.vector_load_idx %arg5[%broadcast_in_dim3A_494, %broadcast_in_dim3A_119] : memref<16x128xf32, #tpu.memory_space<vmem>>[vector<16xi32>, vector<16xi32>], vector<16xf32>,
        %get3A_1257 = arith.index_cast %add3A_1233 : i32 to index
        %get3A_1258 = arith.constant 64 : index
        %get3A_1259 = tpu.vector_load %arg9[%get3A_1257, %get3A_1258] {strides = array<i32>} : memref<256x128xf32, #tpu.memory_space<vmem>>, vector<16xf32>,
        %mul3A_1260 = arith.mulf %gather3A_1256, %get3A_1259 : vector<16xf32>
        %add3A_1261 = arith.addf %add3A_1250, %mul3A_1260 : vector<16xf32>
        %get3A_1262 = arith.index_cast %add3A_1233 : i32 to index
        %get3A_1263 = arith.constant 80 : index
        %get3A_1264 = tpu.vector_load %arg9[%get3A_1262, %get3A_1263] {strides = array<i32>} : memref<256x128xf32, #tpu.memory_space<vmem>>, vector<16xf32>,
        %mul3A_1265 = arith.mulf %gather3A_1256, %get3A_1264 : vector<16xf32>
        %add3A_1266 = arith.addf %add3A_1255, %mul3A_1265 : vector<16xf32>
        %gather3A_1267 = tpu.vector_load_idx %arg5[%broadcast_in_dim3A_494, %broadcast_in_dim3A_121] : memref<16x128xf32, #tpu.memory_space<vmem>>[vector<16xi32>, vector<16xi32>], vector<16xf32>,
        %get3A_1268 = arith.index_cast %add3A_1233 : i32 to index
        %get3A_1269 = arith.constant 96 : index
        %get3A_1270 = tpu.vector_load %arg9[%get3A_1268, %get3A_1269] {strides = array<i32>} : memref<256x128xf32, #tpu.memory_space<vmem>>, vector<16xf32>,
        %mul3A_1271 = arith.mulf %gather3A_1267, %get3A_1270 : vector<16xf32>
        %add3A_1272 = arith.addf %add3A_1261, %mul3A_1271 : vector<16xf32>
        %get3A_1273 = arith.index_cast %add3A_1233 : i32 to index
        %get3A_1274 = arith.constant 112 : index
        %get3A_1275 = tpu.vector_load %arg9[%get3A_1273, %get3A_1274] {strides = array<i32>} : memref<256x128xf32, #tpu.memory_space<vmem>>, vector<16xf32>,
        %mul3A_1276 = arith.mulf %gather3A_1267, %get3A_1275 : vector<16xf32>
        %add3A_1277 = arith.addf %add3A_1266, %mul3A_1276 : vector<16xf32>
        %mul3A_1278 = arith.constant 16 : i32
        %mul3A_1279 = arith.muli %add3A_493, %mul3A_1278 : i32
        %add3A_1280 = arith.constant 12 : i32
        %add3A_1281 = arith.addi %mul3A_1279, %add3A_1280 : i32
        %add3A_1282 = arith.constant 3 : i32
        %add3A_1283 = arith.addi %add3A_1281, %add3A_1282 : i32
        %gather3A_1284 = tpu.vector_load_idx %arg5[%broadcast_in_dim3A_494, %broadcast_in_dim3A_123] : memref<16x128xf32, #tpu.memory_space<vmem>>[vector<16xi32>, vector<16xi32>], vector<16xf32>,
        %get3A_1285 = arith.index_cast %add3A_1283 : i32 to index
        %get3A_1286 = arith.constant 0 : index
        %get3A_1287 = tpu.vector_load %arg9[%get3A_1285, %get3A_1286] {strides = array<i32>} : memref<256x128xf32, #tpu.memory_space<vmem>>, vector<16xf32>,
        %mul3A_1288 = arith.mulf %gather3A_1284, %get3A_1287 : vector<16xf32>
        %add3A_1289 = arith.addf %add3A_1272, %mul3A_1288 : vector<16xf32>
        %get3A_1290 = arith.index_cast %add3A_1283 : i32 to index
        %get3A_1291 = arith.constant 16 : index
        %get3A_1292 = tpu.vector_load %arg9[%get3A_1290, %get3A_1291] {strides = array<i32>} : memref<256x128xf32, #tpu.memory_space<vmem>>, vector<16xf32>,
        %mul3A_1293 = arith.mulf %gather3A_1284, %get3A_1292 : vector<16xf32>
        %add3A_1294 = arith.addf %add3A_1277, %mul3A_1293 : vector<16xf32>
        %gather3A_1295 = tpu.vector_load_idx %arg5[%broadcast_in_dim3A_494, %broadcast_in_dim3A_125] : memref<16x128xf32, #tpu.memory_space<vmem>>[vector<16xi32>, vector<16xi32>], vector<16xf32>,
        %get3A_1296 = arith.index_cast %add3A_1283 : i32 to index
        %get3A_1297 = arith.constant 32 : index
        %get3A_1298 = tpu.vector_load %arg9[%get3A_1296, %get3A_1297] {strides = array<i32>} : memref<256x128xf32, #tpu.memory_space<vmem>>, vector<16xf32>,
        %mul3A_1299 = arith.mulf %gather3A_1295, %get3A_1298 : vector<16xf32>
        %add3A_1300 = arith.addf %add3A_1289, %mul3A_1299 : vector<16xf32>
        %get3A_1301 = arith.index_cast %add3A_1283 : i32 to index
        %get3A_1302 = arith.constant 48 : index
        %get3A_1303 = tpu.vector_load %arg9[%get3A_1301, %get3A_1302] {strides = array<i32>} : memref<256x128xf32, #tpu.memory_space<vmem>>, vector<16xf32>,
        %mul3A_1304 = arith.mulf %gather3A_1295, %get3A_1303 : vector<16xf32>
        %add3A_1305 = arith.addf %add3A_1294, %mul3A_1304 : vector<16xf32>
        %gather3A_1306 = tpu.vector_load_idx %arg5[%broadcast_in_dim3A_494, %broadcast_in_dim3A_127] : memref<16x128xf32, #tpu.memory_space<vmem>>[vector<16xi32>, vector<16xi32>], vector<16xf32>,
        %get3A_1307 = arith.index_cast %add3A_1283 : i32 to index
        %get3A_1308 = arith.constant 64 : index
        %get3A_1309 = tpu.vector_load %arg9[%get3A_1307, %get3A_1308] {strides = array<i32>} : memref<256x128xf32, #tpu.memory_space<vmem>>, vector<16xf32>,
        %mul3A_1310 = arith.mulf %gather3A_1306, %get3A_1309 : vector<16xf32>
        %add3A_1311 = arith.addf %add3A_1300, %mul3A_1310 : vector<16xf32>
        %get3A_1312 = arith.index_cast %add3A_1283 : i32 to index
        %get3A_1313 = arith.constant 80 : index
        %get3A_1314 = tpu.vector_load %arg9[%get3A_1312, %get3A_1313] {strides = array<i32>} : memref<256x128xf32, #tpu.memory_space<vmem>>, vector<16xf32>,
        %mul3A_1315 = arith.mulf %gather3A_1306, %get3A_1314 : vector<16xf32>
        %add3A_1316 = arith.addf %add3A_1305, %mul3A_1315 : vector<16xf32>
        %gather3A_1317 = tpu.vector_load_idx %arg5[%broadcast_in_dim3A_494, %broadcast_in_dim3A_129] : memref<16x128xf32, #tpu.memory_space<vmem>>[vector<16xi32>, vector<16xi32>], vector<16xf32>,
        %get3A_1318 = arith.index_cast %add3A_1283 : i32 to index
        %get3A_1319 = arith.constant 96 : index
        %get3A_1320 = tpu.vector_load %arg9[%get3A_1318, %get3A_1319] {strides = array<i32>} : memref<256x128xf32, #tpu.memory_space<vmem>>, vector<16xf32>,
        %mul3A_1321 = arith.mulf %gather3A_1317, %get3A_1320 : vector<16xf32>
        %add3A_1322 = arith.addf %add3A_1311, %mul3A_1321 : vector<16xf32>
        %get3A_1323 = arith.index_cast %add3A_1283 : i32 to index
        %get3A_1324 = arith.constant 112 : index
        %get3A_1325 = tpu.vector_load %arg9[%get3A_1323, %get3A_1324] {strides = array<i32>} : memref<256x128xf32, #tpu.memory_space<vmem>>, vector<16xf32>,
        %mul3A_1326 = arith.mulf %gather3A_1317, %get3A_1325 : vector<16xf32>
        %add3A_1327 = arith.addf %add3A_1316, %mul3A_1326 : vector<16xf32>
        %swap3A_1328 = arith.index_cast %add3A_493 : i32 to index
        %swap3A_1329 = arith.constant 96 : index
        %swap3A_1330 = tpu.vector_load %arg11[%swap3A_1328, %swap3A_1329] {strides = array<i32>} : memref<16x128xf32, #tpu.memory_space<vmem>>, vector<16xf32>,
        tpu.vector_store %arg11[%swap3A_1328, %swap3A_1329], %add3A_1322 {strides = array<i32>} : memref<16x128xf32, #tpu.memory_space<vmem>>, vector<16xf32>,
        %swap3A_1331 = arith.index_cast %add3A_493 : i32 to index
        %swap3A_1332 = arith.constant 112 : index
        %swap3A_1333 = tpu.vector_load %arg11[%swap3A_1331, %swap3A_1332] {strides = array<i32>} : memref<16x128xf32, #tpu.memory_space<vmem>>, vector<16xf32>,
        tpu.vector_store %arg11[%swap3A_1331, %swap3A_1332], %add3A_1327 {strides = array<i32>} : memref<16x128xf32, #tpu.memory_space<vmem>>, vector<16xf32>,
      }
      %scan3A_438 = arith.constant 16 : i32
      %dma_start3A_439 = arith.constant 0 : i32
      %dma_start3A_440 = tpu.memref_slice %arg4[%add3A_412, %dma_start3A_439] : memref<100352x128xf32, #tpu.memory_space<hbm>> -> memref<16x128xf32, #tpu.memory_space<hbm>>
      %dma_start3A_441 = arith.constant 0 : i32
      %dma_start3A_442 = tpu.memref_slice %arg4[%add3A_412, %dma_start3A_441] : memref<100352x128xf32, #tpu.memory_space<hbm>> -> memref<16x128xf32, #tpu.memory_space<hbm>>
      tpu.enqueue_dma source(%arg11 : memref<16x128xf32, #tpu.memory_space<vmem>>) target(%dma_start3A_442 : memref<16x128xf32, #tpu.memory_space<hbm>>) target_semaphore(%arg15 : memref<!tpu.dma_semaphore, #tpu.memory_space<semaphore_mem>>)
      %add3A_443 = arith.constant 2 : i32
      %add3A_444 = arith.addi %add3A_275, %add3A_443 : i32
      %lt3A = arith.constant 196 : i32
      %lt3A_445 = arith.cmpi slt, %add3A_444, %lt3A : i32
      %convert_element_type3A_446 = arith.extui %lt3A_445 : i1 to i32
      %cond3A_447 = arith.constant 0 : i32
      %cond3A_448 = arith.cmpi ne, %convert_element_type3A_446, %cond3A_447 : i32
      scf.if %cond3A_448 {
        %add3A_489 = arith.constant 2 : i32
        %add3A_490 = arith.addi %add3A_275, %add3A_489 : i32
        %mul3A_491 = arith.constant 16 : i32
        %mul3A_492 = arith.muli %add3A_490, %mul3A_491 : i32
        %add3A_493 = arith.addi %mul3A_2, %mul3A_492 : i32
        "tpu.region"() ({
          %run_scoped3A = tpu.sem_alloc : memref<!tpu.dma_semaphore, #tpu.memory_space<semaphore_mem>>
          %dma_start3A_622 = arith.constant 0 : i32
          %dma_start3A_623 = tpu.memref_slice %arg3[%add3A_493, %dma_start3A_622] : memref<100352x128xf32, #tpu.memory_space<hbm>> -> memref<16x128xf32, #tpu.memory_space<hbm>>
          %dma_start3A_624 = arith.constant 0 : i32
          %dma_start3A_625 = tpu.memref_slice %arg3[%add3A_493, %dma_start3A_624] : memref<100352x128xf32, #tpu.memory_space<hbm>> -> memref<16x128xf32, #tpu.memory_space<hbm>>
          tpu.enqueue_dma source(%dma_start3A_625 : memref<16x128xf32, #tpu.memory_space<hbm>>) target(%arg5 : memref<16x128xf32, #tpu.memory_space<vmem>>) target_semaphore(%run_scoped3A : memref<!tpu.dma_semaphore, #tpu.memory_space<semaphore_mem>>)
          %dma_wait3A_626 = arith.constant 0 : i32
          %dma_wait3A_627 = tpu.memref_slice %arg3[%add3A_493, %dma_wait3A_626] : memref<100352x128xf32, #tpu.memory_space<hbm>> -> memref<16x128xf32, #tpu.memory_space<hbm>>
          %dma_wait3A_628 = arith.constant 0 : i32
          %dma_wait3A_629 = tpu.memref_slice %arg3[%add3A_493, %dma_wait3A_628] : memref<100352x128xf32, #tpu.memory_space<hbm>> -> memref<16x128xf32, #tpu.memory_space<hbm>>
          tpu.wait_dma2 semaphore(%run_scoped3A : memref<!tpu.dma_semaphore, #tpu.memory_space<semaphore_mem>>) src(%dma_wait3A_629 : memref<16x128xf32, #tpu.memory_space<hbm>>) dst(%arg5 : memref<16x128xf32, #tpu.memory_space<vmem>>)
          tpu.yield
        }) : () -> ()
        %get3A_494 = arith.constant 0 : i32
        %get3A_495 = arith.index_cast %get3A_494 : i32 to index
        %get3A_496 = arith.constant 64 : index
        %get3A_497 = tpu.vector_load %arg5[%get3A_495, %get3A_496] {strides = array<i32>} : memref<16x128xf32, #tpu.memory_space<vmem>>, vector<16xf32>,
        %bitcast3A_498 = vector.bitcast %get3A_497 : vector<16xf32> to vector<16xi32>
        %swap3A_499 = arith.constant 0 : index
        %swap3A_500 = tpu.vector_load %arg7[%swap3A_499] {strides = array<i32>} : memref<256xi32, #tpu.memory_space<vmem>>, vector<16xi32>,
        tpu.vector_store %arg7[%swap3A_499], %bitcast3A_498 {strides = array<i32>} : memref<256xi32, #tpu.memory_space<vmem>>, vector<16xi32>,
        %get3A_501 = arith.constant 1 : i32
        %get3A_502 = arith.index_cast %get3A_501 : i32 to index
        %get3A_503 = arith.constant 64 : index
        %get3A_504 = tpu.vector_load %arg5[%get3A_502, %get3A_503] {strides = array<i32>} : memref<16x128xf32, #tpu.memory_space<vmem>>, vector<16xf32>,
        %bitcast3A_505 = vector.bitcast %get3A_504 : vector<16xf32> to vector<16xi32>
        %swap3A_506 = arith.constant 16 : index
        %swap3A_507 = tpu.vector_load %arg7[%swap3A_506] {strides = array<i32>} : memref<256xi32, #tpu.memory_space<vmem>>, vector<16xi32>,
        tpu.vector_store %arg7[%swap3A_506], %bitcast3A_505 {strides = array<i32>} : memref<256xi32, #tpu.memory_space<vmem>>, vector<16xi32>,
        %get3A_508 = arith.constant 2 : i32
        %get3A_509 = arith.index_cast %get3A_508 : i32 to index
        %get3A_510 = arith.constant 64 : index
        %get3A_511 = tpu.vector_load %arg5[%get3A_509, %get3A_510] {strides = array<i32>} : memref<16x128xf32, #tpu.memory_space<vmem>>, vector<16xf32>,
        %bitcast3A_512 = vector.bitcast %get3A_511 : vector<16xf32> to vector<16xi32>
        %swap3A_513 = arith.constant 32 : index
        %swap3A_514 = tpu.vector_load %arg7[%swap3A_513] {strides = array<i32>} : memref<256xi32, #tpu.memory_space<vmem>>, vector<16xi32>,
        tpu.vector_store %arg7[%swap3A_513], %bitcast3A_512 {strides = array<i32>} : memref<256xi32, #tpu.memory_space<vmem>>, vector<16xi32>,
        %get3A_515 = arith.constant 3 : i32
        %get3A_516 = arith.index_cast %get3A_515 : i32 to index
        %get3A_517 = arith.constant 64 : index
        %get3A_518 = tpu.vector_load %arg5[%get3A_516, %get3A_517] {strides = array<i32>} : memref<16x128xf32, #tpu.memory_space<vmem>>, vector<16xf32>,
        %bitcast3A_519 = vector.bitcast %get3A_518 : vector<16xf32> to vector<16xi32>
        %swap3A_520 = arith.constant 48 : index
        %swap3A_521 = tpu.vector_load %arg7[%swap3A_520] {strides = array<i32>} : memref<256xi32, #tpu.memory_space<vmem>>, vector<16xi32>,
        tpu.vector_store %arg7[%swap3A_520], %bitcast3A_519 {strides = array<i32>} : memref<256xi32, #tpu.memory_space<vmem>>, vector<16xi32>,
        %get3A_522 = arith.constant 4 : i32
        %get3A_523 = arith.index_cast %get3A_522 : i32 to index
        %get3A_524 = arith.constant 64 : index
        %get3A_525 = tpu.vector_load %arg5[%get3A_523, %get3A_524] {strides = array<i32>} : memref<16x128xf32, #tpu.memory_space<vmem>>, vector<16xf32>,
        %bitcast3A_526 = vector.bitcast %get3A_525 : vector<16xf32> to vector<16xi32>
        %swap3A_527 = arith.constant 64 : index
        %swap3A_528 = tpu.vector_load %arg7[%swap3A_527] {strides = array<i32>} : memref<256xi32, #tpu.memory_space<vmem>>, vector<16xi32>,
        tpu.vector_store %arg7[%swap3A_527], %bitcast3A_526 {strides = array<i32>} : memref<256xi32, #tpu.memory_space<vmem>>, vector<16xi32>,
        %get3A_529 = arith.constant 5 : i32
        %get3A_530 = arith.index_cast %get3A_529 : i32 to index
        %get3A_531 = arith.constant 64 : index
        %get3A_532 = tpu.vector_load %arg5[%get3A_530, %get3A_531] {strides = array<i32>} : memref<16x128xf32, #tpu.memory_space<vmem>>, vector<16xf32>,
        %bitcast3A_533 = vector.bitcast %get3A_532 : vector<16xf32> to vector<16xi32>
        %swap3A_534 = arith.constant 80 : index
        %swap3A_535 = tpu.vector_load %arg7[%swap3A_534] {strides = array<i32>} : memref<256xi32, #tpu.memory_space<vmem>>, vector<16xi32>,
        tpu.vector_store %arg7[%swap3A_534], %bitcast3A_533 {strides = array<i32>} : memref<256xi32, #tpu.memory_space<vmem>>, vector<16xi32>,
        %get3A_536 = arith.constant 6 : i32
        %get3A_537 = arith.index_cast %get3A_536 : i32 to index
        %get3A_538 = arith.constant 64 : index
        %get3A_539 = tpu.vector_load %arg5[%get3A_537, %get3A_538] {strides = array<i32>} : memref<16x128xf32, #tpu.memory_space<vmem>>, vector<16xf32>,
        %bitcast3A_540 = vector.bitcast %get3A_539 : vector<16xf32> to vector<16xi32>
        %swap3A_541 = arith.constant 96 : index
        %swap3A_542 = tpu.vector_load %arg7[%swap3A_541] {strides = array<i32>} : memref<256xi32, #tpu.memory_space<vmem>>, vector<16xi32>,
        tpu.vector_store %arg7[%swap3A_541], %bitcast3A_540 {strides = array<i32>} : memref<256xi32, #tpu.memory_space<vmem>>, vector<16xi32>,
        %get3A_543 = arith.constant 7 : i32
        %get3A_544 = arith.index_cast %get3A_543 : i32 to index
        %get3A_545 = arith.constant 64 : index
        %get3A_546 = tpu.vector_load %arg5[%get3A_544, %get3A_545] {strides = array<i32>} : memref<16x128xf32, #tpu.memory_space<vmem>>, vector<16xf32>,
        %bitcast3A_547 = vector.bitcast %get3A_546 : vector<16xf32> to vector<16xi32>
        %swap3A_548 = arith.constant 112 : index
        %swap3A_549 = tpu.vector_load %arg7[%swap3A_548] {strides = array<i32>} : memref<256xi32, #tpu.memory_space<vmem>>, vector<16xi32>,
        tpu.vector_store %arg7[%swap3A_548], %bitcast3A_547 {strides = array<i32>} : memref<256xi32, #tpu.memory_space<vmem>>, vector<16xi32>,
        %get3A_550 = arith.constant 8 : i32
        %get3A_551 = arith.index_cast %get3A_550 : i32 to index
        %get3A_552 = arith.constant 64 : index
        %get3A_553 = tpu.vector_load %arg5[%get3A_551, %get3A_552] {strides = array<i32>} : memref<16x128xf32, #tpu.memory_space<vmem>>, vector<16xf32>,
        %bitcast3A_554 = vector.bitcast %get3A_553 : vector<16xf32> to vector<16xi32>
        %swap3A_555 = arith.constant 128 : index
        %swap3A_556 = tpu.vector_load %arg7[%swap3A_555] {strides = array<i32>} : memref<256xi32, #tpu.memory_space<vmem>>, vector<16xi32>,
        tpu.vector_store %arg7[%swap3A_555], %bitcast3A_554 {strides = array<i32>} : memref<256xi32, #tpu.memory_space<vmem>>, vector<16xi32>,
        %get3A_557 = arith.constant 9 : i32
        %get3A_558 = arith.index_cast %get3A_557 : i32 to index
        %get3A_559 = arith.constant 64 : index
        %get3A_560 = tpu.vector_load %arg5[%get3A_558, %get3A_559] {strides = array<i32>} : memref<16x128xf32, #tpu.memory_space<vmem>>, vector<16xf32>,
        %bitcast3A_561 = vector.bitcast %get3A_560 : vector<16xf32> to vector<16xi32>
        %swap3A_562 = arith.constant 144 : index
        %swap3A_563 = tpu.vector_load %arg7[%swap3A_562] {strides = array<i32>} : memref<256xi32, #tpu.memory_space<vmem>>, vector<16xi32>,
        tpu.vector_store %arg7[%swap3A_562], %bitcast3A_561 {strides = array<i32>} : memref<256xi32, #tpu.memory_space<vmem>>, vector<16xi32>,
        %get3A_564 = arith.constant 10 : i32
        %get3A_565 = arith.index_cast %get3A_564 : i32 to index
        %get3A_566 = arith.constant 64 : index
        %get3A_567 = tpu.vector_load %arg5[%get3A_565, %get3A_566] {strides = array<i32>} : memref<16x128xf32, #tpu.memory_space<vmem>>, vector<16xf32>,
        %bitcast3A_568 = vector.bitcast %get3A_567 : vector<16xf32> to vector<16xi32>
        %swap3A_569 = arith.constant 160 : index
        %swap3A_570 = tpu.vector_load %arg7[%swap3A_569] {strides = array<i32>} : memref<256xi32, #tpu.memory_space<vmem>>, vector<16xi32>,
        tpu.vector_store %arg7[%swap3A_569], %bitcast3A_568 {strides = array<i32>} : memref<256xi32, #tpu.memory_space<vmem>>, vector<16xi32>,
        %get3A_571 = arith.constant 11 : i32
        %get3A_572 = arith.index_cast %get3A_571 : i32 to index
        %get3A_573 = arith.constant 64 : index
        %get3A_574 = tpu.vector_load %arg5[%get3A_572, %get3A_573] {strides = array<i32>} : memref<16x128xf32, #tpu.memory_space<vmem>>, vector<16xf32>,
        %bitcast3A_575 = vector.bitcast %get3A_574 : vector<16xf32> to vector<16xi32>
        %swap3A_576 = arith.constant 176 : index
        %swap3A_577 = tpu.vector_load %arg7[%swap3A_576] {strides = array<i32>} : memref<256xi32, #tpu.memory_space<vmem>>, vector<16xi32>,
        tpu.vector_store %arg7[%swap3A_576], %bitcast3A_575 {strides = array<i32>} : memref<256xi32, #tpu.memory_space<vmem>>, vector<16xi32>,
        %get3A_578 = arith.constant 12 : i32
        %get3A_579 = arith.index_cast %get3A_578 : i32 to index
        %get3A_580 = arith.constant 64 : index
        %get3A_581 = tpu.vector_load %arg5[%get3A_579, %get3A_580] {strides = array<i32>} : memref<16x128xf32, #tpu.memory_space<vmem>>, vector<16xf32>,
        %bitcast3A_582 = vector.bitcast %get3A_581 : vector<16xf32> to vector<16xi32>
        %swap3A_583 = arith.constant 192 : index
        %swap3A_584 = tpu.vector_load %arg7[%swap3A_583] {strides = array<i32>} : memref<256xi32, #tpu.memory_space<vmem>>, vector<16xi32>,
        tpu.vector_store %arg7[%swap3A_583], %bitcast3A_582 {strides = array<i32>} : memref<256xi32, #tpu.memory_space<vmem>>, vector<16xi32>,
        %get3A_585 = arith.constant 13 : i32
        %get3A_586 = arith.index_cast %get3A_585 : i32 to index
        %get3A_587 = arith.constant 64 : index
        %get3A_588 = tpu.vector_load %arg5[%get3A_586, %get3A_587] {strides = array<i32>} : memref<16x128xf32, #tpu.memory_space<vmem>>, vector<16xf32>,
        %bitcast3A_589 = vector.bitcast %get3A_588 : vector<16xf32> to vector<16xi32>
        %swap3A_590 = arith.constant 208 : index
        %swap3A_591 = tpu.vector_load %arg7[%swap3A_590] {strides = array<i32>} : memref<256xi32, #tpu.memory_space<vmem>>, vector<16xi32>,
        tpu.vector_store %arg7[%swap3A_590], %bitcast3A_589 {strides = array<i32>} : memref<256xi32, #tpu.memory_space<vmem>>, vector<16xi32>,
        %get3A_592 = arith.constant 14 : i32
        %get3A_593 = arith.index_cast %get3A_592 : i32 to index
        %get3A_594 = arith.constant 64 : index
        %get3A_595 = tpu.vector_load %arg5[%get3A_593, %get3A_594] {strides = array<i32>} : memref<16x128xf32, #tpu.memory_space<vmem>>, vector<16xf32>,
        %bitcast3A_596 = vector.bitcast %get3A_595 : vector<16xf32> to vector<16xi32>
        %swap3A_597 = arith.constant 224 : index
        %swap3A_598 = tpu.vector_load %arg7[%swap3A_597] {strides = array<i32>} : memref<256xi32, #tpu.memory_space<vmem>>, vector<16xi32>,
        tpu.vector_store %arg7[%swap3A_597], %bitcast3A_596 {strides = array<i32>} : memref<256xi32, #tpu.memory_space<vmem>>, vector<16xi32>,
        %get3A_599 = arith.constant 15 : i32
        %get3A_600 = arith.index_cast %get3A_599 : i32 to index
        %get3A_601 = arith.constant 64 : index
        %get3A_602 = tpu.vector_load %arg5[%get3A_600, %get3A_601] {strides = array<i32>} : memref<16x128xf32, #tpu.memory_space<vmem>>, vector<16xf32>,
        %bitcast3A_603 = vector.bitcast %get3A_602 : vector<16xf32> to vector<16xi32>
        %swap3A_604 = arith.constant 240 : index
        %swap3A_605 = tpu.vector_load %arg7[%swap3A_604] {strides = array<i32>} : memref<256xi32, #tpu.memory_space<vmem>>, vector<16xi32>,
        tpu.vector_store %arg7[%swap3A_604], %bitcast3A_603 {strides = array<i32>} : memref<256xi32, #tpu.memory_space<vmem>>, vector<16xi32>,
        %dma_start3A_606 = arith.constant 0 : i32
        %dma_start3A_607 = arith.constant 0 : i32
        %dma_start3A_608 = tpu.memref_slice %arg9[%dma_start3A_606, %dma_start3A_607] : memref<256x128xf32, #tpu.memory_space<vmem>> -> memref<128x128xf32, #tpu.memory_space<vmem>>
        %dma_start3A_609 = arith.constant 0 : i32
        %dma_start3A_610 = tpu.memref_slice %arg7[%dma_start3A_609] : memref<256xi32, #tpu.memory_space<vmem>> -> memref<128xi32, #tpu.memory_space<vmem>>
        %dma_start3A_611 = arith.constant 0 : i32
        %dma_start3A_612 = arith.constant 0 : i32
        %dma_start3A_613 = tpu.memref_slice %arg2[%dma_start3A_611, %dma_start3A_612] : memref<401408x128xf32, #tpu.memory_space<hbm>> -> memref<401408x128xf32, #tpu.memory_space<hbm>>
        tpu.enqueue_indirect_dma source(%dma_start3A_613 : memref<401408x128xf32, #tpu.memory_space<hbm>>) target(%dma_start3A_608 : memref<128x128xf32, #tpu.memory_space<vmem>>) offsets(%dma_start3A_610 : memref<128xi32, #tpu.memory_space<vmem>>) semaphore(%arg13 : memref<!tpu.dma_semaphore, #tpu.memory_space<semaphore_mem>>)
        %dma_start3A_614 = arith.constant 128 : i32
        %dma_start3A_615 = arith.constant 0 : i32
        %dma_start3A_616 = tpu.memref_slice %arg9[%dma_start3A_614, %dma_start3A_615] : memref<256x128xf32, #tpu.memory_space<vmem>> -> memref<128x128xf32, #tpu.memory_space<vmem>>
        %dma_start3A_617 = arith.constant 128 : i32
        %dma_start3A_618 = tpu.memref_slice %arg7[%dma_start3A_617] : memref<256xi32, #tpu.memory_space<vmem>> -> memref<128xi32, #tpu.memory_space<vmem>>
        %dma_start3A_619 = arith.constant 0 : i32
        %dma_start3A_620 = arith.constant 0 : i32
        %dma_start3A_621 = tpu.memref_slice %arg2[%dma_start3A_619, %dma_start3A_620] : memref<401408x128xf32, #tpu.memory_space<hbm>> -> memref<401408x128xf32, #tpu.memory_space<hbm>>
        tpu.enqueue_indirect_dma source(%dma_start3A_621 : memref<401408x128xf32, #tpu.memory_space<hbm>>) target(%dma_start3A_616 : memref<128x128xf32, #tpu.memory_space<vmem>>) offsets(%dma_start3A_618 : memref<128xi32, #tpu.memory_space<vmem>>) semaphore(%arg13 : memref<!tpu.dma_semaphore, #tpu.memory_space<semaphore_mem>>)
      } else {
      }
      %add3A_449 = arith.constant 1 : i32
      %add3A_450 = arith.addi %add3A_275, %add3A_449 : i32
      %ge3A_451 = arith.constant 2 : i32
      %ge3A_452 = arith.cmpi sge, %add3A_275, %ge3A_451 : i32
      %mul3A_453 = arith.constant 16 : i32
      %mul3A_454 = arith.muli %add3A_450, %mul3A_453 : i32
      %add3A_455 = arith.addi %mul3A_2, %mul3A_454 : i32
      %dma_wait3A_456 = arith.constant 0 : i32
      %dma_wait3A_457 = arith.constant 0 : i32
      %dma_wait3A_458 = tpu.memref_slice %arg10[%dma_wait3A_456, %dma_wait3A_457] : memref<256x128xf32, #tpu.memory_space<vmem>> -> memref<128x128xf32, #tpu.memory_space<vmem>>
      %dma_wait3A_459 = arith.constant 0 : i32
      %dma_wait3A_460 = tpu.memref_slice %arg8[%dma_wait3A_459] : memref<256xi32, #tpu.memory_space<vmem>> -> memref<128xi32, #tpu.memory_space<vmem>>
      %dma_wait3A_461 = arith.constant 0 : i32
      %dma_wait3A_462 = arith.constant 0 : i32
      %dma_wait3A_463 = tpu.memref_slice %arg2[%dma_wait3A_461, %dma_wait3A_462] : memref<401408x128xf32, #tpu.memory_space<hbm>> -> memref<401408x128xf32, #tpu.memory_space<hbm>>
      tpu.wait_indirect_dma semaphore(%arg14 : memref<!tpu.dma_semaphore, #tpu.memory_space<semaphore_mem>>) src(%dma_wait3A_463 : memref<401408x128xf32, #tpu.memory_space<hbm>>) dst(%dma_wait3A_458 : memref<128x128xf32, #tpu.memory_space<vmem>>)
      %dma_wait3A_464 = arith.constant 128 : i32
      %dma_wait3A_465 = arith.constant 0 : i32
      %dma_wait3A_466 = tpu.memref_slice %arg10[%dma_wait3A_464, %dma_wait3A_465] : memref<256x128xf32, #tpu.memory_space<vmem>> -> memref<128x128xf32, #tpu.memory_space<vmem>>
      %dma_wait3A_467 = arith.constant 128 : i32
      %dma_wait3A_468 = tpu.memref_slice %arg8[%dma_wait3A_467] : memref<256xi32, #tpu.memory_space<vmem>> -> memref<128xi32, #tpu.memory_space<vmem>>
      %dma_wait3A_469 = arith.constant 0 : i32
      %dma_wait3A_470 = arith.constant 0 : i32
      %dma_wait3A_471 = tpu.memref_slice %arg2[%dma_wait3A_469, %dma_wait3A_470] : memref<401408x128xf32, #tpu.memory_space<hbm>> -> memref<401408x128xf32, #tpu.memory_space<hbm>>
      tpu.wait_indirect_dma semaphore(%arg14 : memref<!tpu.dma_semaphore, #tpu.memory_space<semaphore_mem>>) src(%dma_wait3A_471 : memref<401408x128xf32, #tpu.memory_space<hbm>>) dst(%dma_wait3A_466 : memref<128x128xf32, #tpu.memory_space<vmem>>)
      %sub3A_472 = arith.constant 2 : i32
      %sub3A_473 = arith.subi %add3A_450, %sub3A_472 : i32
      %mul3A_474 = arith.constant 16 : i32
      %mul3A_475 = arith.muli %sub3A_473, %mul3A_474 : i32
      %add3A_476 = arith.addi %mul3A_2, %mul3A_475 : i32
      %convert_element_type3A_477 = arith.extui %ge3A_452 : i1 to i32
      %cond3A_478 = arith.constant 0 : i32
      %cond3A_479 = arith.cmpi ne, %convert_element_type3A_477, %cond3A_478 : i32
      scf.if %cond3A_479 {
        %dma_wait3A_489 = arith.constant 0 : i32
        %dma_wait3A_490 = tpu.memref_slice %arg4[%add3A_476, %dma_wait3A_489] : memref<100352x128xf32, #tpu.memory_space<hbm>> -> memref<16x128xf32, #tpu.memory_space<hbm>>
        %dma_wait3A_491 = arith.constant 0 : i32
        %dma_wait3A_492 = tpu.memref_slice %arg4[%add3A_476, %dma_wait3A_491] : memref<100352x128xf32, #tpu.memory_space<hbm>> -> memref<16x128xf32, #tpu.memory_space<hbm>>
        tpu.wait_dma2 semaphore(%arg16 : memref<!tpu.dma_semaphore, #tpu.memory_space<semaphore_mem>>) src(%arg12 : memref<16x128xf32, #tpu.memory_space<vmem>>) dst(%dma_wait3A_492 : memref<16x128xf32, #tpu.memory_space<hbm>>)
      } else {
      }
      %scan3A_480 = arith.constant 0 : i32
      %scan3A_481 = arith.constant 16 : i32
      %scan3A_482 = arith.addi %scan3A_480, %scan3A_481 : i32
      %scan3A_483 = arith.constant 1 : i32
      scf.for %scan3A_489 = %scan3A_480 to %scan3A_482 step %scan3A_483  : i32 {
        %mul3A_490 = arith.constant 1 : i32
        %mul3A_491 = arith.muli %scan3A_489, %mul3A_490 : i32
        %add3A_492 = arith.constant 0 : i32
        %add3A_493 = arith.addi %add3A_492, %mul3A_491 : i32
        %broadcast_in_dim3A_494 = vector.broadcast %add3A_493 : i32 to vector<16xi32>
        %broadcast_in_dim3A_495 = arith.constant 0.000000e+00 : f32
        %broadcast_in_dim3A_496 = vector.broadcast %broadcast_in_dim3A_495 : f32 to vector<16xf32>
        %broadcast_in_dim3A_497 = arith.constant 0.000000e+00 : f32
        %broadcast_in_dim3A_498 = vector.broadcast %broadcast_in_dim3A_497 : f32 to vector<16xf32>
        %mul3A_499 = arith.constant 16 : i32
        %mul3A_500 = arith.muli %add3A_493, %mul3A_499 : i32
        %add3A_501 = arith.constant 0 : i32
        %add3A_502 = arith.addi %mul3A_500, %add3A_501 : i32
        %add3A_503 = arith.constant 0 : i32
        %add3A_504 = arith.addi %add3A_502, %add3A_503 : i32
        %gather3A = tpu.vector_load_idx %arg6[%broadcast_in_dim3A_494, %broadcast_in_dim3A_3] : memref<16x128xf32, #tpu.memory_space<vmem>>[vector<16xi32>, vector<16xi32>], vector<16xf32>,
        %get3A_505 = arith.index_cast %add3A_504 : i32 to index
        %get3A_506 = arith.constant 0 : index
        %get3A_507 = tpu.vector_load %arg10[%get3A_505, %get3A_506] {strides = array<i32>} : memref<256x128xf32, #tpu.memory_space<vmem>>, vector<16xf32>,
        %mul3A_508 = arith.mulf %gather3A, %get3A_507 : vector<16xf32>
        %add3A_509 = arith.addf %broadcast_in_dim3A_496, %mul3A_508 : vector<16xf32>
        %get3A_510 = arith.index_cast %add3A_504 : i32 to index
        %get3A_511 = arith.constant 16 : index
        %get3A_512 = tpu.vector_load %arg10[%get3A_510, %get3A_511] {strides = array<i32>} : memref<256x128xf32, #tpu.memory_space<vmem>>, vector<16xf32>,
        %mul3A_513 = arith.mulf %gather3A, %get3A_512 : vector<16xf32>
        %add3A_514 = arith.addf %broadcast_in_dim3A_498, %mul3A_513 : vector<16xf32>
        %gather3A_515 = tpu.vector_load_idx %arg6[%broadcast_in_dim3A_494, %broadcast_in_dim3A_5] : memref<16x128xf32, #tpu.memory_space<vmem>>[vector<16xi32>, vector<16xi32>], vector<16xf32>,
        %get3A_516 = arith.index_cast %add3A_504 : i32 to index
        %get3A_517 = arith.constant 32 : index
        %get3A_518 = tpu.vector_load %arg10[%get3A_516, %get3A_517] {strides = array<i32>} : memref<256x128xf32, #tpu.memory_space<vmem>>, vector<16xf32>,
        %mul3A_519 = arith.mulf %gather3A_515, %get3A_518 : vector<16xf32>
        %add3A_520 = arith.addf %add3A_509, %mul3A_519 : vector<16xf32>
        %get3A_521 = arith.index_cast %add3A_504 : i32 to index
        %get3A_522 = arith.constant 48 : index
        %get3A_523 = tpu.vector_load %arg10[%get3A_521, %get3A_522] {strides = array<i32>} : memref<256x128xf32, #tpu.memory_space<vmem>>, vector<16xf32>,
        %mul3A_524 = arith.mulf %gather3A_515, %get3A_523 : vector<16xf32>
        %add3A_525 = arith.addf %add3A_514, %mul3A_524 : vector<16xf32>
        %gather3A_526 = tpu.vector_load_idx %arg6[%broadcast_in_dim3A_494, %broadcast_in_dim3A_7] : memref<16x128xf32, #tpu.memory_space<vmem>>[vector<16xi32>, vector<16xi32>], vector<16xf32>,
        %get3A_527 = arith.index_cast %add3A_504 : i32 to index
        %get3A_528 = arith.constant 64 : index
        %get3A_529 = tpu.vector_load %arg10[%get3A_527, %get3A_528] {strides = array<i32>} : memref<256x128xf32, #tpu.memory_space<vmem>>, vector<16xf32>,
        %mul3A_530 = arith.mulf %gather3A_526, %get3A_529 : vector<16xf32>
        %add3A_531 = arith.addf %add3A_520, %mul3A_530 : vector<16xf32>
        %get3A_532 = arith.index_cast %add3A_504 : i32 to index
        %get3A_533 = arith.constant 80 : index
        %get3A_534 = tpu.vector_load %arg10[%get3A_532, %get3A_533] {strides = array<i32>} : memref<256x128xf32, #tpu.memory_space<vmem>>, vector<16xf32>,
        %mul3A_535 = arith.mulf %gather3A_526, %get3A_534 : vector<16xf32>
        %add3A_536 = arith.addf %add3A_525, %mul3A_535 : vector<16xf32>
        %gather3A_537 = tpu.vector_load_idx %arg6[%broadcast_in_dim3A_494, %broadcast_in_dim3A_9] : memref<16x128xf32, #tpu.memory_space<vmem>>[vector<16xi32>, vector<16xi32>], vector<16xf32>,
        %get3A_538 = arith.index_cast %add3A_504 : i32 to index
        %get3A_539 = arith.constant 96 : index
        %get3A_540 = tpu.vector_load %arg10[%get3A_538, %get3A_539] {strides = array<i32>} : memref<256x128xf32, #tpu.memory_space<vmem>>, vector<16xf32>,
        %mul3A_541 = arith.mulf %gather3A_537, %get3A_540 : vector<16xf32>
        %add3A_542 = arith.addf %add3A_531, %mul3A_541 : vector<16xf32>
        %get3A_543 = arith.index_cast %add3A_504 : i32 to index
        %get3A_544 = arith.constant 112 : index
        %get3A_545 = tpu.vector_load %arg10[%get3A_543, %get3A_544] {strides = array<i32>} : memref<256x128xf32, #tpu.memory_space<vmem>>, vector<16xf32>,
        %mul3A_546 = arith.mulf %gather3A_537, %get3A_545 : vector<16xf32>
        %add3A_547 = arith.addf %add3A_536, %mul3A_546 : vector<16xf32>
        %mul3A_548 = arith.constant 16 : i32
        %mul3A_549 = arith.muli %add3A_493, %mul3A_548 : i32
        %add3A_550 = arith.constant 0 : i32
        %add3A_551 = arith.addi %mul3A_549, %add3A_550 : i32
        %add3A_552 = arith.constant 1 : i32
        %add3A_553 = arith.addi %add3A_551, %add3A_552 : i32
        %gather3A_554 = tpu.vector_load_idx %arg6[%broadcast_in_dim3A_494, %broadcast_in_dim3A_11] : memref<16x128xf32, #tpu.memory_space<vmem>>[vector<16xi32>, vector<16xi32>], vector<16xf32>,
        %get3A_555 = arith.index_cast %add3A_553 : i32 to index
        %get3A_556 = arith.constant 0 : index
        %get3A_557 = tpu.vector_load %arg10[%get3A_555, %get3A_556] {strides = array<i32>} : memref<256x128xf32, #tpu.memory_space<vmem>>, vector<16xf32>,
        %mul3A_558 = arith.mulf %gather3A_554, %get3A_557 : vector<16xf32>
        %add3A_559 = arith.addf %add3A_542, %mul3A_558 : vector<16xf32>
        %get3A_560 = arith.index_cast %add3A_553 : i32 to index
        %get3A_561 = arith.constant 16 : index
        %get3A_562 = tpu.vector_load %arg10[%get3A_560, %get3A_561] {strides = array<i32>} : memref<256x128xf32, #tpu.memory_space<vmem>>, vector<16xf32>,
        %mul3A_563 = arith.mulf %gather3A_554, %get3A_562 : vector<16xf32>
        %add3A_564 = arith.addf %add3A_547, %mul3A_563 : vector<16xf32>
        %gather3A_565 = tpu.vector_load_idx %arg6[%broadcast_in_dim3A_494, %broadcast_in_dim3A_13] : memref<16x128xf32, #tpu.memory_space<vmem>>[vector<16xi32>, vector<16xi32>], vector<16xf32>,
        %get3A_566 = arith.index_cast %add3A_553 : i32 to index
        %get3A_567 = arith.constant 32 : index
        %get3A_568 = tpu.vector_load %arg10[%get3A_566, %get3A_567] {strides = array<i32>} : memref<256x128xf32, #tpu.memory_space<vmem>>, vector<16xf32>,
        %mul3A_569 = arith.mulf %gather3A_565, %get3A_568 : vector<16xf32>
        %add3A_570 = arith.addf %add3A_559, %mul3A_569 : vector<16xf32>
        %get3A_571 = arith.index_cast %add3A_553 : i32 to index
        %get3A_572 = arith.constant 48 : index
        %get3A_573 = tpu.vector_load %arg10[%get3A_571, %get3A_572] {strides = array<i32>} : memref<256x128xf32, #tpu.memory_space<vmem>>, vector<16xf32>,
        %mul3A_574 = arith.mulf %gather3A_565, %get3A_573 : vector<16xf32>
        %add3A_575 = arith.addf %add3A_564, %mul3A_574 : vector<16xf32>
        %gather3A_576 = tpu.vector_load_idx %arg6[%broadcast_in_dim3A_494, %broadcast_in_dim3A_15] : memref<16x128xf32, #tpu.memory_space<vmem>>[vector<16xi32>, vector<16xi32>], vector<16xf32>,
        %get3A_577 = arith.index_cast %add3A_553 : i32 to index
        %get3A_578 = arith.constant 64 : index
        %get3A_579 = tpu.vector_load %arg10[%get3A_577, %get3A_578] {strides = array<i32>} : memref<256x128xf32, #tpu.memory_space<vmem>>, vector<16xf32>,
        %mul3A_580 = arith.mulf %gather3A_576, %get3A_579 : vector<16xf32>
        %add3A_581 = arith.addf %add3A_570, %mul3A_580 : vector<16xf32>
        %get3A_582 = arith.index_cast %add3A_553 : i32 to index
        %get3A_583 = arith.constant 80 : index
        %get3A_584 = tpu.vector_load %arg10[%get3A_582, %get3A_583] {strides = array<i32>} : memref<256x128xf32, #tpu.memory_space<vmem>>, vector<16xf32>,
        %mul3A_585 = arith.mulf %gather3A_576, %get3A_584 : vector<16xf32>
        %add3A_586 = arith.addf %add3A_575, %mul3A_585 : vector<16xf32>
        %gather3A_587 = tpu.vector_load_idx %arg6[%broadcast_in_dim3A_494, %broadcast_in_dim3A_17] : memref<16x128xf32, #tpu.memory_space<vmem>>[vector<16xi32>, vector<16xi32>], vector<16xf32>,
        %get3A_588 = arith.index_cast %add3A_553 : i32 to index
        %get3A_589 = arith.constant 96 : index
        %get3A_590 = tpu.vector_load %arg10[%get3A_588, %get3A_589] {strides = array<i32>} : memref<256x128xf32, #tpu.memory_space<vmem>>, vector<16xf32>,
        %mul3A_591 = arith.mulf %gather3A_587, %get3A_590 : vector<16xf32>
        %add3A_592 = arith.addf %add3A_581, %mul3A_591 : vector<16xf32>
        %get3A_593 = arith.index_cast %add3A_553 : i32 to index
        %get3A_594 = arith.constant 112 : index
        %get3A_595 = tpu.vector_load %arg10[%get3A_593, %get3A_594] {strides = array<i32>} : memref<256x128xf32, #tpu.memory_space<vmem>>, vector<16xf32>,
        %mul3A_596 = arith.mulf %gather3A_587, %get3A_595 : vector<16xf32>
        %add3A_597 = arith.addf %add3A_586, %mul3A_596 : vector<16xf32>
        %mul3A_598 = arith.constant 16 : i32
        %mul3A_599 = arith.muli %add3A_493, %mul3A_598 : i32
        %add3A_600 = arith.constant 0 : i32
        %add3A_601 = arith.addi %mul3A_599, %add3A_600 : i32
        %add3A_602 = arith.constant 2 : i32
        %add3A_603 = arith.addi %add3A_601, %add3A_602 : i32
        %gather3A_604 = tpu.vector_load_idx %arg6[%broadcast_in_dim3A_494, %broadcast_in_dim3A_19] : memref<16x128xf32, #tpu.memory_space<vmem>>[vector<16xi32>, vector<16xi32>], vector<16xf32>,
        %get3A_605 = arith.index_cast %add3A_603 : i32 to index
        %get3A_606 = arith.constant 0 : index
        %get3A_607 = tpu.vector_load %arg10[%get3A_605, %get3A_606] {strides = array<i32>} : memref<256x128xf32, #tpu.memory_space<vmem>>, vector<16xf32>,
        %mul3A_608 = arith.mulf %gather3A_604, %get3A_607 : vector<16xf32>
        %add3A_609 = arith.addf %add3A_592, %mul3A_608 : vector<16xf32>
        %get3A_610 = arith.index_cast %add3A_603 : i32 to index
        %get3A_611 = arith.constant 16 : index
        %get3A_612 = tpu.vector_load %arg10[%get3A_610, %get3A_611] {strides = array<i32>} : memref<256x128xf32, #tpu.memory_space<vmem>>, vector<16xf32>,
        %mul3A_613 = arith.mulf %gather3A_604, %get3A_612 : vector<16xf32>
        %add3A_614 = arith.addf %add3A_597, %mul3A_613 : vector<16xf32>
        %gather3A_615 = tpu.vector_load_idx %arg6[%broadcast_in_dim3A_494, %broadcast_in_dim3A_21] : memref<16x128xf32, #tpu.memory_space<vmem>>[vector<16xi32>, vector<16xi32>], vector<16xf32>,
        %get3A_616 = arith.index_cast %add3A_603 : i32 to index
        %get3A_617 = arith.constant 32 : index
        %get3A_618 = tpu.vector_load %arg10[%get3A_616, %get3A_617] {strides = array<i32>} : memref<256x128xf32, #tpu.memory_space<vmem>>, vector<16xf32>,
        %mul3A_619 = arith.mulf %gather3A_615, %get3A_618 : vector<16xf32>
        %add3A_620 = arith.addf %add3A_609, %mul3A_619 : vector<16xf32>
        %get3A_621 = arith.index_cast %add3A_603 : i32 to index
        %get3A_622 = arith.constant 48 : index
        %get3A_623 = tpu.vector_load %arg10[%get3A_621, %get3A_622] {strides = array<i32>} : memref<256x128xf32, #tpu.memory_space<vmem>>, vector<16xf32>,
        %mul3A_624 = arith.mulf %gather3A_615, %get3A_623 : vector<16xf32>
        %add3A_625 = arith.addf %add3A_614, %mul3A_624 : vector<16xf32>
        %gather3A_626 = tpu.vector_load_idx %arg6[%broadcast_in_dim3A_494, %broadcast_in_dim3A_23] : memref<16x128xf32, #tpu.memory_space<vmem>>[vector<16xi32>, vector<16xi32>], vector<16xf32>,
        %get3A_627 = arith.index_cast %add3A_603 : i32 to index
        %get3A_628 = arith.constant 64 : index
        %get3A_629 = tpu.vector_load %arg10[%get3A_627, %get3A_628] {strides = array<i32>} : memref<256x128xf32, #tpu.memory_space<vmem>>, vector<16xf32>,
        %mul3A_630 = arith.mulf %gather3A_626, %get3A_629 : vector<16xf32>
        %add3A_631 = arith.addf %add3A_620, %mul3A_630 : vector<16xf32>
        %get3A_632 = arith.index_cast %add3A_603 : i32 to index
        %get3A_633 = arith.constant 80 : index
        %get3A_634 = tpu.vector_load %arg10[%get3A_632, %get3A_633] {strides = array<i32>} : memref<256x128xf32, #tpu.memory_space<vmem>>, vector<16xf32>,
        %mul3A_635 = arith.mulf %gather3A_626, %get3A_634 : vector<16xf32>
        %add3A_636 = arith.addf %add3A_625, %mul3A_635 : vector<16xf32>
        %gather3A_637 = tpu.vector_load_idx %arg6[%broadcast_in_dim3A_494, %broadcast_in_dim3A_25] : memref<16x128xf32, #tpu.memory_space<vmem>>[vector<16xi32>, vector<16xi32>], vector<16xf32>,
        %get3A_638 = arith.index_cast %add3A_603 : i32 to index
        %get3A_639 = arith.constant 96 : index
        %get3A_640 = tpu.vector_load %arg10[%get3A_638, %get3A_639] {strides = array<i32>} : memref<256x128xf32, #tpu.memory_space<vmem>>, vector<16xf32>,
        %mul3A_641 = arith.mulf %gather3A_637, %get3A_640 : vector<16xf32>
        %add3A_642 = arith.addf %add3A_631, %mul3A_641 : vector<16xf32>
        %get3A_643 = arith.index_cast %add3A_603 : i32 to index
        %get3A_644 = arith.constant 112 : index
        %get3A_645 = tpu.vector_load %arg10[%get3A_643, %get3A_644] {strides = array<i32>} : memref<256x128xf32, #tpu.memory_space<vmem>>, vector<16xf32>,
        %mul3A_646 = arith.mulf %gather3A_637, %get3A_645 : vector<16xf32>
        %add3A_647 = arith.addf %add3A_636, %mul3A_646 : vector<16xf32>
        %mul3A_648 = arith.constant 16 : i32
        %mul3A_649 = arith.muli %add3A_493, %mul3A_648 : i32
        %add3A_650 = arith.constant 0 : i32
        %add3A_651 = arith.addi %mul3A_649, %add3A_650 : i32
        %add3A_652 = arith.constant 3 : i32
        %add3A_653 = arith.addi %add3A_651, %add3A_652 : i32
        %gather3A_654 = tpu.vector_load_idx %arg6[%broadcast_in_dim3A_494, %broadcast_in_dim3A_27] : memref<16x128xf32, #tpu.memory_space<vmem>>[vector<16xi32>, vector<16xi32>], vector<16xf32>,
        %get3A_655 = arith.index_cast %add3A_653 : i32 to index
        %get3A_656 = arith.constant 0 : index
        %get3A_657 = tpu.vector_load %arg10[%get3A_655, %get3A_656] {strides = array<i32>} : memref<256x128xf32, #tpu.memory_space<vmem>>, vector<16xf32>,
        %mul3A_658 = arith.mulf %gather3A_654, %get3A_657 : vector<16xf32>
        %add3A_659 = arith.addf %add3A_642, %mul3A_658 : vector<16xf32>
        %get3A_660 = arith.index_cast %add3A_653 : i32 to index
        %get3A_661 = arith.constant 16 : index
        %get3A_662 = tpu.vector_load %arg10[%get3A_660, %get3A_661] {strides = array<i32>} : memref<256x128xf32, #tpu.memory_space<vmem>>, vector<16xf32>,
        %mul3A_663 = arith.mulf %gather3A_654, %get3A_662 : vector<16xf32>
        %add3A_664 = arith.addf %add3A_647, %mul3A_663 : vector<16xf32>
        %gather3A_665 = tpu.vector_load_idx %arg6[%broadcast_in_dim3A_494, %broadcast_in_dim3A_29] : memref<16x128xf32, #tpu.memory_space<vmem>>[vector<16xi32>, vector<16xi32>], vector<16xf32>,
        %get3A_666 = arith.index_cast %add3A_653 : i32 to index
        %get3A_667 = arith.constant 32 : index
        %get3A_668 = tpu.vector_load %arg10[%get3A_666, %get3A_667] {strides = array<i32>} : memref<256x128xf32, #tpu.memory_space<vmem>>, vector<16xf32>,
        %mul3A_669 = arith.mulf %gather3A_665, %get3A_668 : vector<16xf32>
        %add3A_670 = arith.addf %add3A_659, %mul3A_669 : vector<16xf32>
        %get3A_671 = arith.index_cast %add3A_653 : i32 to index
        %get3A_672 = arith.constant 48 : index
        %get3A_673 = tpu.vector_load %arg10[%get3A_671, %get3A_672] {strides = array<i32>} : memref<256x128xf32, #tpu.memory_space<vmem>>, vector<16xf32>,
        %mul3A_674 = arith.mulf %gather3A_665, %get3A_673 : vector<16xf32>
        %add3A_675 = arith.addf %add3A_664, %mul3A_674 : vector<16xf32>
        %gather3A_676 = tpu.vector_load_idx %arg6[%broadcast_in_dim3A_494, %broadcast_in_dim3A_31] : memref<16x128xf32, #tpu.memory_space<vmem>>[vector<16xi32>, vector<16xi32>], vector<16xf32>,
        %get3A_677 = arith.index_cast %add3A_653 : i32 to index
        %get3A_678 = arith.constant 64 : index
        %get3A_679 = tpu.vector_load %arg10[%get3A_677, %get3A_678] {strides = array<i32>} : memref<256x128xf32, #tpu.memory_space<vmem>>, vector<16xf32>,
        %mul3A_680 = arith.mulf %gather3A_676, %get3A_679 : vector<16xf32>
        %add3A_681 = arith.addf %add3A_670, %mul3A_680 : vector<16xf32>
        %get3A_682 = arith.index_cast %add3A_653 : i32 to index
        %get3A_683 = arith.constant 80 : index
        %get3A_684 = tpu.vector_load %arg10[%get3A_682, %get3A_683] {strides = array<i32>} : memref<256x128xf32, #tpu.memory_space<vmem>>, vector<16xf32>,
        %mul3A_685 = arith.mulf %gather3A_676, %get3A_684 : vector<16xf32>
        %add3A_686 = arith.addf %add3A_675, %mul3A_685 : vector<16xf32>
        %gather3A_687 = tpu.vector_load_idx %arg6[%broadcast_in_dim3A_494, %broadcast_in_dim3A_33] : memref<16x128xf32, #tpu.memory_space<vmem>>[vector<16xi32>, vector<16xi32>], vector<16xf32>,
        %get3A_688 = arith.index_cast %add3A_653 : i32 to index
        %get3A_689 = arith.constant 96 : index
        %get3A_690 = tpu.vector_load %arg10[%get3A_688, %get3A_689] {strides = array<i32>} : memref<256x128xf32, #tpu.memory_space<vmem>>, vector<16xf32>,
        %mul3A_691 = arith.mulf %gather3A_687, %get3A_690 : vector<16xf32>
        %add3A_692 = arith.addf %add3A_681, %mul3A_691 : vector<16xf32>
        %get3A_693 = arith.index_cast %add3A_653 : i32 to index
        %get3A_694 = arith.constant 112 : index
        %get3A_695 = tpu.vector_load %arg10[%get3A_693, %get3A_694] {strides = array<i32>} : memref<256x128xf32, #tpu.memory_space<vmem>>, vector<16xf32>,
        %mul3A_696 = arith.mulf %gather3A_687, %get3A_695 : vector<16xf32>
        %add3A_697 = arith.addf %add3A_686, %mul3A_696 : vector<16xf32>
        %swap3A_698 = arith.index_cast %add3A_493 : i32 to index
        %swap3A_699 = arith.constant 0 : index
        %swap3A_700 = tpu.vector_load %arg12[%swap3A_698, %swap3A_699] {strides = array<i32>} : memref<16x128xf32, #tpu.memory_space<vmem>>, vector<16xf32>,
        tpu.vector_store %arg12[%swap3A_698, %swap3A_699], %add3A_692 {strides = array<i32>} : memref<16x128xf32, #tpu.memory_space<vmem>>, vector<16xf32>,
        %swap3A_701 = arith.index_cast %add3A_493 : i32 to index
        %swap3A_702 = arith.constant 16 : index
        %swap3A_703 = tpu.vector_load %arg12[%swap3A_701, %swap3A_702] {strides = array<i32>} : memref<16x128xf32, #tpu.memory_space<vmem>>, vector<16xf32>,
        tpu.vector_store %arg12[%swap3A_701, %swap3A_702], %add3A_697 {strides = array<i32>} : memref<16x128xf32, #tpu.memory_space<vmem>>, vector<16xf32>,
        %broadcast_in_dim3A_704 = arith.constant 0.000000e+00 : f32
        %broadcast_in_dim3A_705 = vector.broadcast %broadcast_in_dim3A_704 : f32 to vector<16xf32>
        %broadcast_in_dim3A_706 = arith.constant 0.000000e+00 : f32
        %broadcast_in_dim3A_707 = vector.broadcast %broadcast_in_dim3A_706 : f32 to vector<16xf32>
        %mul3A_708 = arith.constant 16 : i32
        %mul3A_709 = arith.muli %add3A_493, %mul3A_708 : i32
        %add3A_710 = arith.constant 4 : i32
        %add3A_711 = arith.addi %mul3A_709, %add3A_710 : i32
        %add3A_712 = arith.constant 0 : i32
        %add3A_713 = arith.addi %add3A_711, %add3A_712 : i32
        %gather3A_714 = tpu.vector_load_idx %arg6[%broadcast_in_dim3A_494, %broadcast_in_dim3A_35] : memref<16x128xf32, #tpu.memory_space<vmem>>[vector<16xi32>, vector<16xi32>], vector<16xf32>,
        %get3A_715 = arith.index_cast %add3A_713 : i32 to index
        %get3A_716 = arith.constant 0 : index
        %get3A_717 = tpu.vector_load %arg10[%get3A_715, %get3A_716] {strides = array<i32>} : memref<256x128xf32, #tpu.memory_space<vmem>>, vector<16xf32>,
        %mul3A_718 = arith.mulf %gather3A_714, %get3A_717 : vector<16xf32>
        %add3A_719 = arith.addf %broadcast_in_dim3A_705, %mul3A_718 : vector<16xf32>
        %get3A_720 = arith.index_cast %add3A_713 : i32 to index
        %get3A_721 = arith.constant 16 : index
        %get3A_722 = tpu.vector_load %arg10[%get3A_720, %get3A_721] {strides = array<i32>} : memref<256x128xf32, #tpu.memory_space<vmem>>, vector<16xf32>,
        %mul3A_723 = arith.mulf %gather3A_714, %get3A_722 : vector<16xf32>
        %add3A_724 = arith.addf %broadcast_in_dim3A_707, %mul3A_723 : vector<16xf32>
        %gather3A_725 = tpu.vector_load_idx %arg6[%broadcast_in_dim3A_494, %broadcast_in_dim3A_37] : memref<16x128xf32, #tpu.memory_space<vmem>>[vector<16xi32>, vector<16xi32>], vector<16xf32>,
        %get3A_726 = arith.index_cast %add3A_713 : i32 to index
        %get3A_727 = arith.constant 32 : index
        %get3A_728 = tpu.vector_load %arg10[%get3A_726, %get3A_727] {strides = array<i32>} : memref<256x128xf32, #tpu.memory_space<vmem>>, vector<16xf32>,
        %mul3A_729 = arith.mulf %gather3A_725, %get3A_728 : vector<16xf32>
        %add3A_730 = arith.addf %add3A_719, %mul3A_729 : vector<16xf32>
        %get3A_731 = arith.index_cast %add3A_713 : i32 to index
        %get3A_732 = arith.constant 48 : index
        %get3A_733 = tpu.vector_load %arg10[%get3A_731, %get3A_732] {strides = array<i32>} : memref<256x128xf32, #tpu.memory_space<vmem>>, vector<16xf32>,
        %mul3A_734 = arith.mulf %gather3A_725, %get3A_733 : vector<16xf32>
        %add3A_735 = arith.addf %add3A_724, %mul3A_734 : vector<16xf32>
        %gather3A_736 = tpu.vector_load_idx %arg6[%broadcast_in_dim3A_494, %broadcast_in_dim3A_39] : memref<16x128xf32, #tpu.memory_space<vmem>>[vector<16xi32>, vector<16xi32>], vector<16xf32>,
        %get3A_737 = arith.index_cast %add3A_713 : i32 to index
        %get3A_738 = arith.constant 64 : index
        %get3A_739 = tpu.vector_load %arg10[%get3A_737, %get3A_738] {strides = array<i32>} : memref<256x128xf32, #tpu.memory_space<vmem>>, vector<16xf32>,
        %mul3A_740 = arith.mulf %gather3A_736, %get3A_739 : vector<16xf32>
        %add3A_741 = arith.addf %add3A_730, %mul3A_740 : vector<16xf32>
        %get3A_742 = arith.index_cast %add3A_713 : i32 to index
        %get3A_743 = arith.constant 80 : index
        %get3A_744 = tpu.vector_load %arg10[%get3A_742, %get3A_743] {strides = array<i32>} : memref<256x128xf32, #tpu.memory_space<vmem>>, vector<16xf32>,
        %mul3A_745 = arith.mulf %gather3A_736, %get3A_744 : vector<16xf32>
        %add3A_746 = arith.addf %add3A_735, %mul3A_745 : vector<16xf32>
        %gather3A_747 = tpu.vector_load_idx %arg6[%broadcast_in_dim3A_494, %broadcast_in_dim3A_41] : memref<16x128xf32, #tpu.memory_space<vmem>>[vector<16xi32>, vector<16xi32>], vector<16xf32>,
        %get3A_748 = arith.index_cast %add3A_713 : i32 to index
        %get3A_749 = arith.constant 96 : index
        %get3A_750 = tpu.vector_load %arg10[%get3A_748, %get3A_749] {strides = array<i32>} : memref<256x128xf32, #tpu.memory_space<vmem>>, vector<16xf32>,
        %mul3A_751 = arith.mulf %gather3A_747, %get3A_750 : vector<16xf32>
        %add3A_752 = arith.addf %add3A_741, %mul3A_751 : vector<16xf32>
        %get3A_753 = arith.index_cast %add3A_713 : i32 to index
        %get3A_754 = arith.constant 112 : index
        %get3A_755 = tpu.vector_load %arg10[%get3A_753, %get3A_754] {strides = array<i32>} : memref<256x128xf32, #tpu.memory_space<vmem>>, vector<16xf32>,
        %mul3A_756 = arith.mulf %gather3A_747, %get3A_755 : vector<16xf32>
        %add3A_757 = arith.addf %add3A_746, %mul3A_756 : vector<16xf32>
        %mul3A_758 = arith.constant 16 : i32
        %mul3A_759 = arith.muli %add3A_493, %mul3A_758 : i32
        %add3A_760 = arith.constant 4 : i32
        %add3A_761 = arith.addi %mul3A_759, %add3A_760 : i32
        %add3A_762 = arith.constant 1 : i32
        %add3A_763 = arith.addi %add3A_761, %add3A_762 : i32
        %gather3A_764 = tpu.vector_load_idx %arg6[%broadcast_in_dim3A_494, %broadcast_in_dim3A_43] : memref<16x128xf32, #tpu.memory_space<vmem>>[vector<16xi32>, vector<16xi32>], vector<16xf32>,
        %get3A_765 = arith.index_cast %add3A_763 : i32 to index
        %get3A_766 = arith.constant 0 : index
        %get3A_767 = tpu.vector_load %arg10[%get3A_765, %get3A_766] {strides = array<i32>} : memref<256x128xf32, #tpu.memory_space<vmem>>, vector<16xf32>,
        %mul3A_768 = arith.mulf %gather3A_764, %get3A_767 : vector<16xf32>
        %add3A_769 = arith.addf %add3A_752, %mul3A_768 : vector<16xf32>
        %get3A_770 = arith.index_cast %add3A_763 : i32 to index
        %get3A_771 = arith.constant 16 : index
        %get3A_772 = tpu.vector_load %arg10[%get3A_770, %get3A_771] {strides = array<i32>} : memref<256x128xf32, #tpu.memory_space<vmem>>, vector<16xf32>,
        %mul3A_773 = arith.mulf %gather3A_764, %get3A_772 : vector<16xf32>
        %add3A_774 = arith.addf %add3A_757, %mul3A_773 : vector<16xf32>
        %gather3A_775 = tpu.vector_load_idx %arg6[%broadcast_in_dim3A_494, %broadcast_in_dim3A_45] : memref<16x128xf32, #tpu.memory_space<vmem>>[vector<16xi32>, vector<16xi32>], vector<16xf32>,
        %get3A_776 = arith.index_cast %add3A_763 : i32 to index
        %get3A_777 = arith.constant 32 : index
        %get3A_778 = tpu.vector_load %arg10[%get3A_776, %get3A_777] {strides = array<i32>} : memref<256x128xf32, #tpu.memory_space<vmem>>, vector<16xf32>,
        %mul3A_779 = arith.mulf %gather3A_775, %get3A_778 : vector<16xf32>
        %add3A_780 = arith.addf %add3A_769, %mul3A_779 : vector<16xf32>
        %get3A_781 = arith.index_cast %add3A_763 : i32 to index
        %get3A_782 = arith.constant 48 : index
        %get3A_783 = tpu.vector_load %arg10[%get3A_781, %get3A_782] {strides = array<i32>} : memref<256x128xf32, #tpu.memory_space<vmem>>, vector<16xf32>,
        %mul3A_784 = arith.mulf %gather3A_775, %get3A_783 : vector<16xf32>
        %add3A_785 = arith.addf %add3A_774, %mul3A_784 : vector<16xf32>
        %gather3A_786 = tpu.vector_load_idx %arg6[%broadcast_in_dim3A_494, %broadcast_in_dim3A_47] : memref<16x128xf32, #tpu.memory_space<vmem>>[vector<16xi32>, vector<16xi32>], vector<16xf32>,
        %get3A_787 = arith.index_cast %add3A_763 : i32 to index
        %get3A_788 = arith.constant 64 : index
        %get3A_789 = tpu.vector_load %arg10[%get3A_787, %get3A_788] {strides = array<i32>} : memref<256x128xf32, #tpu.memory_space<vmem>>, vector<16xf32>,
        %mul3A_790 = arith.mulf %gather3A_786, %get3A_789 : vector<16xf32>
        %add3A_791 = arith.addf %add3A_780, %mul3A_790 : vector<16xf32>
        %get3A_792 = arith.index_cast %add3A_763 : i32 to index
        %get3A_793 = arith.constant 80 : index
        %get3A_794 = tpu.vector_load %arg10[%get3A_792, %get3A_793] {strides = array<i32>} : memref<256x128xf32, #tpu.memory_space<vmem>>, vector<16xf32>,
        %mul3A_795 = arith.mulf %gather3A_786, %get3A_794 : vector<16xf32>
        %add3A_796 = arith.addf %add3A_785, %mul3A_795 : vector<16xf32>
        %gather3A_797 = tpu.vector_load_idx %arg6[%broadcast_in_dim3A_494, %broadcast_in_dim3A_49] : memref<16x128xf32, #tpu.memory_space<vmem>>[vector<16xi32>, vector<16xi32>], vector<16xf32>,
        %get3A_798 = arith.index_cast %add3A_763 : i32 to index
        %get3A_799 = arith.constant 96 : index
        %get3A_800 = tpu.vector_load %arg10[%get3A_798, %get3A_799] {strides = array<i32>} : memref<256x128xf32, #tpu.memory_space<vmem>>, vector<16xf32>,
        %mul3A_801 = arith.mulf %gather3A_797, %get3A_800 : vector<16xf32>
        %add3A_802 = arith.addf %add3A_791, %mul3A_801 : vector<16xf32>
        %get3A_803 = arith.index_cast %add3A_763 : i32 to index
        %get3A_804 = arith.constant 112 : index
        %get3A_805 = tpu.vector_load %arg10[%get3A_803, %get3A_804] {strides = array<i32>} : memref<256x128xf32, #tpu.memory_space<vmem>>, vector<16xf32>,
        %mul3A_806 = arith.mulf %gather3A_797, %get3A_805 : vector<16xf32>
        %add3A_807 = arith.addf %add3A_796, %mul3A_806 : vector<16xf32>
        %mul3A_808 = arith.constant 16 : i32
        %mul3A_809 = arith.muli %add3A_493, %mul3A_808 : i32
        %add3A_810 = arith.constant 4 : i32
        %add3A_811 = arith.addi %mul3A_809, %add3A_810 : i32
        %add3A_812 = arith.constant 2 : i32
        %add3A_813 = arith.addi %add3A_811, %add3A_812 : i32
        %gather3A_814 = tpu.vector_load_idx %arg6[%broadcast_in_dim3A_494, %broadcast_in_dim3A_51] : memref<16x128xf32, #tpu.memory_space<vmem>>[vector<16xi32>, vector<16xi32>], vector<16xf32>,
        %get3A_815 = arith.index_cast %add3A_813 : i32 to index
        %get3A_816 = arith.constant 0 : index
        %get3A_817 = tpu.vector_load %arg10[%get3A_815, %get3A_816] {strides = array<i32>} : memref<256x128xf32, #tpu.memory_space<vmem>>, vector<16xf32>,
        %mul3A_818 = arith.mulf %gather3A_814, %get3A_817 : vector<16xf32>
        %add3A_819 = arith.addf %add3A_802, %mul3A_818 : vector<16xf32>
        %get3A_820 = arith.index_cast %add3A_813 : i32 to index
        %get3A_821 = arith.constant 16 : index
        %get3A_822 = tpu.vector_load %arg10[%get3A_820, %get3A_821] {strides = array<i32>} : memref<256x128xf32, #tpu.memory_space<vmem>>, vector<16xf32>,
        %mul3A_823 = arith.mulf %gather3A_814, %get3A_822 : vector<16xf32>
        %add3A_824 = arith.addf %add3A_807, %mul3A_823 : vector<16xf32>
        %gather3A_825 = tpu.vector_load_idx %arg6[%broadcast_in_dim3A_494, %broadcast_in_dim3A_53] : memref<16x128xf32, #tpu.memory_space<vmem>>[vector<16xi32>, vector<16xi32>], vector<16xf32>,
        %get3A_826 = arith.index_cast %add3A_813 : i32 to index
        %get3A_827 = arith.constant 32 : index
        %get3A_828 = tpu.vector_load %arg10[%get3A_826, %get3A_827] {strides = array<i32>} : memref<256x128xf32, #tpu.memory_space<vmem>>, vector<16xf32>,
        %mul3A_829 = arith.mulf %gather3A_825, %get3A_828 : vector<16xf32>
        %add3A_830 = arith.addf %add3A_819, %mul3A_829 : vector<16xf32>
        %get3A_831 = arith.index_cast %add3A_813 : i32 to index
        %get3A_832 = arith.constant 48 : index
        %get3A_833 = tpu.vector_load %arg10[%get3A_831, %get3A_832] {strides = array<i32>} : memref<256x128xf32, #tpu.memory_space<vmem>>, vector<16xf32>,
        %mul3A_834 = arith.mulf %gather3A_825, %get3A_833 : vector<16xf32>
        %add3A_835 = arith.addf %add3A_824, %mul3A_834 : vector<16xf32>
        %gather3A_836 = tpu.vector_load_idx %arg6[%broadcast_in_dim3A_494, %broadcast_in_dim3A_55] : memref<16x128xf32, #tpu.memory_space<vmem>>[vector<16xi32>, vector<16xi32>], vector<16xf32>,
        %get3A_837 = arith.index_cast %add3A_813 : i32 to index
        %get3A_838 = arith.constant 64 : index
        %get3A_839 = tpu.vector_load %arg10[%get3A_837, %get3A_838] {strides = array<i32>} : memref<256x128xf32, #tpu.memory_space<vmem>>, vector<16xf32>,
        %mul3A_840 = arith.mulf %gather3A_836, %get3A_839 : vector<16xf32>
        %add3A_841 = arith.addf %add3A_830, %mul3A_840 : vector<16xf32>
        %get3A_842 = arith.index_cast %add3A_813 : i32 to index
        %get3A_843 = arith.constant 80 : index
        %get3A_844 = tpu.vector_load %arg10[%get3A_842, %get3A_843] {strides = array<i32>} : memref<256x128xf32, #tpu.memory_space<vmem>>, vector<16xf32>,
        %mul3A_845 = arith.mulf %gather3A_836, %get3A_844 : vector<16xf32>
        %add3A_846 = arith.addf %add3A_835, %mul3A_845 : vector<16xf32>
        %gather3A_847 = tpu.vector_load_idx %arg6[%broadcast_in_dim3A_494, %broadcast_in_dim3A_57] : memref<16x128xf32, #tpu.memory_space<vmem>>[vector<16xi32>, vector<16xi32>], vector<16xf32>,
        %get3A_848 = arith.index_cast %add3A_813 : i32 to index
        %get3A_849 = arith.constant 96 : index
        %get3A_850 = tpu.vector_load %arg10[%get3A_848, %get3A_849] {strides = array<i32>} : memref<256x128xf32, #tpu.memory_space<vmem>>, vector<16xf32>,
        %mul3A_851 = arith.mulf %gather3A_847, %get3A_850 : vector<16xf32>
        %add3A_852 = arith.addf %add3A_841, %mul3A_851 : vector<16xf32>
        %get3A_853 = arith.index_cast %add3A_813 : i32 to index
        %get3A_854 = arith.constant 112 : index
        %get3A_855 = tpu.vector_load %arg10[%get3A_853, %get3A_854] {strides = array<i32>} : memref<256x128xf32, #tpu.memory_space<vmem>>, vector<16xf32>,
        %mul3A_856 = arith.mulf %gather3A_847, %get3A_855 : vector<16xf32>
        %add3A_857 = arith.addf %add3A_846, %mul3A_856 : vector<16xf32>
        %mul3A_858 = arith.constant 16 : i32
        %mul3A_859 = arith.muli %add3A_493, %mul3A_858 : i32
        %add3A_860 = arith.constant 4 : i32
        %add3A_861 = arith.addi %mul3A_859, %add3A_860 : i32
        %add3A_862 = arith.constant 3 : i32
        %add3A_863 = arith.addi %add3A_861, %add3A_862 : i32
        %gather3A_864 = tpu.vector_load_idx %arg6[%broadcast_in_dim3A_494, %broadcast_in_dim3A_59] : memref<16x128xf32, #tpu.memory_space<vmem>>[vector<16xi32>, vector<16xi32>], vector<16xf32>,
        %get3A_865 = arith.index_cast %add3A_863 : i32 to index
        %get3A_866 = arith.constant 0 : index
        %get3A_867 = tpu.vector_load %arg10[%get3A_865, %get3A_866] {strides = array<i32>} : memref<256x128xf32, #tpu.memory_space<vmem>>, vector<16xf32>,
        %mul3A_868 = arith.mulf %gather3A_864, %get3A_867 : vector<16xf32>
        %add3A_869 = arith.addf %add3A_852, %mul3A_868 : vector<16xf32>
        %get3A_870 = arith.index_cast %add3A_863 : i32 to index
        %get3A_871 = arith.constant 16 : index
        %get3A_872 = tpu.vector_load %arg10[%get3A_870, %get3A_871] {strides = array<i32>} : memref<256x128xf32, #tpu.memory_space<vmem>>, vector<16xf32>,
        %mul3A_873 = arith.mulf %gather3A_864, %get3A_872 : vector<16xf32>
        %add3A_874 = arith.addf %add3A_857, %mul3A_873 : vector<16xf32>
        %gather3A_875 = tpu.vector_load_idx %arg6[%broadcast_in_dim3A_494, %broadcast_in_dim3A_61] : memref<16x128xf32, #tpu.memory_space<vmem>>[vector<16xi32>, vector<16xi32>], vector<16xf32>,
        %get3A_876 = arith.index_cast %add3A_863 : i32 to index
        %get3A_877 = arith.constant 32 : index
        %get3A_878 = tpu.vector_load %arg10[%get3A_876, %get3A_877] {strides = array<i32>} : memref<256x128xf32, #tpu.memory_space<vmem>>, vector<16xf32>,
        %mul3A_879 = arith.mulf %gather3A_875, %get3A_878 : vector<16xf32>
        %add3A_880 = arith.addf %add3A_869, %mul3A_879 : vector<16xf32>
        %get3A_881 = arith.index_cast %add3A_863 : i32 to index
        %get3A_882 = arith.constant 48 : index
        %get3A_883 = tpu.vector_load %arg10[%get3A_881, %get3A_882] {strides = array<i32>} : memref<256x128xf32, #tpu.memory_space<vmem>>, vector<16xf32>,
        %mul3A_884 = arith.mulf %gather3A_875, %get3A_883 : vector<16xf32>
        %add3A_885 = arith.addf %add3A_874, %mul3A_884 : vector<16xf32>
        %gather3A_886 = tpu.vector_load_idx %arg6[%broadcast_in_dim3A_494, %broadcast_in_dim3A_63] : memref<16x128xf32, #tpu.memory_space<vmem>>[vector<16xi32>, vector<16xi32>], vector<16xf32>,
        %get3A_887 = arith.index_cast %add3A_863 : i32 to index
        %get3A_888 = arith.constant 64 : index
        %get3A_889 = tpu.vector_load %arg10[%get3A_887, %get3A_888] {strides = array<i32>} : memref<256x128xf32, #tpu.memory_space<vmem>>, vector<16xf32>,
        %mul3A_890 = arith.mulf %gather3A_886, %get3A_889 : vector<16xf32>
        %add3A_891 = arith.addf %add3A_880, %mul3A_890 : vector<16xf32>
        %get3A_892 = arith.index_cast %add3A_863 : i32 to index
        %get3A_893 = arith.constant 80 : index
        %get3A_894 = tpu.vector_load %arg10[%get3A_892, %get3A_893] {strides = array<i32>} : memref<256x128xf32, #tpu.memory_space<vmem>>, vector<16xf32>,
        %mul3A_895 = arith.mulf %gather3A_886, %get3A_894 : vector<16xf32>
        %add3A_896 = arith.addf %add3A_885, %mul3A_895 : vector<16xf32>
        %gather3A_897 = tpu.vector_load_idx %arg6[%broadcast_in_dim3A_494, %broadcast_in_dim3A_65] : memref<16x128xf32, #tpu.memory_space<vmem>>[vector<16xi32>, vector<16xi32>], vector<16xf32>,
        %get3A_898 = arith.index_cast %add3A_863 : i32 to index
        %get3A_899 = arith.constant 96 : index
        %get3A_900 = tpu.vector_load %arg10[%get3A_898, %get3A_899] {strides = array<i32>} : memref<256x128xf32, #tpu.memory_space<vmem>>, vector<16xf32>,
        %mul3A_901 = arith.mulf %gather3A_897, %get3A_900 : vector<16xf32>
        %add3A_902 = arith.addf %add3A_891, %mul3A_901 : vector<16xf32>
        %get3A_903 = arith.index_cast %add3A_863 : i32 to index
        %get3A_904 = arith.constant 112 : index
        %get3A_905 = tpu.vector_load %arg10[%get3A_903, %get3A_904] {strides = array<i32>} : memref<256x128xf32, #tpu.memory_space<vmem>>, vector<16xf32>,
        %mul3A_906 = arith.mulf %gather3A_897, %get3A_905 : vector<16xf32>
        %add3A_907 = arith.addf %add3A_896, %mul3A_906 : vector<16xf32>
        %swap3A_908 = arith.index_cast %add3A_493 : i32 to index
        %swap3A_909 = arith.constant 32 : index
        %swap3A_910 = tpu.vector_load %arg12[%swap3A_908, %swap3A_909] {strides = array<i32>} : memref<16x128xf32, #tpu.memory_space<vmem>>, vector<16xf32>,
        tpu.vector_store %arg12[%swap3A_908, %swap3A_909], %add3A_902 {strides = array<i32>} : memref<16x128xf32, #tpu.memory_space<vmem>>, vector<16xf32>,
        %swap3A_911 = arith.index_cast %add3A_493 : i32 to index
        %swap3A_912 = arith.constant 48 : index
        %swap3A_913 = tpu.vector_load %arg12[%swap3A_911, %swap3A_912] {strides = array<i32>} : memref<16x128xf32, #tpu.memory_space<vmem>>, vector<16xf32>,
        tpu.vector_store %arg12[%swap3A_911, %swap3A_912], %add3A_907 {strides = array<i32>} : memref<16x128xf32, #tpu.memory_space<vmem>>, vector<16xf32>,
        %broadcast_in_dim3A_914 = arith.constant 0.000000e+00 : f32
        %broadcast_in_dim3A_915 = vector.broadcast %broadcast_in_dim3A_914 : f32 to vector<16xf32>
        %broadcast_in_dim3A_916 = arith.constant 0.000000e+00 : f32
        %broadcast_in_dim3A_917 = vector.broadcast %broadcast_in_dim3A_916 : f32 to vector<16xf32>
        %mul3A_918 = arith.constant 16 : i32
        %mul3A_919 = arith.muli %add3A_493, %mul3A_918 : i32
        %add3A_920 = arith.constant 8 : i32
        %add3A_921 = arith.addi %mul3A_919, %add3A_920 : i32
        %add3A_922 = arith.constant 0 : i32
        %add3A_923 = arith.addi %add3A_921, %add3A_922 : i32
        %gather3A_924 = tpu.vector_load_idx %arg6[%broadcast_in_dim3A_494, %broadcast_in_dim3A_67] : memref<16x128xf32, #tpu.memory_space<vmem>>[vector<16xi32>, vector<16xi32>], vector<16xf32>,
        %get3A_925 = arith.index_cast %add3A_923 : i32 to index
        %get3A_926 = arith.constant 0 : index
        %get3A_927 = tpu.vector_load %arg10[%get3A_925, %get3A_926] {strides = array<i32>} : memref<256x128xf32, #tpu.memory_space<vmem>>, vector<16xf32>,
        %mul3A_928 = arith.mulf %gather3A_924, %get3A_927 : vector<16xf32>
        %add3A_929 = arith.addf %broadcast_in_dim3A_915, %mul3A_928 : vector<16xf32>
        %get3A_930 = arith.index_cast %add3A_923 : i32 to index
        %get3A_931 = arith.constant 16 : index
        %get3A_932 = tpu.vector_load %arg10[%get3A_930, %get3A_931] {strides = array<i32>} : memref<256x128xf32, #tpu.memory_space<vmem>>, vector<16xf32>,
        %mul3A_933 = arith.mulf %gather3A_924, %get3A_932 : vector<16xf32>
        %add3A_934 = arith.addf %broadcast_in_dim3A_917, %mul3A_933 : vector<16xf32>
        %gather3A_935 = tpu.vector_load_idx %arg6[%broadcast_in_dim3A_494, %broadcast_in_dim3A_69] : memref<16x128xf32, #tpu.memory_space<vmem>>[vector<16xi32>, vector<16xi32>], vector<16xf32>,
        %get3A_936 = arith.index_cast %add3A_923 : i32 to index
        %get3A_937 = arith.constant 32 : index
        %get3A_938 = tpu.vector_load %arg10[%get3A_936, %get3A_937] {strides = array<i32>} : memref<256x128xf32, #tpu.memory_space<vmem>>, vector<16xf32>,
        %mul3A_939 = arith.mulf %gather3A_935, %get3A_938 : vector<16xf32>
        %add3A_940 = arith.addf %add3A_929, %mul3A_939 : vector<16xf32>
        %get3A_941 = arith.index_cast %add3A_923 : i32 to index
        %get3A_942 = arith.constant 48 : index
        %get3A_943 = tpu.vector_load %arg10[%get3A_941, %get3A_942] {strides = array<i32>} : memref<256x128xf32, #tpu.memory_space<vmem>>, vector<16xf32>,
        %mul3A_944 = arith.mulf %gather3A_935, %get3A_943 : vector<16xf32>
        %add3A_945 = arith.addf %add3A_934, %mul3A_944 : vector<16xf32>
        %gather3A_946 = tpu.vector_load_idx %arg6[%broadcast_in_dim3A_494, %broadcast_in_dim3A_71] : memref<16x128xf32, #tpu.memory_space<vmem>>[vector<16xi32>, vector<16xi32>], vector<16xf32>,
        %get3A_947 = arith.index_cast %add3A_923 : i32 to index
        %get3A_948 = arith.constant 64 : index
        %get3A_949 = tpu.vector_load %arg10[%get3A_947, %get3A_948] {strides = array<i32>} : memref<256x128xf32, #tpu.memory_space<vmem>>, vector<16xf32>,
        %mul3A_950 = arith.mulf %gather3A_946, %get3A_949 : vector<16xf32>
        %add3A_951 = arith.addf %add3A_940, %mul3A_950 : vector<16xf32>
        %get3A_952 = arith.index_cast %add3A_923 : i32 to index
        %get3A_953 = arith.constant 80 : index
        %get3A_954 = tpu.vector_load %arg10[%get3A_952, %get3A_953] {strides = array<i32>} : memref<256x128xf32, #tpu.memory_space<vmem>>, vector<16xf32>,
        %mul3A_955 = arith.mulf %gather3A_946, %get3A_954 : vector<16xf32>
        %add3A_956 = arith.addf %add3A_945, %mul3A_955 : vector<16xf32>
        %gather3A_957 = tpu.vector_load_idx %arg6[%broadcast_in_dim3A_494, %broadcast_in_dim3A_73] : memref<16x128xf32, #tpu.memory_space<vmem>>[vector<16xi32>, vector<16xi32>], vector<16xf32>,
        %get3A_958 = arith.index_cast %add3A_923 : i32 to index
        %get3A_959 = arith.constant 96 : index
        %get3A_960 = tpu.vector_load %arg10[%get3A_958, %get3A_959] {strides = array<i32>} : memref<256x128xf32, #tpu.memory_space<vmem>>, vector<16xf32>,
        %mul3A_961 = arith.mulf %gather3A_957, %get3A_960 : vector<16xf32>
        %add3A_962 = arith.addf %add3A_951, %mul3A_961 : vector<16xf32>
        %get3A_963 = arith.index_cast %add3A_923 : i32 to index
        %get3A_964 = arith.constant 112 : index
        %get3A_965 = tpu.vector_load %arg10[%get3A_963, %get3A_964] {strides = array<i32>} : memref<256x128xf32, #tpu.memory_space<vmem>>, vector<16xf32>,
        %mul3A_966 = arith.mulf %gather3A_957, %get3A_965 : vector<16xf32>
        %add3A_967 = arith.addf %add3A_956, %mul3A_966 : vector<16xf32>
        %mul3A_968 = arith.constant 16 : i32
        %mul3A_969 = arith.muli %add3A_493, %mul3A_968 : i32
        %add3A_970 = arith.constant 8 : i32
        %add3A_971 = arith.addi %mul3A_969, %add3A_970 : i32
        %add3A_972 = arith.constant 1 : i32
        %add3A_973 = arith.addi %add3A_971, %add3A_972 : i32
        %gather3A_974 = tpu.vector_load_idx %arg6[%broadcast_in_dim3A_494, %broadcast_in_dim3A_75] : memref<16x128xf32, #tpu.memory_space<vmem>>[vector<16xi32>, vector<16xi32>], vector<16xf32>,
        %get3A_975 = arith.index_cast %add3A_973 : i32 to index
        %get3A_976 = arith.constant 0 : index
        %get3A_977 = tpu.vector_load %arg10[%get3A_975, %get3A_976] {strides = array<i32>} : memref<256x128xf32, #tpu.memory_space<vmem>>, vector<16xf32>,
        %mul3A_978 = arith.mulf %gather3A_974, %get3A_977 : vector<16xf32>
        %add3A_979 = arith.addf %add3A_962, %mul3A_978 : vector<16xf32>
        %get3A_980 = arith.index_cast %add3A_973 : i32 to index
        %get3A_981 = arith.constant 16 : index
        %get3A_982 = tpu.vector_load %arg10[%get3A_980, %get3A_981] {strides = array<i32>} : memref<256x128xf32, #tpu.memory_space<vmem>>, vector<16xf32>,
        %mul3A_983 = arith.mulf %gather3A_974, %get3A_982 : vector<16xf32>
        %add3A_984 = arith.addf %add3A_967, %mul3A_983 : vector<16xf32>
        %gather3A_985 = tpu.vector_load_idx %arg6[%broadcast_in_dim3A_494, %broadcast_in_dim3A_77] : memref<16x128xf32, #tpu.memory_space<vmem>>[vector<16xi32>, vector<16xi32>], vector<16xf32>,
        %get3A_986 = arith.index_cast %add3A_973 : i32 to index
        %get3A_987 = arith.constant 32 : index
        %get3A_988 = tpu.vector_load %arg10[%get3A_986, %get3A_987] {strides = array<i32>} : memref<256x128xf32, #tpu.memory_space<vmem>>, vector<16xf32>,
        %mul3A_989 = arith.mulf %gather3A_985, %get3A_988 : vector<16xf32>
        %add3A_990 = arith.addf %add3A_979, %mul3A_989 : vector<16xf32>
        %get3A_991 = arith.index_cast %add3A_973 : i32 to index
        %get3A_992 = arith.constant 48 : index
        %get3A_993 = tpu.vector_load %arg10[%get3A_991, %get3A_992] {strides = array<i32>} : memref<256x128xf32, #tpu.memory_space<vmem>>, vector<16xf32>,
        %mul3A_994 = arith.mulf %gather3A_985, %get3A_993 : vector<16xf32>
        %add3A_995 = arith.addf %add3A_984, %mul3A_994 : vector<16xf32>
        %gather3A_996 = tpu.vector_load_idx %arg6[%broadcast_in_dim3A_494, %broadcast_in_dim3A_79] : memref<16x128xf32, #tpu.memory_space<vmem>>[vector<16xi32>, vector<16xi32>], vector<16xf32>,
        %get3A_997 = arith.index_cast %add3A_973 : i32 to index
        %get3A_998 = arith.constant 64 : index
        %get3A_999 = tpu.vector_load %arg10[%get3A_997, %get3A_998] {strides = array<i32>} : memref<256x128xf32, #tpu.memory_space<vmem>>, vector<16xf32>,
        %mul3A_1000 = arith.mulf %gather3A_996, %get3A_999 : vector<16xf32>
        %add3A_1001 = arith.addf %add3A_990, %mul3A_1000 : vector<16xf32>
        %get3A_1002 = arith.index_cast %add3A_973 : i32 to index
        %get3A_1003 = arith.constant 80 : index
        %get3A_1004 = tpu.vector_load %arg10[%get3A_1002, %get3A_1003] {strides = array<i32>} : memref<256x128xf32, #tpu.memory_space<vmem>>, vector<16xf32>,
        %mul3A_1005 = arith.mulf %gather3A_996, %get3A_1004 : vector<16xf32>
        %add3A_1006 = arith.addf %add3A_995, %mul3A_1005 : vector<16xf32>
        %gather3A_1007 = tpu.vector_load_idx %arg6[%broadcast_in_dim3A_494, %broadcast_in_dim3A_81] : memref<16x128xf32, #tpu.memory_space<vmem>>[vector<16xi32>, vector<16xi32>], vector<16xf32>,
        %get3A_1008 = arith.index_cast %add3A_973 : i32 to index
        %get3A_1009 = arith.constant 96 : index
        %get3A_1010 = tpu.vector_load %arg10[%get3A_1008, %get3A_1009] {strides = array<i32>} : memref<256x128xf32, #tpu.memory_space<vmem>>, vector<16xf32>,
        %mul3A_1011 = arith.mulf %gather3A_1007, %get3A_1010 : vector<16xf32>
        %add3A_1012 = arith.addf %add3A_1001, %mul3A_1011 : vector<16xf32>
        %get3A_1013 = arith.index_cast %add3A_973 : i32 to index
        %get3A_1014 = arith.constant 112 : index
        %get3A_1015 = tpu.vector_load %arg10[%get3A_1013, %get3A_1014] {strides = array<i32>} : memref<256x128xf32, #tpu.memory_space<vmem>>, vector<16xf32>,
        %mul3A_1016 = arith.mulf %gather3A_1007, %get3A_1015 : vector<16xf32>
        %add3A_1017 = arith.addf %add3A_1006, %mul3A_1016 : vector<16xf32>
        %mul3A_1018 = arith.constant 16 : i32
        %mul3A_1019 = arith.muli %add3A_493, %mul3A_1018 : i32
        %add3A_1020 = arith.constant 8 : i32
        %add3A_1021 = arith.addi %mul3A_1019, %add3A_1020 : i32
        %add3A_1022 = arith.constant 2 : i32
        %add3A_1023 = arith.addi %add3A_1021, %add3A_1022 : i32
        %gather3A_1024 = tpu.vector_load_idx %arg6[%broadcast_in_dim3A_494, %broadcast_in_dim3A_83] : memref<16x128xf32, #tpu.memory_space<vmem>>[vector<16xi32>, vector<16xi32>], vector<16xf32>,
        %get3A_1025 = arith.index_cast %add3A_1023 : i32 to index
        %get3A_1026 = arith.constant 0 : index
        %get3A_1027 = tpu.vector_load %arg10[%get3A_1025, %get3A_1026] {strides = array<i32>} : memref<256x128xf32, #tpu.memory_space<vmem>>, vector<16xf32>,
        %mul3A_1028 = arith.mulf %gather3A_1024, %get3A_1027 : vector<16xf32>
        %add3A_1029 = arith.addf %add3A_1012, %mul3A_1028 : vector<16xf32>
        %get3A_1030 = arith.index_cast %add3A_1023 : i32 to index
        %get3A_1031 = arith.constant 16 : index
        %get3A_1032 = tpu.vector_load %arg10[%get3A_1030, %get3A_1031] {strides = array<i32>} : memref<256x128xf32, #tpu.memory_space<vmem>>, vector<16xf32>,
        %mul3A_1033 = arith.mulf %gather3A_1024, %get3A_1032 : vector<16xf32>
        %add3A_1034 = arith.addf %add3A_1017, %mul3A_1033 : vector<16xf32>
        %gather3A_1035 = tpu.vector_load_idx %arg6[%broadcast_in_dim3A_494, %broadcast_in_dim3A_85] : memref<16x128xf32, #tpu.memory_space<vmem>>[vector<16xi32>, vector<16xi32>], vector<16xf32>,
        %get3A_1036 = arith.index_cast %add3A_1023 : i32 to index
        %get3A_1037 = arith.constant 32 : index
        %get3A_1038 = tpu.vector_load %arg10[%get3A_1036, %get3A_1037] {strides = array<i32>} : memref<256x128xf32, #tpu.memory_space<vmem>>, vector<16xf32>,
        %mul3A_1039 = arith.mulf %gather3A_1035, %get3A_1038 : vector<16xf32>
        %add3A_1040 = arith.addf %add3A_1029, %mul3A_1039 : vector<16xf32>
        %get3A_1041 = arith.index_cast %add3A_1023 : i32 to index
        %get3A_1042 = arith.constant 48 : index
        %get3A_1043 = tpu.vector_load %arg10[%get3A_1041, %get3A_1042] {strides = array<i32>} : memref<256x128xf32, #tpu.memory_space<vmem>>, vector<16xf32>,
        %mul3A_1044 = arith.mulf %gather3A_1035, %get3A_1043 : vector<16xf32>
        %add3A_1045 = arith.addf %add3A_1034, %mul3A_1044 : vector<16xf32>
        %gather3A_1046 = tpu.vector_load_idx %arg6[%broadcast_in_dim3A_494, %broadcast_in_dim3A_87] : memref<16x128xf32, #tpu.memory_space<vmem>>[vector<16xi32>, vector<16xi32>], vector<16xf32>,
        %get3A_1047 = arith.index_cast %add3A_1023 : i32 to index
        %get3A_1048 = arith.constant 64 : index
        %get3A_1049 = tpu.vector_load %arg10[%get3A_1047, %get3A_1048] {strides = array<i32>} : memref<256x128xf32, #tpu.memory_space<vmem>>, vector<16xf32>,
        %mul3A_1050 = arith.mulf %gather3A_1046, %get3A_1049 : vector<16xf32>
        %add3A_1051 = arith.addf %add3A_1040, %mul3A_1050 : vector<16xf32>
        %get3A_1052 = arith.index_cast %add3A_1023 : i32 to index
        %get3A_1053 = arith.constant 80 : index
        %get3A_1054 = tpu.vector_load %arg10[%get3A_1052, %get3A_1053] {strides = array<i32>} : memref<256x128xf32, #tpu.memory_space<vmem>>, vector<16xf32>,
        %mul3A_1055 = arith.mulf %gather3A_1046, %get3A_1054 : vector<16xf32>
        %add3A_1056 = arith.addf %add3A_1045, %mul3A_1055 : vector<16xf32>
        %gather3A_1057 = tpu.vector_load_idx %arg6[%broadcast_in_dim3A_494, %broadcast_in_dim3A_89] : memref<16x128xf32, #tpu.memory_space<vmem>>[vector<16xi32>, vector<16xi32>], vector<16xf32>,
        %get3A_1058 = arith.index_cast %add3A_1023 : i32 to index
        %get3A_1059 = arith.constant 96 : index
        %get3A_1060 = tpu.vector_load %arg10[%get3A_1058, %get3A_1059] {strides = array<i32>} : memref<256x128xf32, #tpu.memory_space<vmem>>, vector<16xf32>,
        %mul3A_1061 = arith.mulf %gather3A_1057, %get3A_1060 : vector<16xf32>
        %add3A_1062 = arith.addf %add3A_1051, %mul3A_1061 : vector<16xf32>
        %get3A_1063 = arith.index_cast %add3A_1023 : i32 to index
        %get3A_1064 = arith.constant 112 : index
        %get3A_1065 = tpu.vector_load %arg10[%get3A_1063, %get3A_1064] {strides = array<i32>} : memref<256x128xf32, #tpu.memory_space<vmem>>, vector<16xf32>,
        %mul3A_1066 = arith.mulf %gather3A_1057, %get3A_1065 : vector<16xf32>
        %add3A_1067 = arith.addf %add3A_1056, %mul3A_1066 : vector<16xf32>
        %mul3A_1068 = arith.constant 16 : i32
        %mul3A_1069 = arith.muli %add3A_493, %mul3A_1068 : i32
        %add3A_1070 = arith.constant 8 : i32
        %add3A_1071 = arith.addi %mul3A_1069, %add3A_1070 : i32
        %add3A_1072 = arith.constant 3 : i32
        %add3A_1073 = arith.addi %add3A_1071, %add3A_1072 : i32
        %gather3A_1074 = tpu.vector_load_idx %arg6[%broadcast_in_dim3A_494, %broadcast_in_dim3A_91] : memref<16x128xf32, #tpu.memory_space<vmem>>[vector<16xi32>, vector<16xi32>], vector<16xf32>,
        %get3A_1075 = arith.index_cast %add3A_1073 : i32 to index
        %get3A_1076 = arith.constant 0 : index
        %get3A_1077 = tpu.vector_load %arg10[%get3A_1075, %get3A_1076] {strides = array<i32>} : memref<256x128xf32, #tpu.memory_space<vmem>>, vector<16xf32>,
        %mul3A_1078 = arith.mulf %gather3A_1074, %get3A_1077 : vector<16xf32>
        %add3A_1079 = arith.addf %add3A_1062, %mul3A_1078 : vector<16xf32>
        %get3A_1080 = arith.index_cast %add3A_1073 : i32 to index
        %get3A_1081 = arith.constant 16 : index
        %get3A_1082 = tpu.vector_load %arg10[%get3A_1080, %get3A_1081] {strides = array<i32>} : memref<256x128xf32, #tpu.memory_space<vmem>>, vector<16xf32>,
        %mul3A_1083 = arith.mulf %gather3A_1074, %get3A_1082 : vector<16xf32>
        %add3A_1084 = arith.addf %add3A_1067, %mul3A_1083 : vector<16xf32>
        %gather3A_1085 = tpu.vector_load_idx %arg6[%broadcast_in_dim3A_494, %broadcast_in_dim3A_93] : memref<16x128xf32, #tpu.memory_space<vmem>>[vector<16xi32>, vector<16xi32>], vector<16xf32>,
        %get3A_1086 = arith.index_cast %add3A_1073 : i32 to index
        %get3A_1087 = arith.constant 32 : index
        %get3A_1088 = tpu.vector_load %arg10[%get3A_1086, %get3A_1087] {strides = array<i32>} : memref<256x128xf32, #tpu.memory_space<vmem>>, vector<16xf32>,
        %mul3A_1089 = arith.mulf %gather3A_1085, %get3A_1088 : vector<16xf32>
        %add3A_1090 = arith.addf %add3A_1079, %mul3A_1089 : vector<16xf32>
        %get3A_1091 = arith.index_cast %add3A_1073 : i32 to index
        %get3A_1092 = arith.constant 48 : index
        %get3A_1093 = tpu.vector_load %arg10[%get3A_1091, %get3A_1092] {strides = array<i32>} : memref<256x128xf32, #tpu.memory_space<vmem>>, vector<16xf32>,
        %mul3A_1094 = arith.mulf %gather3A_1085, %get3A_1093 : vector<16xf32>
        %add3A_1095 = arith.addf %add3A_1084, %mul3A_1094 : vector<16xf32>
        %gather3A_1096 = tpu.vector_load_idx %arg6[%broadcast_in_dim3A_494, %broadcast_in_dim3A_95] : memref<16x128xf32, #tpu.memory_space<vmem>>[vector<16xi32>, vector<16xi32>], vector<16xf32>,
        %get3A_1097 = arith.index_cast %add3A_1073 : i32 to index
        %get3A_1098 = arith.constant 64 : index
        %get3A_1099 = tpu.vector_load %arg10[%get3A_1097, %get3A_1098] {strides = array<i32>} : memref<256x128xf32, #tpu.memory_space<vmem>>, vector<16xf32>,
        %mul3A_1100 = arith.mulf %gather3A_1096, %get3A_1099 : vector<16xf32>
        %add3A_1101 = arith.addf %add3A_1090, %mul3A_1100 : vector<16xf32>
        %get3A_1102 = arith.index_cast %add3A_1073 : i32 to index
        %get3A_1103 = arith.constant 80 : index
        %get3A_1104 = tpu.vector_load %arg10[%get3A_1102, %get3A_1103] {strides = array<i32>} : memref<256x128xf32, #tpu.memory_space<vmem>>, vector<16xf32>,
        %mul3A_1105 = arith.mulf %gather3A_1096, %get3A_1104 : vector<16xf32>
        %add3A_1106 = arith.addf %add3A_1095, %mul3A_1105 : vector<16xf32>
        %gather3A_1107 = tpu.vector_load_idx %arg6[%broadcast_in_dim3A_494, %broadcast_in_dim3A_97] : memref<16x128xf32, #tpu.memory_space<vmem>>[vector<16xi32>, vector<16xi32>], vector<16xf32>,
        %get3A_1108 = arith.index_cast %add3A_1073 : i32 to index
        %get3A_1109 = arith.constant 96 : index
        %get3A_1110 = tpu.vector_load %arg10[%get3A_1108, %get3A_1109] {strides = array<i32>} : memref<256x128xf32, #tpu.memory_space<vmem>>, vector<16xf32>,
        %mul3A_1111 = arith.mulf %gather3A_1107, %get3A_1110 : vector<16xf32>
        %add3A_1112 = arith.addf %add3A_1101, %mul3A_1111 : vector<16xf32>
        %get3A_1113 = arith.index_cast %add3A_1073 : i32 to index
        %get3A_1114 = arith.constant 112 : index
        %get3A_1115 = tpu.vector_load %arg10[%get3A_1113, %get3A_1114] {strides = array<i32>} : memref<256x128xf32, #tpu.memory_space<vmem>>, vector<16xf32>,
        %mul3A_1116 = arith.mulf %gather3A_1107, %get3A_1115 : vector<16xf32>
        %add3A_1117 = arith.addf %add3A_1106, %mul3A_1116 : vector<16xf32>
        %swap3A_1118 = arith.index_cast %add3A_493 : i32 to index
        %swap3A_1119 = arith.constant 64 : index
        %swap3A_1120 = tpu.vector_load %arg12[%swap3A_1118, %swap3A_1119] {strides = array<i32>} : memref<16x128xf32, #tpu.memory_space<vmem>>, vector<16xf32>,
        tpu.vector_store %arg12[%swap3A_1118, %swap3A_1119], %add3A_1112 {strides = array<i32>} : memref<16x128xf32, #tpu.memory_space<vmem>>, vector<16xf32>,
        %swap3A_1121 = arith.index_cast %add3A_493 : i32 to index
        %swap3A_1122 = arith.constant 80 : index
        %swap3A_1123 = tpu.vector_load %arg12[%swap3A_1121, %swap3A_1122] {strides = array<i32>} : memref<16x128xf32, #tpu.memory_space<vmem>>, vector<16xf32>,
        tpu.vector_store %arg12[%swap3A_1121, %swap3A_1122], %add3A_1117 {strides = array<i32>} : memref<16x128xf32, #tpu.memory_space<vmem>>, vector<16xf32>,
        %broadcast_in_dim3A_1124 = arith.constant 0.000000e+00 : f32
        %broadcast_in_dim3A_1125 = vector.broadcast %broadcast_in_dim3A_1124 : f32 to vector<16xf32>
        %broadcast_in_dim3A_1126 = arith.constant 0.000000e+00 : f32
        %broadcast_in_dim3A_1127 = vector.broadcast %broadcast_in_dim3A_1126 : f32 to vector<16xf32>
        %mul3A_1128 = arith.constant 16 : i32
        %mul3A_1129 = arith.muli %add3A_493, %mul3A_1128 : i32
        %add3A_1130 = arith.constant 12 : i32
        %add3A_1131 = arith.addi %mul3A_1129, %add3A_1130 : i32
        %add3A_1132 = arith.constant 0 : i32
        %add3A_1133 = arith.addi %add3A_1131, %add3A_1132 : i32
        %gather3A_1134 = tpu.vector_load_idx %arg6[%broadcast_in_dim3A_494, %broadcast_in_dim3A_99] : memref<16x128xf32, #tpu.memory_space<vmem>>[vector<16xi32>, vector<16xi32>], vector<16xf32>,
        %get3A_1135 = arith.index_cast %add3A_1133 : i32 to index
        %get3A_1136 = arith.constant 0 : index
        %get3A_1137 = tpu.vector_load %arg10[%get3A_1135, %get3A_1136] {strides = array<i32>} : memref<256x128xf32, #tpu.memory_space<vmem>>, vector<16xf32>,
        %mul3A_1138 = arith.mulf %gather3A_1134, %get3A_1137 : vector<16xf32>
        %add3A_1139 = arith.addf %broadcast_in_dim3A_1125, %mul3A_1138 : vector<16xf32>
        %get3A_1140 = arith.index_cast %add3A_1133 : i32 to index
        %get3A_1141 = arith.constant 16 : index
        %get3A_1142 = tpu.vector_load %arg10[%get3A_1140, %get3A_1141] {strides = array<i32>} : memref<256x128xf32, #tpu.memory_space<vmem>>, vector<16xf32>,
        %mul3A_1143 = arith.mulf %gather3A_1134, %get3A_1142 : vector<16xf32>
        %add3A_1144 = arith.addf %broadcast_in_dim3A_1127, %mul3A_1143 : vector<16xf32>
        %gather3A_1145 = tpu.vector_load_idx %arg6[%broadcast_in_dim3A_494, %broadcast_in_dim3A_101] : memref<16x128xf32, #tpu.memory_space<vmem>>[vector<16xi32>, vector<16xi32>], vector<16xf32>,
        %get3A_1146 = arith.index_cast %add3A_1133 : i32 to index
        %get3A_1147 = arith.constant 32 : index
        %get3A_1148 = tpu.vector_load %arg10[%get3A_1146, %get3A_1147] {strides = array<i32>} : memref<256x128xf32, #tpu.memory_space<vmem>>, vector<16xf32>,
        %mul3A_1149 = arith.mulf %gather3A_1145, %get3A_1148 : vector<16xf32>
        %add3A_1150 = arith.addf %add3A_1139, %mul3A_1149 : vector<16xf32>
        %get3A_1151 = arith.index_cast %add3A_1133 : i32 to index
        %get3A_1152 = arith.constant 48 : index
        %get3A_1153 = tpu.vector_load %arg10[%get3A_1151, %get3A_1152] {strides = array<i32>} : memref<256x128xf32, #tpu.memory_space<vmem>>, vector<16xf32>,
        %mul3A_1154 = arith.mulf %gather3A_1145, %get3A_1153 : vector<16xf32>
        %add3A_1155 = arith.addf %add3A_1144, %mul3A_1154 : vector<16xf32>
        %gather3A_1156 = tpu.vector_load_idx %arg6[%broadcast_in_dim3A_494, %broadcast_in_dim3A_103] : memref<16x128xf32, #tpu.memory_space<vmem>>[vector<16xi32>, vector<16xi32>], vector<16xf32>,
        %get3A_1157 = arith.index_cast %add3A_1133 : i32 to index
        %get3A_1158 = arith.constant 64 : index
        %get3A_1159 = tpu.vector_load %arg10[%get3A_1157, %get3A_1158] {strides = array<i32>} : memref<256x128xf32, #tpu.memory_space<vmem>>, vector<16xf32>,
        %mul3A_1160 = arith.mulf %gather3A_1156, %get3A_1159 : vector<16xf32>
        %add3A_1161 = arith.addf %add3A_1150, %mul3A_1160 : vector<16xf32>
        %get3A_1162 = arith.index_cast %add3A_1133 : i32 to index
        %get3A_1163 = arith.constant 80 : index
        %get3A_1164 = tpu.vector_load %arg10[%get3A_1162, %get3A_1163] {strides = array<i32>} : memref<256x128xf32, #tpu.memory_space<vmem>>, vector<16xf32>,
        %mul3A_1165 = arith.mulf %gather3A_1156, %get3A_1164 : vector<16xf32>
        %add3A_1166 = arith.addf %add3A_1155, %mul3A_1165 : vector<16xf32>
        %gather3A_1167 = tpu.vector_load_idx %arg6[%broadcast_in_dim3A_494, %broadcast_in_dim3A_105] : memref<16x128xf32, #tpu.memory_space<vmem>>[vector<16xi32>, vector<16xi32>], vector<16xf32>,
        %get3A_1168 = arith.index_cast %add3A_1133 : i32 to index
        %get3A_1169 = arith.constant 96 : index
        %get3A_1170 = tpu.vector_load %arg10[%get3A_1168, %get3A_1169] {strides = array<i32>} : memref<256x128xf32, #tpu.memory_space<vmem>>, vector<16xf32>,
        %mul3A_1171 = arith.mulf %gather3A_1167, %get3A_1170 : vector<16xf32>
        %add3A_1172 = arith.addf %add3A_1161, %mul3A_1171 : vector<16xf32>
        %get3A_1173 = arith.index_cast %add3A_1133 : i32 to index
        %get3A_1174 = arith.constant 112 : index
        %get3A_1175 = tpu.vector_load %arg10[%get3A_1173, %get3A_1174] {strides = array<i32>} : memref<256x128xf32, #tpu.memory_space<vmem>>, vector<16xf32>,
        %mul3A_1176 = arith.mulf %gather3A_1167, %get3A_1175 : vector<16xf32>
        %add3A_1177 = arith.addf %add3A_1166, %mul3A_1176 : vector<16xf32>
        %mul3A_1178 = arith.constant 16 : i32
        %mul3A_1179 = arith.muli %add3A_493, %mul3A_1178 : i32
        %add3A_1180 = arith.constant 12 : i32
        %add3A_1181 = arith.addi %mul3A_1179, %add3A_1180 : i32
        %add3A_1182 = arith.constant 1 : i32
        %add3A_1183 = arith.addi %add3A_1181, %add3A_1182 : i32
        %gather3A_1184 = tpu.vector_load_idx %arg6[%broadcast_in_dim3A_494, %broadcast_in_dim3A_107] : memref<16x128xf32, #tpu.memory_space<vmem>>[vector<16xi32>, vector<16xi32>], vector<16xf32>,
        %get3A_1185 = arith.index_cast %add3A_1183 : i32 to index
        %get3A_1186 = arith.constant 0 : index
        %get3A_1187 = tpu.vector_load %arg10[%get3A_1185, %get3A_1186] {strides = array<i32>} : memref<256x128xf32, #tpu.memory_space<vmem>>, vector<16xf32>,
        %mul3A_1188 = arith.mulf %gather3A_1184, %get3A_1187 : vector<16xf32>
        %add3A_1189 = arith.addf %add3A_1172, %mul3A_1188 : vector<16xf32>
        %get3A_1190 = arith.index_cast %add3A_1183 : i32 to index
        %get3A_1191 = arith.constant 16 : index
        %get3A_1192 = tpu.vector_load %arg10[%get3A_1190, %get3A_1191] {strides = array<i32>} : memref<256x128xf32, #tpu.memory_space<vmem>>, vector<16xf32>,
        %mul3A_1193 = arith.mulf %gather3A_1184, %get3A_1192 : vector<16xf32>
        %add3A_1194 = arith.addf %add3A_1177, %mul3A_1193 : vector<16xf32>
        %gather3A_1195 = tpu.vector_load_idx %arg6[%broadcast_in_dim3A_494, %broadcast_in_dim3A_109] : memref<16x128xf32, #tpu.memory_space<vmem>>[vector<16xi32>, vector<16xi32>], vector<16xf32>,
        %get3A_1196 = arith.index_cast %add3A_1183 : i32 to index
        %get3A_1197 = arith.constant 32 : index
        %get3A_1198 = tpu.vector_load %arg10[%get3A_1196, %get3A_1197] {strides = array<i32>} : memref<256x128xf32, #tpu.memory_space<vmem>>, vector<16xf32>,
        %mul3A_1199 = arith.mulf %gather3A_1195, %get3A_1198 : vector<16xf32>
        %add3A_1200 = arith.addf %add3A_1189, %mul3A_1199 : vector<16xf32>
        %get3A_1201 = arith.index_cast %add3A_1183 : i32 to index
        %get3A_1202 = arith.constant 48 : index
        %get3A_1203 = tpu.vector_load %arg10[%get3A_1201, %get3A_1202] {strides = array<i32>} : memref<256x128xf32, #tpu.memory_space<vmem>>, vector<16xf32>,
        %mul3A_1204 = arith.mulf %gather3A_1195, %get3A_1203 : vector<16xf32>
        %add3A_1205 = arith.addf %add3A_1194, %mul3A_1204 : vector<16xf32>
        %gather3A_1206 = tpu.vector_load_idx %arg6[%broadcast_in_dim3A_494, %broadcast_in_dim3A_111] : memref<16x128xf32, #tpu.memory_space<vmem>>[vector<16xi32>, vector<16xi32>], vector<16xf32>,
        %get3A_1207 = arith.index_cast %add3A_1183 : i32 to index
        %get3A_1208 = arith.constant 64 : index
        %get3A_1209 = tpu.vector_load %arg10[%get3A_1207, %get3A_1208] {strides = array<i32>} : memref<256x128xf32, #tpu.memory_space<vmem>>, vector<16xf32>,
        %mul3A_1210 = arith.mulf %gather3A_1206, %get3A_1209 : vector<16xf32>
        %add3A_1211 = arith.addf %add3A_1200, %mul3A_1210 : vector<16xf32>
        %get3A_1212 = arith.index_cast %add3A_1183 : i32 to index
        %get3A_1213 = arith.constant 80 : index
        %get3A_1214 = tpu.vector_load %arg10[%get3A_1212, %get3A_1213] {strides = array<i32>} : memref<256x128xf32, #tpu.memory_space<vmem>>, vector<16xf32>,
        %mul3A_1215 = arith.mulf %gather3A_1206, %get3A_1214 : vector<16xf32>
        %add3A_1216 = arith.addf %add3A_1205, %mul3A_1215 : vector<16xf32>
        %gather3A_1217 = tpu.vector_load_idx %arg6[%broadcast_in_dim3A_494, %broadcast_in_dim3A_113] : memref<16x128xf32, #tpu.memory_space<vmem>>[vector<16xi32>, vector<16xi32>], vector<16xf32>,
        %get3A_1218 = arith.index_cast %add3A_1183 : i32 to index
        %get3A_1219 = arith.constant 96 : index
        %get3A_1220 = tpu.vector_load %arg10[%get3A_1218, %get3A_1219] {strides = array<i32>} : memref<256x128xf32, #tpu.memory_space<vmem>>, vector<16xf32>,
        %mul3A_1221 = arith.mulf %gather3A_1217, %get3A_1220 : vector<16xf32>
        %add3A_1222 = arith.addf %add3A_1211, %mul3A_1221 : vector<16xf32>
        %get3A_1223 = arith.index_cast %add3A_1183 : i32 to index
        %get3A_1224 = arith.constant 112 : index
        %get3A_1225 = tpu.vector_load %arg10[%get3A_1223, %get3A_1224] {strides = array<i32>} : memref<256x128xf32, #tpu.memory_space<vmem>>, vector<16xf32>,
        %mul3A_1226 = arith.mulf %gather3A_1217, %get3A_1225 : vector<16xf32>
        %add3A_1227 = arith.addf %add3A_1216, %mul3A_1226 : vector<16xf32>
        %mul3A_1228 = arith.constant 16 : i32
        %mul3A_1229 = arith.muli %add3A_493, %mul3A_1228 : i32
        %add3A_1230 = arith.constant 12 : i32
        %add3A_1231 = arith.addi %mul3A_1229, %add3A_1230 : i32
        %add3A_1232 = arith.constant 2 : i32
        %add3A_1233 = arith.addi %add3A_1231, %add3A_1232 : i32
        %gather3A_1234 = tpu.vector_load_idx %arg6[%broadcast_in_dim3A_494, %broadcast_in_dim3A_115] : memref<16x128xf32, #tpu.memory_space<vmem>>[vector<16xi32>, vector<16xi32>], vector<16xf32>,
        %get3A_1235 = arith.index_cast %add3A_1233 : i32 to index
        %get3A_1236 = arith.constant 0 : index
        %get3A_1237 = tpu.vector_load %arg10[%get3A_1235, %get3A_1236] {strides = array<i32>} : memref<256x128xf32, #tpu.memory_space<vmem>>, vector<16xf32>,
        %mul3A_1238 = arith.mulf %gather3A_1234, %get3A_1237 : vector<16xf32>
        %add3A_1239 = arith.addf %add3A_1222, %mul3A_1238 : vector<16xf32>
        %get3A_1240 = arith.index_cast %add3A_1233 : i32 to index
        %get3A_1241 = arith.constant 16 : index
        %get3A_1242 = tpu.vector_load %arg10[%get3A_1240, %get3A_1241] {strides = array<i32>} : memref<256x128xf32, #tpu.memory_space<vmem>>, vector<16xf32>,
        %mul3A_1243 = arith.mulf %gather3A_1234, %get3A_1242 : vector<16xf32>
        %add3A_1244 = arith.addf %add3A_1227, %mul3A_1243 : vector<16xf32>
        %gather3A_1245 = tpu.vector_load_idx %arg6[%broadcast_in_dim3A_494, %broadcast_in_dim3A_117] : memref<16x128xf32, #tpu.memory_space<vmem>>[vector<16xi32>, vector<16xi32>], vector<16xf32>,
        %get3A_1246 = arith.index_cast %add3A_1233 : i32 to index
        %get3A_1247 = arith.constant 32 : index
        %get3A_1248 = tpu.vector_load %arg10[%get3A_1246, %get3A_1247] {strides = array<i32>} : memref<256x128xf32, #tpu.memory_space<vmem>>, vector<16xf32>,
        %mul3A_1249 = arith.mulf %gather3A_1245, %get3A_1248 : vector<16xf32>
        %add3A_1250 = arith.addf %add3A_1239, %mul3A_1249 : vector<16xf32>
        %get3A_1251 = arith.index_cast %add3A_1233 : i32 to index
        %get3A_1252 = arith.constant 48 : index
        %get3A_1253 = tpu.vector_load %arg10[%get3A_1251, %get3A_1252] {strides = array<i32>} : memref<256x128xf32, #tpu.memory_space<vmem>>, vector<16xf32>,
        %mul3A_1254 = arith.mulf %gather3A_1245, %get3A_1253 : vector<16xf32>
        %add3A_1255 = arith.addf %add3A_1244, %mul3A_1254 : vector<16xf32>
        %gather3A_1256 = tpu.vector_load_idx %arg6[%broadcast_in_dim3A_494, %broadcast_in_dim3A_119] : memref<16x128xf32, #tpu.memory_space<vmem>>[vector<16xi32>, vector<16xi32>], vector<16xf32>,
        %get3A_1257 = arith.index_cast %add3A_1233 : i32 to index
        %get3A_1258 = arith.constant 64 : index
        %get3A_1259 = tpu.vector_load %arg10[%get3A_1257, %get3A_1258] {strides = array<i32>} : memref<256x128xf32, #tpu.memory_space<vmem>>, vector<16xf32>,
        %mul3A_1260 = arith.mulf %gather3A_1256, %get3A_1259 : vector<16xf32>
        %add3A_1261 = arith.addf %add3A_1250, %mul3A_1260 : vector<16xf32>
        %get3A_1262 = arith.index_cast %add3A_1233 : i32 to index
        %get3A_1263 = arith.constant 80 : index
        %get3A_1264 = tpu.vector_load %arg10[%get3A_1262, %get3A_1263] {strides = array<i32>} : memref<256x128xf32, #tpu.memory_space<vmem>>, vector<16xf32>,
        %mul3A_1265 = arith.mulf %gather3A_1256, %get3A_1264 : vector<16xf32>
        %add3A_1266 = arith.addf %add3A_1255, %mul3A_1265 : vector<16xf32>
        %gather3A_1267 = tpu.vector_load_idx %arg6[%broadcast_in_dim3A_494, %broadcast_in_dim3A_121] : memref<16x128xf32, #tpu.memory_space<vmem>>[vector<16xi32>, vector<16xi32>], vector<16xf32>,
        %get3A_1268 = arith.index_cast %add3A_1233 : i32 to index
        %get3A_1269 = arith.constant 96 : index
        %get3A_1270 = tpu.vector_load %arg10[%get3A_1268, %get3A_1269] {strides = array<i32>} : memref<256x128xf32, #tpu.memory_space<vmem>>, vector<16xf32>,
        %mul3A_1271 = arith.mulf %gather3A_1267, %get3A_1270 : vector<16xf32>
        %add3A_1272 = arith.addf %add3A_1261, %mul3A_1271 : vector<16xf32>
        %get3A_1273 = arith.index_cast %add3A_1233 : i32 to index
        %get3A_1274 = arith.constant 112 : index
        %get3A_1275 = tpu.vector_load %arg10[%get3A_1273, %get3A_1274] {strides = array<i32>} : memref<256x128xf32, #tpu.memory_space<vmem>>, vector<16xf32>,
        %mul3A_1276 = arith.mulf %gather3A_1267, %get3A_1275 : vector<16xf32>
        %add3A_1277 = arith.addf %add3A_1266, %mul3A_1276 : vector<16xf32>
        %mul3A_1278 = arith.constant 16 : i32
        %mul3A_1279 = arith.muli %add3A_493, %mul3A_1278 : i32
        %add3A_1280 = arith.constant 12 : i32
        %add3A_1281 = arith.addi %mul3A_1279, %add3A_1280 : i32
        %add3A_1282 = arith.constant 3 : i32
        %add3A_1283 = arith.addi %add3A_1281, %add3A_1282 : i32
        %gather3A_1284 = tpu.vector_load_idx %arg6[%broadcast_in_dim3A_494, %broadcast_in_dim3A_123] : memref<16x128xf32, #tpu.memory_space<vmem>>[vector<16xi32>, vector<16xi32>], vector<16xf32>,
        %get3A_1285 = arith.index_cast %add3A_1283 : i32 to index
        %get3A_1286 = arith.constant 0 : index
        %get3A_1287 = tpu.vector_load %arg10[%get3A_1285, %get3A_1286] {strides = array<i32>} : memref<256x128xf32, #tpu.memory_space<vmem>>, vector<16xf32>,
        %mul3A_1288 = arith.mulf %gather3A_1284, %get3A_1287 : vector<16xf32>
        %add3A_1289 = arith.addf %add3A_1272, %mul3A_1288 : vector<16xf32>
        %get3A_1290 = arith.index_cast %add3A_1283 : i32 to index
        %get3A_1291 = arith.constant 16 : index
        %get3A_1292 = tpu.vector_load %arg10[%get3A_1290, %get3A_1291] {strides = array<i32>} : memref<256x128xf32, #tpu.memory_space<vmem>>, vector<16xf32>,
        %mul3A_1293 = arith.mulf %gather3A_1284, %get3A_1292 : vector<16xf32>
        %add3A_1294 = arith.addf %add3A_1277, %mul3A_1293 : vector<16xf32>
        %gather3A_1295 = tpu.vector_load_idx %arg6[%broadcast_in_dim3A_494, %broadcast_in_dim3A_125] : memref<16x128xf32, #tpu.memory_space<vmem>>[vector<16xi32>, vector<16xi32>], vector<16xf32>,
        %get3A_1296 = arith.index_cast %add3A_1283 : i32 to index
        %get3A_1297 = arith.constant 32 : index
        %get3A_1298 = tpu.vector_load %arg10[%get3A_1296, %get3A_1297] {strides = array<i32>} : memref<256x128xf32, #tpu.memory_space<vmem>>, vector<16xf32>,
        %mul3A_1299 = arith.mulf %gather3A_1295, %get3A_1298 : vector<16xf32>
        %add3A_1300 = arith.addf %add3A_1289, %mul3A_1299 : vector<16xf32>
        %get3A_1301 = arith.index_cast %add3A_1283 : i32 to index
        %get3A_1302 = arith.constant 48 : index
        %get3A_1303 = tpu.vector_load %arg10[%get3A_1301, %get3A_1302] {strides = array<i32>} : memref<256x128xf32, #tpu.memory_space<vmem>>, vector<16xf32>,
        %mul3A_1304 = arith.mulf %gather3A_1295, %get3A_1303 : vector<16xf32>
        %add3A_1305 = arith.addf %add3A_1294, %mul3A_1304 : vector<16xf32>
        %gather3A_1306 = tpu.vector_load_idx %arg6[%broadcast_in_dim3A_494, %broadcast_in_dim3A_127] : memref<16x128xf32, #tpu.memory_space<vmem>>[vector<16xi32>, vector<16xi32>], vector<16xf32>,
        %get3A_1307 = arith.index_cast %add3A_1283 : i32 to index
        %get3A_1308 = arith.constant 64 : index
        %get3A_1309 = tpu.vector_load %arg10[%get3A_1307, %get3A_1308] {strides = array<i32>} : memref<256x128xf32, #tpu.memory_space<vmem>>, vector<16xf32>,
        %mul3A_1310 = arith.mulf %gather3A_1306, %get3A_1309 : vector<16xf32>
        %add3A_1311 = arith.addf %add3A_1300, %mul3A_1310 : vector<16xf32>
        %get3A_1312 = arith.index_cast %add3A_1283 : i32 to index
        %get3A_1313 = arith.constant 80 : index
        %get3A_1314 = tpu.vector_load %arg10[%get3A_1312, %get3A_1313] {strides = array<i32>} : memref<256x128xf32, #tpu.memory_space<vmem>>, vector<16xf32>,
        %mul3A_1315 = arith.mulf %gather3A_1306, %get3A_1314 : vector<16xf32>
        %add3A_1316 = arith.addf %add3A_1305, %mul3A_1315 : vector<16xf32>
        %gather3A_1317 = tpu.vector_load_idx %arg6[%broadcast_in_dim3A_494, %broadcast_in_dim3A_129] : memref<16x128xf32, #tpu.memory_space<vmem>>[vector<16xi32>, vector<16xi32>], vector<16xf32>,
        %get3A_1318 = arith.index_cast %add3A_1283 : i32 to index
        %get3A_1319 = arith.constant 96 : index
        %get3A_1320 = tpu.vector_load %arg10[%get3A_1318, %get3A_1319] {strides = array<i32>} : memref<256x128xf32, #tpu.memory_space<vmem>>, vector<16xf32>,
        %mul3A_1321 = arith.mulf %gather3A_1317, %get3A_1320 : vector<16xf32>
        %add3A_1322 = arith.addf %add3A_1311, %mul3A_1321 : vector<16xf32>
        %get3A_1323 = arith.index_cast %add3A_1283 : i32 to index
        %get3A_1324 = arith.constant 112 : index
        %get3A_1325 = tpu.vector_load %arg10[%get3A_1323, %get3A_1324] {strides = array<i32>} : memref<256x128xf32, #tpu.memory_space<vmem>>, vector<16xf32>,
        %mul3A_1326 = arith.mulf %gather3A_1317, %get3A_1325 : vector<16xf32>
        %add3A_1327 = arith.addf %add3A_1316, %mul3A_1326 : vector<16xf32>
        %swap3A_1328 = arith.index_cast %add3A_493 : i32 to index
        %swap3A_1329 = arith.constant 96 : index
        %swap3A_1330 = tpu.vector_load %arg12[%swap3A_1328, %swap3A_1329] {strides = array<i32>} : memref<16x128xf32, #tpu.memory_space<vmem>>, vector<16xf32>,
        tpu.vector_store %arg12[%swap3A_1328, %swap3A_1329], %add3A_1322 {strides = array<i32>} : memref<16x128xf32, #tpu.memory_space<vmem>>, vector<16xf32>,
        %swap3A_1331 = arith.index_cast %add3A_493 : i32 to index
        %swap3A_1332 = arith.constant 112 : index
        %swap3A_1333 = tpu.vector_load %arg12[%swap3A_1331, %swap3A_1332] {strides = array<i32>} : memref<16x128xf32, #tpu.memory_space<vmem>>, vector<16xf32>,
        tpu.vector_store %arg12[%swap3A_1331, %swap3A_1332], %add3A_1327 {strides = array<i32>} : memref<16x128xf32, #tpu.memory_space<vmem>>, vector<16xf32>,
      }
      %scan3A_484 = arith.constant 16 : i32
      %dma_start3A_485 = arith.constant 0 : i32
      %dma_start3A_486 = tpu.memref_slice %arg4[%add3A_455, %dma_start3A_485] : memref<100352x128xf32, #tpu.memory_space<hbm>> -> memref<16x128xf32, #tpu.memory_space<hbm>>
      %dma_start3A_487 = arith.constant 0 : i32
      %dma_start3A_488 = tpu.memref_slice %arg4[%add3A_455, %dma_start3A_487] : memref<100352x128xf32, #tpu.memory_space<hbm>> -> memref<16x128xf32, #tpu.memory_space<hbm>>
      tpu.enqueue_dma source(%arg12 : memref<16x128xf32, #tpu.memory_space<vmem>>) target(%dma_start3A_488 : memref<16x128xf32, #tpu.memory_space<hbm>>) target_semaphore(%arg16 : memref<!tpu.dma_semaphore, #tpu.memory_space<semaphore_mem>>)
    }
    %scan3A_259 = arith.constant 98 : i32
    %add3A_260 = arith.constant 3104 : i32
    %add3A_261 = arith.addi %mul3A_2, %add3A_260 : i32
    %dma_wait3A = arith.constant 0 : i32
    %dma_wait3A_262 = tpu.memref_slice %arg4[%add3A_261, %dma_wait3A] : memref<100352x128xf32, #tpu.memory_space<hbm>> -> memref<16x128xf32, #tpu.memory_space<hbm>>
    %dma_wait3A_263 = arith.constant 0 : i32
    %dma_wait3A_264 = tpu.memref_slice %arg4[%add3A_261, %dma_wait3A_263] : memref<100352x128xf32, #tpu.memory_space<hbm>> -> memref<16x128xf32, #tpu.memory_space<hbm>>
    tpu.wait_dma2 semaphore(%arg15 : memref<!tpu.dma_semaphore, #tpu.memory_space<semaphore_mem>>) src(%arg11 : memref<16x128xf32, #tpu.memory_space<vmem>>) dst(%dma_wait3A_264 : memref<16x128xf32, #tpu.memory_space<hbm>>)
    %add3A_265 = arith.constant 3120 : i32
    %add3A_266 = arith.addi %mul3A_2, %add3A_265 : i32
    %dma_wait3A_267 = arith.constant 0 : i32
    %dma_wait3A_268 = tpu.memref_slice %arg4[%add3A_266, %dma_wait3A_267] : memref<100352x128xf32, #tpu.memory_space<hbm>> -> memref<16x128xf32, #tpu.memory_space<hbm>>
    %dma_wait3A_269 = arith.constant 0 : i32
    %dma_wait3A_270 = tpu.memref_slice %arg4[%add3A_266, %dma_wait3A_269] : memref<100352x128xf32, #tpu.memory_space<hbm>> -> memref<16x128xf32, #tpu.memory_space<hbm>>
    tpu.wait_dma2 semaphore(%arg16 : memref<!tpu.dma_semaphore, #tpu.memory_space<semaphore_mem>>) src(%arg12 : memref<16x128xf32, #tpu.memory_space<vmem>>) dst(%dma_wait3A_270 : memref<16x128xf32, #tpu.memory_space<hbm>>)
    return
  }
}

module attributes {stable_mosaic.version = 14 : i64} {
  func.func @_prework_body(%arg0: i32, %arg1: i32, %arg2: memref<1x1792x96xf32, #tpu.memory_space<vmem>>, %arg3: memref<1x1792x2xf32, #tpu.memory_space<vmem>>, %arg4: memref<1x1792x96xf32, #tpu.memory_space<vmem>>, %arg5: memref<96x16xf32, #tpu.memory_space<vmem>>, %arg6: memref<16xf32, #tpu.memory_space<vmem>>, %arg7: memref<96x16xf32, #tpu.memory_space<vmem>>, %arg8: memref<16xf32, #tpu.memory_space<vmem>>, %arg9: memref<96x16xf32, #tpu.memory_space<vmem>>, %arg10: memref<16xf32, #tpu.memory_space<vmem>>, %arg11: memref<96x128xf32, #tpu.memory_space<vmem>>, %arg12: memref<128xf32, #tpu.memory_space<vmem>>, %arg13: memref<1792x128xf32, #tpu.memory_space<vmem>>, %arg14: memref<1792x128xf32, #tpu.memory_space<vmem>>) attributes {dimension_semantics = [#tpu.dimension_semantics<arbitrary>, #tpu.dimension_semantics<arbitrary>], iteration_bounds = array<i64: 2, 28>, scalar_prefetch = 0 : i64, scratch_operands = 0 : i64, tpu.core_type = #tpu.core_type<tc>, window_params = [{transform_indices = @transform_0, window_bounds = array<i64: 1, 1792, 96>}, {transform_indices = @transform_1, window_bounds = array<i64: 1, 1792, 2>}, {transform_indices = @transform_2, window_bounds = array<i64: 1, 1792, 96>}, {pipeline_mode = #tpu.pipeline_mode<synchronous>, transform_indices = @transform_3, window_bounds = array<i64: 96, 16>}, {pipeline_mode = #tpu.pipeline_mode<synchronous>, transform_indices = @transform_4, window_bounds = array<i64: 16>}, {pipeline_mode = #tpu.pipeline_mode<synchronous>, transform_indices = @transform_5, window_bounds = array<i64: 96, 16>}, {pipeline_mode = #tpu.pipeline_mode<synchronous>, transform_indices = @transform_6, window_bounds = array<i64: 16>}, {pipeline_mode = #tpu.pipeline_mode<synchronous>, transform_indices = @transform_7, window_bounds = array<i64: 96, 16>}, {pipeline_mode = #tpu.pipeline_mode<synchronous>, transform_indices = @transform_8, window_bounds = array<i64: 16>}, {pipeline_mode = #tpu.pipeline_mode<synchronous>, transform_indices = @transform_9, window_bounds = array<i64: 96, 128>}, {pipeline_mode = #tpu.pipeline_mode<synchronous>, transform_indices = @transform_10, window_bounds = array<i64: 128>}, {transform_indices = @transform_11, window_bounds = array<i64: 1792, 128>}, {transform_indices = @transform_12, window_bounds = array<i64: 1792, 128>}]} {
    %get3A = arith.constant 0 : index
    %get3A_0 = arith.constant 0 : index
    %get3A_1 = arith.constant 0 : index
    %get3A_2 = vector.load %arg2[%get3A, %get3A_0, %get3A_1] : memref<1x1792x96xf32, #tpu.memory_space<vmem>>, vector<1x1792x96xf32>
    %get3A_3 = vector.shape_cast %get3A_2 : vector<1x1792x96xf32> to vector<1792x96xf32>
    %get3A_4 = arith.constant 0 : index
    %get3A_5 = arith.constant 0 : index
    %get3A_6 = arith.constant 0 : index
    %get3A_7 = vector.load %arg4[%get3A_4, %get3A_5, %get3A_6] : memref<1x1792x96xf32, #tpu.memory_space<vmem>>, vector<1x1792x96xf32>
    %get3A_8 = vector.shape_cast %get3A_7 : vector<1x1792x96xf32> to vector<1792x96xf32>
    %get3A_9 = arith.constant 0 : index
    %get3A_10 = arith.constant 0 : index
    %get3A_11 = vector.load %arg11[%get3A_9, %get3A_10] : memref<96x128xf32, #tpu.memory_space<vmem>>, vector<96x128xf32>
    %dot_general3A = arith.constant dense<0.000000e+00> : vector<1792x128xf32>
    %dot_general3A_12 = tpu.matmul %get3A_8, %get3A_11, %dot_general3A {dimension_numbers = #tpu.dot_dimension_numbers<[1], [0], [0], [1], [0, 0, 1, 1], [], []>, transpose_lhs_hint = false} : vector<1792x96xf32>, vector<96x128xf32>, vector<1792x128xf32> -> vector<1792x128xf32>
    %get3A_13 = arith.constant 0 : index
    %get3A_14 = vector.load %arg12[%get3A_13] : memref<128xf32, #tpu.memory_space<vmem>>, vector<128xf32>
    %broadcast_in_dim3A = vector.shape_cast %get3A_14 : vector<128xf32> to vector<1x128xf32>
    %add3A = vector.broadcast %broadcast_in_dim3A : vector<1x128xf32> to vector<1792x128xf32>
    %add3A_15 = arith.addf %dot_general3A_12, %add3A : vector<1792x128xf32>
    %swap3A = arith.constant 0 : index
    %swap3A_16 = arith.constant 0 : index
    %swap3A_17 = vector.load %arg13[%swap3A, %swap3A_16] : memref<1792x128xf32, #tpu.memory_space<vmem>>, vector<1792x128xf32>
    tpu.vector_store %arg13[%swap3A, %swap3A_16], %add3A_15 {strides = array<i32>} : memref<1792x128xf32, #tpu.memory_space<vmem>>, vector<1792x128xf32>,
    %get3A_18 = arith.constant 0 : index
    %get3A_19 = arith.constant 0 : index
    %get3A_20 = vector.load %arg9[%get3A_18, %get3A_19] : memref<96x16xf32, #tpu.memory_space<vmem>>, vector<96x16xf32>
    %dot_general3A_21 = arith.constant dense<0.000000e+00> : vector<1792x16xf32>
    %dot_general3A_22 = tpu.matmul %get3A_3, %get3A_20, %dot_general3A_21 {dimension_numbers = #tpu.dot_dimension_numbers<[1], [0], [0], [1], [0, 0, 1, 1], [], []>, transpose_lhs_hint = false} : vector<1792x96xf32>, vector<96x16xf32>, vector<1792x16xf32> -> vector<1792x16xf32>
    %get3A_23 = arith.constant 0 : index
    %get3A_24 = vector.load %arg10[%get3A_23] : memref<16xf32, #tpu.memory_space<vmem>>, vector<16xf32>
    %broadcast_in_dim3A_25 = vector.shape_cast %get3A_24 : vector<16xf32> to vector<1x16xf32>
    %add3A_26 = vector.broadcast %broadcast_in_dim3A_25 : vector<1x16xf32> to vector<1792x16xf32>
    %add3A_27 = arith.addf %dot_general3A_22, %add3A_26 : vector<1792x16xf32>
    %exp3A = math.exp %add3A_27 : vector<1792x16xf32>
    %iota3A = tpu.iota {dimensions = array<i32: 0>} : vector<16x16xi32>
    %jit3A = arith.constant 4 : i32
    %div3A = vector.broadcast %jit3A : i32 to vector<16x16xi32>
    %div3A_28 = arith.divsi %iota3A, %div3A : vector<16x16xi32>
    %sign3A = arith.constant 0 : i32
    %sign3A_29 = vector.broadcast %sign3A : i32 to vector<16x16xi32>
    %sign3A_30 = arith.cmpi sgt, %iota3A, %sign3A_29 : vector<16x16xi32>
    %sign3A_31 = arith.extui %sign3A_30 : vector<16x16xi1> to vector<16x16xi32>
    %sign3A_32 = arith.constant 0 : i32
    %sign3A_33 = vector.broadcast %sign3A_32 : i32 to vector<16x16xi32>
    %sign3A_34 = arith.cmpi slt, %iota3A, %sign3A_33 : vector<16x16xi32>
    %sign3A_35 = arith.extui %sign3A_34 : vector<16x16xi1> to vector<16x16xi32>
    %sign3A_36 = arith.subi %sign3A_31, %sign3A_35 : vector<16x16xi32>
    %sign3A_37 = arith.constant 0 : i32
    %sign3A_38 = arith.cmpi sgt, %jit3A, %sign3A_37 : i32
    %sign3A_39 = arith.extui %sign3A_38 : i1 to i32
    %sign3A_40 = arith.constant 0 : i32
    %sign3A_41 = arith.cmpi slt, %jit3A, %sign3A_40 : i32
    %sign3A_42 = arith.extui %sign3A_41 : i1 to i32
    %sign3A_43 = arith.subi %sign3A_39, %sign3A_42 : i32
    %ne3A = vector.broadcast %sign3A_43 : i32 to vector<16x16xi32>
    %ne3A_44 = arith.cmpi ne, %sign3A_36, %ne3A : vector<16x16xi32>
    %rem3A = vector.broadcast %jit3A : i32 to vector<16x16xi32>
    %rem3A_45 = arith.remsi %iota3A, %rem3A : vector<16x16xi32>
    %ne3A_46 = arith.constant 0 : i32
    %ne3A_47 = vector.broadcast %ne3A_46 : i32 to vector<16x16xi32>
    %ne3A_48 = arith.cmpi ne, %rem3A_45, %ne3A_47 : vector<16x16xi32>
    %and3A = arith.andi %ne3A_44, %ne3A_48 : vector<16x16xi1>
    %sub3A = arith.constant 1 : i32
    %sub3A_49 = vector.broadcast %sub3A : i32 to vector<16x16xi32>
    %sub3A_50 = arith.subi %div3A_28, %sub3A_49 : vector<16x16xi32>
    %select_n3A = arith.select %and3A, %sub3A_50, %div3A_28 : vector<16x16xi1>, vector<16x16xi32>
    %iota3A_51 = tpu.iota {dimensions = array<i32: 1>} : vector<16x16xi32>
    %jit3A_52 = arith.constant 4 : i32
    %div3A_53 = vector.broadcast %jit3A_52 : i32 to vector<16x16xi32>
    %div3A_54 = arith.divsi %iota3A_51, %div3A_53 : vector<16x16xi32>
    %sign3A_55 = arith.constant 0 : i32
    %sign3A_56 = vector.broadcast %sign3A_55 : i32 to vector<16x16xi32>
    %sign3A_57 = arith.cmpi sgt, %iota3A_51, %sign3A_56 : vector<16x16xi32>
    %sign3A_58 = arith.extui %sign3A_57 : vector<16x16xi1> to vector<16x16xi32>
    %sign3A_59 = arith.constant 0 : i32
    %sign3A_60 = vector.broadcast %sign3A_59 : i32 to vector<16x16xi32>
    %sign3A_61 = arith.cmpi slt, %iota3A_51, %sign3A_60 : vector<16x16xi32>
    %sign3A_62 = arith.extui %sign3A_61 : vector<16x16xi1> to vector<16x16xi32>
    %sign3A_63 = arith.subi %sign3A_58, %sign3A_62 : vector<16x16xi32>
    %sign3A_64 = arith.constant 0 : i32
    %sign3A_65 = arith.cmpi sgt, %jit3A_52, %sign3A_64 : i32
    %sign3A_66 = arith.extui %sign3A_65 : i1 to i32
    %sign3A_67 = arith.constant 0 : i32
    %sign3A_68 = arith.cmpi slt, %jit3A_52, %sign3A_67 : i32
    %sign3A_69 = arith.extui %sign3A_68 : i1 to i32
    %sign3A_70 = arith.subi %sign3A_66, %sign3A_69 : i32
    %ne3A_71 = vector.broadcast %sign3A_70 : i32 to vector<16x16xi32>
    %ne3A_72 = arith.cmpi ne, %sign3A_63, %ne3A_71 : vector<16x16xi32>
    %rem3A_73 = vector.broadcast %jit3A_52 : i32 to vector<16x16xi32>
    %rem3A_74 = arith.remsi %iota3A_51, %rem3A_73 : vector<16x16xi32>
    %ne3A_75 = arith.constant 0 : i32
    %ne3A_76 = vector.broadcast %ne3A_75 : i32 to vector<16x16xi32>
    %ne3A_77 = arith.cmpi ne, %rem3A_74, %ne3A_76 : vector<16x16xi32>
    %and3A_78 = arith.andi %ne3A_72, %ne3A_77 : vector<16x16xi1>
    %sub3A_79 = arith.constant 1 : i32
    %sub3A_80 = vector.broadcast %sub3A_79 : i32 to vector<16x16xi32>
    %sub3A_81 = arith.subi %div3A_54, %sub3A_80 : vector<16x16xi32>
    %select_n3A_82 = arith.select %and3A_78, %sub3A_81, %div3A_54 : vector<16x16xi1>, vector<16x16xi32>
    %eq3A = arith.cmpi eq, %select_n3A, %select_n3A_82 : vector<16x16xi32>
    %convert_element_type3A = arith.extui %eq3A : vector<16x16xi1> to vector<16x16xi32>
    %convert_element_type3A_83 = arith.sitofp %convert_element_type3A : vector<16x16xi32> to vector<16x16xf32>
    %dot_general3A_84 = arith.constant dense<0.000000e+00> : vector<1792x16xf32>
    %dot_general3A_85 = tpu.matmul %exp3A, %convert_element_type3A_83, %dot_general3A_84 {dimension_numbers = #tpu.dot_dimension_numbers<[1], [0], [0], [1], [0, 0, 1, 1], [], []>, transpose_lhs_hint = false} : vector<1792x16xf32>, vector<16x16xf32>, vector<1792x16xf32> -> vector<1792x16xf32>
    %div3A_86 = arith.divf %exp3A, %dot_general3A_85 : vector<1792x16xf32>
    %get3A_87 = arith.constant 0 : index
    %get3A_88 = arith.constant 0 : index
    %get3A_89 = vector.load %arg5[%get3A_87, %get3A_88] : memref<96x16xf32, #tpu.memory_space<vmem>>, vector<96x16xf32>
    %dot_general3A_90 = arith.constant dense<0.000000e+00> : vector<1792x16xf32>
    %dot_general3A_91 = tpu.matmul %get3A_3, %get3A_89, %dot_general3A_90 {dimension_numbers = #tpu.dot_dimension_numbers<[1], [0], [0], [1], [0, 0, 1, 1], [], []>, transpose_lhs_hint = false} : vector<1792x96xf32>, vector<96x16xf32>, vector<1792x16xf32> -> vector<1792x16xf32>
    %get3A_92 = arith.constant 0 : index
    %get3A_93 = vector.load %arg6[%get3A_92] : memref<16xf32, #tpu.memory_space<vmem>>, vector<16xf32>
    %broadcast_in_dim3A_94 = vector.shape_cast %get3A_93 : vector<16xf32> to vector<1x16xf32>
    %add3A_95 = vector.broadcast %broadcast_in_dim3A_94 : vector<1x16xf32> to vector<1792x16xf32>
    %add3A_96 = arith.addf %dot_general3A_91, %add3A_95 : vector<1792x16xf32>
    %get3A_97 = arith.constant 0 : index
    %get3A_98 = arith.constant 0 : index
    %get3A_99 = vector.load %arg7[%get3A_97, %get3A_98] : memref<96x16xf32, #tpu.memory_space<vmem>>, vector<96x16xf32>
    %dot_general3A_100 = arith.constant dense<0.000000e+00> : vector<1792x16xf32>
    %dot_general3A_101 = tpu.matmul %get3A_3, %get3A_99, %dot_general3A_100 {dimension_numbers = #tpu.dot_dimension_numbers<[1], [0], [0], [1], [0, 0, 1, 1], [], []>, transpose_lhs_hint = false} : vector<1792x96xf32>, vector<96x16xf32>, vector<1792x16xf32> -> vector<1792x16xf32>
    %get3A_102 = arith.constant 0 : index
    %get3A_103 = vector.load %arg8[%get3A_102] : memref<16xf32, #tpu.memory_space<vmem>>, vector<16xf32>
    %broadcast_in_dim3A_104 = vector.shape_cast %get3A_103 : vector<16xf32> to vector<1x16xf32>
    %add3A_105 = vector.broadcast %broadcast_in_dim3A_104 : vector<1x16xf32> to vector<1792x16xf32>
    %add3A_106 = arith.addf %dot_general3A_101, %add3A_105 : vector<1792x16xf32>
    %get3A_107 = arith.constant 0 : index
    %get3A_108 = arith.constant 0 : index
    %get3A_109 = arith.constant 0 : index
    %get3A_110 = vector.load %arg3[%get3A_107, %get3A_108, %get3A_109] : memref<1x1792x2xf32, #tpu.memory_space<vmem>>, vector<1x1792x1xf32>
    %get3A_111 = vector.shape_cast %get3A_110 : vector<1x1792x1xf32> to vector<1792x1xf32>
    %get3A_112 = arith.constant 0 : index
    %get3A_113 = arith.constant 0 : index
    %get3A_114 = arith.constant 1 : index
    %get3A_115 = vector.load %arg3[%get3A_112, %get3A_113, %get3A_114] : memref<1x1792x2xf32, #tpu.memory_space<vmem>>, vector<1x1792x1xf32>
    %get3A_116 = vector.shape_cast %get3A_115 : vector<1x1792x1xf32> to vector<1792x1xf32>
    %mul3A = arith.constant 4.46428574E-4 : f32
    %mul3A_117 = vector.broadcast %mul3A : f32 to vector<1792x16xf32>
    %mul3A_118 = arith.mulf %add3A_96, %mul3A_117 : vector<1792x16xf32>
    %add3A_119 = vector.broadcast %get3A_111 : vector<1792x1xf32> to vector<1792x16xf32>
    %add3A_120 = arith.addf %add3A_119, %mul3A_118 : vector<1792x16xf32>
    %jit3A_121 = arith.constant 0.000000e+00 : f32
    %jit3A_122 = arith.constant 1.000000e+00 : f32
    %max3A = vector.broadcast %jit3A_121 : f32 to vector<1792x16xf32>
    %max3A_123 = arith.maximumf %max3A, %add3A_120 : vector<1792x16xf32>
    %min3A = vector.broadcast %jit3A_122 : f32 to vector<1792x16xf32>
    %min3A_124 = arith.minimumf %min3A, %max3A_123 : vector<1792x16xf32>
    %mul3A_125 = arith.constant 4.46428574E-4 : f32
    %mul3A_126 = vector.broadcast %mul3A_125 : f32 to vector<1792x16xf32>
    %mul3A_127 = arith.mulf %add3A_106, %mul3A_126 : vector<1792x16xf32>
    %add3A_128 = vector.broadcast %get3A_116 : vector<1792x1xf32> to vector<1792x16xf32>
    %add3A_129 = arith.addf %add3A_128, %mul3A_127 : vector<1792x16xf32>
    %jit3A_130 = arith.constant 0.000000e+00 : f32
    %jit3A_131 = arith.constant 1.000000e+00 : f32
    %max3A_132 = vector.broadcast %jit3A_130 : f32 to vector<1792x16xf32>
    %max3A_133 = arith.maximumf %max3A_132, %add3A_129 : vector<1792x16xf32>
    %min3A_134 = vector.broadcast %jit3A_131 : f32 to vector<1792x16xf32>
    %min3A_135 = arith.minimumf %min3A_134, %max3A_133 : vector<1792x16xf32>
    %mul3A_136 = arith.constant 2.240000e+02 : f32
    %mul3A_137 = vector.broadcast %mul3A_136 : f32 to vector<1792x16xf32>
    %mul3A_138 = arith.mulf %min3A_124, %mul3A_137 : vector<1792x16xf32>
    %sub3A_139 = arith.constant 5.000000e-01 : f32
    %sub3A_140 = vector.broadcast %sub3A_139 : f32 to vector<1792x16xf32>
    %sub3A_141 = arith.subf %mul3A_138, %sub3A_140 : vector<1792x16xf32>
    %jit3A_142 = arith.constant 0.000000e+00 : f32
    %jit3A_143 = arith.constant 2.230000e+02 : f32
    %max3A_144 = vector.broadcast %jit3A_142 : f32 to vector<1792x16xf32>
    %max3A_145 = arith.maximumf %max3A_144, %sub3A_141 : vector<1792x16xf32>
    %min3A_146 = vector.broadcast %jit3A_143 : f32 to vector<1792x16xf32>
    %min3A_147 = arith.minimumf %min3A_146, %max3A_145 : vector<1792x16xf32>
    %mul3A_148 = arith.constant 2.240000e+02 : f32
    %mul3A_149 = vector.broadcast %mul3A_148 : f32 to vector<1792x16xf32>
    %mul3A_150 = arith.mulf %min3A_135, %mul3A_149 : vector<1792x16xf32>
    %sub3A_151 = arith.constant 5.000000e-01 : f32
    %sub3A_152 = vector.broadcast %sub3A_151 : f32 to vector<1792x16xf32>
    %sub3A_153 = arith.subf %mul3A_150, %sub3A_152 : vector<1792x16xf32>
    %jit3A_154 = arith.constant 0.000000e+00 : f32
    %jit3A_155 = arith.constant 2.230000e+02 : f32
    %max3A_156 = vector.broadcast %jit3A_154 : f32 to vector<1792x16xf32>
    %max3A_157 = arith.maximumf %max3A_156, %sub3A_153 : vector<1792x16xf32>
    %min3A_158 = vector.broadcast %jit3A_155 : f32 to vector<1792x16xf32>
    %min3A_159 = arith.minimumf %min3A_158, %max3A_157 : vector<1792x16xf32>
    %floor3A = math.floor %min3A_147 : vector<1792x16xf32>
    %floor3A_160 = math.floor %min3A_159 : vector<1792x16xf32>
    %sub3A_161 = arith.subf %min3A_147, %floor3A : vector<1792x16xf32>
    %sub3A_162 = arith.subf %min3A_159, %floor3A_160 : vector<1792x16xf32>
    %sub3A_163 = arith.constant 1.000000e+00 : f32
    %sub3A_164 = vector.broadcast %sub3A_163 : f32 to vector<1792x16xf32>
    %sub3A_165 = arith.subf %sub3A_164, %sub3A_161 : vector<1792x16xf32>
    %sub3A_166 = arith.constant 1.000000e+00 : f32
    %sub3A_167 = vector.broadcast %sub3A_166 : f32 to vector<1792x16xf32>
    %sub3A_168 = arith.subf %sub3A_167, %sub3A_162 : vector<1792x16xf32>
    %mul3A_169 = arith.mulf %div3A_86, %sub3A_168 : vector<1792x16xf32>
    %mul3A_170 = arith.mulf %mul3A_169, %sub3A_165 : vector<1792x16xf32>
    %mul3A_171 = arith.mulf %div3A_86, %sub3A_168 : vector<1792x16xf32>
    %mul3A_172 = arith.mulf %mul3A_171, %sub3A_161 : vector<1792x16xf32>
    %mul3A_173 = arith.mulf %div3A_86, %sub3A_162 : vector<1792x16xf32>
    %mul3A_174 = arith.mulf %mul3A_173, %sub3A_165 : vector<1792x16xf32>
    %mul3A_175 = arith.mulf %div3A_86, %sub3A_162 : vector<1792x16xf32>
    %mul3A_176 = arith.mulf %mul3A_175, %sub3A_161 : vector<1792x16xf32>
    %concatenate3A = tpu.concatenate %mul3A_170, %mul3A_172, %mul3A_174, %mul3A_176 in 1 : vector<1792x16xf32>, vector<1792x16xf32>, vector<1792x16xf32>, vector<1792x16xf32> -> vector<1792x64xf32>
    %iota3A_177 = tpu.iota {dimensions = array<i32: 0>} : vector<64x64xi32>
    %iota3A_178 = tpu.iota {dimensions = array<i32: 1>} : vector<64x64xi32>
    %jit3A_179 = arith.constant 16 : i32
    %eq3A_180 = arith.constant 0 : i32
    %eq3A_181 = arith.cmpi eq, %jit3A_179, %eq3A_180 : i32
    %jit3A_182 = arith.constant 1 : i32
    %select_n3A_183 = arith.select %eq3A_181, %jit3A_182, %jit3A_179 : i32
    %rem3A_184 = vector.broadcast %select_n3A_183 : i32 to vector<64x64xi32>
    %rem3A_185 = arith.remsi %iota3A_177, %rem3A_184 : vector<64x64xi32>
    %ne3A_186 = arith.constant 0 : i32
    %ne3A_187 = vector.broadcast %ne3A_186 : i32 to vector<64x64xi32>
    %ne3A_188 = arith.cmpi ne, %rem3A_185, %ne3A_187 : vector<64x64xi32>
    %lt3A = arith.constant 0 : i32
    %lt3A_189 = vector.broadcast %lt3A : i32 to vector<64x64xi32>
    %lt3A_190 = arith.cmpi slt, %rem3A_185, %lt3A_189 : vector<64x64xi32>
    %lt3A_191 = arith.constant 0 : i32
    %lt3A_192 = arith.cmpi slt, %select_n3A_183, %lt3A_191 : i32
    %ne3A_193 = vector.broadcast %lt3A_192 : i1 to vector<64x64xi1>
    %ne3A_194 = vector.broadcast %ne3A_193 : vector<64x64xi1> to vector<64x64xi1>
    %ne3A_195 = arith.xori %lt3A_190, %ne3A_194 : vector<64x64xi1>
    %and3A_196 = arith.andi %ne3A_195, %ne3A_188 : vector<64x64xi1>
    %add3A_197 = vector.broadcast %select_n3A_183 : i32 to vector<64x64xi32>
    %add3A_198 = arith.addi %rem3A_185, %add3A_197 : vector<64x64xi32>
    %select_n3A_199 = arith.select %and3A_196, %add3A_198, %rem3A_185 : vector<64x64xi1>, vector<64x64xi32>
    %jit3A_200 = arith.constant 4 : i32
    %div3A_201 = vector.broadcast %jit3A_200 : i32 to vector<64x64xi32>
    %div3A_202 = arith.divsi %select_n3A_199, %div3A_201 : vector<64x64xi32>
    %sign3A_203 = arith.constant 0 : i32
    %sign3A_204 = vector.broadcast %sign3A_203 : i32 to vector<64x64xi32>
    %sign3A_205 = arith.cmpi sgt, %select_n3A_199, %sign3A_204 : vector<64x64xi32>
    %sign3A_206 = arith.extui %sign3A_205 : vector<64x64xi1> to vector<64x64xi32>
    %sign3A_207 = arith.constant 0 : i32
    %sign3A_208 = vector.broadcast %sign3A_207 : i32 to vector<64x64xi32>
    %sign3A_209 = arith.cmpi slt, %select_n3A_199, %sign3A_208 : vector<64x64xi32>
    %sign3A_210 = arith.extui %sign3A_209 : vector<64x64xi1> to vector<64x64xi32>
    %sign3A_211 = arith.subi %sign3A_206, %sign3A_210 : vector<64x64xi32>
    %sign3A_212 = arith.constant 0 : i32
    %sign3A_213 = arith.cmpi sgt, %jit3A_200, %sign3A_212 : i32
    %sign3A_214 = arith.extui %sign3A_213 : i1 to i32
    %sign3A_215 = arith.constant 0 : i32
    %sign3A_216 = arith.cmpi slt, %jit3A_200, %sign3A_215 : i32
    %sign3A_217 = arith.extui %sign3A_216 : i1 to i32
    %sign3A_218 = arith.subi %sign3A_214, %sign3A_217 : i32
    %ne3A_219 = vector.broadcast %sign3A_218 : i32 to vector<64x64xi32>
    %ne3A_220 = arith.cmpi ne, %sign3A_211, %ne3A_219 : vector<64x64xi32>
    %rem3A_221 = vector.broadcast %jit3A_200 : i32 to vector<64x64xi32>
    %rem3A_222 = arith.remsi %select_n3A_199, %rem3A_221 : vector<64x64xi32>
    %ne3A_223 = arith.constant 0 : i32
    %ne3A_224 = vector.broadcast %ne3A_223 : i32 to vector<64x64xi32>
    %ne3A_225 = arith.cmpi ne, %rem3A_222, %ne3A_224 : vector<64x64xi32>
    %and3A_226 = arith.andi %ne3A_220, %ne3A_225 : vector<64x64xi1>
    %sub3A_227 = arith.constant 1 : i32
    %sub3A_228 = vector.broadcast %sub3A_227 : i32 to vector<64x64xi32>
    %sub3A_229 = arith.subi %div3A_202, %sub3A_228 : vector<64x64xi32>
    %select_n3A_230 = arith.select %and3A_226, %sub3A_229, %div3A_202 : vector<64x64xi1>, vector<64x64xi32>
    %mul3A_231 = arith.constant 16 : i32
    %mul3A_232 = vector.broadcast %mul3A_231 : i32 to vector<64x64xi32>
    %mul3A_233 = arith.muli %select_n3A_230, %mul3A_232 : vector<64x64xi32>
    %jit3A_234 = arith.constant 4 : i32
    %eq3A_235 = arith.constant 0 : i32
    %eq3A_236 = arith.cmpi eq, %jit3A_234, %eq3A_235 : i32
    %jit3A_237 = arith.constant 1 : i32
    %select_n3A_238 = arith.select %eq3A_236, %jit3A_237, %jit3A_234 : i32
    %rem3A_239 = vector.broadcast %select_n3A_238 : i32 to vector<64x64xi32>
    %rem3A_240 = arith.remsi %iota3A_177, %rem3A_239 : vector<64x64xi32>
    %ne3A_241 = arith.constant 0 : i32
    %ne3A_242 = vector.broadcast %ne3A_241 : i32 to vector<64x64xi32>
    %ne3A_243 = arith.cmpi ne, %rem3A_240, %ne3A_242 : vector<64x64xi32>
    %lt3A_244 = arith.constant 0 : i32
    %lt3A_245 = vector.broadcast %lt3A_244 : i32 to vector<64x64xi32>
    %lt3A_246 = arith.cmpi slt, %rem3A_240, %lt3A_245 : vector<64x64xi32>
    %lt3A_247 = arith.constant 0 : i32
    %lt3A_248 = arith.cmpi slt, %select_n3A_238, %lt3A_247 : i32
    %ne3A_249 = vector.broadcast %lt3A_248 : i1 to vector<64x64xi1>
    %ne3A_250 = vector.broadcast %ne3A_249 : vector<64x64xi1> to vector<64x64xi1>
    %ne3A_251 = arith.xori %lt3A_246, %ne3A_250 : vector<64x64xi1>
    %and3A_252 = arith.andi %ne3A_251, %ne3A_243 : vector<64x64xi1>
    %add3A_253 = vector.broadcast %select_n3A_238 : i32 to vector<64x64xi32>
    %add3A_254 = arith.addi %rem3A_240, %add3A_253 : vector<64x64xi32>
    %select_n3A_255 = arith.select %and3A_252, %add3A_254, %rem3A_240 : vector<64x64xi1>, vector<64x64xi32>
    %mul3A_256 = arith.constant 4 : i32
    %mul3A_257 = vector.broadcast %mul3A_256 : i32 to vector<64x64xi32>
    %mul3A_258 = arith.muli %select_n3A_255, %mul3A_257 : vector<64x64xi32>
    %add3A_259 = arith.addi %mul3A_233, %mul3A_258 : vector<64x64xi32>
    %jit3A_260 = arith.constant 16 : i32
    %div3A_261 = vector.broadcast %jit3A_260 : i32 to vector<64x64xi32>
    %div3A_262 = arith.divsi %iota3A_177, %div3A_261 : vector<64x64xi32>
    %sign3A_263 = arith.constant 0 : i32
    %sign3A_264 = vector.broadcast %sign3A_263 : i32 to vector<64x64xi32>
    %sign3A_265 = arith.cmpi sgt, %iota3A_177, %sign3A_264 : vector<64x64xi32>
    %sign3A_266 = arith.extui %sign3A_265 : vector<64x64xi1> to vector<64x64xi32>
    %sign3A_267 = arith.constant 0 : i32
    %sign3A_268 = vector.broadcast %sign3A_267 : i32 to vector<64x64xi32>
    %sign3A_269 = arith.cmpi slt, %iota3A_177, %sign3A_268 : vector<64x64xi32>
    %sign3A_270 = arith.extui %sign3A_269 : vector<64x64xi1> to vector<64x64xi32>
    %sign3A_271 = arith.subi %sign3A_266, %sign3A_270 : vector<64x64xi32>
    %sign3A_272 = arith.constant 0 : i32
    %sign3A_273 = arith.cmpi sgt, %jit3A_260, %sign3A_272 : i32
    %sign3A_274 = arith.extui %sign3A_273 : i1 to i32
    %sign3A_275 = arith.constant 0 : i32
    %sign3A_276 = arith.cmpi slt, %jit3A_260, %sign3A_275 : i32
    %sign3A_277 = arith.extui %sign3A_276 : i1 to i32
    %sign3A_278 = arith.subi %sign3A_274, %sign3A_277 : i32
    %ne3A_279 = vector.broadcast %sign3A_278 : i32 to vector<64x64xi32>
    %ne3A_280 = arith.cmpi ne, %sign3A_271, %ne3A_279 : vector<64x64xi32>
    %rem3A_281 = vector.broadcast %jit3A_260 : i32 to vector<64x64xi32>
    %rem3A_282 = arith.remsi %iota3A_177, %rem3A_281 : vector<64x64xi32>
    %ne3A_283 = arith.constant 0 : i32
    %ne3A_284 = vector.broadcast %ne3A_283 : i32 to vector<64x64xi32>
    %ne3A_285 = arith.cmpi ne, %rem3A_282, %ne3A_284 : vector<64x64xi32>
    %and3A_286 = arith.andi %ne3A_280, %ne3A_285 : vector<64x64xi1>
    %sub3A_287 = arith.constant 1 : i32
    %sub3A_288 = vector.broadcast %sub3A_287 : i32 to vector<64x64xi32>
    %sub3A_289 = arith.subi %div3A_262, %sub3A_288 : vector<64x64xi32>
    %select_n3A_290 = arith.select %and3A_286, %sub3A_289, %div3A_262 : vector<64x64xi1>, vector<64x64xi32>
    %add3A_291 = arith.addi %add3A_259, %select_n3A_290 : vector<64x64xi32>
    %eq3A_292 = arith.cmpi eq, %add3A_291, %iota3A_178 : vector<64x64xi32>
    %convert_element_type3A_293 = arith.extui %eq3A_292 : vector<64x64xi1> to vector<64x64xi32>
    %convert_element_type3A_294 = arith.sitofp %convert_element_type3A_293 : vector<64x64xi32> to vector<64x64xf32>
    %dot_general3A_295 = arith.constant dense<0.000000e+00> : vector<1792x64xf32>
    %dot_general3A_296 = tpu.matmul %concatenate3A, %convert_element_type3A_294, %dot_general3A_295 {dimension_numbers = #tpu.dot_dimension_numbers<[1], [0], [0], [1], [0, 0, 1, 1], [], []>, transpose_lhs_hint = false} : vector<1792x64xf32>, vector<64x64xf32>, vector<1792x64xf32> -> vector<1792x64xf32>
    %iota3A_297 = tpu.iota {dimensions = array<i32: 1>} : vector<1792x16xi32>
    %jit3A_298 = arith.constant 4 : i32
    %div3A_299 = vector.broadcast %jit3A_298 : i32 to vector<1792x16xi32>
    %div3A_300 = arith.divsi %iota3A_297, %div3A_299 : vector<1792x16xi32>
    %sign3A_301 = arith.constant 0 : i32
    %sign3A_302 = vector.broadcast %sign3A_301 : i32 to vector<1792x16xi32>
    %sign3A_303 = arith.cmpi sgt, %iota3A_297, %sign3A_302 : vector<1792x16xi32>
    %sign3A_304 = arith.extui %sign3A_303 : vector<1792x16xi1> to vector<1792x16xi32>
    %sign3A_305 = arith.constant 0 : i32
    %sign3A_306 = vector.broadcast %sign3A_305 : i32 to vector<1792x16xi32>
    %sign3A_307 = arith.cmpi slt, %iota3A_297, %sign3A_306 : vector<1792x16xi32>
    %sign3A_308 = arith.extui %sign3A_307 : vector<1792x16xi1> to vector<1792x16xi32>
    %sign3A_309 = arith.subi %sign3A_304, %sign3A_308 : vector<1792x16xi32>
    %sign3A_310 = arith.constant 0 : i32
    %sign3A_311 = arith.cmpi sgt, %jit3A_298, %sign3A_310 : i32
    %sign3A_312 = arith.extui %sign3A_311 : i1 to i32
    %sign3A_313 = arith.constant 0 : i32
    %sign3A_314 = arith.cmpi slt, %jit3A_298, %sign3A_313 : i32
    %sign3A_315 = arith.extui %sign3A_314 : i1 to i32
    %sign3A_316 = arith.subi %sign3A_312, %sign3A_315 : i32
    %ne3A_317 = vector.broadcast %sign3A_316 : i32 to vector<1792x16xi32>
    %ne3A_318 = arith.cmpi ne, %sign3A_309, %ne3A_317 : vector<1792x16xi32>
    %rem3A_319 = vector.broadcast %jit3A_298 : i32 to vector<1792x16xi32>
    %rem3A_320 = arith.remsi %iota3A_297, %rem3A_319 : vector<1792x16xi32>
    %ne3A_321 = arith.constant 0 : i32
    %ne3A_322 = vector.broadcast %ne3A_321 : i32 to vector<1792x16xi32>
    %ne3A_323 = arith.cmpi ne, %rem3A_320, %ne3A_322 : vector<1792x16xi32>
    %and3A_324 = arith.andi %ne3A_318, %ne3A_323 : vector<1792x16xi1>
    %sub3A_325 = arith.constant 1 : i32
    %sub3A_326 = vector.broadcast %sub3A_325 : i32 to vector<1792x16xi32>
    %sub3A_327 = arith.subi %div3A_300, %sub3A_326 : vector<1792x16xi32>
    %select_n3A_328 = arith.select %and3A_324, %sub3A_327, %div3A_300 : vector<1792x16xi1>, vector<1792x16xi32>
    %mul3A_329 = arith.constant 4 : i32
    %mul3A_330 = arith.muli %arg0, %mul3A_329 : i32
    %add3A_331 = vector.broadcast %mul3A_330 : i32 to vector<1792x16xi32>
    %add3A_332 = arith.addi %add3A_331, %select_n3A_328 : vector<1792x16xi32>
    %mul3A_333 = arith.constant 224 : i32
    %mul3A_334 = vector.broadcast %mul3A_333 : i32 to vector<1792x16xi32>
    %mul3A_335 = arith.muli %add3A_332, %mul3A_334 : vector<1792x16xi32>
    %convert_element_type3A_336 = arith.fptosi %floor3A_160 : vector<1792x16xf32> to vector<1792x16xi32>
    %add3A_337 = arith.addi %mul3A_335, %convert_element_type3A_336 : vector<1792x16xi32>
    %mul3A_338 = arith.constant 224 : i32
    %mul3A_339 = vector.broadcast %mul3A_338 : i32 to vector<1792x16xi32>
    %mul3A_340 = arith.muli %add3A_337, %mul3A_339 : vector<1792x16xi32>
    %convert_element_type3A_341 = arith.fptosi %floor3A : vector<1792x16xf32> to vector<1792x16xi32>
    %add3A_342 = arith.addi %mul3A_340, %convert_element_type3A_341 : vector<1792x16xi32>
    %bitcast_convert_type3A = tpu.bitcast %add3A_342 : vector<1792x16xi32> -> vector<1792x16xf32>
    %broadcast_in_dim3A_343 = arith.constant 0.000000e+00 : f32
    %broadcast_in_dim3A_344 = vector.broadcast %broadcast_in_dim3A_343 : f32 to vector<1792x48xf32>
    %concatenate3A_345 = tpu.concatenate %dot_general3A_296, %bitcast_convert_type3A, %broadcast_in_dim3A_344 in 1 : vector<1792x64xf32>, vector<1792x16xf32>, vector<1792x48xf32> -> vector<1792x128xf32>
    %swap3A_346 = arith.constant 0 : index
    %swap3A_347 = arith.constant 0 : index
    %swap3A_348 = vector.load %arg14[%swap3A_346, %swap3A_347] : memref<1792x128xf32, #tpu.memory_space<vmem>>, vector<1792x128xf32>
    tpu.vector_store %arg14[%swap3A_346, %swap3A_347], %concatenate3A_345 {strides = array<i32>} : memref<1792x128xf32, #tpu.memory_space<vmem>>, vector<1792x128xf32>,
    return
  }
  func.func @transform_0(%arg0: i32, %arg1: i32) -> (i32, i32, i32) {
    %c0_i32 = arith.constant 0 : i32
    %c0_i32_0 = arith.constant 0 : i32
    return %arg0, %arg1, %c0_i32 : i32, i32, i32
  }
  func.func @transform_1(%arg0: i32, %arg1: i32) -> (i32, i32, i32) {
    %c0_i32 = arith.constant 0 : i32
    %c0_i32_0 = arith.constant 0 : i32
    return %arg0, %arg1, %c0_i32 : i32, i32, i32
  }
  func.func @transform_2(%arg0: i32, %arg1: i32) -> (i32, i32, i32) {
    %c0_i32 = arith.constant 0 : i32
    %c0_i32_0 = arith.constant 0 : i32
    return %arg0, %arg1, %c0_i32 : i32, i32, i32
  }
  func.func @transform_3(%arg0: i32, %arg1: i32) -> (i32, i32) {
    %c0_i32 = arith.constant 0 : i32
    %c0_i32_0 = arith.constant 0 : i32
    %c0_i32_1 = arith.constant 0 : i32
    return %c0_i32, %c0_i32_0 : i32, i32
  }
  func.func @transform_4(%arg0: i32, %arg1: i32) -> i32 {
    %c0_i32 = arith.constant 0 : i32
    %c0_i32_0 = arith.constant 0 : i32
    return %c0_i32 : i32
  }
  func.func @transform_5(%arg0: i32, %arg1: i32) -> (i32, i32) {
    %c0_i32 = arith.constant 0 : i32
    %c0_i32_0 = arith.constant 0 : i32
    %c0_i32_1 = arith.constant 0 : i32
    return %c0_i32, %c0_i32_0 : i32, i32
  }
  func.func @transform_6(%arg0: i32, %arg1: i32) -> i32 {
    %c0_i32 = arith.constant 0 : i32
    %c0_i32_0 = arith.constant 0 : i32
    return %c0_i32 : i32
  }
  func.func @transform_7(%arg0: i32, %arg1: i32) -> (i32, i32) {
    %c0_i32 = arith.constant 0 : i32
    %c0_i32_0 = arith.constant 0 : i32
    %c0_i32_1 = arith.constant 0 : i32
    return %c0_i32, %c0_i32_0 : i32, i32
  }
  func.func @transform_8(%arg0: i32, %arg1: i32) -> i32 {
    %c0_i32 = arith.constant 0 : i32
    %c0_i32_0 = arith.constant 0 : i32
    return %c0_i32 : i32
  }
  func.func @transform_9(%arg0: i32, %arg1: i32) -> (i32, i32) {
    %c0_i32 = arith.constant 0 : i32
    %c0_i32_0 = arith.constant 0 : i32
    %c0_i32_1 = arith.constant 0 : i32
    return %c0_i32, %c0_i32_0 : i32, i32
  }
  func.func @transform_10(%arg0: i32, %arg1: i32) -> i32 {
    %c0_i32 = arith.constant 0 : i32
    %c0_i32_0 = arith.constant 0 : i32
    return %c0_i32 : i32
  }
  func.func @transform_11(%arg0: i32, %arg1: i32) -> (i32, i32) {
    %mul3A = arith.constant 28 : i32
    %mul3A_0 = arith.muli %arg0, %mul3A : i32
    %add3A = arith.addi %mul3A_0, %arg1 : i32
    %c0_i32 = arith.constant 0 : i32
    %c0_i32_1 = arith.constant 0 : i32
    return %add3A, %c0_i32 : i32, i32
  }
  func.func @transform_12(%arg0: i32, %arg1: i32) -> (i32, i32) {
    %mul3A = arith.constant 28 : i32
    %mul3A_0 = arith.muli %arg0, %mul3A : i32
    %add3A = arith.addi %mul3A_0, %arg1 : i32
    %c0_i32 = arith.constant 0 : i32
    %c0_i32_1 = arith.constant 0 : i32
    return %add3A, %c0_i32 : i32, i32
  }
}

module attributes {stable_mosaic.version = 14 : i64} {
  func.func @_table_body(%arg0: i32, %arg1: memref<100352x128xf32, #tpu.memory_space<any>>, %arg2: memref<1792x224x128xf32, #tpu.memory_space<any>>, %arg3: memref<3808x128xf32, #tpu.memory_space<vmem>>, %arg4: memref<3808x128xf32, #tpu.memory_space<vmem>>, %arg5: memref<16x224x128xf32, #tpu.memory_space<vmem>>, %arg6: memref<16x224x128xf32, #tpu.memory_space<vmem>>, %arg7: memref<!tpu.dma_semaphore, #tpu.memory_space<semaphore_mem>>, %arg8: memref<!tpu.dma_semaphore, #tpu.memory_space<semaphore_mem>>) attributes {dimension_semantics = [#tpu.dimension_semantics<arbitrary>], iteration_bounds = array<i64: 14>, scalar_prefetch = 0 : i64, scratch_operands = 6 : i64, tpu.core_type = #tpu.core_type<tc>, window_params = [{}, {}]} {
    %eq3A = arith.constant 0 : i32
    %eq3A_0 = arith.cmpi eq, %arg0, %eq3A : i32
    %convert_element_type3A = arith.extui %eq3A_0 : i1 to i32
    %cond3A = arith.constant 0 : i32
    %cond3A_1 = arith.cmpi ne, %convert_element_type3A, %cond3A : i32
    scf.if %cond3A_1 {
      %jit3A_900 = arith.constant false
      %jit3A_901 = arith.constant 3360 : i32
      %jit3A_902 = arith.constant 3584 : i32
      %select_n3A_903 = arith.select %jit3A_900, %jit3A_901, %jit3A_902 : i32
      %dma_start3A_904 = arith.constant 0 : i32
      %dma_start3A_905 = arith.constant 0 : i32
      %dma_start3A_906 = tpu.memref_slice %arg3[%dma_start3A_904, %dma_start3A_905] : memref<3808x128xf32, #tpu.memory_space<vmem>> -> memref<3584x128xf32, #tpu.memory_space<vmem>>
      %dma_start3A_907 = arith.constant 0 : i32
      %dma_start3A_908 = arith.constant 0 : i32
      %dma_start3A_909 = tpu.memref_slice %arg1[%dma_start3A_907, %dma_start3A_908] : memref<100352x128xf32, #tpu.memory_space<any>> -> memref<3584x128xf32, #tpu.memory_space<any>>
      tpu.enqueue_dma source(%dma_start3A_909 : memref<3584x128xf32, #tpu.memory_space<any>>) target(%dma_start3A_906 : memref<3584x128xf32, #tpu.memory_space<vmem>>) target_semaphore(%arg7 : memref<!tpu.dma_semaphore, #tpu.memory_space<semaphore_mem>>)
      %dma_start3A_910 = arith.constant 3584 : i32
      %dma_start3A_911 = arith.constant 0 : i32
      %dma_start3A_912 = tpu.memref_slice %arg3[%dma_start3A_910, %dma_start3A_911] : memref<3808x128xf32, #tpu.memory_space<vmem>> -> memref<224x128xf32, #tpu.memory_space<vmem>>
      %dma_start3A_913 = arith.constant 0 : i32
      %dma_start3A_914 = tpu.memref_slice %arg1[%select_n3A_903, %dma_start3A_913] : memref<100352x128xf32, #tpu.memory_space<any>> -> memref<224x128xf32, #tpu.memory_space<any>>
      tpu.enqueue_dma source(%dma_start3A_914 : memref<224x128xf32, #tpu.memory_space<any>>) target(%dma_start3A_912 : memref<224x128xf32, #tpu.memory_space<vmem>>) target_semaphore(%arg7 : memref<!tpu.dma_semaphore, #tpu.memory_space<semaphore_mem>>)
    } else {
    }
    %mul3A = arith.constant 2 : i32
    %mul3A_2 = arith.muli %mul3A, %arg0 : i32
    %jit3A = arith.constant 14 : i32
    %div3A = arith.divsi %mul3A_2, %jit3A : i32
    %sign3A = arith.constant 0 : i32
    %sign3A_3 = arith.cmpi sgt, %mul3A_2, %sign3A : i32
    %sign3A_4 = arith.extui %sign3A_3 : i1 to i32
    %sign3A_5 = arith.constant 0 : i32
    %sign3A_6 = arith.cmpi slt, %mul3A_2, %sign3A_5 : i32
    %sign3A_7 = arith.extui %sign3A_6 : i1 to i32
    %sign3A_8 = arith.subi %sign3A_4, %sign3A_7 : i32
    %sign3A_9 = arith.constant 0 : i32
    %sign3A_10 = arith.cmpi sgt, %jit3A, %sign3A_9 : i32
    %sign3A_11 = arith.extui %sign3A_10 : i1 to i32
    %sign3A_12 = arith.constant 0 : i32
    %sign3A_13 = arith.cmpi slt, %jit3A, %sign3A_12 : i32
    %sign3A_14 = arith.extui %sign3A_13 : i1 to i32
    %sign3A_15 = arith.subi %sign3A_11, %sign3A_14 : i32
    %ne3A = arith.cmpi ne, %sign3A_8, %sign3A_15 : i32
    %rem3A = arith.remsi %mul3A_2, %jit3A : i32
    %ne3A_16 = arith.constant 0 : i32
    %ne3A_17 = arith.cmpi ne, %rem3A, %ne3A_16 : i32
    %and3A = arith.andi %ne3A, %ne3A_17 : i1
    %sub3A = arith.constant 1 : i32
    %sub3A_18 = arith.subi %div3A, %sub3A : i32
    %select_n3A = arith.select %and3A, %sub3A_18, %div3A : i32
    %jit3A_19 = arith.constant 14 : i32
    %eq3A_20 = arith.constant 0 : i32
    %eq3A_21 = arith.cmpi eq, %jit3A_19, %eq3A_20 : i32
    %jit3A_22 = arith.constant 1 : i32
    %select_n3A_23 = arith.select %eq3A_21, %jit3A_22, %jit3A_19 : i32
    %rem3A_24 = arith.remsi %mul3A_2, %select_n3A_23 : i32
    %ne3A_25 = arith.constant 0 : i32
    %ne3A_26 = arith.cmpi ne, %rem3A_24, %ne3A_25 : i32
    %lt3A = arith.constant 0 : i32
    %lt3A_27 = arith.cmpi slt, %rem3A_24, %lt3A : i32
    %lt3A_28 = arith.constant 0 : i32
    %lt3A_29 = arith.cmpi slt, %select_n3A_23, %lt3A_28 : i32
    %ne3A_30 = arith.xori %lt3A_27, %lt3A_29 : i1
    %and3A_31 = arith.andi %ne3A_30, %ne3A_26 : i1
    %add3A = arith.addi %rem3A_24, %select_n3A_23 : i32
    %select_n3A_32 = arith.select %and3A_31, %add3A, %rem3A_24 : i32
    %mul3A_33 = arith.constant 50176 : i32
    %mul3A_34 = arith.muli %select_n3A, %mul3A_33 : i32
    %mul3A_35 = arith.constant 16 : i32
    %mul3A_36 = arith.muli %select_n3A_32, %mul3A_35 : i32
    %mul3A_37 = arith.constant 224 : i32
    %mul3A_38 = arith.muli %mul3A_36, %mul3A_37 : i32
    %add3A_39 = arith.addi %mul3A_34, %mul3A_38 : i32
    %eq3A_40 = arith.constant 13 : i32
    %eq3A_41 = arith.cmpi eq, %select_n3A_32, %eq3A_40 : i32
    %add3A_42 = arith.constant 3360 : i32
    %add3A_43 = arith.addi %add3A_39, %add3A_42 : i32
    %add3A_44 = arith.constant 3584 : i32
    %add3A_45 = arith.addi %add3A_39, %add3A_44 : i32
    %select_n3A_46 = arith.select %eq3A_41, %add3A_43, %add3A_45 : i32
    %dma_wait3A = arith.constant 0 : i32
    %dma_wait3A_47 = arith.constant 0 : i32
    %dma_wait3A_48 = tpu.memref_slice %arg3[%dma_wait3A, %dma_wait3A_47] : memref<3808x128xf32, #tpu.memory_space<vmem>> -> memref<3584x128xf32, #tpu.memory_space<vmem>>
    %dma_wait3A_49 = arith.constant 0 : i32
    %dma_wait3A_50 = tpu.memref_slice %arg1[%add3A_39, %dma_wait3A_49] : memref<100352x128xf32, #tpu.memory_space<any>> -> memref<3584x128xf32, #tpu.memory_space<any>>
    tpu.wait_dma2 semaphore(%arg7 : memref<!tpu.dma_semaphore, #tpu.memory_space<semaphore_mem>>) src(%dma_wait3A_50 : memref<3584x128xf32, #tpu.memory_space<any>>) dst(%dma_wait3A_48 : memref<3584x128xf32, #tpu.memory_space<vmem>>)
    %dma_wait3A_51 = arith.constant 3584 : i32
    %dma_wait3A_52 = arith.constant 0 : i32
    %dma_wait3A_53 = tpu.memref_slice %arg3[%dma_wait3A_51, %dma_wait3A_52] : memref<3808x128xf32, #tpu.memory_space<vmem>> -> memref<224x128xf32, #tpu.memory_space<vmem>>
    %dma_wait3A_54 = arith.constant 0 : i32
    %dma_wait3A_55 = tpu.memref_slice %arg1[%select_n3A_46, %dma_wait3A_54] : memref<100352x128xf32, #tpu.memory_space<any>> -> memref<224x128xf32, #tpu.memory_space<any>>
    tpu.wait_dma2 semaphore(%arg7 : memref<!tpu.dma_semaphore, #tpu.memory_space<semaphore_mem>>) src(%dma_wait3A_55 : memref<224x128xf32, #tpu.memory_space<any>>) dst(%dma_wait3A_53 : memref<224x128xf32, #tpu.memory_space<vmem>>)
    %add3A_56 = arith.constant 1 : i32
    %add3A_57 = arith.addi %mul3A_2, %add3A_56 : i32
    %lt3A_58 = arith.constant 28 : i32
    %lt3A_59 = arith.cmpi slt, %add3A_57, %lt3A_58 : i32
    %convert_element_type3A_60 = arith.extui %lt3A_59 : i1 to i32
    %cond3A_61 = arith.constant 0 : i32
    %cond3A_62 = arith.cmpi ne, %convert_element_type3A_60, %cond3A_61 : i32
    scf.if %cond3A_62 {
      %add3A_900 = arith.constant 1 : i32
      %add3A_901 = arith.addi %mul3A_2, %add3A_900 : i32
      %jit3A_902 = arith.constant 14 : i32
      %div3A_903 = arith.divsi %add3A_901, %jit3A_902 : i32
      %sign3A_904 = arith.constant 0 : i32
      %sign3A_905 = arith.cmpi sgt, %add3A_901, %sign3A_904 : i32
      %sign3A_906 = arith.extui %sign3A_905 : i1 to i32
      %sign3A_907 = arith.constant 0 : i32
      %sign3A_908 = arith.cmpi slt, %add3A_901, %sign3A_907 : i32
      %sign3A_909 = arith.extui %sign3A_908 : i1 to i32
      %sign3A_910 = arith.subi %sign3A_906, %sign3A_909 : i32
      %sign3A_911 = arith.constant 0 : i32
      %sign3A_912 = arith.cmpi sgt, %jit3A_902, %sign3A_911 : i32
      %sign3A_913 = arith.extui %sign3A_912 : i1 to i32
      %sign3A_914 = arith.constant 0 : i32
      %sign3A_915 = arith.cmpi slt, %jit3A_902, %sign3A_914 : i32
      %sign3A_916 = arith.extui %sign3A_915 : i1 to i32
      %sign3A_917 = arith.subi %sign3A_913, %sign3A_916 : i32
      %ne3A_918 = arith.cmpi ne, %sign3A_910, %sign3A_917 : i32
      %rem3A_919 = arith.remsi %add3A_901, %jit3A_902 : i32
      %ne3A_920 = arith.constant 0 : i32
      %ne3A_921 = arith.cmpi ne, %rem3A_919, %ne3A_920 : i32
      %and3A_922 = arith.andi %ne3A_918, %ne3A_921 : i1
      %sub3A_923 = arith.constant 1 : i32
      %sub3A_924 = arith.subi %div3A_903, %sub3A_923 : i32
      %select_n3A_925 = arith.select %and3A_922, %sub3A_924, %div3A_903 : i32
      %jit3A_926 = arith.constant 14 : i32
      %eq3A_927 = arith.constant 0 : i32
      %eq3A_928 = arith.cmpi eq, %jit3A_926, %eq3A_927 : i32
      %jit3A_929 = arith.constant 1 : i32
      %select_n3A_930 = arith.select %eq3A_928, %jit3A_929, %jit3A_926 : i32
      %rem3A_931 = arith.remsi %add3A_901, %select_n3A_930 : i32
      %ne3A_932 = arith.constant 0 : i32
      %ne3A_933 = arith.cmpi ne, %rem3A_931, %ne3A_932 : i32
      %lt3A_934 = arith.constant 0 : i32
      %lt3A_935 = arith.cmpi slt, %rem3A_931, %lt3A_934 : i32
      %lt3A_936 = arith.constant 0 : i32
      %lt3A_937 = arith.cmpi slt, %select_n3A_930, %lt3A_936 : i32
      %ne3A_938 = arith.xori %lt3A_935, %lt3A_937 : i1
      %and3A_939 = arith.andi %ne3A_938, %ne3A_933 : i1
      %add3A_940 = arith.addi %rem3A_931, %select_n3A_930 : i32
      %select_n3A_941 = arith.select %and3A_939, %add3A_940, %rem3A_931 : i32
      %mul3A_942 = arith.constant 50176 : i32
      %mul3A_943 = arith.muli %select_n3A_925, %mul3A_942 : i32
      %mul3A_944 = arith.constant 16 : i32
      %mul3A_945 = arith.muli %select_n3A_941, %mul3A_944 : i32
      %mul3A_946 = arith.constant 224 : i32
      %mul3A_947 = arith.muli %mul3A_945, %mul3A_946 : i32
      %add3A_948 = arith.addi %mul3A_943, %mul3A_947 : i32
      %eq3A_949 = arith.constant 13 : i32
      %eq3A_950 = arith.cmpi eq, %select_n3A_941, %eq3A_949 : i32
      %add3A_951 = arith.constant 3360 : i32
      %add3A_952 = arith.addi %add3A_948, %add3A_951 : i32
      %add3A_953 = arith.constant 3584 : i32
      %add3A_954 = arith.addi %add3A_948, %add3A_953 : i32
      %select_n3A_955 = arith.select %eq3A_950, %add3A_952, %add3A_954 : i32
      %dma_start3A_956 = arith.constant 0 : i32
      %dma_start3A_957 = arith.constant 0 : i32
      %dma_start3A_958 = tpu.memref_slice %arg4[%dma_start3A_956, %dma_start3A_957] : memref<3808x128xf32, #tpu.memory_space<vmem>> -> memref<3584x128xf32, #tpu.memory_space<vmem>>
      %dma_start3A_959 = arith.constant 0 : i32
      %dma_start3A_960 = tpu.memref_slice %arg1[%add3A_948, %dma_start3A_959] : memref<100352x128xf32, #tpu.memory_space<any>> -> memref<3584x128xf32, #tpu.memory_space<any>>
      tpu.enqueue_dma source(%dma_start3A_960 : memref<3584x128xf32, #tpu.memory_space<any>>) target(%dma_start3A_958 : memref<3584x128xf32, #tpu.memory_space<vmem>>) target_semaphore(%arg7 : memref<!tpu.dma_semaphore, #tpu.memory_space<semaphore_mem>>)
      %dma_start3A_961 = arith.constant 3584 : i32
      %dma_start3A_962 = arith.constant 0 : i32
      %dma_start3A_963 = tpu.memref_slice %arg4[%dma_start3A_961, %dma_start3A_962] : memref<3808x128xf32, #tpu.memory_space<vmem>> -> memref<224x128xf32, #tpu.memory_space<vmem>>
      %dma_start3A_964 = arith.constant 0 : i32
      %dma_start3A_965 = tpu.memref_slice %arg1[%select_n3A_955, %dma_start3A_964] : memref<100352x128xf32, #tpu.memory_space<any>> -> memref<224x128xf32, #tpu.memory_space<any>>
      tpu.enqueue_dma source(%dma_start3A_965 : memref<224x128xf32, #tpu.memory_space<any>>) target(%dma_start3A_963 : memref<224x128xf32, #tpu.memory_space<vmem>>) target_semaphore(%arg7 : memref<!tpu.dma_semaphore, #tpu.memory_space<semaphore_mem>>)
    } else {
    }
    %get3A = arith.constant 0 : index
    %get3A_63 = arith.constant 0 : index
    %get3A_64 = vector.load %arg3[%get3A, %get3A_63] : memref<3808x128xf32, #tpu.memory_space<vmem>>, vector<3808x128xf32>
    %reshape3A = vector.shape_cast %get3A_64 : vector<3808x128xf32> to vector<17x224x128xf32>
    %gt3A = arith.constant 0 : i32
    %gt3A_65 = arith.cmpi sgt, %mul3A_2, %gt3A : i32
    %convert_element_type3A_66 = arith.extui %gt3A_65 : i1 to i32
    %cond3A_67 = arith.constant 0 : i32
    %cond3A_68 = arith.cmpi ne, %convert_element_type3A_66, %cond3A_67 : i32
    scf.if %cond3A_68 {
      %sub3A_900 = arith.constant 1 : i32
      %sub3A_901 = arith.subi %mul3A_2, %sub3A_900 : i32
      %jit3A_902 = arith.constant 14 : i32
      %div3A_903 = arith.divsi %sub3A_901, %jit3A_902 : i32
      %sign3A_904 = arith.constant 0 : i32
      %sign3A_905 = arith.cmpi sgt, %sub3A_901, %sign3A_904 : i32
      %sign3A_906 = arith.extui %sign3A_905 : i1 to i32
      %sign3A_907 = arith.constant 0 : i32
      %sign3A_908 = arith.cmpi slt, %sub3A_901, %sign3A_907 : i32
      %sign3A_909 = arith.extui %sign3A_908 : i1 to i32
      %sign3A_910 = arith.subi %sign3A_906, %sign3A_909 : i32
      %sign3A_911 = arith.constant 0 : i32
      %sign3A_912 = arith.cmpi sgt, %jit3A_902, %sign3A_911 : i32
      %sign3A_913 = arith.extui %sign3A_912 : i1 to i32
      %sign3A_914 = arith.constant 0 : i32
      %sign3A_915 = arith.cmpi slt, %jit3A_902, %sign3A_914 : i32
      %sign3A_916 = arith.extui %sign3A_915 : i1 to i32
      %sign3A_917 = arith.subi %sign3A_913, %sign3A_916 : i32
      %ne3A_918 = arith.cmpi ne, %sign3A_910, %sign3A_917 : i32
      %rem3A_919 = arith.remsi %sub3A_901, %jit3A_902 : i32
      %ne3A_920 = arith.constant 0 : i32
      %ne3A_921 = arith.cmpi ne, %rem3A_919, %ne3A_920 : i32
      %and3A_922 = arith.andi %ne3A_918, %ne3A_921 : i1
      %sub3A_923 = arith.constant 1 : i32
      %sub3A_924 = arith.subi %div3A_903, %sub3A_923 : i32
      %select_n3A_925 = arith.select %and3A_922, %sub3A_924, %div3A_903 : i32
      %mul3A_926 = arith.constant 4 : i32
      %mul3A_927 = arith.muli %select_n3A_925, %mul3A_926 : i32
      %add3A_928 = arith.constant 2 : i32
      %add3A_929 = arith.addi %mul3A_927, %add3A_928 : i32
      %mul3A_930 = arith.constant 224 : i32
      %mul3A_931 = arith.muli %add3A_929, %mul3A_930 : i32
      %jit3A_932 = arith.constant 14 : i32
      %eq3A_933 = arith.constant 0 : i32
      %eq3A_934 = arith.cmpi eq, %jit3A_932, %eq3A_933 : i32
      %jit3A_935 = arith.constant 1 : i32
      %select_n3A_936 = arith.select %eq3A_934, %jit3A_935, %jit3A_932 : i32
      %rem3A_937 = arith.remsi %sub3A_901, %select_n3A_936 : i32
      %ne3A_938 = arith.constant 0 : i32
      %ne3A_939 = arith.cmpi ne, %rem3A_937, %ne3A_938 : i32
      %lt3A_940 = arith.constant 0 : i32
      %lt3A_941 = arith.cmpi slt, %rem3A_937, %lt3A_940 : i32
      %lt3A_942 = arith.constant 0 : i32
      %lt3A_943 = arith.cmpi slt, %select_n3A_936, %lt3A_942 : i32
      %ne3A_944 = arith.xori %lt3A_941, %lt3A_943 : i1
      %and3A_945 = arith.andi %ne3A_944, %ne3A_939 : i1
      %add3A_946 = arith.addi %rem3A_937, %select_n3A_936 : i32
      %select_n3A_947 = arith.select %and3A_945, %add3A_946, %rem3A_937 : i32
      %mul3A_948 = arith.constant 16 : i32
      %mul3A_949 = arith.muli %select_n3A_947, %mul3A_948 : i32
      %add3A_950 = arith.addi %mul3A_931, %mul3A_949 : i32
      %dma_wait3A_951 = arith.constant 0 : i32
      %dma_wait3A_952 = arith.constant 0 : i32
      %dma_wait3A_953 = tpu.memref_slice %arg2[%add3A_950, %dma_wait3A_951, %dma_wait3A_952] : memref<1792x224x128xf32, #tpu.memory_space<any>> -> memref<16x224x128xf32, #tpu.memory_space<any>>
      tpu.wait_dma2 semaphore(%arg8 : memref<!tpu.dma_semaphore, #tpu.memory_space<semaphore_mem>>) src(%arg5 : memref<16x224x128xf32, #tpu.memory_space<vmem>>) dst(%dma_wait3A_953 : memref<16x224x128xf32, #tpu.memory_space<any>>)
    } else {
    }
    %slice3A = vector.extract_strided_slice %reshape3A {offsets = [0, 0, 0], sizes = [17, 224, 32], strides = [1, 1, 1]} : vector<17x224x128xf32> to vector<17x224x32xf32>
    %slice3A_69 = vector.extract_strided_slice %slice3A {offsets = [0, 0, 0], sizes = [16, 224, 32], strides = [1, 1, 1]} : vector<17x224x32xf32> to vector<16x224x32xf32>
    %slice3A_70 = vector.extract_strided_slice %slice3A {offsets = [1, 0, 0], sizes = [16, 224, 32], strides = [1, 1, 1]} : vector<17x224x32xf32> to vector<16x224x32xf32>
    %slice3A_71 = vector.extract_strided_slice %slice3A_69 {offsets = [0, 1, 0], sizes = [16, 223, 32], strides = [1, 1, 1]} : vector<16x224x32xf32> to vector<16x223x32xf32>
    %slice3A_72 = vector.extract_strided_slice %slice3A_69 {offsets = [0, 223, 0], sizes = [16, 1, 32], strides = [1, 1, 1]} : vector<16x224x32xf32> to vector<16x1x32xf32>
    %concatenate3A = tpu.concatenate %slice3A_71, %slice3A_72 in 1 : vector<16x223x32xf32>, vector<16x1x32xf32> -> vector<16x224x32xf32>
    %slice3A_73 = vector.extract_strided_slice %slice3A_70 {offsets = [0, 1, 0], sizes = [16, 223, 32], strides = [1, 1, 1]} : vector<16x224x32xf32> to vector<16x223x32xf32>
    %slice3A_74 = vector.extract_strided_slice %slice3A_70 {offsets = [0, 223, 0], sizes = [16, 1, 32], strides = [1, 1, 1]} : vector<16x224x32xf32> to vector<16x1x32xf32>
    %concatenate3A_75 = tpu.concatenate %slice3A_73, %slice3A_74 in 1 : vector<16x223x32xf32>, vector<16x1x32xf32> -> vector<16x224x32xf32>
    %concatenate3A_76 = tpu.concatenate %slice3A_69, %concatenate3A, %slice3A_70, %concatenate3A_75 in 2 : vector<16x224x32xf32>, vector<16x224x32xf32>, vector<16x224x32xf32>, vector<16x224x32xf32> -> vector<16x224x128xf32>
    %swap3A = arith.constant 0 : index
    %swap3A_77 = arith.constant 0 : index
    %swap3A_78 = arith.constant 0 : index
    %swap3A_79 = vector.load %arg5[%swap3A, %swap3A_77, %swap3A_78] : memref<16x224x128xf32, #tpu.memory_space<vmem>>, vector<16x224x128xf32>
    tpu.vector_store %arg5[%swap3A, %swap3A_77, %swap3A_78], %concatenate3A_76 {strides = array<i32>} : memref<16x224x128xf32, #tpu.memory_space<vmem>>, vector<16x224x128xf32>,
    %jit3A_80 = arith.constant 14 : i32
    %div3A_81 = arith.divsi %mul3A_2, %jit3A_80 : i32
    %sign3A_82 = arith.constant 0 : i32
    %sign3A_83 = arith.cmpi sgt, %mul3A_2, %sign3A_82 : i32
    %sign3A_84 = arith.extui %sign3A_83 : i1 to i32
    %sign3A_85 = arith.constant 0 : i32
    %sign3A_86 = arith.cmpi slt, %mul3A_2, %sign3A_85 : i32
    %sign3A_87 = arith.extui %sign3A_86 : i1 to i32
    %sign3A_88 = arith.subi %sign3A_84, %sign3A_87 : i32
    %sign3A_89 = arith.constant 0 : i32
    %sign3A_90 = arith.cmpi sgt, %jit3A_80, %sign3A_89 : i32
    %sign3A_91 = arith.extui %sign3A_90 : i1 to i32
    %sign3A_92 = arith.constant 0 : i32
    %sign3A_93 = arith.cmpi slt, %jit3A_80, %sign3A_92 : i32
    %sign3A_94 = arith.extui %sign3A_93 : i1 to i32
    %sign3A_95 = arith.subi %sign3A_91, %sign3A_94 : i32
    %ne3A_96 = arith.cmpi ne, %sign3A_88, %sign3A_95 : i32
    %rem3A_97 = arith.remsi %mul3A_2, %jit3A_80 : i32
    %ne3A_98 = arith.constant 0 : i32
    %ne3A_99 = arith.cmpi ne, %rem3A_97, %ne3A_98 : i32
    %and3A_100 = arith.andi %ne3A_96, %ne3A_99 : i1
    %sub3A_101 = arith.constant 1 : i32
    %sub3A_102 = arith.subi %div3A_81, %sub3A_101 : i32
    %select_n3A_103 = arith.select %and3A_100, %sub3A_102, %div3A_81 : i32
    %mul3A_104 = arith.constant 4 : i32
    %mul3A_105 = arith.muli %select_n3A_103, %mul3A_104 : i32
    %add3A_106 = arith.constant 0 : i32
    %add3A_107 = arith.addi %mul3A_105, %add3A_106 : i32
    %mul3A_108 = arith.constant 224 : i32
    %mul3A_109 = arith.muli %add3A_107, %mul3A_108 : i32
    %jit3A_110 = arith.constant 14 : i32
    %eq3A_111 = arith.constant 0 : i32
    %eq3A_112 = arith.cmpi eq, %jit3A_110, %eq3A_111 : i32
    %jit3A_113 = arith.constant 1 : i32
    %select_n3A_114 = arith.select %eq3A_112, %jit3A_113, %jit3A_110 : i32
    %rem3A_115 = arith.remsi %mul3A_2, %select_n3A_114 : i32
    %ne3A_116 = arith.constant 0 : i32
    %ne3A_117 = arith.cmpi ne, %rem3A_115, %ne3A_116 : i32
    %lt3A_118 = arith.constant 0 : i32
    %lt3A_119 = arith.cmpi slt, %rem3A_115, %lt3A_118 : i32
    %lt3A_120 = arith.constant 0 : i32
    %lt3A_121 = arith.cmpi slt, %select_n3A_114, %lt3A_120 : i32
    %ne3A_122 = arith.xori %lt3A_119, %lt3A_121 : i1
    %and3A_123 = arith.andi %ne3A_122, %ne3A_117 : i1
    %add3A_124 = arith.addi %rem3A_115, %select_n3A_114 : i32
    %select_n3A_125 = arith.select %and3A_123, %add3A_124, %rem3A_115 : i32
    %mul3A_126 = arith.constant 16 : i32
    %mul3A_127 = arith.muli %select_n3A_125, %mul3A_126 : i32
    %add3A_128 = arith.addi %mul3A_109, %mul3A_127 : i32
    %dma_start3A = arith.constant 0 : i32
    %dma_start3A_129 = arith.constant 0 : i32
    %dma_start3A_130 = tpu.memref_slice %arg2[%add3A_128, %dma_start3A, %dma_start3A_129] : memref<1792x224x128xf32, #tpu.memory_space<any>> -> memref<16x224x128xf32, #tpu.memory_space<any>>
    tpu.enqueue_dma source(%arg5 : memref<16x224x128xf32, #tpu.memory_space<vmem>>) target(%dma_start3A_130 : memref<16x224x128xf32, #tpu.memory_space<any>>) target_semaphore(%arg8 : memref<!tpu.dma_semaphore, #tpu.memory_space<semaphore_mem>>)
    %gt3A_131 = arith.constant 0 : i32
    %gt3A_132 = arith.cmpi sgt, %mul3A_2, %gt3A_131 : i32
    %convert_element_type3A_133 = arith.extui %gt3A_132 : i1 to i32
    %cond3A_134 = arith.constant 0 : i32
    %cond3A_135 = arith.cmpi ne, %convert_element_type3A_133, %cond3A_134 : i32
    scf.if %cond3A_135 {
      %sub3A_900 = arith.constant 1 : i32
      %sub3A_901 = arith.subi %mul3A_2, %sub3A_900 : i32
      %jit3A_902 = arith.constant 14 : i32
      %div3A_903 = arith.divsi %sub3A_901, %jit3A_902 : i32
      %sign3A_904 = arith.constant 0 : i32
      %sign3A_905 = arith.cmpi sgt, %sub3A_901, %sign3A_904 : i32
      %sign3A_906 = arith.extui %sign3A_905 : i1 to i32
      %sign3A_907 = arith.constant 0 : i32
      %sign3A_908 = arith.cmpi slt, %sub3A_901, %sign3A_907 : i32
      %sign3A_909 = arith.extui %sign3A_908 : i1 to i32
      %sign3A_910 = arith.subi %sign3A_906, %sign3A_909 : i32
      %sign3A_911 = arith.constant 0 : i32
      %sign3A_912 = arith.cmpi sgt, %jit3A_902, %sign3A_911 : i32
      %sign3A_913 = arith.extui %sign3A_912 : i1 to i32
      %sign3A_914 = arith.constant 0 : i32
      %sign3A_915 = arith.cmpi slt, %jit3A_902, %sign3A_914 : i32
      %sign3A_916 = arith.extui %sign3A_915 : i1 to i32
      %sign3A_917 = arith.subi %sign3A_913, %sign3A_916 : i32
      %ne3A_918 = arith.cmpi ne, %sign3A_910, %sign3A_917 : i32
      %rem3A_919 = arith.remsi %sub3A_901, %jit3A_902 : i32
      %ne3A_920 = arith.constant 0 : i32
      %ne3A_921 = arith.cmpi ne, %rem3A_919, %ne3A_920 : i32
      %and3A_922 = arith.andi %ne3A_918, %ne3A_921 : i1
      %sub3A_923 = arith.constant 1 : i32
      %sub3A_924 = arith.subi %div3A_903, %sub3A_923 : i32
      %select_n3A_925 = arith.select %and3A_922, %sub3A_924, %div3A_903 : i32
      %mul3A_926 = arith.constant 4 : i32
      %mul3A_927 = arith.muli %select_n3A_925, %mul3A_926 : i32
      %add3A_928 = arith.constant 3 : i32
      %add3A_929 = arith.addi %mul3A_927, %add3A_928 : i32
      %mul3A_930 = arith.constant 224 : i32
      %mul3A_931 = arith.muli %add3A_929, %mul3A_930 : i32
      %jit3A_932 = arith.constant 14 : i32
      %eq3A_933 = arith.constant 0 : i32
      %eq3A_934 = arith.cmpi eq, %jit3A_932, %eq3A_933 : i32
      %jit3A_935 = arith.constant 1 : i32
      %select_n3A_936 = arith.select %eq3A_934, %jit3A_935, %jit3A_932 : i32
      %rem3A_937 = arith.remsi %sub3A_901, %select_n3A_936 : i32
      %ne3A_938 = arith.constant 0 : i32
      %ne3A_939 = arith.cmpi ne, %rem3A_937, %ne3A_938 : i32
      %lt3A_940 = arith.constant 0 : i32
      %lt3A_941 = arith.cmpi slt, %rem3A_937, %lt3A_940 : i32
      %lt3A_942 = arith.constant 0 : i32
      %lt3A_943 = arith.cmpi slt, %select_n3A_936, %lt3A_942 : i32
      %ne3A_944 = arith.xori %lt3A_941, %lt3A_943 : i1
      %and3A_945 = arith.andi %ne3A_944, %ne3A_939 : i1
      %add3A_946 = arith.addi %rem3A_937, %select_n3A_936 : i32
      %select_n3A_947 = arith.select %and3A_945, %add3A_946, %rem3A_937 : i32
      %mul3A_948 = arith.constant 16 : i32
      %mul3A_949 = arith.muli %select_n3A_947, %mul3A_948 : i32
      %add3A_950 = arith.addi %mul3A_931, %mul3A_949 : i32
      %dma_wait3A_951 = arith.constant 0 : i32
      %dma_wait3A_952 = arith.constant 0 : i32
      %dma_wait3A_953 = tpu.memref_slice %arg2[%add3A_950, %dma_wait3A_951, %dma_wait3A_952] : memref<1792x224x128xf32, #tpu.memory_space<any>> -> memref<16x224x128xf32, #tpu.memory_space<any>>
      tpu.wait_dma2 semaphore(%arg8 : memref<!tpu.dma_semaphore, #tpu.memory_space<semaphore_mem>>) src(%arg6 : memref<16x224x128xf32, #tpu.memory_space<vmem>>) dst(%dma_wait3A_953 : memref<16x224x128xf32, #tpu.memory_space<any>>)
    } else {
    }
    %slice3A_136 = vector.extract_strided_slice %reshape3A {offsets = [0, 0, 32], sizes = [17, 224, 32], strides = [1, 1, 1]} : vector<17x224x128xf32> to vector<17x224x32xf32>
    %slice3A_137 = vector.extract_strided_slice %slice3A_136 {offsets = [0, 0, 0], sizes = [16, 224, 32], strides = [1, 1, 1]} : vector<17x224x32xf32> to vector<16x224x32xf32>
    %slice3A_138 = vector.extract_strided_slice %slice3A_136 {offsets = [1, 0, 0], sizes = [16, 224, 32], strides = [1, 1, 1]} : vector<17x224x32xf32> to vector<16x224x32xf32>
    %slice3A_139 = vector.extract_strided_slice %slice3A_137 {offsets = [0, 1, 0], sizes = [16, 223, 32], strides = [1, 1, 1]} : vector<16x224x32xf32> to vector<16x223x32xf32>
    %slice3A_140 = vector.extract_strided_slice %slice3A_137 {offsets = [0, 223, 0], sizes = [16, 1, 32], strides = [1, 1, 1]} : vector<16x224x32xf32> to vector<16x1x32xf32>
    %concatenate3A_141 = tpu.concatenate %slice3A_139, %slice3A_140 in 1 : vector<16x223x32xf32>, vector<16x1x32xf32> -> vector<16x224x32xf32>
    %slice3A_142 = vector.extract_strided_slice %slice3A_138 {offsets = [0, 1, 0], sizes = [16, 223, 32], strides = [1, 1, 1]} : vector<16x224x32xf32> to vector<16x223x32xf32>
    %slice3A_143 = vector.extract_strided_slice %slice3A_138 {offsets = [0, 223, 0], sizes = [16, 1, 32], strides = [1, 1, 1]} : vector<16x224x32xf32> to vector<16x1x32xf32>
    %concatenate3A_144 = tpu.concatenate %slice3A_142, %slice3A_143 in 1 : vector<16x223x32xf32>, vector<16x1x32xf32> -> vector<16x224x32xf32>
    %concatenate3A_145 = tpu.concatenate %slice3A_137, %concatenate3A_141, %slice3A_138, %concatenate3A_144 in 2 : vector<16x224x32xf32>, vector<16x224x32xf32>, vector<16x224x32xf32>, vector<16x224x32xf32> -> vector<16x224x128xf32>
    %swap3A_146 = arith.constant 0 : index
    %swap3A_147 = arith.constant 0 : index
    %swap3A_148 = arith.constant 0 : index
    %swap3A_149 = vector.load %arg6[%swap3A_146, %swap3A_147, %swap3A_148] : memref<16x224x128xf32, #tpu.memory_space<vmem>>, vector<16x224x128xf32>
    tpu.vector_store %arg6[%swap3A_146, %swap3A_147, %swap3A_148], %concatenate3A_145 {strides = array<i32>} : memref<16x224x128xf32, #tpu.memory_space<vmem>>, vector<16x224x128xf32>,
    %jit3A_150 = arith.constant 14 : i32
    %div3A_151 = arith.divsi %mul3A_2, %jit3A_150 : i32
    %sign3A_152 = arith.constant 0 : i32
    %sign3A_153 = arith.cmpi sgt, %mul3A_2, %sign3A_152 : i32
    %sign3A_154 = arith.extui %sign3A_153 : i1 to i32
    %sign3A_155 = arith.constant 0 : i32
    %sign3A_156 = arith.cmpi slt, %mul3A_2, %sign3A_155 : i32
    %sign3A_157 = arith.extui %sign3A_156 : i1 to i32
    %sign3A_158 = arith.subi %sign3A_154, %sign3A_157 : i32
    %sign3A_159 = arith.constant 0 : i32
    %sign3A_160 = arith.cmpi sgt, %jit3A_150, %sign3A_159 : i32
    %sign3A_161 = arith.extui %sign3A_160 : i1 to i32
    %sign3A_162 = arith.constant 0 : i32
    %sign3A_163 = arith.cmpi slt, %jit3A_150, %sign3A_162 : i32
    %sign3A_164 = arith.extui %sign3A_163 : i1 to i32
    %sign3A_165 = arith.subi %sign3A_161, %sign3A_164 : i32
    %ne3A_166 = arith.cmpi ne, %sign3A_158, %sign3A_165 : i32
    %rem3A_167 = arith.remsi %mul3A_2, %jit3A_150 : i32
    %ne3A_168 = arith.constant 0 : i32
    %ne3A_169 = arith.cmpi ne, %rem3A_167, %ne3A_168 : i32
    %and3A_170 = arith.andi %ne3A_166, %ne3A_169 : i1
    %sub3A_171 = arith.constant 1 : i32
    %sub3A_172 = arith.subi %div3A_151, %sub3A_171 : i32
    %select_n3A_173 = arith.select %and3A_170, %sub3A_172, %div3A_151 : i32
    %mul3A_174 = arith.constant 4 : i32
    %mul3A_175 = arith.muli %select_n3A_173, %mul3A_174 : i32
    %add3A_176 = arith.constant 1 : i32
    %add3A_177 = arith.addi %mul3A_175, %add3A_176 : i32
    %mul3A_178 = arith.constant 224 : i32
    %mul3A_179 = arith.muli %add3A_177, %mul3A_178 : i32
    %jit3A_180 = arith.constant 14 : i32
    %eq3A_181 = arith.constant 0 : i32
    %eq3A_182 = arith.cmpi eq, %jit3A_180, %eq3A_181 : i32
    %jit3A_183 = arith.constant 1 : i32
    %select_n3A_184 = arith.select %eq3A_182, %jit3A_183, %jit3A_180 : i32
    %rem3A_185 = arith.remsi %mul3A_2, %select_n3A_184 : i32
    %ne3A_186 = arith.constant 0 : i32
    %ne3A_187 = arith.cmpi ne, %rem3A_185, %ne3A_186 : i32
    %lt3A_188 = arith.constant 0 : i32
    %lt3A_189 = arith.cmpi slt, %rem3A_185, %lt3A_188 : i32
    %lt3A_190 = arith.constant 0 : i32
    %lt3A_191 = arith.cmpi slt, %select_n3A_184, %lt3A_190 : i32
    %ne3A_192 = arith.xori %lt3A_189, %lt3A_191 : i1
    %and3A_193 = arith.andi %ne3A_192, %ne3A_187 : i1
    %add3A_194 = arith.addi %rem3A_185, %select_n3A_184 : i32
    %select_n3A_195 = arith.select %and3A_193, %add3A_194, %rem3A_185 : i32
    %mul3A_196 = arith.constant 16 : i32
    %mul3A_197 = arith.muli %select_n3A_195, %mul3A_196 : i32
    %add3A_198 = arith.addi %mul3A_179, %mul3A_197 : i32
    %dma_start3A_199 = arith.constant 0 : i32
    %dma_start3A_200 = arith.constant 0 : i32
    %dma_start3A_201 = tpu.memref_slice %arg2[%add3A_198, %dma_start3A_199, %dma_start3A_200] : memref<1792x224x128xf32, #tpu.memory_space<any>> -> memref<16x224x128xf32, #tpu.memory_space<any>>
    tpu.enqueue_dma source(%arg6 : memref<16x224x128xf32, #tpu.memory_space<vmem>>) target(%dma_start3A_201 : memref<16x224x128xf32, #tpu.memory_space<any>>) target_semaphore(%arg8 : memref<!tpu.dma_semaphore, #tpu.memory_space<semaphore_mem>>)
    %jit3A_202 = arith.constant 14 : i32
    %div3A_203 = arith.divsi %mul3A_2, %jit3A_202 : i32
    %sign3A_204 = arith.constant 0 : i32
    %sign3A_205 = arith.cmpi sgt, %mul3A_2, %sign3A_204 : i32
    %sign3A_206 = arith.extui %sign3A_205 : i1 to i32
    %sign3A_207 = arith.constant 0 : i32
    %sign3A_208 = arith.cmpi slt, %mul3A_2, %sign3A_207 : i32
    %sign3A_209 = arith.extui %sign3A_208 : i1 to i32
    %sign3A_210 = arith.subi %sign3A_206, %sign3A_209 : i32
    %sign3A_211 = arith.constant 0 : i32
    %sign3A_212 = arith.cmpi sgt, %jit3A_202, %sign3A_211 : i32
    %sign3A_213 = arith.extui %sign3A_212 : i1 to i32
    %sign3A_214 = arith.constant 0 : i32
    %sign3A_215 = arith.cmpi slt, %jit3A_202, %sign3A_214 : i32
    %sign3A_216 = arith.extui %sign3A_215 : i1 to i32
    %sign3A_217 = arith.subi %sign3A_213, %sign3A_216 : i32
    %ne3A_218 = arith.cmpi ne, %sign3A_210, %sign3A_217 : i32
    %rem3A_219 = arith.remsi %mul3A_2, %jit3A_202 : i32
    %ne3A_220 = arith.constant 0 : i32
    %ne3A_221 = arith.cmpi ne, %rem3A_219, %ne3A_220 : i32
    %and3A_222 = arith.andi %ne3A_218, %ne3A_221 : i1
    %sub3A_223 = arith.constant 1 : i32
    %sub3A_224 = arith.subi %div3A_203, %sub3A_223 : i32
    %select_n3A_225 = arith.select %and3A_222, %sub3A_224, %div3A_203 : i32
    %mul3A_226 = arith.constant 4 : i32
    %mul3A_227 = arith.muli %select_n3A_225, %mul3A_226 : i32
    %add3A_228 = arith.constant 0 : i32
    %add3A_229 = arith.addi %mul3A_227, %add3A_228 : i32
    %mul3A_230 = arith.constant 224 : i32
    %mul3A_231 = arith.muli %add3A_229, %mul3A_230 : i32
    %jit3A_232 = arith.constant 14 : i32
    %eq3A_233 = arith.constant 0 : i32
    %eq3A_234 = arith.cmpi eq, %jit3A_232, %eq3A_233 : i32
    %jit3A_235 = arith.constant 1 : i32
    %select_n3A_236 = arith.select %eq3A_234, %jit3A_235, %jit3A_232 : i32
    %rem3A_237 = arith.remsi %mul3A_2, %select_n3A_236 : i32
    %ne3A_238 = arith.constant 0 : i32
    %ne3A_239 = arith.cmpi ne, %rem3A_237, %ne3A_238 : i32
    %lt3A_240 = arith.constant 0 : i32
    %lt3A_241 = arith.cmpi slt, %rem3A_237, %lt3A_240 : i32
    %lt3A_242 = arith.constant 0 : i32
    %lt3A_243 = arith.cmpi slt, %select_n3A_236, %lt3A_242 : i32
    %ne3A_244 = arith.xori %lt3A_241, %lt3A_243 : i1
    %and3A_245 = arith.andi %ne3A_244, %ne3A_239 : i1
    %add3A_246 = arith.addi %rem3A_237, %select_n3A_236 : i32
    %select_n3A_247 = arith.select %and3A_245, %add3A_246, %rem3A_237 : i32
    %mul3A_248 = arith.constant 16 : i32
    %mul3A_249 = arith.muli %select_n3A_247, %mul3A_248 : i32
    %add3A_250 = arith.addi %mul3A_231, %mul3A_249 : i32
    %dma_wait3A_251 = arith.constant 0 : i32
    %dma_wait3A_252 = arith.constant 0 : i32
    %dma_wait3A_253 = tpu.memref_slice %arg2[%add3A_250, %dma_wait3A_251, %dma_wait3A_252] : memref<1792x224x128xf32, #tpu.memory_space<any>> -> memref<16x224x128xf32, #tpu.memory_space<any>>
    tpu.wait_dma2 semaphore(%arg8 : memref<!tpu.dma_semaphore, #tpu.memory_space<semaphore_mem>>) src(%arg5 : memref<16x224x128xf32, #tpu.memory_space<vmem>>) dst(%dma_wait3A_253 : memref<16x224x128xf32, #tpu.memory_space<any>>)
    %slice3A_254 = vector.extract_strided_slice %reshape3A {offsets = [0, 0, 64], sizes = [17, 224, 32], strides = [1, 1, 1]} : vector<17x224x128xf32> to vector<17x224x32xf32>
    %slice3A_255 = vector.extract_strided_slice %slice3A_254 {offsets = [0, 0, 0], sizes = [16, 224, 32], strides = [1, 1, 1]} : vector<17x224x32xf32> to vector<16x224x32xf32>
    %slice3A_256 = vector.extract_strided_slice %slice3A_254 {offsets = [1, 0, 0], sizes = [16, 224, 32], strides = [1, 1, 1]} : vector<17x224x32xf32> to vector<16x224x32xf32>
    %slice3A_257 = vector.extract_strided_slice %slice3A_255 {offsets = [0, 1, 0], sizes = [16, 223, 32], strides = [1, 1, 1]} : vector<16x224x32xf32> to vector<16x223x32xf32>
    %slice3A_258 = vector.extract_strided_slice %slice3A_255 {offsets = [0, 223, 0], sizes = [16, 1, 32], strides = [1, 1, 1]} : vector<16x224x32xf32> to vector<16x1x32xf32>
    %concatenate3A_259 = tpu.concatenate %slice3A_257, %slice3A_258 in 1 : vector<16x223x32xf32>, vector<16x1x32xf32> -> vector<16x224x32xf32>
    %slice3A_260 = vector.extract_strided_slice %slice3A_256 {offsets = [0, 1, 0], sizes = [16, 223, 32], strides = [1, 1, 1]} : vector<16x224x32xf32> to vector<16x223x32xf32>
    %slice3A_261 = vector.extract_strided_slice %slice3A_256 {offsets = [0, 223, 0], sizes = [16, 1, 32], strides = [1, 1, 1]} : vector<16x224x32xf32> to vector<16x1x32xf32>
    %concatenate3A_262 = tpu.concatenate %slice3A_260, %slice3A_261 in 1 : vector<16x223x32xf32>, vector<16x1x32xf32> -> vector<16x224x32xf32>
    %concatenate3A_263 = tpu.concatenate %slice3A_255, %concatenate3A_259, %slice3A_256, %concatenate3A_262 in 2 : vector<16x224x32xf32>, vector<16x224x32xf32>, vector<16x224x32xf32>, vector<16x224x32xf32> -> vector<16x224x128xf32>
    %swap3A_264 = arith.constant 0 : index
    %swap3A_265 = arith.constant 0 : index
    %swap3A_266 = arith.constant 0 : index
    %swap3A_267 = vector.load %arg5[%swap3A_264, %swap3A_265, %swap3A_266] : memref<16x224x128xf32, #tpu.memory_space<vmem>>, vector<16x224x128xf32>
    tpu.vector_store %arg5[%swap3A_264, %swap3A_265, %swap3A_266], %concatenate3A_263 {strides = array<i32>} : memref<16x224x128xf32, #tpu.memory_space<vmem>>, vector<16x224x128xf32>,
    %jit3A_268 = arith.constant 14 : i32
    %div3A_269 = arith.divsi %mul3A_2, %jit3A_268 : i32
    %sign3A_270 = arith.constant 0 : i32
    %sign3A_271 = arith.cmpi sgt, %mul3A_2, %sign3A_270 : i32
    %sign3A_272 = arith.extui %sign3A_271 : i1 to i32
    %sign3A_273 = arith.constant 0 : i32
    %sign3A_274 = arith.cmpi slt, %mul3A_2, %sign3A_273 : i32
    %sign3A_275 = arith.extui %sign3A_274 : i1 to i32
    %sign3A_276 = arith.subi %sign3A_272, %sign3A_275 : i32
    %sign3A_277 = arith.constant 0 : i32
    %sign3A_278 = arith.cmpi sgt, %jit3A_268, %sign3A_277 : i32
    %sign3A_279 = arith.extui %sign3A_278 : i1 to i32
    %sign3A_280 = arith.constant 0 : i32
    %sign3A_281 = arith.cmpi slt, %jit3A_268, %sign3A_280 : i32
    %sign3A_282 = arith.extui %sign3A_281 : i1 to i32
    %sign3A_283 = arith.subi %sign3A_279, %sign3A_282 : i32
    %ne3A_284 = arith.cmpi ne, %sign3A_276, %sign3A_283 : i32
    %rem3A_285 = arith.remsi %mul3A_2, %jit3A_268 : i32
    %ne3A_286 = arith.constant 0 : i32
    %ne3A_287 = arith.cmpi ne, %rem3A_285, %ne3A_286 : i32
    %and3A_288 = arith.andi %ne3A_284, %ne3A_287 : i1
    %sub3A_289 = arith.constant 1 : i32
    %sub3A_290 = arith.subi %div3A_269, %sub3A_289 : i32
    %select_n3A_291 = arith.select %and3A_288, %sub3A_290, %div3A_269 : i32
    %mul3A_292 = arith.constant 4 : i32
    %mul3A_293 = arith.muli %select_n3A_291, %mul3A_292 : i32
    %add3A_294 = arith.constant 2 : i32
    %add3A_295 = arith.addi %mul3A_293, %add3A_294 : i32
    %mul3A_296 = arith.constant 224 : i32
    %mul3A_297 = arith.muli %add3A_295, %mul3A_296 : i32
    %jit3A_298 = arith.constant 14 : i32
    %eq3A_299 = arith.constant 0 : i32
    %eq3A_300 = arith.cmpi eq, %jit3A_298, %eq3A_299 : i32
    %jit3A_301 = arith.constant 1 : i32
    %select_n3A_302 = arith.select %eq3A_300, %jit3A_301, %jit3A_298 : i32
    %rem3A_303 = arith.remsi %mul3A_2, %select_n3A_302 : i32
    %ne3A_304 = arith.constant 0 : i32
    %ne3A_305 = arith.cmpi ne, %rem3A_303, %ne3A_304 : i32
    %lt3A_306 = arith.constant 0 : i32
    %lt3A_307 = arith.cmpi slt, %rem3A_303, %lt3A_306 : i32
    %lt3A_308 = arith.constant 0 : i32
    %lt3A_309 = arith.cmpi slt, %select_n3A_302, %lt3A_308 : i32
    %ne3A_310 = arith.xori %lt3A_307, %lt3A_309 : i1
    %and3A_311 = arith.andi %ne3A_310, %ne3A_305 : i1
    %add3A_312 = arith.addi %rem3A_303, %select_n3A_302 : i32
    %select_n3A_313 = arith.select %and3A_311, %add3A_312, %rem3A_303 : i32
    %mul3A_314 = arith.constant 16 : i32
    %mul3A_315 = arith.muli %select_n3A_313, %mul3A_314 : i32
    %add3A_316 = arith.addi %mul3A_297, %mul3A_315 : i32
    %dma_start3A_317 = arith.constant 0 : i32
    %dma_start3A_318 = arith.constant 0 : i32
    %dma_start3A_319 = tpu.memref_slice %arg2[%add3A_316, %dma_start3A_317, %dma_start3A_318] : memref<1792x224x128xf32, #tpu.memory_space<any>> -> memref<16x224x128xf32, #tpu.memory_space<any>>
    tpu.enqueue_dma source(%arg5 : memref<16x224x128xf32, #tpu.memory_space<vmem>>) target(%dma_start3A_319 : memref<16x224x128xf32, #tpu.memory_space<any>>) target_semaphore(%arg8 : memref<!tpu.dma_semaphore, #tpu.memory_space<semaphore_mem>>)
    %jit3A_320 = arith.constant 14 : i32
    %div3A_321 = arith.divsi %mul3A_2, %jit3A_320 : i32
    %sign3A_322 = arith.constant 0 : i32
    %sign3A_323 = arith.cmpi sgt, %mul3A_2, %sign3A_322 : i32
    %sign3A_324 = arith.extui %sign3A_323 : i1 to i32
    %sign3A_325 = arith.constant 0 : i32
    %sign3A_326 = arith.cmpi slt, %mul3A_2, %sign3A_325 : i32
    %sign3A_327 = arith.extui %sign3A_326 : i1 to i32
    %sign3A_328 = arith.subi %sign3A_324, %sign3A_327 : i32
    %sign3A_329 = arith.constant 0 : i32
    %sign3A_330 = arith.cmpi sgt, %jit3A_320, %sign3A_329 : i32
    %sign3A_331 = arith.extui %sign3A_330 : i1 to i32
    %sign3A_332 = arith.constant 0 : i32
    %sign3A_333 = arith.cmpi slt, %jit3A_320, %sign3A_332 : i32
    %sign3A_334 = arith.extui %sign3A_333 : i1 to i32
    %sign3A_335 = arith.subi %sign3A_331, %sign3A_334 : i32
    %ne3A_336 = arith.cmpi ne, %sign3A_328, %sign3A_335 : i32
    %rem3A_337 = arith.remsi %mul3A_2, %jit3A_320 : i32
    %ne3A_338 = arith.constant 0 : i32
    %ne3A_339 = arith.cmpi ne, %rem3A_337, %ne3A_338 : i32
    %and3A_340 = arith.andi %ne3A_336, %ne3A_339 : i1
    %sub3A_341 = arith.constant 1 : i32
    %sub3A_342 = arith.subi %div3A_321, %sub3A_341 : i32
    %select_n3A_343 = arith.select %and3A_340, %sub3A_342, %div3A_321 : i32
    %mul3A_344 = arith.constant 4 : i32
    %mul3A_345 = arith.muli %select_n3A_343, %mul3A_344 : i32
    %add3A_346 = arith.constant 1 : i32
    %add3A_347 = arith.addi %mul3A_345, %add3A_346 : i32
    %mul3A_348 = arith.constant 224 : i32
    %mul3A_349 = arith.muli %add3A_347, %mul3A_348 : i32
    %jit3A_350 = arith.constant 14 : i32
    %eq3A_351 = arith.constant 0 : i32
    %eq3A_352 = arith.cmpi eq, %jit3A_350, %eq3A_351 : i32
    %jit3A_353 = arith.constant 1 : i32
    %select_n3A_354 = arith.select %eq3A_352, %jit3A_353, %jit3A_350 : i32
    %rem3A_355 = arith.remsi %mul3A_2, %select_n3A_354 : i32
    %ne3A_356 = arith.constant 0 : i32
    %ne3A_357 = arith.cmpi ne, %rem3A_355, %ne3A_356 : i32
    %lt3A_358 = arith.constant 0 : i32
    %lt3A_359 = arith.cmpi slt, %rem3A_355, %lt3A_358 : i32
    %lt3A_360 = arith.constant 0 : i32
    %lt3A_361 = arith.cmpi slt, %select_n3A_354, %lt3A_360 : i32
    %ne3A_362 = arith.xori %lt3A_359, %lt3A_361 : i1
    %and3A_363 = arith.andi %ne3A_362, %ne3A_357 : i1
    %add3A_364 = arith.addi %rem3A_355, %select_n3A_354 : i32
    %select_n3A_365 = arith.select %and3A_363, %add3A_364, %rem3A_355 : i32
    %mul3A_366 = arith.constant 16 : i32
    %mul3A_367 = arith.muli %select_n3A_365, %mul3A_366 : i32
    %add3A_368 = arith.addi %mul3A_349, %mul3A_367 : i32
    %dma_wait3A_369 = arith.constant 0 : i32
    %dma_wait3A_370 = arith.constant 0 : i32
    %dma_wait3A_371 = tpu.memref_slice %arg2[%add3A_368, %dma_wait3A_369, %dma_wait3A_370] : memref<1792x224x128xf32, #tpu.memory_space<any>> -> memref<16x224x128xf32, #tpu.memory_space<any>>
    tpu.wait_dma2 semaphore(%arg8 : memref<!tpu.dma_semaphore, #tpu.memory_space<semaphore_mem>>) src(%arg6 : memref<16x224x128xf32, #tpu.memory_space<vmem>>) dst(%dma_wait3A_371 : memref<16x224x128xf32, #tpu.memory_space<any>>)
    %slice3A_372 = vector.extract_strided_slice %reshape3A {offsets = [0, 0, 96], sizes = [17, 224, 32], strides = [1, 1, 1]} : vector<17x224x128xf32> to vector<17x224x32xf32>
    %slice3A_373 = vector.extract_strided_slice %slice3A_372 {offsets = [0, 0, 0], sizes = [16, 224, 32], strides = [1, 1, 1]} : vector<17x224x32xf32> to vector<16x224x32xf32>
    %slice3A_374 = vector.extract_strided_slice %slice3A_372 {offsets = [1, 0, 0], sizes = [16, 224, 32], strides = [1, 1, 1]} : vector<17x224x32xf32> to vector<16x224x32xf32>
    %slice3A_375 = vector.extract_strided_slice %slice3A_373 {offsets = [0, 1, 0], sizes = [16, 223, 32], strides = [1, 1, 1]} : vector<16x224x32xf32> to vector<16x223x32xf32>
    %slice3A_376 = vector.extract_strided_slice %slice3A_373 {offsets = [0, 223, 0], sizes = [16, 1, 32], strides = [1, 1, 1]} : vector<16x224x32xf32> to vector<16x1x32xf32>
    %concatenate3A_377 = tpu.concatenate %slice3A_375, %slice3A_376 in 1 : vector<16x223x32xf32>, vector<16x1x32xf32> -> vector<16x224x32xf32>
    %slice3A_378 = vector.extract_strided_slice %slice3A_374 {offsets = [0, 1, 0], sizes = [16, 223, 32], strides = [1, 1, 1]} : vector<16x224x32xf32> to vector<16x223x32xf32>
    %slice3A_379 = vector.extract_strided_slice %slice3A_374 {offsets = [0, 223, 0], sizes = [16, 1, 32], strides = [1, 1, 1]} : vector<16x224x32xf32> to vector<16x1x32xf32>
    %concatenate3A_380 = tpu.concatenate %slice3A_378, %slice3A_379 in 1 : vector<16x223x32xf32>, vector<16x1x32xf32> -> vector<16x224x32xf32>
    %concatenate3A_381 = tpu.concatenate %slice3A_373, %concatenate3A_377, %slice3A_374, %concatenate3A_380 in 2 : vector<16x224x32xf32>, vector<16x224x32xf32>, vector<16x224x32xf32>, vector<16x224x32xf32> -> vector<16x224x128xf32>
    %swap3A_382 = arith.constant 0 : index
    %swap3A_383 = arith.constant 0 : index
    %swap3A_384 = arith.constant 0 : index
    %swap3A_385 = vector.load %arg6[%swap3A_382, %swap3A_383, %swap3A_384] : memref<16x224x128xf32, #tpu.memory_space<vmem>>, vector<16x224x128xf32>
    tpu.vector_store %arg6[%swap3A_382, %swap3A_383, %swap3A_384], %concatenate3A_381 {strides = array<i32>} : memref<16x224x128xf32, #tpu.memory_space<vmem>>, vector<16x224x128xf32>,
    %jit3A_386 = arith.constant 14 : i32
    %div3A_387 = arith.divsi %mul3A_2, %jit3A_386 : i32
    %sign3A_388 = arith.constant 0 : i32
    %sign3A_389 = arith.cmpi sgt, %mul3A_2, %sign3A_388 : i32
    %sign3A_390 = arith.extui %sign3A_389 : i1 to i32
    %sign3A_391 = arith.constant 0 : i32
    %sign3A_392 = arith.cmpi slt, %mul3A_2, %sign3A_391 : i32
    %sign3A_393 = arith.extui %sign3A_392 : i1 to i32
    %sign3A_394 = arith.subi %sign3A_390, %sign3A_393 : i32
    %sign3A_395 = arith.constant 0 : i32
    %sign3A_396 = arith.cmpi sgt, %jit3A_386, %sign3A_395 : i32
    %sign3A_397 = arith.extui %sign3A_396 : i1 to i32
    %sign3A_398 = arith.constant 0 : i32
    %sign3A_399 = arith.cmpi slt, %jit3A_386, %sign3A_398 : i32
    %sign3A_400 = arith.extui %sign3A_399 : i1 to i32
    %sign3A_401 = arith.subi %sign3A_397, %sign3A_400 : i32
    %ne3A_402 = arith.cmpi ne, %sign3A_394, %sign3A_401 : i32
    %rem3A_403 = arith.remsi %mul3A_2, %jit3A_386 : i32
    %ne3A_404 = arith.constant 0 : i32
    %ne3A_405 = arith.cmpi ne, %rem3A_403, %ne3A_404 : i32
    %and3A_406 = arith.andi %ne3A_402, %ne3A_405 : i1
    %sub3A_407 = arith.constant 1 : i32
    %sub3A_408 = arith.subi %div3A_387, %sub3A_407 : i32
    %select_n3A_409 = arith.select %and3A_406, %sub3A_408, %div3A_387 : i32
    %mul3A_410 = arith.constant 4 : i32
    %mul3A_411 = arith.muli %select_n3A_409, %mul3A_410 : i32
    %add3A_412 = arith.constant 3 : i32
    %add3A_413 = arith.addi %mul3A_411, %add3A_412 : i32
    %mul3A_414 = arith.constant 224 : i32
    %mul3A_415 = arith.muli %add3A_413, %mul3A_414 : i32
    %jit3A_416 = arith.constant 14 : i32
    %eq3A_417 = arith.constant 0 : i32
    %eq3A_418 = arith.cmpi eq, %jit3A_416, %eq3A_417 : i32
    %jit3A_419 = arith.constant 1 : i32
    %select_n3A_420 = arith.select %eq3A_418, %jit3A_419, %jit3A_416 : i32
    %rem3A_421 = arith.remsi %mul3A_2, %select_n3A_420 : i32
    %ne3A_422 = arith.constant 0 : i32
    %ne3A_423 = arith.cmpi ne, %rem3A_421, %ne3A_422 : i32
    %lt3A_424 = arith.constant 0 : i32
    %lt3A_425 = arith.cmpi slt, %rem3A_421, %lt3A_424 : i32
    %lt3A_426 = arith.constant 0 : i32
    %lt3A_427 = arith.cmpi slt, %select_n3A_420, %lt3A_426 : i32
    %ne3A_428 = arith.xori %lt3A_425, %lt3A_427 : i1
    %and3A_429 = arith.andi %ne3A_428, %ne3A_423 : i1
    %add3A_430 = arith.addi %rem3A_421, %select_n3A_420 : i32
    %select_n3A_431 = arith.select %and3A_429, %add3A_430, %rem3A_421 : i32
    %mul3A_432 = arith.constant 16 : i32
    %mul3A_433 = arith.muli %select_n3A_431, %mul3A_432 : i32
    %add3A_434 = arith.addi %mul3A_415, %mul3A_433 : i32
    %dma_start3A_435 = arith.constant 0 : i32
    %dma_start3A_436 = arith.constant 0 : i32
    %dma_start3A_437 = tpu.memref_slice %arg2[%add3A_434, %dma_start3A_435, %dma_start3A_436] : memref<1792x224x128xf32, #tpu.memory_space<any>> -> memref<16x224x128xf32, #tpu.memory_space<any>>
    tpu.enqueue_dma source(%arg6 : memref<16x224x128xf32, #tpu.memory_space<vmem>>) target(%dma_start3A_437 : memref<16x224x128xf32, #tpu.memory_space<any>>) target_semaphore(%arg8 : memref<!tpu.dma_semaphore, #tpu.memory_space<semaphore_mem>>)
    %mul3A_438 = arith.constant 2 : i32
    %mul3A_439 = arith.muli %mul3A_438, %arg0 : i32
    %add3A_440 = arith.constant 1 : i32
    %add3A_441 = arith.addi %mul3A_439, %add3A_440 : i32
    %jit3A_442 = arith.constant 14 : i32
    %div3A_443 = arith.divsi %add3A_441, %jit3A_442 : i32
    %sign3A_444 = arith.constant 0 : i32
    %sign3A_445 = arith.cmpi sgt, %add3A_441, %sign3A_444 : i32
    %sign3A_446 = arith.extui %sign3A_445 : i1 to i32
    %sign3A_447 = arith.constant 0 : i32
    %sign3A_448 = arith.cmpi slt, %add3A_441, %sign3A_447 : i32
    %sign3A_449 = arith.extui %sign3A_448 : i1 to i32
    %sign3A_450 = arith.subi %sign3A_446, %sign3A_449 : i32
    %sign3A_451 = arith.constant 0 : i32
    %sign3A_452 = arith.cmpi sgt, %jit3A_442, %sign3A_451 : i32
    %sign3A_453 = arith.extui %sign3A_452 : i1 to i32
    %sign3A_454 = arith.constant 0 : i32
    %sign3A_455 = arith.cmpi slt, %jit3A_442, %sign3A_454 : i32
    %sign3A_456 = arith.extui %sign3A_455 : i1 to i32
    %sign3A_457 = arith.subi %sign3A_453, %sign3A_456 : i32
    %ne3A_458 = arith.cmpi ne, %sign3A_450, %sign3A_457 : i32
    %rem3A_459 = arith.remsi %add3A_441, %jit3A_442 : i32
    %ne3A_460 = arith.constant 0 : i32
    %ne3A_461 = arith.cmpi ne, %rem3A_459, %ne3A_460 : i32
    %and3A_462 = arith.andi %ne3A_458, %ne3A_461 : i1
    %sub3A_463 = arith.constant 1 : i32
    %sub3A_464 = arith.subi %div3A_443, %sub3A_463 : i32
    %select_n3A_465 = arith.select %and3A_462, %sub3A_464, %div3A_443 : i32
    %jit3A_466 = arith.constant 14 : i32
    %eq3A_467 = arith.constant 0 : i32
    %eq3A_468 = arith.cmpi eq, %jit3A_466, %eq3A_467 : i32
    %jit3A_469 = arith.constant 1 : i32
    %select_n3A_470 = arith.select %eq3A_468, %jit3A_469, %jit3A_466 : i32
    %rem3A_471 = arith.remsi %add3A_441, %select_n3A_470 : i32
    %ne3A_472 = arith.constant 0 : i32
    %ne3A_473 = arith.cmpi ne, %rem3A_471, %ne3A_472 : i32
    %lt3A_474 = arith.constant 0 : i32
    %lt3A_475 = arith.cmpi slt, %rem3A_471, %lt3A_474 : i32
    %lt3A_476 = arith.constant 0 : i32
    %lt3A_477 = arith.cmpi slt, %select_n3A_470, %lt3A_476 : i32
    %ne3A_478 = arith.xori %lt3A_475, %lt3A_477 : i1
    %and3A_479 = arith.andi %ne3A_478, %ne3A_473 : i1
    %add3A_480 = arith.addi %rem3A_471, %select_n3A_470 : i32
    %select_n3A_481 = arith.select %and3A_479, %add3A_480, %rem3A_471 : i32
    %mul3A_482 = arith.constant 50176 : i32
    %mul3A_483 = arith.muli %select_n3A_465, %mul3A_482 : i32
    %mul3A_484 = arith.constant 16 : i32
    %mul3A_485 = arith.muli %select_n3A_481, %mul3A_484 : i32
    %mul3A_486 = arith.constant 224 : i32
    %mul3A_487 = arith.muli %mul3A_485, %mul3A_486 : i32
    %add3A_488 = arith.addi %mul3A_483, %mul3A_487 : i32
    %eq3A_489 = arith.constant 13 : i32
    %eq3A_490 = arith.cmpi eq, %select_n3A_481, %eq3A_489 : i32
    %add3A_491 = arith.constant 3360 : i32
    %add3A_492 = arith.addi %add3A_488, %add3A_491 : i32
    %add3A_493 = arith.constant 3584 : i32
    %add3A_494 = arith.addi %add3A_488, %add3A_493 : i32
    %select_n3A_495 = arith.select %eq3A_490, %add3A_492, %add3A_494 : i32
    %dma_wait3A_496 = arith.constant 0 : i32
    %dma_wait3A_497 = arith.constant 0 : i32
    %dma_wait3A_498 = tpu.memref_slice %arg4[%dma_wait3A_496, %dma_wait3A_497] : memref<3808x128xf32, #tpu.memory_space<vmem>> -> memref<3584x128xf32, #tpu.memory_space<vmem>>
    %dma_wait3A_499 = arith.constant 0 : i32
    %dma_wait3A_500 = tpu.memref_slice %arg1[%add3A_488, %dma_wait3A_499] : memref<100352x128xf32, #tpu.memory_space<any>> -> memref<3584x128xf32, #tpu.memory_space<any>>
    tpu.wait_dma2 semaphore(%arg7 : memref<!tpu.dma_semaphore, #tpu.memory_space<semaphore_mem>>) src(%dma_wait3A_500 : memref<3584x128xf32, #tpu.memory_space<any>>) dst(%dma_wait3A_498 : memref<3584x128xf32, #tpu.memory_space<vmem>>)
    %dma_wait3A_501 = arith.constant 3584 : i32
    %dma_wait3A_502 = arith.constant 0 : i32
    %dma_wait3A_503 = tpu.memref_slice %arg4[%dma_wait3A_501, %dma_wait3A_502] : memref<3808x128xf32, #tpu.memory_space<vmem>> -> memref<224x128xf32, #tpu.memory_space<vmem>>
    %dma_wait3A_504 = arith.constant 0 : i32
    %dma_wait3A_505 = tpu.memref_slice %arg1[%select_n3A_495, %dma_wait3A_504] : memref<100352x128xf32, #tpu.memory_space<any>> -> memref<224x128xf32, #tpu.memory_space<any>>
    tpu.wait_dma2 semaphore(%arg7 : memref<!tpu.dma_semaphore, #tpu.memory_space<semaphore_mem>>) src(%dma_wait3A_505 : memref<224x128xf32, #tpu.memory_space<any>>) dst(%dma_wait3A_503 : memref<224x128xf32, #tpu.memory_space<vmem>>)
    %add3A_506 = arith.constant 1 : i32
    %add3A_507 = arith.addi %add3A_441, %add3A_506 : i32
    %lt3A_508 = arith.constant 28 : i32
    %lt3A_509 = arith.cmpi slt, %add3A_507, %lt3A_508 : i32
    %convert_element_type3A_510 = arith.extui %lt3A_509 : i1 to i32
    %cond3A_511 = arith.constant 0 : i32
    %cond3A_512 = arith.cmpi ne, %convert_element_type3A_510, %cond3A_511 : i32
    scf.if %cond3A_512 {
      %add3A_900 = arith.constant 1 : i32
      %add3A_901 = arith.addi %add3A_441, %add3A_900 : i32
      %jit3A_902 = arith.constant 14 : i32
      %div3A_903 = arith.divsi %add3A_901, %jit3A_902 : i32
      %sign3A_904 = arith.constant 0 : i32
      %sign3A_905 = arith.cmpi sgt, %add3A_901, %sign3A_904 : i32
      %sign3A_906 = arith.extui %sign3A_905 : i1 to i32
      %sign3A_907 = arith.constant 0 : i32
      %sign3A_908 = arith.cmpi slt, %add3A_901, %sign3A_907 : i32
      %sign3A_909 = arith.extui %sign3A_908 : i1 to i32
      %sign3A_910 = arith.subi %sign3A_906, %sign3A_909 : i32
      %sign3A_911 = arith.constant 0 : i32
      %sign3A_912 = arith.cmpi sgt, %jit3A_902, %sign3A_911 : i32
      %sign3A_913 = arith.extui %sign3A_912 : i1 to i32
      %sign3A_914 = arith.constant 0 : i32
      %sign3A_915 = arith.cmpi slt, %jit3A_902, %sign3A_914 : i32
      %sign3A_916 = arith.extui %sign3A_915 : i1 to i32
      %sign3A_917 = arith.subi %sign3A_913, %sign3A_916 : i32
      %ne3A_918 = arith.cmpi ne, %sign3A_910, %sign3A_917 : i32
      %rem3A_919 = arith.remsi %add3A_901, %jit3A_902 : i32
      %ne3A_920 = arith.constant 0 : i32
      %ne3A_921 = arith.cmpi ne, %rem3A_919, %ne3A_920 : i32
      %and3A_922 = arith.andi %ne3A_918, %ne3A_921 : i1
      %sub3A_923 = arith.constant 1 : i32
      %sub3A_924 = arith.subi %div3A_903, %sub3A_923 : i32
      %select_n3A_925 = arith.select %and3A_922, %sub3A_924, %div3A_903 : i32
      %jit3A_926 = arith.constant 14 : i32
      %eq3A_927 = arith.constant 0 : i32
      %eq3A_928 = arith.cmpi eq, %jit3A_926, %eq3A_927 : i32
      %jit3A_929 = arith.constant 1 : i32
      %select_n3A_930 = arith.select %eq3A_928, %jit3A_929, %jit3A_926 : i32
      %rem3A_931 = arith.remsi %add3A_901, %select_n3A_930 : i32
      %ne3A_932 = arith.constant 0 : i32
      %ne3A_933 = arith.cmpi ne, %rem3A_931, %ne3A_932 : i32
      %lt3A_934 = arith.constant 0 : i32
      %lt3A_935 = arith.cmpi slt, %rem3A_931, %lt3A_934 : i32
      %lt3A_936 = arith.constant 0 : i32
      %lt3A_937 = arith.cmpi slt, %select_n3A_930, %lt3A_936 : i32
      %ne3A_938 = arith.xori %lt3A_935, %lt3A_937 : i1
      %and3A_939 = arith.andi %ne3A_938, %ne3A_933 : i1
      %add3A_940 = arith.addi %rem3A_931, %select_n3A_930 : i32
      %select_n3A_941 = arith.select %and3A_939, %add3A_940, %rem3A_931 : i32
      %mul3A_942 = arith.constant 50176 : i32
      %mul3A_943 = arith.muli %select_n3A_925, %mul3A_942 : i32
      %mul3A_944 = arith.constant 16 : i32
      %mul3A_945 = arith.muli %select_n3A_941, %mul3A_944 : i32
      %mul3A_946 = arith.constant 224 : i32
      %mul3A_947 = arith.muli %mul3A_945, %mul3A_946 : i32
      %add3A_948 = arith.addi %mul3A_943, %mul3A_947 : i32
      %eq3A_949 = arith.constant 13 : i32
      %eq3A_950 = arith.cmpi eq, %select_n3A_941, %eq3A_949 : i32
      %add3A_951 = arith.constant 3360 : i32
      %add3A_952 = arith.addi %add3A_948, %add3A_951 : i32
      %add3A_953 = arith.constant 3584 : i32
      %add3A_954 = arith.addi %add3A_948, %add3A_953 : i32
      %select_n3A_955 = arith.select %eq3A_950, %add3A_952, %add3A_954 : i32
      %dma_start3A_956 = arith.constant 0 : i32
      %dma_start3A_957 = arith.constant 0 : i32
      %dma_start3A_958 = tpu.memref_slice %arg3[%dma_start3A_956, %dma_start3A_957] : memref<3808x128xf32, #tpu.memory_space<vmem>> -> memref<3584x128xf32, #tpu.memory_space<vmem>>
      %dma_start3A_959 = arith.constant 0 : i32
      %dma_start3A_960 = tpu.memref_slice %arg1[%add3A_948, %dma_start3A_959] : memref<100352x128xf32, #tpu.memory_space<any>> -> memref<3584x128xf32, #tpu.memory_space<any>>
      tpu.enqueue_dma source(%dma_start3A_960 : memref<3584x128xf32, #tpu.memory_space<any>>) target(%dma_start3A_958 : memref<3584x128xf32, #tpu.memory_space<vmem>>) target_semaphore(%arg7 : memref<!tpu.dma_semaphore, #tpu.memory_space<semaphore_mem>>)
      %dma_start3A_961 = arith.constant 3584 : i32
      %dma_start3A_962 = arith.constant 0 : i32
      %dma_start3A_963 = tpu.memref_slice %arg3[%dma_start3A_961, %dma_start3A_962] : memref<3808x128xf32, #tpu.memory_space<vmem>> -> memref<224x128xf32, #tpu.memory_space<vmem>>
      %dma_start3A_964 = arith.constant 0 : i32
      %dma_start3A_965 = tpu.memref_slice %arg1[%select_n3A_955, %dma_start3A_964] : memref<100352x128xf32, #tpu.memory_space<any>> -> memref<224x128xf32, #tpu.memory_space<any>>
      tpu.enqueue_dma source(%dma_start3A_965 : memref<224x128xf32, #tpu.memory_space<any>>) target(%dma_start3A_963 : memref<224x128xf32, #tpu.memory_space<vmem>>) target_semaphore(%arg7 : memref<!tpu.dma_semaphore, #tpu.memory_space<semaphore_mem>>)
    } else {
    }
    %get3A_513 = arith.constant 0 : index
    %get3A_514 = arith.constant 0 : index
    %get3A_515 = vector.load %arg4[%get3A_513, %get3A_514] : memref<3808x128xf32, #tpu.memory_space<vmem>>, vector<3808x128xf32>
    %reshape3A_516 = vector.shape_cast %get3A_515 : vector<3808x128xf32> to vector<17x224x128xf32>
    %gt3A_517 = arith.constant 0 : i32
    %gt3A_518 = arith.cmpi sgt, %add3A_441, %gt3A_517 : i32
    %convert_element_type3A_519 = arith.extui %gt3A_518 : i1 to i32
    %cond3A_520 = arith.constant 0 : i32
    %cond3A_521 = arith.cmpi ne, %convert_element_type3A_519, %cond3A_520 : i32
    scf.if %cond3A_521 {
      %sub3A_900 = arith.constant 1 : i32
      %sub3A_901 = arith.subi %add3A_441, %sub3A_900 : i32
      %jit3A_902 = arith.constant 14 : i32
      %div3A_903 = arith.divsi %sub3A_901, %jit3A_902 : i32
      %sign3A_904 = arith.constant 0 : i32
      %sign3A_905 = arith.cmpi sgt, %sub3A_901, %sign3A_904 : i32
      %sign3A_906 = arith.extui %sign3A_905 : i1 to i32
      %sign3A_907 = arith.constant 0 : i32
      %sign3A_908 = arith.cmpi slt, %sub3A_901, %sign3A_907 : i32
      %sign3A_909 = arith.extui %sign3A_908 : i1 to i32
      %sign3A_910 = arith.subi %sign3A_906, %sign3A_909 : i32
      %sign3A_911 = arith.constant 0 : i32
      %sign3A_912 = arith.cmpi sgt, %jit3A_902, %sign3A_911 : i32
      %sign3A_913 = arith.extui %sign3A_912 : i1 to i32
      %sign3A_914 = arith.constant 0 : i32
      %sign3A_915 = arith.cmpi slt, %jit3A_902, %sign3A_914 : i32
      %sign3A_916 = arith.extui %sign3A_915 : i1 to i32
      %sign3A_917 = arith.subi %sign3A_913, %sign3A_916 : i32
      %ne3A_918 = arith.cmpi ne, %sign3A_910, %sign3A_917 : i32
      %rem3A_919 = arith.remsi %sub3A_901, %jit3A_902 : i32
      %ne3A_920 = arith.constant 0 : i32
      %ne3A_921 = arith.cmpi ne, %rem3A_919, %ne3A_920 : i32
      %and3A_922 = arith.andi %ne3A_918, %ne3A_921 : i1
      %sub3A_923 = arith.constant 1 : i32
      %sub3A_924 = arith.subi %div3A_903, %sub3A_923 : i32
      %select_n3A_925 = arith.select %and3A_922, %sub3A_924, %div3A_903 : i32
      %mul3A_926 = arith.constant 4 : i32
      %mul3A_927 = arith.muli %select_n3A_925, %mul3A_926 : i32
      %add3A_928 = arith.constant 2 : i32
      %add3A_929 = arith.addi %mul3A_927, %add3A_928 : i32
      %mul3A_930 = arith.constant 224 : i32
      %mul3A_931 = arith.muli %add3A_929, %mul3A_930 : i32
      %jit3A_932 = arith.constant 14 : i32
      %eq3A_933 = arith.constant 0 : i32
      %eq3A_934 = arith.cmpi eq, %jit3A_932, %eq3A_933 : i32
      %jit3A_935 = arith.constant 1 : i32
      %select_n3A_936 = arith.select %eq3A_934, %jit3A_935, %jit3A_932 : i32
      %rem3A_937 = arith.remsi %sub3A_901, %select_n3A_936 : i32
      %ne3A_938 = arith.constant 0 : i32
      %ne3A_939 = arith.cmpi ne, %rem3A_937, %ne3A_938 : i32
      %lt3A_940 = arith.constant 0 : i32
      %lt3A_941 = arith.cmpi slt, %rem3A_937, %lt3A_940 : i32
      %lt3A_942 = arith.constant 0 : i32
      %lt3A_943 = arith.cmpi slt, %select_n3A_936, %lt3A_942 : i32
      %ne3A_944 = arith.xori %lt3A_941, %lt3A_943 : i1
      %and3A_945 = arith.andi %ne3A_944, %ne3A_939 : i1
      %add3A_946 = arith.addi %rem3A_937, %select_n3A_936 : i32
      %select_n3A_947 = arith.select %and3A_945, %add3A_946, %rem3A_937 : i32
      %mul3A_948 = arith.constant 16 : i32
      %mul3A_949 = arith.muli %select_n3A_947, %mul3A_948 : i32
      %add3A_950 = arith.addi %mul3A_931, %mul3A_949 : i32
      %dma_wait3A_951 = arith.constant 0 : i32
      %dma_wait3A_952 = arith.constant 0 : i32
      %dma_wait3A_953 = tpu.memref_slice %arg2[%add3A_950, %dma_wait3A_951, %dma_wait3A_952] : memref<1792x224x128xf32, #tpu.memory_space<any>> -> memref<16x224x128xf32, #tpu.memory_space<any>>
      tpu.wait_dma2 semaphore(%arg8 : memref<!tpu.dma_semaphore, #tpu.memory_space<semaphore_mem>>) src(%arg5 : memref<16x224x128xf32, #tpu.memory_space<vmem>>) dst(%dma_wait3A_953 : memref<16x224x128xf32, #tpu.memory_space<any>>)
    } else {
    }
    %slice3A_522 = vector.extract_strided_slice %reshape3A_516 {offsets = [0, 0, 0], sizes = [17, 224, 32], strides = [1, 1, 1]} : vector<17x224x128xf32> to vector<17x224x32xf32>
    %slice3A_523 = vector.extract_strided_slice %slice3A_522 {offsets = [0, 0, 0], sizes = [16, 224, 32], strides = [1, 1, 1]} : vector<17x224x32xf32> to vector<16x224x32xf32>
    %slice3A_524 = vector.extract_strided_slice %slice3A_522 {offsets = [1, 0, 0], sizes = [16, 224, 32], strides = [1, 1, 1]} : vector<17x224x32xf32> to vector<16x224x32xf32>
    %slice3A_525 = vector.extract_strided_slice %slice3A_523 {offsets = [0, 1, 0], sizes = [16, 223, 32], strides = [1, 1, 1]} : vector<16x224x32xf32> to vector<16x223x32xf32>
    %slice3A_526 = vector.extract_strided_slice %slice3A_523 {offsets = [0, 223, 0], sizes = [16, 1, 32], strides = [1, 1, 1]} : vector<16x224x32xf32> to vector<16x1x32xf32>
    %concatenate3A_527 = tpu.concatenate %slice3A_525, %slice3A_526 in 1 : vector<16x223x32xf32>, vector<16x1x32xf32> -> vector<16x224x32xf32>
    %slice3A_528 = vector.extract_strided_slice %slice3A_524 {offsets = [0, 1, 0], sizes = [16, 223, 32], strides = [1, 1, 1]} : vector<16x224x32xf32> to vector<16x223x32xf32>
    %slice3A_529 = vector.extract_strided_slice %slice3A_524 {offsets = [0, 223, 0], sizes = [16, 1, 32], strides = [1, 1, 1]} : vector<16x224x32xf32> to vector<16x1x32xf32>
    %concatenate3A_530 = tpu.concatenate %slice3A_528, %slice3A_529 in 1 : vector<16x223x32xf32>, vector<16x1x32xf32> -> vector<16x224x32xf32>
    %concatenate3A_531 = tpu.concatenate %slice3A_523, %concatenate3A_527, %slice3A_524, %concatenate3A_530 in 2 : vector<16x224x32xf32>, vector<16x224x32xf32>, vector<16x224x32xf32>, vector<16x224x32xf32> -> vector<16x224x128xf32>
    %swap3A_532 = arith.constant 0 : index
    %swap3A_533 = arith.constant 0 : index
    %swap3A_534 = arith.constant 0 : index
    %swap3A_535 = vector.load %arg5[%swap3A_532, %swap3A_533, %swap3A_534] : memref<16x224x128xf32, #tpu.memory_space<vmem>>, vector<16x224x128xf32>
    tpu.vector_store %arg5[%swap3A_532, %swap3A_533, %swap3A_534], %concatenate3A_531 {strides = array<i32>} : memref<16x224x128xf32, #tpu.memory_space<vmem>>, vector<16x224x128xf32>,
    %jit3A_536 = arith.constant 14 : i32
    %div3A_537 = arith.divsi %add3A_441, %jit3A_536 : i32
    %sign3A_538 = arith.constant 0 : i32
    %sign3A_539 = arith.cmpi sgt, %add3A_441, %sign3A_538 : i32
    %sign3A_540 = arith.extui %sign3A_539 : i1 to i32
    %sign3A_541 = arith.constant 0 : i32
    %sign3A_542 = arith.cmpi slt, %add3A_441, %sign3A_541 : i32
    %sign3A_543 = arith.extui %sign3A_542 : i1 to i32
    %sign3A_544 = arith.subi %sign3A_540, %sign3A_543 : i32
    %sign3A_545 = arith.constant 0 : i32
    %sign3A_546 = arith.cmpi sgt, %jit3A_536, %sign3A_545 : i32
    %sign3A_547 = arith.extui %sign3A_546 : i1 to i32
    %sign3A_548 = arith.constant 0 : i32
    %sign3A_549 = arith.cmpi slt, %jit3A_536, %sign3A_548 : i32
    %sign3A_550 = arith.extui %sign3A_549 : i1 to i32
    %sign3A_551 = arith.subi %sign3A_547, %sign3A_550 : i32
    %ne3A_552 = arith.cmpi ne, %sign3A_544, %sign3A_551 : i32
    %rem3A_553 = arith.remsi %add3A_441, %jit3A_536 : i32
    %ne3A_554 = arith.constant 0 : i32
    %ne3A_555 = arith.cmpi ne, %rem3A_553, %ne3A_554 : i32
    %and3A_556 = arith.andi %ne3A_552, %ne3A_555 : i1
    %sub3A_557 = arith.constant 1 : i32
    %sub3A_558 = arith.subi %div3A_537, %sub3A_557 : i32
    %select_n3A_559 = arith.select %and3A_556, %sub3A_558, %div3A_537 : i32
    %mul3A_560 = arith.constant 4 : i32
    %mul3A_561 = arith.muli %select_n3A_559, %mul3A_560 : i32
    %add3A_562 = arith.constant 0 : i32
    %add3A_563 = arith.addi %mul3A_561, %add3A_562 : i32
    %mul3A_564 = arith.constant 224 : i32
    %mul3A_565 = arith.muli %add3A_563, %mul3A_564 : i32
    %jit3A_566 = arith.constant 14 : i32
    %eq3A_567 = arith.constant 0 : i32
    %eq3A_568 = arith.cmpi eq, %jit3A_566, %eq3A_567 : i32
    %jit3A_569 = arith.constant 1 : i32
    %select_n3A_570 = arith.select %eq3A_568, %jit3A_569, %jit3A_566 : i32
    %rem3A_571 = arith.remsi %add3A_441, %select_n3A_570 : i32
    %ne3A_572 = arith.constant 0 : i32
    %ne3A_573 = arith.cmpi ne, %rem3A_571, %ne3A_572 : i32
    %lt3A_574 = arith.constant 0 : i32
    %lt3A_575 = arith.cmpi slt, %rem3A_571, %lt3A_574 : i32
    %lt3A_576 = arith.constant 0 : i32
    %lt3A_577 = arith.cmpi slt, %select_n3A_570, %lt3A_576 : i32
    %ne3A_578 = arith.xori %lt3A_575, %lt3A_577 : i1
    %and3A_579 = arith.andi %ne3A_578, %ne3A_573 : i1
    %add3A_580 = arith.addi %rem3A_571, %select_n3A_570 : i32
    %select_n3A_581 = arith.select %and3A_579, %add3A_580, %rem3A_571 : i32
    %mul3A_582 = arith.constant 16 : i32
    %mul3A_583 = arith.muli %select_n3A_581, %mul3A_582 : i32
    %add3A_584 = arith.addi %mul3A_565, %mul3A_583 : i32
    %dma_start3A_585 = arith.constant 0 : i32
    %dma_start3A_586 = arith.constant 0 : i32
    %dma_start3A_587 = tpu.memref_slice %arg2[%add3A_584, %dma_start3A_585, %dma_start3A_586] : memref<1792x224x128xf32, #tpu.memory_space<any>> -> memref<16x224x128xf32, #tpu.memory_space<any>>
    tpu.enqueue_dma source(%arg5 : memref<16x224x128xf32, #tpu.memory_space<vmem>>) target(%dma_start3A_587 : memref<16x224x128xf32, #tpu.memory_space<any>>) target_semaphore(%arg8 : memref<!tpu.dma_semaphore, #tpu.memory_space<semaphore_mem>>)
    %gt3A_588 = arith.constant 0 : i32
    %gt3A_589 = arith.cmpi sgt, %add3A_441, %gt3A_588 : i32
    %convert_element_type3A_590 = arith.extui %gt3A_589 : i1 to i32
    %cond3A_591 = arith.constant 0 : i32
    %cond3A_592 = arith.cmpi ne, %convert_element_type3A_590, %cond3A_591 : i32
    scf.if %cond3A_592 {
      %sub3A_900 = arith.constant 1 : i32
      %sub3A_901 = arith.subi %add3A_441, %sub3A_900 : i32
      %jit3A_902 = arith.constant 14 : i32
      %div3A_903 = arith.divsi %sub3A_901, %jit3A_902 : i32
      %sign3A_904 = arith.constant 0 : i32
      %sign3A_905 = arith.cmpi sgt, %sub3A_901, %sign3A_904 : i32
      %sign3A_906 = arith.extui %sign3A_905 : i1 to i32
      %sign3A_907 = arith.constant 0 : i32
      %sign3A_908 = arith.cmpi slt, %sub3A_901, %sign3A_907 : i32
      %sign3A_909 = arith.extui %sign3A_908 : i1 to i32
      %sign3A_910 = arith.subi %sign3A_906, %sign3A_909 : i32
      %sign3A_911 = arith.constant 0 : i32
      %sign3A_912 = arith.cmpi sgt, %jit3A_902, %sign3A_911 : i32
      %sign3A_913 = arith.extui %sign3A_912 : i1 to i32
      %sign3A_914 = arith.constant 0 : i32
      %sign3A_915 = arith.cmpi slt, %jit3A_902, %sign3A_914 : i32
      %sign3A_916 = arith.extui %sign3A_915 : i1 to i32
      %sign3A_917 = arith.subi %sign3A_913, %sign3A_916 : i32
      %ne3A_918 = arith.cmpi ne, %sign3A_910, %sign3A_917 : i32
      %rem3A_919 = arith.remsi %sub3A_901, %jit3A_902 : i32
      %ne3A_920 = arith.constant 0 : i32
      %ne3A_921 = arith.cmpi ne, %rem3A_919, %ne3A_920 : i32
      %and3A_922 = arith.andi %ne3A_918, %ne3A_921 : i1
      %sub3A_923 = arith.constant 1 : i32
      %sub3A_924 = arith.subi %div3A_903, %sub3A_923 : i32
      %select_n3A_925 = arith.select %and3A_922, %sub3A_924, %div3A_903 : i32
      %mul3A_926 = arith.constant 4 : i32
      %mul3A_927 = arith.muli %select_n3A_925, %mul3A_926 : i32
      %add3A_928 = arith.constant 3 : i32
      %add3A_929 = arith.addi %mul3A_927, %add3A_928 : i32
      %mul3A_930 = arith.constant 224 : i32
      %mul3A_931 = arith.muli %add3A_929, %mul3A_930 : i32
      %jit3A_932 = arith.constant 14 : i32
      %eq3A_933 = arith.constant 0 : i32
      %eq3A_934 = arith.cmpi eq, %jit3A_932, %eq3A_933 : i32
      %jit3A_935 = arith.constant 1 : i32
      %select_n3A_936 = arith.select %eq3A_934, %jit3A_935, %jit3A_932 : i32
      %rem3A_937 = arith.remsi %sub3A_901, %select_n3A_936 : i32
      %ne3A_938 = arith.constant 0 : i32
      %ne3A_939 = arith.cmpi ne, %rem3A_937, %ne3A_938 : i32
      %lt3A_940 = arith.constant 0 : i32
      %lt3A_941 = arith.cmpi slt, %rem3A_937, %lt3A_940 : i32
      %lt3A_942 = arith.constant 0 : i32
      %lt3A_943 = arith.cmpi slt, %select_n3A_936, %lt3A_942 : i32
      %ne3A_944 = arith.xori %lt3A_941, %lt3A_943 : i1
      %and3A_945 = arith.andi %ne3A_944, %ne3A_939 : i1
      %add3A_946 = arith.addi %rem3A_937, %select_n3A_936 : i32
      %select_n3A_947 = arith.select %and3A_945, %add3A_946, %rem3A_937 : i32
      %mul3A_948 = arith.constant 16 : i32
      %mul3A_949 = arith.muli %select_n3A_947, %mul3A_948 : i32
      %add3A_950 = arith.addi %mul3A_931, %mul3A_949 : i32
      %dma_wait3A_951 = arith.constant 0 : i32
      %dma_wait3A_952 = arith.constant 0 : i32
      %dma_wait3A_953 = tpu.memref_slice %arg2[%add3A_950, %dma_wait3A_951, %dma_wait3A_952] : memref<1792x224x128xf32, #tpu.memory_space<any>> -> memref<16x224x128xf32, #tpu.memory_space<any>>
      tpu.wait_dma2 semaphore(%arg8 : memref<!tpu.dma_semaphore, #tpu.memory_space<semaphore_mem>>) src(%arg6 : memref<16x224x128xf32, #tpu.memory_space<vmem>>) dst(%dma_wait3A_953 : memref<16x224x128xf32, #tpu.memory_space<any>>)
    } else {
    }
    %slice3A_593 = vector.extract_strided_slice %reshape3A_516 {offsets = [0, 0, 32], sizes = [17, 224, 32], strides = [1, 1, 1]} : vector<17x224x128xf32> to vector<17x224x32xf32>
    %slice3A_594 = vector.extract_strided_slice %slice3A_593 {offsets = [0, 0, 0], sizes = [16, 224, 32], strides = [1, 1, 1]} : vector<17x224x32xf32> to vector<16x224x32xf32>
    %slice3A_595 = vector.extract_strided_slice %slice3A_593 {offsets = [1, 0, 0], sizes = [16, 224, 32], strides = [1, 1, 1]} : vector<17x224x32xf32> to vector<16x224x32xf32>
    %slice3A_596 = vector.extract_strided_slice %slice3A_594 {offsets = [0, 1, 0], sizes = [16, 223, 32], strides = [1, 1, 1]} : vector<16x224x32xf32> to vector<16x223x32xf32>
    %slice3A_597 = vector.extract_strided_slice %slice3A_594 {offsets = [0, 223, 0], sizes = [16, 1, 32], strides = [1, 1, 1]} : vector<16x224x32xf32> to vector<16x1x32xf32>
    %concatenate3A_598 = tpu.concatenate %slice3A_596, %slice3A_597 in 1 : vector<16x223x32xf32>, vector<16x1x32xf32> -> vector<16x224x32xf32>
    %slice3A_599 = vector.extract_strided_slice %slice3A_595 {offsets = [0, 1, 0], sizes = [16, 223, 32], strides = [1, 1, 1]} : vector<16x224x32xf32> to vector<16x223x32xf32>
    %slice3A_600 = vector.extract_strided_slice %slice3A_595 {offsets = [0, 223, 0], sizes = [16, 1, 32], strides = [1, 1, 1]} : vector<16x224x32xf32> to vector<16x1x32xf32>
    %concatenate3A_601 = tpu.concatenate %slice3A_599, %slice3A_600 in 1 : vector<16x223x32xf32>, vector<16x1x32xf32> -> vector<16x224x32xf32>
    %concatenate3A_602 = tpu.concatenate %slice3A_594, %concatenate3A_598, %slice3A_595, %concatenate3A_601 in 2 : vector<16x224x32xf32>, vector<16x224x32xf32>, vector<16x224x32xf32>, vector<16x224x32xf32> -> vector<16x224x128xf32>
    %swap3A_603 = arith.constant 0 : index
    %swap3A_604 = arith.constant 0 : index
    %swap3A_605 = arith.constant 0 : index
    %swap3A_606 = vector.load %arg6[%swap3A_603, %swap3A_604, %swap3A_605] : memref<16x224x128xf32, #tpu.memory_space<vmem>>, vector<16x224x128xf32>
    tpu.vector_store %arg6[%swap3A_603, %swap3A_604, %swap3A_605], %concatenate3A_602 {strides = array<i32>} : memref<16x224x128xf32, #tpu.memory_space<vmem>>, vector<16x224x128xf32>,
    %jit3A_607 = arith.constant 14 : i32
    %div3A_608 = arith.divsi %add3A_441, %jit3A_607 : i32
    %sign3A_609 = arith.constant 0 : i32
    %sign3A_610 = arith.cmpi sgt, %add3A_441, %sign3A_609 : i32
    %sign3A_611 = arith.extui %sign3A_610 : i1 to i32
    %sign3A_612 = arith.constant 0 : i32
    %sign3A_613 = arith.cmpi slt, %add3A_441, %sign3A_612 : i32
    %sign3A_614 = arith.extui %sign3A_613 : i1 to i32
    %sign3A_615 = arith.subi %sign3A_611, %sign3A_614 : i32
    %sign3A_616 = arith.constant 0 : i32
    %sign3A_617 = arith.cmpi sgt, %jit3A_607, %sign3A_616 : i32
    %sign3A_618 = arith.extui %sign3A_617 : i1 to i32
    %sign3A_619 = arith.constant 0 : i32
    %sign3A_620 = arith.cmpi slt, %jit3A_607, %sign3A_619 : i32
    %sign3A_621 = arith.extui %sign3A_620 : i1 to i32
    %sign3A_622 = arith.subi %sign3A_618, %sign3A_621 : i32
    %ne3A_623 = arith.cmpi ne, %sign3A_615, %sign3A_622 : i32
    %rem3A_624 = arith.remsi %add3A_441, %jit3A_607 : i32
    %ne3A_625 = arith.constant 0 : i32
    %ne3A_626 = arith.cmpi ne, %rem3A_624, %ne3A_625 : i32
    %and3A_627 = arith.andi %ne3A_623, %ne3A_626 : i1
    %sub3A_628 = arith.constant 1 : i32
    %sub3A_629 = arith.subi %div3A_608, %sub3A_628 : i32
    %select_n3A_630 = arith.select %and3A_627, %sub3A_629, %div3A_608 : i32
    %mul3A_631 = arith.constant 4 : i32
    %mul3A_632 = arith.muli %select_n3A_630, %mul3A_631 : i32
    %add3A_633 = arith.constant 1 : i32
    %add3A_634 = arith.addi %mul3A_632, %add3A_633 : i32
    %mul3A_635 = arith.constant 224 : i32
    %mul3A_636 = arith.muli %add3A_634, %mul3A_635 : i32
    %jit3A_637 = arith.constant 14 : i32
    %eq3A_638 = arith.constant 0 : i32
    %eq3A_639 = arith.cmpi eq, %jit3A_637, %eq3A_638 : i32
    %jit3A_640 = arith.constant 1 : i32
    %select_n3A_641 = arith.select %eq3A_639, %jit3A_640, %jit3A_637 : i32
    %rem3A_642 = arith.remsi %add3A_441, %select_n3A_641 : i32
    %ne3A_643 = arith.constant 0 : i32
    %ne3A_644 = arith.cmpi ne, %rem3A_642, %ne3A_643 : i32
    %lt3A_645 = arith.constant 0 : i32
    %lt3A_646 = arith.cmpi slt, %rem3A_642, %lt3A_645 : i32
    %lt3A_647 = arith.constant 0 : i32
    %lt3A_648 = arith.cmpi slt, %select_n3A_641, %lt3A_647 : i32
    %ne3A_649 = arith.xori %lt3A_646, %lt3A_648 : i1
    %and3A_650 = arith.andi %ne3A_649, %ne3A_644 : i1
    %add3A_651 = arith.addi %rem3A_642, %select_n3A_641 : i32
    %select_n3A_652 = arith.select %and3A_650, %add3A_651, %rem3A_642 : i32
    %mul3A_653 = arith.constant 16 : i32
    %mul3A_654 = arith.muli %select_n3A_652, %mul3A_653 : i32
    %add3A_655 = arith.addi %mul3A_636, %mul3A_654 : i32
    %dma_start3A_656 = arith.constant 0 : i32
    %dma_start3A_657 = arith.constant 0 : i32
    %dma_start3A_658 = tpu.memref_slice %arg2[%add3A_655, %dma_start3A_656, %dma_start3A_657] : memref<1792x224x128xf32, #tpu.memory_space<any>> -> memref<16x224x128xf32, #tpu.memory_space<any>>
    tpu.enqueue_dma source(%arg6 : memref<16x224x128xf32, #tpu.memory_space<vmem>>) target(%dma_start3A_658 : memref<16x224x128xf32, #tpu.memory_space<any>>) target_semaphore(%arg8 : memref<!tpu.dma_semaphore, #tpu.memory_space<semaphore_mem>>)
    %jit3A_659 = arith.constant 14 : i32
    %div3A_660 = arith.divsi %add3A_441, %jit3A_659 : i32
    %sign3A_661 = arith.constant 0 : i32
    %sign3A_662 = arith.cmpi sgt, %add3A_441, %sign3A_661 : i32
    %sign3A_663 = arith.extui %sign3A_662 : i1 to i32
    %sign3A_664 = arith.constant 0 : i32
    %sign3A_665 = arith.cmpi slt, %add3A_441, %sign3A_664 : i32
    %sign3A_666 = arith.extui %sign3A_665 : i1 to i32
    %sign3A_667 = arith.subi %sign3A_663, %sign3A_666 : i32
    %sign3A_668 = arith.constant 0 : i32
    %sign3A_669 = arith.cmpi sgt, %jit3A_659, %sign3A_668 : i32
    %sign3A_670 = arith.extui %sign3A_669 : i1 to i32
    %sign3A_671 = arith.constant 0 : i32
    %sign3A_672 = arith.cmpi slt, %jit3A_659, %sign3A_671 : i32
    %sign3A_673 = arith.extui %sign3A_672 : i1 to i32
    %sign3A_674 = arith.subi %sign3A_670, %sign3A_673 : i32
    %ne3A_675 = arith.cmpi ne, %sign3A_667, %sign3A_674 : i32
    %rem3A_676 = arith.remsi %add3A_441, %jit3A_659 : i32
    %ne3A_677 = arith.constant 0 : i32
    %ne3A_678 = arith.cmpi ne, %rem3A_676, %ne3A_677 : i32
    %and3A_679 = arith.andi %ne3A_675, %ne3A_678 : i1
    %sub3A_680 = arith.constant 1 : i32
    %sub3A_681 = arith.subi %div3A_660, %sub3A_680 : i32
    %select_n3A_682 = arith.select %and3A_679, %sub3A_681, %div3A_660 : i32
    %mul3A_683 = arith.constant 4 : i32
    %mul3A_684 = arith.muli %select_n3A_682, %mul3A_683 : i32
    %add3A_685 = arith.constant 0 : i32
    %add3A_686 = arith.addi %mul3A_684, %add3A_685 : i32
    %mul3A_687 = arith.constant 224 : i32
    %mul3A_688 = arith.muli %add3A_686, %mul3A_687 : i32
    %jit3A_689 = arith.constant 14 : i32
    %eq3A_690 = arith.constant 0 : i32
    %eq3A_691 = arith.cmpi eq, %jit3A_689, %eq3A_690 : i32
    %jit3A_692 = arith.constant 1 : i32
    %select_n3A_693 = arith.select %eq3A_691, %jit3A_692, %jit3A_689 : i32
    %rem3A_694 = arith.remsi %add3A_441, %select_n3A_693 : i32
    %ne3A_695 = arith.constant 0 : i32
    %ne3A_696 = arith.cmpi ne, %rem3A_694, %ne3A_695 : i32
    %lt3A_697 = arith.constant 0 : i32
    %lt3A_698 = arith.cmpi slt, %rem3A_694, %lt3A_697 : i32
    %lt3A_699 = arith.constant 0 : i32
    %lt3A_700 = arith.cmpi slt, %select_n3A_693, %lt3A_699 : i32
    %ne3A_701 = arith.xori %lt3A_698, %lt3A_700 : i1
    %and3A_702 = arith.andi %ne3A_701, %ne3A_696 : i1
    %add3A_703 = arith.addi %rem3A_694, %select_n3A_693 : i32
    %select_n3A_704 = arith.select %and3A_702, %add3A_703, %rem3A_694 : i32
    %mul3A_705 = arith.constant 16 : i32
    %mul3A_706 = arith.muli %select_n3A_704, %mul3A_705 : i32
    %add3A_707 = arith.addi %mul3A_688, %mul3A_706 : i32
    %dma_wait3A_708 = arith.constant 0 : i32
    %dma_wait3A_709 = arith.constant 0 : i32
    %dma_wait3A_710 = tpu.memref_slice %arg2[%add3A_707, %dma_wait3A_708, %dma_wait3A_709] : memref<1792x224x128xf32, #tpu.memory_space<any>> -> memref<16x224x128xf32, #tpu.memory_space<any>>
    tpu.wait_dma2 semaphore(%arg8 : memref<!tpu.dma_semaphore, #tpu.memory_space<semaphore_mem>>) src(%arg5 : memref<16x224x128xf32, #tpu.memory_space<vmem>>) dst(%dma_wait3A_710 : memref<16x224x128xf32, #tpu.memory_space<any>>)
    %slice3A_711 = vector.extract_strided_slice %reshape3A_516 {offsets = [0, 0, 64], sizes = [17, 224, 32], strides = [1, 1, 1]} : vector<17x224x128xf32> to vector<17x224x32xf32>
    %slice3A_712 = vector.extract_strided_slice %slice3A_711 {offsets = [0, 0, 0], sizes = [16, 224, 32], strides = [1, 1, 1]} : vector<17x224x32xf32> to vector<16x224x32xf32>
    %slice3A_713 = vector.extract_strided_slice %slice3A_711 {offsets = [1, 0, 0], sizes = [16, 224, 32], strides = [1, 1, 1]} : vector<17x224x32xf32> to vector<16x224x32xf32>
    %slice3A_714 = vector.extract_strided_slice %slice3A_712 {offsets = [0, 1, 0], sizes = [16, 223, 32], strides = [1, 1, 1]} : vector<16x224x32xf32> to vector<16x223x32xf32>
    %slice3A_715 = vector.extract_strided_slice %slice3A_712 {offsets = [0, 223, 0], sizes = [16, 1, 32], strides = [1, 1, 1]} : vector<16x224x32xf32> to vector<16x1x32xf32>
    %concatenate3A_716 = tpu.concatenate %slice3A_714, %slice3A_715 in 1 : vector<16x223x32xf32>, vector<16x1x32xf32> -> vector<16x224x32xf32>
    %slice3A_717 = vector.extract_strided_slice %slice3A_713 {offsets = [0, 1, 0], sizes = [16, 223, 32], strides = [1, 1, 1]} : vector<16x224x32xf32> to vector<16x223x32xf32>
    %slice3A_718 = vector.extract_strided_slice %slice3A_713 {offsets = [0, 223, 0], sizes = [16, 1, 32], strides = [1, 1, 1]} : vector<16x224x32xf32> to vector<16x1x32xf32>
    %concatenate3A_719 = tpu.concatenate %slice3A_717, %slice3A_718 in 1 : vector<16x223x32xf32>, vector<16x1x32xf32> -> vector<16x224x32xf32>
    %concatenate3A_720 = tpu.concatenate %slice3A_712, %concatenate3A_716, %slice3A_713, %concatenate3A_719 in 2 : vector<16x224x32xf32>, vector<16x224x32xf32>, vector<16x224x32xf32>, vector<16x224x32xf32> -> vector<16x224x128xf32>
    %swap3A_721 = arith.constant 0 : index
    %swap3A_722 = arith.constant 0 : index
    %swap3A_723 = arith.constant 0 : index
    %swap3A_724 = vector.load %arg5[%swap3A_721, %swap3A_722, %swap3A_723] : memref<16x224x128xf32, #tpu.memory_space<vmem>>, vector<16x224x128xf32>
    tpu.vector_store %arg5[%swap3A_721, %swap3A_722, %swap3A_723], %concatenate3A_720 {strides = array<i32>} : memref<16x224x128xf32, #tpu.memory_space<vmem>>, vector<16x224x128xf32>,
    %jit3A_725 = arith.constant 14 : i32
    %div3A_726 = arith.divsi %add3A_441, %jit3A_725 : i32
    %sign3A_727 = arith.constant 0 : i32
    %sign3A_728 = arith.cmpi sgt, %add3A_441, %sign3A_727 : i32
    %sign3A_729 = arith.extui %sign3A_728 : i1 to i32
    %sign3A_730 = arith.constant 0 : i32
    %sign3A_731 = arith.cmpi slt, %add3A_441, %sign3A_730 : i32
    %sign3A_732 = arith.extui %sign3A_731 : i1 to i32
    %sign3A_733 = arith.subi %sign3A_729, %sign3A_732 : i32
    %sign3A_734 = arith.constant 0 : i32
    %sign3A_735 = arith.cmpi sgt, %jit3A_725, %sign3A_734 : i32
    %sign3A_736 = arith.extui %sign3A_735 : i1 to i32
    %sign3A_737 = arith.constant 0 : i32
    %sign3A_738 = arith.cmpi slt, %jit3A_725, %sign3A_737 : i32
    %sign3A_739 = arith.extui %sign3A_738 : i1 to i32
    %sign3A_740 = arith.subi %sign3A_736, %sign3A_739 : i32
    %ne3A_741 = arith.cmpi ne, %sign3A_733, %sign3A_740 : i32
    %rem3A_742 = arith.remsi %add3A_441, %jit3A_725 : i32
    %ne3A_743 = arith.constant 0 : i32
    %ne3A_744 = arith.cmpi ne, %rem3A_742, %ne3A_743 : i32
    %and3A_745 = arith.andi %ne3A_741, %ne3A_744 : i1
    %sub3A_746 = arith.constant 1 : i32
    %sub3A_747 = arith.subi %div3A_726, %sub3A_746 : i32
    %select_n3A_748 = arith.select %and3A_745, %sub3A_747, %div3A_726 : i32
    %mul3A_749 = arith.constant 4 : i32
    %mul3A_750 = arith.muli %select_n3A_748, %mul3A_749 : i32
    %add3A_751 = arith.constant 2 : i32
    %add3A_752 = arith.addi %mul3A_750, %add3A_751 : i32
    %mul3A_753 = arith.constant 224 : i32
    %mul3A_754 = arith.muli %add3A_752, %mul3A_753 : i32
    %jit3A_755 = arith.constant 14 : i32
    %eq3A_756 = arith.constant 0 : i32
    %eq3A_757 = arith.cmpi eq, %jit3A_755, %eq3A_756 : i32
    %jit3A_758 = arith.constant 1 : i32
    %select_n3A_759 = arith.select %eq3A_757, %jit3A_758, %jit3A_755 : i32
    %rem3A_760 = arith.remsi %add3A_441, %select_n3A_759 : i32
    %ne3A_761 = arith.constant 0 : i32
    %ne3A_762 = arith.cmpi ne, %rem3A_760, %ne3A_761 : i32
    %lt3A_763 = arith.constant 0 : i32
    %lt3A_764 = arith.cmpi slt, %rem3A_760, %lt3A_763 : i32
    %lt3A_765 = arith.constant 0 : i32
    %lt3A_766 = arith.cmpi slt, %select_n3A_759, %lt3A_765 : i32
    %ne3A_767 = arith.xori %lt3A_764, %lt3A_766 : i1
    %and3A_768 = arith.andi %ne3A_767, %ne3A_762 : i1
    %add3A_769 = arith.addi %rem3A_760, %select_n3A_759 : i32
    %select_n3A_770 = arith.select %and3A_768, %add3A_769, %rem3A_760 : i32
    %mul3A_771 = arith.constant 16 : i32
    %mul3A_772 = arith.muli %select_n3A_770, %mul3A_771 : i32
    %add3A_773 = arith.addi %mul3A_754, %mul3A_772 : i32
    %dma_start3A_774 = arith.constant 0 : i32
    %dma_start3A_775 = arith.constant 0 : i32
    %dma_start3A_776 = tpu.memref_slice %arg2[%add3A_773, %dma_start3A_774, %dma_start3A_775] : memref<1792x224x128xf32, #tpu.memory_space<any>> -> memref<16x224x128xf32, #tpu.memory_space<any>>
    tpu.enqueue_dma source(%arg5 : memref<16x224x128xf32, #tpu.memory_space<vmem>>) target(%dma_start3A_776 : memref<16x224x128xf32, #tpu.memory_space<any>>) target_semaphore(%arg8 : memref<!tpu.dma_semaphore, #tpu.memory_space<semaphore_mem>>)
    %jit3A_777 = arith.constant 14 : i32
    %div3A_778 = arith.divsi %add3A_441, %jit3A_777 : i32
    %sign3A_779 = arith.constant 0 : i32
    %sign3A_780 = arith.cmpi sgt, %add3A_441, %sign3A_779 : i32
    %sign3A_781 = arith.extui %sign3A_780 : i1 to i32
    %sign3A_782 = arith.constant 0 : i32
    %sign3A_783 = arith.cmpi slt, %add3A_441, %sign3A_782 : i32
    %sign3A_784 = arith.extui %sign3A_783 : i1 to i32
    %sign3A_785 = arith.subi %sign3A_781, %sign3A_784 : i32
    %sign3A_786 = arith.constant 0 : i32
    %sign3A_787 = arith.cmpi sgt, %jit3A_777, %sign3A_786 : i32
    %sign3A_788 = arith.extui %sign3A_787 : i1 to i32
    %sign3A_789 = arith.constant 0 : i32
    %sign3A_790 = arith.cmpi slt, %jit3A_777, %sign3A_789 : i32
    %sign3A_791 = arith.extui %sign3A_790 : i1 to i32
    %sign3A_792 = arith.subi %sign3A_788, %sign3A_791 : i32
    %ne3A_793 = arith.cmpi ne, %sign3A_785, %sign3A_792 : i32
    %rem3A_794 = arith.remsi %add3A_441, %jit3A_777 : i32
    %ne3A_795 = arith.constant 0 : i32
    %ne3A_796 = arith.cmpi ne, %rem3A_794, %ne3A_795 : i32
    %and3A_797 = arith.andi %ne3A_793, %ne3A_796 : i1
    %sub3A_798 = arith.constant 1 : i32
    %sub3A_799 = arith.subi %div3A_778, %sub3A_798 : i32
    %select_n3A_800 = arith.select %and3A_797, %sub3A_799, %div3A_778 : i32
    %mul3A_801 = arith.constant 4 : i32
    %mul3A_802 = arith.muli %select_n3A_800, %mul3A_801 : i32
    %add3A_803 = arith.constant 1 : i32
    %add3A_804 = arith.addi %mul3A_802, %add3A_803 : i32
    %mul3A_805 = arith.constant 224 : i32
    %mul3A_806 = arith.muli %add3A_804, %mul3A_805 : i32
    %jit3A_807 = arith.constant 14 : i32
    %eq3A_808 = arith.constant 0 : i32
    %eq3A_809 = arith.cmpi eq, %jit3A_807, %eq3A_808 : i32
    %jit3A_810 = arith.constant 1 : i32
    %select_n3A_811 = arith.select %eq3A_809, %jit3A_810, %jit3A_807 : i32
    %rem3A_812 = arith.remsi %add3A_441, %select_n3A_811 : i32
    %ne3A_813 = arith.constant 0 : i32
    %ne3A_814 = arith.cmpi ne, %rem3A_812, %ne3A_813 : i32
    %lt3A_815 = arith.constant 0 : i32
    %lt3A_816 = arith.cmpi slt, %rem3A_812, %lt3A_815 : i32
    %lt3A_817 = arith.constant 0 : i32
    %lt3A_818 = arith.cmpi slt, %select_n3A_811, %lt3A_817 : i32
    %ne3A_819 = arith.xori %lt3A_816, %lt3A_818 : i1
    %and3A_820 = arith.andi %ne3A_819, %ne3A_814 : i1
    %add3A_821 = arith.addi %rem3A_812, %select_n3A_811 : i32
    %select_n3A_822 = arith.select %and3A_820, %add3A_821, %rem3A_812 : i32
    %mul3A_823 = arith.constant 16 : i32
    %mul3A_824 = arith.muli %select_n3A_822, %mul3A_823 : i32
    %add3A_825 = arith.addi %mul3A_806, %mul3A_824 : i32
    %dma_wait3A_826 = arith.constant 0 : i32
    %dma_wait3A_827 = arith.constant 0 : i32
    %dma_wait3A_828 = tpu.memref_slice %arg2[%add3A_825, %dma_wait3A_826, %dma_wait3A_827] : memref<1792x224x128xf32, #tpu.memory_space<any>> -> memref<16x224x128xf32, #tpu.memory_space<any>>
    tpu.wait_dma2 semaphore(%arg8 : memref<!tpu.dma_semaphore, #tpu.memory_space<semaphore_mem>>) src(%arg6 : memref<16x224x128xf32, #tpu.memory_space<vmem>>) dst(%dma_wait3A_828 : memref<16x224x128xf32, #tpu.memory_space<any>>)
    %slice3A_829 = vector.extract_strided_slice %reshape3A_516 {offsets = [0, 0, 96], sizes = [17, 224, 32], strides = [1, 1, 1]} : vector<17x224x128xf32> to vector<17x224x32xf32>
    %slice3A_830 = vector.extract_strided_slice %slice3A_829 {offsets = [0, 0, 0], sizes = [16, 224, 32], strides = [1, 1, 1]} : vector<17x224x32xf32> to vector<16x224x32xf32>
    %slice3A_831 = vector.extract_strided_slice %slice3A_829 {offsets = [1, 0, 0], sizes = [16, 224, 32], strides = [1, 1, 1]} : vector<17x224x32xf32> to vector<16x224x32xf32>
    %slice3A_832 = vector.extract_strided_slice %slice3A_830 {offsets = [0, 1, 0], sizes = [16, 223, 32], strides = [1, 1, 1]} : vector<16x224x32xf32> to vector<16x223x32xf32>
    %slice3A_833 = vector.extract_strided_slice %slice3A_830 {offsets = [0, 223, 0], sizes = [16, 1, 32], strides = [1, 1, 1]} : vector<16x224x32xf32> to vector<16x1x32xf32>
    %concatenate3A_834 = tpu.concatenate %slice3A_832, %slice3A_833 in 1 : vector<16x223x32xf32>, vector<16x1x32xf32> -> vector<16x224x32xf32>
    %slice3A_835 = vector.extract_strided_slice %slice3A_831 {offsets = [0, 1, 0], sizes = [16, 223, 32], strides = [1, 1, 1]} : vector<16x224x32xf32> to vector<16x223x32xf32>
    %slice3A_836 = vector.extract_strided_slice %slice3A_831 {offsets = [0, 223, 0], sizes = [16, 1, 32], strides = [1, 1, 1]} : vector<16x224x32xf32> to vector<16x1x32xf32>
    %concatenate3A_837 = tpu.concatenate %slice3A_835, %slice3A_836 in 1 : vector<16x223x32xf32>, vector<16x1x32xf32> -> vector<16x224x32xf32>
    %concatenate3A_838 = tpu.concatenate %slice3A_830, %concatenate3A_834, %slice3A_831, %concatenate3A_837 in 2 : vector<16x224x32xf32>, vector<16x224x32xf32>, vector<16x224x32xf32>, vector<16x224x32xf32> -> vector<16x224x128xf32>
    %swap3A_839 = arith.constant 0 : index
    %swap3A_840 = arith.constant 0 : index
    %swap3A_841 = arith.constant 0 : index
    %swap3A_842 = vector.load %arg6[%swap3A_839, %swap3A_840, %swap3A_841] : memref<16x224x128xf32, #tpu.memory_space<vmem>>, vector<16x224x128xf32>
    tpu.vector_store %arg6[%swap3A_839, %swap3A_840, %swap3A_841], %concatenate3A_838 {strides = array<i32>} : memref<16x224x128xf32, #tpu.memory_space<vmem>>, vector<16x224x128xf32>,
    %jit3A_843 = arith.constant 14 : i32
    %div3A_844 = arith.divsi %add3A_441, %jit3A_843 : i32
    %sign3A_845 = arith.constant 0 : i32
    %sign3A_846 = arith.cmpi sgt, %add3A_441, %sign3A_845 : i32
    %sign3A_847 = arith.extui %sign3A_846 : i1 to i32
    %sign3A_848 = arith.constant 0 : i32
    %sign3A_849 = arith.cmpi slt, %add3A_441, %sign3A_848 : i32
    %sign3A_850 = arith.extui %sign3A_849 : i1 to i32
    %sign3A_851 = arith.subi %sign3A_847, %sign3A_850 : i32
    %sign3A_852 = arith.constant 0 : i32
    %sign3A_853 = arith.cmpi sgt, %jit3A_843, %sign3A_852 : i32
    %sign3A_854 = arith.extui %sign3A_853 : i1 to i32
    %sign3A_855 = arith.constant 0 : i32
    %sign3A_856 = arith.cmpi slt, %jit3A_843, %sign3A_855 : i32
    %sign3A_857 = arith.extui %sign3A_856 : i1 to i32
    %sign3A_858 = arith.subi %sign3A_854, %sign3A_857 : i32
    %ne3A_859 = arith.cmpi ne, %sign3A_851, %sign3A_858 : i32
    %rem3A_860 = arith.remsi %add3A_441, %jit3A_843 : i32
    %ne3A_861 = arith.constant 0 : i32
    %ne3A_862 = arith.cmpi ne, %rem3A_860, %ne3A_861 : i32
    %and3A_863 = arith.andi %ne3A_859, %ne3A_862 : i1
    %sub3A_864 = arith.constant 1 : i32
    %sub3A_865 = arith.subi %div3A_844, %sub3A_864 : i32
    %select_n3A_866 = arith.select %and3A_863, %sub3A_865, %div3A_844 : i32
    %mul3A_867 = arith.constant 4 : i32
    %mul3A_868 = arith.muli %select_n3A_866, %mul3A_867 : i32
    %add3A_869 = arith.constant 3 : i32
    %add3A_870 = arith.addi %mul3A_868, %add3A_869 : i32
    %mul3A_871 = arith.constant 224 : i32
    %mul3A_872 = arith.muli %add3A_870, %mul3A_871 : i32
    %jit3A_873 = arith.constant 14 : i32
    %eq3A_874 = arith.constant 0 : i32
    %eq3A_875 = arith.cmpi eq, %jit3A_873, %eq3A_874 : i32
    %jit3A_876 = arith.constant 1 : i32
    %select_n3A_877 = arith.select %eq3A_875, %jit3A_876, %jit3A_873 : i32
    %rem3A_878 = arith.remsi %add3A_441, %select_n3A_877 : i32
    %ne3A_879 = arith.constant 0 : i32
    %ne3A_880 = arith.cmpi ne, %rem3A_878, %ne3A_879 : i32
    %lt3A_881 = arith.constant 0 : i32
    %lt3A_882 = arith.cmpi slt, %rem3A_878, %lt3A_881 : i32
    %lt3A_883 = arith.constant 0 : i32
    %lt3A_884 = arith.cmpi slt, %select_n3A_877, %lt3A_883 : i32
    %ne3A_885 = arith.xori %lt3A_882, %lt3A_884 : i1
    %and3A_886 = arith.andi %ne3A_885, %ne3A_880 : i1
    %add3A_887 = arith.addi %rem3A_878, %select_n3A_877 : i32
    %select_n3A_888 = arith.select %and3A_886, %add3A_887, %rem3A_878 : i32
    %mul3A_889 = arith.constant 16 : i32
    %mul3A_890 = arith.muli %select_n3A_888, %mul3A_889 : i32
    %add3A_891 = arith.addi %mul3A_872, %mul3A_890 : i32
    %dma_start3A_892 = arith.constant 0 : i32
    %dma_start3A_893 = arith.constant 0 : i32
    %dma_start3A_894 = tpu.memref_slice %arg2[%add3A_891, %dma_start3A_892, %dma_start3A_893] : memref<1792x224x128xf32, #tpu.memory_space<any>> -> memref<16x224x128xf32, #tpu.memory_space<any>>
    tpu.enqueue_dma source(%arg6 : memref<16x224x128xf32, #tpu.memory_space<vmem>>) target(%dma_start3A_894 : memref<16x224x128xf32, #tpu.memory_space<any>>) target_semaphore(%arg8 : memref<!tpu.dma_semaphore, #tpu.memory_space<semaphore_mem>>)
    %eq3A_895 = arith.constant 13 : i32
    %eq3A_896 = arith.cmpi eq, %arg0, %eq3A_895 : i32
    %convert_element_type3A_897 = arith.extui %eq3A_896 : i1 to i32
    %cond3A_898 = arith.constant 0 : i32
    %cond3A_899 = arith.cmpi ne, %convert_element_type3A_897, %cond3A_898 : i32
    scf.if %cond3A_899 {
      %dma_wait3A_900 = arith.constant 1552 : i32
      %dma_wait3A_901 = arith.constant 0 : i32
      %dma_wait3A_902 = arith.constant 0 : i32
      %dma_wait3A_903 = tpu.memref_slice %arg2[%dma_wait3A_900, %dma_wait3A_901, %dma_wait3A_902] : memref<1792x224x128xf32, #tpu.memory_space<any>> -> memref<16x224x128xf32, #tpu.memory_space<any>>
      tpu.wait_dma2 semaphore(%arg8 : memref<!tpu.dma_semaphore, #tpu.memory_space<semaphore_mem>>) src(%arg5 : memref<16x224x128xf32, #tpu.memory_space<vmem>>) dst(%dma_wait3A_903 : memref<16x224x128xf32, #tpu.memory_space<any>>)
      %dma_wait3A_904 = arith.constant 1776 : i32
      %dma_wait3A_905 = arith.constant 0 : i32
      %dma_wait3A_906 = arith.constant 0 : i32
      %dma_wait3A_907 = tpu.memref_slice %arg2[%dma_wait3A_904, %dma_wait3A_905, %dma_wait3A_906] : memref<1792x224x128xf32, #tpu.memory_space<any>> -> memref<16x224x128xf32, #tpu.memory_space<any>>
      tpu.wait_dma2 semaphore(%arg8 : memref<!tpu.dma_semaphore, #tpu.memory_space<semaphore_mem>>) src(%arg6 : memref<16x224x128xf32, #tpu.memory_space<vmem>>) dst(%dma_wait3A_907 : memref<16x224x128xf32, #tpu.memory_space<any>>)
    } else {
    }
    return
  }
}

module attributes {stable_mosaic.version = 14 : i64} {
  func.func @_proj_body(%arg0: i32, %arg1: i32, %arg2: memref<1792x128xf32, #tpu.memory_space<vmem>>, %arg3: memref<128x96xf32, #tpu.memory_space<vmem>>, %arg4: memref<96xf32, #tpu.memory_space<vmem>>, %arg5: memref<1x1792x96xf32, #tpu.memory_space<vmem>>) attributes {dimension_semantics = [#tpu.dimension_semantics<arbitrary>, #tpu.dimension_semantics<arbitrary>], iteration_bounds = array<i64: 2, 28>, scalar_prefetch = 0 : i64, scratch_operands = 0 : i64, tpu.core_type = #tpu.core_type<tc>, window_params = [{transform_indices = @transform_0, window_bounds = array<i64: 1792, 128>}, {pipeline_mode = #tpu.pipeline_mode<synchronous>, transform_indices = @transform_1, window_bounds = array<i64: 128, 96>}, {pipeline_mode = #tpu.pipeline_mode<synchronous>, transform_indices = @transform_2, window_bounds = array<i64: 96>}, {transform_indices = @transform_3, window_bounds = array<i64: 1, 1792, 96>}]} {
    %get3A = arith.constant 0 : index
    %get3A_0 = arith.constant 0 : index
    %get3A_1 = vector.load %arg2[%get3A, %get3A_0] : memref<1792x128xf32, #tpu.memory_space<vmem>>, vector<1792x128xf32>
    %get3A_2 = arith.constant 0 : index
    %get3A_3 = arith.constant 0 : index
    %get3A_4 = vector.load %arg3[%get3A_2, %get3A_3] : memref<128x96xf32, #tpu.memory_space<vmem>>, vector<128x96xf32>
    %dot_general3A = arith.constant dense<0.000000e+00> : vector<1792x96xf32>
    %dot_general3A_5 = tpu.matmul %get3A_1, %get3A_4, %dot_general3A {dimension_numbers = #tpu.dot_dimension_numbers<[1], [0], [0], [1], [0, 0, 1, 1], [], []>, transpose_lhs_hint = false} : vector<1792x128xf32>, vector<128x96xf32>, vector<1792x96xf32> -> vector<1792x96xf32>
    %get3A_6 = arith.constant 0 : index
    %get3A_7 = vector.load %arg4[%get3A_6] : memref<96xf32, #tpu.memory_space<vmem>>, vector<96xf32>
    %broadcast_in_dim3A = vector.shape_cast %get3A_7 : vector<96xf32> to vector<1x96xf32>
    %add3A = vector.broadcast %broadcast_in_dim3A : vector<1x96xf32> to vector<1792x96xf32>
    %add3A_8 = arith.addf %dot_general3A_5, %add3A : vector<1792x96xf32>
    %swap3A = arith.constant 0 : index
    %swap3A_9 = arith.constant 0 : index
    %swap3A_10 = arith.constant 0 : index
    %swap3A_11 = vector.load %arg5[%swap3A, %swap3A_9, %swap3A_10] : memref<1x1792x96xf32, #tpu.memory_space<vmem>>, vector<1x1792x96xf32>
    %swap3A_12 = vector.shape_cast %swap3A_11 : vector<1x1792x96xf32> to vector<1792x96xf32>
    %swap3A_13 = vector.shape_cast %add3A_8 : vector<1792x96xf32> to vector<1x1792x96xf32>
    tpu.vector_store %arg5[%swap3A, %swap3A_9, %swap3A_10], %swap3A_13 {strides = array<i32>} : memref<1x1792x96xf32, #tpu.memory_space<vmem>>, vector<1x1792x96xf32>,
    return
  }
  func.func @transform_0(%arg0: i32, %arg1: i32) -> (i32, i32) {
    %mul3A = arith.constant 28 : i32
    %mul3A_0 = arith.muli %arg0, %mul3A : i32
    %add3A = arith.addi %mul3A_0, %arg1 : i32
    %c0_i32 = arith.constant 0 : i32
    %c0_i32_1 = arith.constant 0 : i32
    return %add3A, %c0_i32 : i32, i32
  }
  func.func @transform_1(%arg0: i32, %arg1: i32) -> (i32, i32) {
    %c0_i32 = arith.constant 0 : i32
    %c0_i32_0 = arith.constant 0 : i32
    %c0_i32_1 = arith.constant 0 : i32
    return %c0_i32, %c0_i32_0 : i32, i32
  }
  func.func @transform_2(%arg0: i32, %arg1: i32) -> i32 {
    %c0_i32 = arith.constant 0 : i32
    %c0_i32_0 = arith.constant 0 : i32
    return %c0_i32 : i32
  }
  func.func @transform_3(%arg0: i32, %arg1: i32) -> (i32, i32, i32) {
    %c0_i32 = arith.constant 0 : i32
    %c0_i32_0 = arith.constant 0 : i32
    return %arg0, %arg1, %c0_i32 : i32, i32, i32
  }
}

</mosaic_0001>

<sc_bundles>
// kernel: kernel.6.cloned.1.call-start
scs
__scs_entry_jumppad:
0x0: {  	(pc) =	sbr.rel $0x88, $3  }
0x1: {  	(tag) =	ssettag $0x0;
	lr =	simm.s32 $0x1  }
0x2: {  	[smem:$0x3F96] =	sst lr;
	_ =	strace $0xD0000000  }
0x3: {  	_ = 	snop  }
0x4: {  	_ = 	snop  }
0x5: {  	_ = 	snop  }
0x6: {  	_ = 	snop  }
0x7: {  	_ = 	snop  }
__scs_overlays_trampoline_lowered:
0x8: {  	[smem:$0x3FA5] =	sst s0  }
0x9: {  	[smem:$0x3FA6] =	sst s1  }
0xa: {  	[smem:$0x3FA7] =	sst s2  }
0xb: {  	[smem:$0x3FA8] =	sst s3  }
0xc: {  	[smem:$0x3FA9] =	sst s4  }
0xd: {  	[smem:$0x3FAA] =	sst s5  }
0xe: {  	[smem:$0x3FAB] =	sst s6  }
0xf: {  	[smem:$0x3FAC] =	sst s7  }
0x10: {  	[smem:$0x3FAD] =	sst s8  }
0x11: {  	[smem:$0x3FAE] =	sst s9;
	s0 =	simm.s32 @!p0 $0x0  }
0x12: {  	s1 =	sld [smem:$0x3F94];
	s0 =	simm.s32 @p0 $0x1  }
0x13: {  	[smem:$0x3FAF] =	sst s0;
	s0 =	simm.s32 @!p1 $0x0  }
0x14: {  	s2 =	sld [smem:$0x3F93];
	s0 =	simm.s32 @p1 $0x1  }
0x15: {  	[smem:$0x3FB0] =	sst s0;
	s0 =	simm.s32 @!p2 $0x0  }
0x16: {  	s3 =	sld [smem:$0x3FDB];
	s0 =	simm.s32 @p2 $0x1  }
0x17: {  	s4 =	simm.s32 $0x1BF5;
	[smem:$0x3FB2] =	sst s0  }
0x18: {  	s0 =	sld [smem:$0x3F95];
	_ =	swait.ge [sflag:s4], $0x0  }
0x19: {  	s7 =	sld [smem:$0x3F96]  }
0x1a: {  	s8 =	sadd.s32 $0xFFFFE003, lr  }
0x1b: {  	s9 =	sadd.s32 $0xFFFFFEF7, lr;
	s5 =	simm.s32 $0xFFFFFFFF;
	p2 =	slt.u32 s8, $0xFFFFF086  }
0x1c: {  	p1 =	slt.u32 s9, $0xF7A;
	s5 =	simm.s32 @!p2 $0x0  }
0x1d: {  	s5 =	simm.s32 @p1 $0x1;
	p0 =	seq.s32 s7, s2  }
0x1e: {  	s7 =	smul.u32 @!p0 $0xF7A, s2;
	p2 =	seq.s32 @!p0 s5, $0x0  }
0x1f: {  	s9 =	smul.u32 $0xF7A, s1;
	s8 =	simm.s32 @!p0 $0x1BF5;
	p2 =	por !p2, p0  }
0x20: {  	[sflag:s8] =	ssyncset.s32 @!p0 $0xFFFFF086;
	s6 =	sadd.s32 @!p0 s3, s7;
	s7 =	simm.s32 @!p0 $0x108  }
0x21: {  	s3 =	sadd.s32 s3, s9;
	s6 =	sadd.s32 @!p0 $0x88, s6;
	s7 =	simm.s32 @p2 $0x1082  }
0x22: {  	[simem:s7], [sflag:s8] =	dma.local @!p0 [hbm:s6], $0xF7A  }
0x23: {  	s9 =	sor.u32 $0xD0000000, s2;
	s6 =	simm.s32 $0x108;
	_ =	swait.ge @!p0 [sflag:s8], $0x0  }
0x24: {  	s3 =	sadd.s32 $0x88, s3;
	s6 =	simm.s32 @!p1 $0x1082;
	[sflag:s4] =	ssyncset.s32 $0xFFFFF086  }
0x25: {  	[simem:s6], [sflag:s4] =	dma.local [hbm:s3], $0xF7A  }
0x26: {  	[smem:$0x3F96] =	sst s1;
	(tag) =	ssettag s2;
	_ =	strace s9  }
0x27: {  	s1 =	sld [smem:$0x3FA6]  }
0x28: {  	s2 =	sld [smem:$0x3FA7]  }
0x29: {  	s4 =	sld [smem:$0x3FA9]  }
0x2a: {  	p0 =	seq.s32 s5, $0x0;
	s5 =	sld [smem:$0x3FAA]  }
0x2b: {  	s6 =	sld [smem:$0x3FAB]  }
0x2c: {  	s7 =	sld [smem:$0x3FAC]  }
0x2d: {  	s3 =	simm.s32 $0x108;
	s8 =	sld [smem:$0x3FAD]  }
0x2e: {  	s3 =	simm.s32 @!p0 $0x1082;
	s9 =	sld [smem:$0x3FAE]  }
0x2f: {  	lr =	sadd.s32 s0, s3;
	s0 =	sld [smem:$0x3FA5]  }
0x30: {  	s3 =	sld [smem:$0x3FA8]  }
0x31: {  	[smem:$0x3FB1] =	sst s10  }
0x32: {  	s10 =	sld [smem:$0x3FAF];
	_ =	sdelay $0x3  }
0x33: {  	p0 =	seq.s32 s10, $0x1;
	s10 =	sld [smem:$0x3FB1];
	_ =	sdelay $0x3  }
0x34: {  	[smem:$0x3FB1] =	sst s10  }
0x35: {  	s10 =	sld [smem:$0x3FB0];
	_ =	sdelay $0x3  }
0x36: {  	p1 =	seq.s32 s10, $0x1;
	s10 =	sld [smem:$0x3FB1];
	_ =	sdelay $0x3  }
0x37: {  	[smem:$0x3FB1] =	sst s10  }
0x38: {  	s10 =	sld [smem:$0x3FB2]  }
0x39: {  	_ = 	snop;
	(pc) =	sbr.ind lr, $3  }
0x3a: {  	_ = 	snop  }
0x3b: {  	_ = 	snop  }
0x3c: {  	p2 =	seq.s32 s10, $0x1;
	s10 =	sld [smem:$0x3FB1]  }
0x3d: {  	_ =	shalt  }
0x3e: {  	_ =	shalt  }
0x3f: {  	_ =	shalt  }
0x40: {  	_ =	shalt  }
0x41: {  	_ =	shalt  }
0x42: {  	_ =	shalt  }
0x43: {  	_ =	shalt  }
0x44: {  	_ =	shalt  }
0x45: {  	_ =	shalt  }
0x46: {  	_ =	shalt  }
0x47: {  	_ =	shalt  }
0x48: {  	_ =	shalt  }
0x49: {  	_ =	shalt  }
0x4a: {  	_ =	shalt  }
0x4b: {  	_ =	shalt  }
0x4c: {  	_ =	shalt  }
0x4d: {  	_ =	shalt  }
0x4e: {  	_ =	shalt  }
0x4f: {  	_ =	shalt  }
0x50: {  	_ =	shalt  }
0x51: {  	_ =	shalt  }
0x52: {  	_ =	shalt  }
0x53: {  	_ =	shalt  }
0x54: {  	_ =	shalt  }
0x55: {  	_ =	shalt  }
0x56: {  	_ =	shalt  }
0x57: {  	_ =	shalt  }
0x58: {  	_ =	shalt  }
0x59: {  	_ =	shalt  }
0x5a: {  	_ =	shalt  }
0x5b: {  	_ =	shalt  }
0x5c: {  	_ =	shalt  }
0x5d: {  	_ =	shalt  }
0x5e: {  	_ =	shalt  }
0x5f: {  	_ =	shalt  }
0x60: {  	_ =	shalt  }
0x61: {  	_ =	shalt  }
0x62: {  	_ =	shalt  }
0x63: {  	_ =	shalt  }
0x64: {  	_ =	shalt  }
0x65: {  	_ =	shalt  }
0x66: {  	_ =	shalt  }
0x67: {  	_ =	shalt  }
0x68: {  	_ =	shalt  }
0x69: {  	_ =	shalt  }
0x6a: {  	_ =	shalt  }
0x6b: {  	_ =	shalt  }
0x6c: {  	_ =	shalt  }
0x6d: {  	_ =	shalt  }
0x6e: {  	_ =	shalt  }
0x6f: {  	_ =	shalt  }
0x70: {  	_ =	shalt  }
0x71: {  	_ =	shalt  }
0x72: {  	_ =	shalt  }
0x73: {  	_ =	shalt  }
0x74: {  	_ =	shalt  }
0x75: {  	_ =	shalt  }
0x76: {  	_ =	shalt  }
0x77: {  	_ =	shalt  }
0x78: {  	_ =	shalt  }
0x79: {  	_ =	shalt  }
0x7a: {  	_ =	shalt  }
0x7b: {  	_ =	shalt  }
0x7c: {  	_ =	shalt  }
0x7d: {  	_ =	shalt  }
0x7e: {  	_ =	shalt  }
0x7f: {  	_ =	shalt  }
0x80: {  	_ =	shalt  }
0x81: {  	_ =	shalt  }
0x82: {  	_ =	shalt  }
0x83: {  	_ =	shalt  }
0x84: {  	_ =	shalt  }
0x85: {  	_ =	shalt  }
0x86: {  	_ =	shalt  }
0x87: {  	_ =	shalt  }
.Lfunc_end0:
.L_simem_size_0:
called_computation_lowered:
.L_overlay_start_0:
0x88: {  	s2 =	sld [smem:$0x3FD9]  }
0x89: {  	s3 =	sld [smem:$0x3FFE];
	_ =	sdelay $0x1  }
0x8a: {  	s1 =	srdreg.scid  }
0x8b: {  	s0 =	sand.u32 $0x1, s1  }
0x8c: {  	s16 =	sshll.u32 s0, $0xA;
	s2 =	sadd.s32 s3, s2  }
0x8d: {  	s2 =	sadd.s32 s2, s16  }
0x8e: {  	[smem:$0x3FBD] =	sst s2  }
0x8f: {  	_ = 	snop  }
0x90: {  	(tm) =	ssettm $0x1  }
0x91: {  	s17 =	sld [smem:$0x3FFB];
	_ =	sdelay $0x3  }
0x92: {  	_ =	strace s17  }
0x93: {  	s2 =	sld [smem:$0x3FFC];
	_ =	sdelay $0x3  }
0x94: {  	_ =	strace s2  }
0x95: {  	s2 =	sld [smem:$0x3FFD];
	_ =	sdelay $0x3  }
0x96: {  	_ =	strace s2  }
0x97: {  	_ =	strace $0x8FFFFFFF  }
0x98: {  	s18 =	sld [smem:$0x3FDB];
	_ =	sdelay $0x1  }
0x99: {  	s19 =	simm.s32 $_scs_section_size  }
0x9a: {  	s4 =	simm.s32 $_size__tile_overlayer_lowered;
	s5 =	simm.s32 $_tile_overlayer_lowered  }
0x9b: {  	s22 =	simm.s32 $0x1BFF;
	s21 =	sshll.u32 s5, $0x1;
	s2 =	sadd.s32 s19, s18  }
0x9c: {  	s6 =	simm.s32 $0x0;
	s20 =	sshll.u32 s4, $0x1;
	s4 =	sadd.s32 s21, s2  }
0x9d: {  	[timem:s6], [sflag:s22] =	dma.local [hbm:s4], s20  }
0x9e: {  	_ =	swait.ge [sflag:s22], s20  }
0x9f: {  	s3 =	ssub.s32 $0x0, s20;
	[sflag:s22] =	ssyncset.done $0x0  }
0xa0: {  	[sflag:s22] =	ssyncadd.s32 s3;
	_ =	sdelay $0x1  }
0xa1: {  	s23 =	simm.s32 $0x1B8B  }
0xa2: {  	_ =	swait.ge [sflag:s23], $0x1  }
0xa3: {  	[sflag:s23] =	ssyncset.done $0x0  }
0xa4: {  	s25 =	simm.s32 $0x1B8E;
	s24 =	sld [smem:$0x3FFE];
	[sflag:s23] =	ssyncadd.s32 $0xFFFFFFFF  }
0xa5: {  	s26 =	simm.s32 $execute0_lowered;
	[smem:$0x3FD2] =	sst s25  }
0xa6: {  	s4 =	sshll.u32 s26, $0x1;
	_ =	strace $0x80000046;
	[dreg:$0x1] =	wrdreg $0xFFFFFFFF  }
0xa7: {  	s28 =	simm.s32 $_size_execute0_lowered;
	s2 =	sadd.s32 s2, s4;
	[dreg:$0x0] =	wrdreg $0x0  }
0xa8: {  	s4 =	sshll.u32 s28, $0x1;
	[dreg:$0x2] =	wrdreg s2  }
0xa9: {  	[dreg:$0x3] =	wrdreg s4  }
0xaa: {  	[dreg:$0x4] =	wrdreg $0xC0  }
0xab: {  	_ =	task [dreg:s6], $0x5FFFF  }
0xac: {  	[dreg:$0x1] =	wrdreg $0xFFFFFFFF  }
0xad: {  	[dreg:$0x0] =	wrdreg $0x60  }
0xae: {  	[dreg:$0x2] =	wrdreg s24  }
0xaf: {  	[dreg:$0x3] =	wrdreg $0x9  }
0xb0: {  	_ =	task.clear_ibuf [dreg:s6], $0x4FFFF;
	_ =	strace $0x90000046  }
0xb1: {  	s29 =	simm.s32 $0x9;
	_ =	strace $0x80000048  }
0xb2: {  	_ =	swait.ge [sflag:s29], $0x1  }
0xb3: {  	[sflag:s29] =	ssyncadd.s32 $0xFFFFFFFF  }
0xb4: {  	_ =	strace $0x90000048  }
0xb5: {  	_ =	sfence  }
0xb6: {  	s30 =	sld [smem:$0x0];
	_ =	sdelay $0x2  }
0xb7: {  	s31 =	sshll.u32 s1, $0xD;
	s1 =	sshrl.u32 s1, $0x2  }
0xb8: {  	s3 =	sand.u32 $0x4000, s31;
	s1 =	sadd.s32 s1, s30  }
0xb9: {  	s0 =	sor.u32 s3, s0;
	s1 =	sshll.u32 s1, $0x11  }
0xba: {  	s0 =	sor.u32 s1, s0  }
0xbb: {  	s0 =	sadd.s32 $0x8F2B, s0  }
0xbc: {  	[sflag:s0] =	ssyncadd.remote.s32 $0x1  }
0xbd: {  	_ =	sfence.sel $0xFFFF  }
0xbe: {  	[dreg:$0x0] =	wrdreg $0xFFFFFFFF;
	(pc) =	sbr.abs _section_cstart, $3  }
0xbf: {  	[dreg:$0x1] =	wrdreg $0xFFFFFFFF  }
0xc0: {  	_ =	task.clear_ibuf [dreg:s6], $0x2FFFF;
	_ =	strace $0x9FFFFFFF  }
0xc1: {  	(tm) =	ssettm $0x7FFFFFFF  }
tec
execute0_lowered:
.L_overlay_start_1:
0x0: {  	(tag) =	ssettag $0x1  }
0x1: {  	s0 =	rddreg [dreg:$0x0];
	s2 =	simm.s32 $0x0;
	s1 =	srdreg.scid  }
0x2: {  	s3 =	stileid.u32;
	s11 =	simm.s32 $0x5;
	s12 =	simm.s32 $0x80  }
0x3: {  	s16 =	simm.s32 $0x5200;
	s17 =	simm.s32 $0x800;
	s18 =	simm.s32 $0x1100  }
0x4: {  	s19 =	simm.s32 $0x9200;
	s20 =	simm.s32 $0x1180;
	s21 =	simm.s32 $0xD200  }
0x5: {  	s22 =	simm.s32 $0x1;
	s23 =	simm.s32 $0x11200;
	s24 =	simm.s32 $0x2  }
0x6: {  	s25 =	simm.s32 $0x11A00;
	s26 =	simm.s32 $0x3;
	s28 =	simm.s32 $0x4  }
0x7: {  	s29 =	simm.s32 $0x0;
	s1 =	sand.u32 $0x1, s1;
	s3 =	sshll.u32 s3, $0x1  }
0x8: {  	[smem:$0x7FF] =	sst s2;
	s4 =	sadd.s32 $0x621400, s0;
	s5 =	sor.u32 s1, s3  }
0x9: {  	s6 =	sadd.s32 $0x1400, s0;
	s1 =	ssub.s32 $0x2, s1;
	s10 =	smul.u32 $0xC400, s5  }
0xa: {  	_ =	strace $0x80000047;
	s7 =	sshrl.u32 s1, $0x1;
	s5 =	smul.u32 $0x62000, s5  }
0xb: {  	s3 =	sadd.s32 $0x7A9400, s0;
	s31 =	ssub.s32 s1, s7;
	s7 =	sadd.s32 s4, s10  }
0xc: {  	s8 =	sor.u32 $0x1000, s5;
	s9 =	smax.u32 s31, $0x1;
	s10 =	sor.u32 $0x100, s10  }
.LBB2_1:
0xd: {  	[tilespmem:s2], [sflag:$0x5] =	stream.linear.gather [hbm4b:s7+s2], $0x800, $0x38;
	[tilespmem:$0x12200] =	vst v63  }
0xe: {  	_ =	swait.ge [sflag:s11], $0x800  }
0xf: {  	[sflag:s11] =	ssyncset.done $0x0  }
0x10: {  	[sflag:s11] =	ssyncadd.s32 $0xFFFFF800  }
0x11: {  	v0 =	vld [tilespmem:$0x40]  }
0x12: {  	v1 =	vld [tilespmem:$0xC0]  }
0x13: {  	v2 =	vld [tilespmem:$0x140]  }
0x14: {  	v3 =	vld [tilespmem:$0x1C0]  }
0x15: {  	v4 =	vld [tilespmem:$0x240]  }
0x16: {  	v53 =	vld [tilespmem:$0x2C0];
	[tilespmem:$0x1000] =	vst v0  }
0x17: {  	v54 =	vld [tilespmem:$0x340];
	[tilespmem:$0x1010] =	vst v1  }
0x18: {  	v55 =	vld [tilespmem:$0x3C0];
	[tilespmem:$0x1020] =	vst v2  }
0x19: {  	v56 =	vld [tilespmem:$0x440];
	[tilespmem:$0x1030] =	vst v3  }
0x1a: {  	v57 =	vld [tilespmem:$0x4C0];
	[tilespmem:$0x1040] =	vst v4  }
0x1b: {  	v58 =	vld [tilespmem:$0x540];
	[tilespmem:$0x1050] =	vst v53  }
0x1c: {  	v59 =	vld [tilespmem:$0x5C0];
	[tilespmem:$0x1060] =	vst v54  }
0x1d: {  	v60 =	vld [tilespmem:$0x640];
	[tilespmem:$0x1070] =	vst v55  }
0x1e: {  	v61 =	vld [tilespmem:$0x6C0];
	[tilespmem:$0x1080] =	vst v56  }
0x1f: {  	v62 =	vld [tilespmem:$0x740];
	[tilespmem:$0x1090] =	vst v57  }
0x20: {  	v63 =	vld [tilespmem:$0x7C0];
	[tilespmem:$0x10A0] =	vst v58  }
0x21: {  	[tilespmem:$0x10B0] =	vst v59  }
0x22: {  	[tilespmem:$0x10C0] =	vst v60  }
0x23: {  	[tilespmem:$0x10D0] =	vst v61  }
0x24: {  	[tilespmem:$0x10E0] =	vst v62  }
0x25: {  	s0 =	simm.s32 $0x1000;
	s1 =	simm.s32 $0x1200;
	[tilespmem:$0x10F0] =	vst v63  }
0x26: {  	[tilespmem:s1], [sflag:$0x1] =	stream.indirect.gather [hbm4b:s3+s12], $0x80, s0, s12, $0xb8;
	[tilespmem:$0x12200] =	vst v63  }
0x27: {  	s31 =	simm.s32 $0x1080;
	s30 =	simm.s32 $0x0  }
0x28: {  	[tilespmem:s16], [sflag:$0x1] =	stream.indirect.gather [hbm4b:s3+s12], $0x80, s31, s12, $0xb8;
	[tilespmem:$0x12200] =	vst v63  }
.LBB2_2:
0x29: {  	s0 =	sshll.u32 s30, $0x9  }
0x2a: {  	s31 =	sadd.s32 s10, s0  }
0x2b: {  	s0 =	sadd.s32 s4, s31  }
0x2c: {  	[tilespmem:s17], [sflag:$0x5] =	stream.linear.gather [hbm4b:s0+s2], $0x800, $0x38;
	[tilespmem:$0x12200] =	vst v63  }
0x2d: {  	_ =	swait.ge [sflag:s11], $0x800  }
0x2e: {  	[sflag:s11] =	ssyncset.done $0x0  }
0x2f: {  	[sflag:s11] =	ssyncadd.s32 $0xFFFFF800  }
0x30: {  	v0 =	vld [tilespmem:$0x840]  }
0x31: {  	v1 =	vld [tilespmem:$0x8C0]  }
0x32: {  	v2 =	vld [tilespmem:$0x940]  }
0x33: {  	v3 =	vld [tilespmem:$0x9C0]  }
0x34: {  	v4 =	vld [tilespmem:$0xA40]  }
0x35: {  	v53 =	vld [tilespmem:$0xAC0];
	[tilespmem:$0x1100] =	vst v0  }
0x36: {  	v54 =	vld [tilespmem:$0xB40];
	[tilespmem:$0x1110] =	vst v1  }
0x37: {  	v55 =	vld [tilespmem:$0xBC0];
	[tilespmem:$0x1120] =	vst v2  }
0x38: {  	v56 =	vld [tilespmem:$0xC40];
	[tilespmem:$0x1130] =	vst v3  }
0x39: {  	v57 =	vld [tilespmem:$0xCC0];
	[tilespmem:$0x1140] =	vst v4  }
0x3a: {  	v58 =	vld [tilespmem:$0xD40];
	[tilespmem:$0x1150] =	vst v53  }
0x3b: {  	v59 =	vld [tilespmem:$0xDC0];
	[tilespmem:$0x1160] =	vst v54  }
0x3c: {  	v60 =	vld [tilespmem:$0xE40];
	[tilespmem:$0x1170] =	vst v55  }
0x3d: {  	v61 =	vld [tilespmem:$0xEC0];
	[tilespmem:$0x1180] =	vst v56  }
0x3e: {  	v62 =	vld [tilespmem:$0xF40];
	[tilespmem:$0x1190] =	vst v57  }
0x3f: {  	v63 =	vld [tilespmem:$0xFC0];
	[tilespmem:$0x11A0] =	vst v58  }
0x40: {  	[tilespmem:$0x11B0] =	vst v59  }
0x41: {  	[tilespmem:$0x11C0] =	vst v60  }
0x42: {  	[tilespmem:$0x11D0] =	vst v61  }
0x43: {  	[tilespmem:$0x11E0] =	vst v62  }
0x44: {  	[tilespmem:$0x11F0] =	vst v63  }
0x45: {  	[tilespmem:s19], [sflag:$0x2] =	stream.indirect.gather [hbm4b:s3+s12], $0x80, s18, s12, $0xb8;
	[tilespmem:$0x12200] =	vst v63  }
0x46: {  	_ = 	snop  }
0x47: {  	[tilespmem:s21], [sflag:$0x2] =	stream.indirect.gather [hbm4b:s3+s12], $0x80, s20, s12, $0xb8;
	[tilespmem:$0x12200] =	vst v63  }
0x48: {  	_ =	swait.ge [sflag:s22], $0x4000  }
0x49: {  	[sflag:s22] =	ssyncset.done $0x0  }
0x4a: {  	[sflag:s22] =	ssyncadd.s32 $0xFFFFC000  }
0x4b: {  	_ =	swait.ge [sflag:s22], $0x4000  }
0x4c: {  	p0 =	seq.s32 s30, $0x0;
	[sflag:s22] =	ssyncset.done $0x0  }
0x4d: {  	s1 =	simm.s32 @!p0 $0x3;
	[sflag:s22] =	ssyncadd.s32 $0xFFFFC000  }
0x4e: {  	_ =	swait.ge @!p0 [sflag:s1], $0x800  }
0x4f: {  	s13 =	simm.s32 $0x11240;
	s14 =	simm.s32 $0x1600;
	[sflag:s1] =	ssyncset.done @!p0 $0x0  }
0x50: {  	s0 =	sshll.u32 s30, $0xC;
	[sflag:s1] =	ssyncadd.s32 @!p0 $0xFFFFF800;
	s1 =	simm.s32 $0x0  }
.LBB2_3:
0x51: {  	v3 =	vld [tilespmem:s14+$0xFFFFFC00]  }
0x52: {  	v5 =	vld [tilespmem:s14+$0xFFFFFC10]  }
0x53: {  	v6 =	vld [tilespmem:s14+$0xFFFFFC20]  }
0x54: {  	v8 =	vld [tilespmem:s14+$0xFFFFFC30]  }
0x55: {  	v9 =	vld [tilespmem:s14+$0xFFFFFC40]  }
0x56: {  	v11 =	vld [tilespmem:s14+$0xFFFFFC50]  }
0x57: {  	v12 =	vld [tilespmem:s14+$0xFFFFFC60]  }
0x58: {  	v14 =	vld [tilespmem:s14+$0xFFFFFC70]  }
0x59: {  	v15 =	vld [tilespmem:s14+$0xFFFFFC80]  }
0x5a: {  	v17 =	vld [tilespmem:s14+$0xFFFFFC90]  }
0x5b: {  	s15 =	sshll.u32 s1, $0x7;
	v18 =	vld [tilespmem:s14+$0xFFFFFCA0]  }
0x5c: {  	v20 =	vld [tilespmem:s14+$0xFFFFFCB0];
	v0 =	vmov s15  }
0x5d: {  	v21 =	vld [tilespmem:s14+$0xFFFFFCC0]  }
0x5e: {  	v23 =	vld [tilespmem:s14+$0xFFFFFCD0];
	v1 =	vor.u32 $0x1, v0  }
0x5f: {  	v29 =	vld [tilespmem:s14+$0xFFFFFCE0]  }
0x60: {  	v25 =	vld [tilespmem:s14+$0xFFFFFCF0];
	v4 =	vor.u32 $0x2, v0  }
0x61: {  	v2 =	vld.idx.msk [tilespmem:v0+s2+$0x0], $0xffff  }
0x62: {  	v32 =	vld [tilespmem:s14+$0xFFFFFD00];
	v7 =	vor.u32 $0x3, v0  }
0x63: {  	v1 =	vld.idx.msk [tilespmem:v1+s2+$0x0], $0xffff  }
0x64: {  	v35 =	vld [tilespmem:s14+$0xFFFFFD10];
	v10 =	vor.u32 $0x4, v0  }
0x65: {  	v4 =	vld.idx.msk [tilespmem:v4+s2+$0x0], $0xffff  }
0x66: {  	v39 =	vld [tilespmem:s14+$0xFFFFFD20];
	v13 =	vor.u32 $0x5, v0;
	v3 =	vmul.f32 v3, v2  }
0x67: {  	v7 =	vld.idx.msk [tilespmem:v7+s2+$0x0], $0xffff;
	v2 =	vmul.f32 v5, v2  }
0x68: {  	v42 =	vld [tilespmem:s14+$0xFFFFFD30];
	v16 =	vor.u32 $0x6, v0;
	v6 =	vmul.f32 v6, v1;
	v3 =	vadd.f32 $0.0e+00, v3  }
0x69: {  	v10 =	vld.idx.msk [tilespmem:v10+s2+$0x0], $0xffff;
	v1 =	vmul.f32 v8, v1;
	v2 =	vadd.f32 $0.0e+00, v2  }
0x6a: {  	v46 =	vld [tilespmem:s14+$0xFFFFFD40];
	v19 =	vor.u32 $0x7, v0;
	v31 =	vmul.f32 v9, v4;
	v3 =	vadd.f32 v6, v3  }
0x6b: {  	v13 =	vld.idx.msk [tilespmem:v13+s2+$0x0], $0xffff;
	v34 =	vmul.f32 v11, v4;
	v1 =	vadd.f32 v1, v2  }
0x6c: {  	v49 =	vld [tilespmem:s14+$0xFFFFFD50];
	v22 =	vor.u32 $0x8, v0;
	v36 =	vmul.f32 v12, v7;
	v3 =	vadd.f32 v31, v3  }
0x6d: {  	v16 =	vld.idx.msk [tilespmem:v16+s2+$0x0], $0xffff;
	v38 =	vmul.f32 v14, v7;
	v1 =	vadd.f32 v34, v1  }
0x6e: {  	v52 =	vld [tilespmem:s14+$0xFFFFFD60];
	v24 =	vor.u32 $0x9, v0;
	v41 =	vmul.f32 v15, v10;
	v3 =	vadd.f32 v36, v3  }
0x6f: {  	v19 =	vld.idx.msk [tilespmem:v19+s2+$0x0], $0xffff;
	v43 =	vmul.f32 v17, v10;
	v1 =	vadd.f32 v38, v1  }
0x70: {  	v54 =	vld [tilespmem:s14+$0xFFFFFD70];
	v33 =	vor.u32 $0xA, v0;
	v45 =	vmul.f32 v18, v13;
	v3 =	vadd.f32 v41, v3  }
0x71: {  	v30 =	vld.idx.msk [tilespmem:v22+s2+$0x0], $0xffff;
	v48 =	vmul.f32 v20, v13;
	v1 =	vadd.f32 v43, v1  }
0x72: {  	v57 =	vld [tilespmem:s14+$0xFFFFFD80];
	v40 =	vor.u32 $0xB, v0;
	v50 =	vmul.f32 v21, v16;
	v3 =	vadd.f32 v45, v3  }
0x73: {  	v37 =	vld.idx.msk [tilespmem:v24+s2+$0x0], $0xffff;
	v51 =	vmul.f32 v23, v16;
	v1 =	vadd.f32 v48, v1  }
0x74: {  	v60 =	vld [tilespmem:s14+$0xFFFFFD90];
	v47 =	vor.u32 $0xC, v0;
	v5 =	vmul.f32 v29, v19;
	v3 =	vadd.f32 v50, v3  }
0x75: {  	v53 =	vor.u32 $0xD, v0;
	v44 =	vld.idx.msk [tilespmem:v33+s2+$0x0], $0xffff;
	v55 =	vmul.f32 v25, v19;
	v1 =	vadd.f32 v51, v1  }
0x76: {  	v26 =	vld [tilespmem:s14+$0xFFFFFDC0];
	v56 =	vmul.f32 v32, v30;
	v3 =	vadd.f32 v5, v3  }
0x77: {  	v12 =	vld.idx.msk [tilespmem:v40+s2+$0x0], $0xffff;
	v59 =	vmul.f32 v35, v30;
	v1 =	vadd.f32 v55, v1  }
0x78: {  	v28 =	vld [tilespmem:s14+$0xFFFFFDD0];
	v58 =	vor.u32 $0xE, v0;
	v61 =	vmul.f32 v39, v37;
	v3 =	vadd.f32 v56, v3  }
0x79: {  	v17 =	vld.idx.msk [tilespmem:v47+s2+$0x0], $0xffff;
	v63 =	vmul.f32 v42, v37;
	v1 =	vadd.f32 v59, v1  }
0x7a: {  	v62 =	vld.idx.msk [tilespmem:v53+s2+$0x0], $0xffff;
	v20 =	vor.u32 $0xF, v0;
	v21 =	vmul.f32 v46, v44;
	v3 =	vadd.f32 v61, v3  }
0x7b: {  	v18 =	vld [tilespmem:s14+$0xFFFFFDA0];
	v23 =	vmul.f32 v49, v44;
	v1 =	vadd.f32 v63, v1  }
0x7c: {  	v22 =	vld [tilespmem:s14+$0xFFFFFDB0];
	v25 =	vmul.f32 v52, v12;
	v3 =	vadd.f32 v21, v3  }
0x7d: {  	v24 =	vld.idx.msk [tilespmem:v58+s2+$0x0], $0xffff;
	v27 =	vmul.f32 v54, v12;
	v1 =	vadd.f32 v23, v1  }
0x7e: {  	v32 =	vld [tilespmem:s14+$0xFFFFFDE0];
	v29 =	vmul.f32 v57, v17;
	v3 =	vadd.f32 v25, v3  }
0x7f: {  	v30 =	vld.idx.msk [tilespmem:v20+s2+$0x0], $0xffff;
	v31 =	vmul.f32 v60, v17;
	v1 =	vadd.f32 v27, v1  }
0x80: {  	v33 =	vmul.f32 v18, v62;
	v34 =	vld [tilespmem:s14+$0xFFFFFDF0];
	v3 =	vadd.f32 v29, v3  }
0x81: {  	v35 =	vmul.f32 v22, v62;
	v1 =	vadd.f32 v31, v1  }
0x82: {  	v36 =	vmul.f32 v26, v24;
	v3 =	vadd.f32 v33, v3  }
0x83: {  	v37 =	vmul.f32 v28, v24;
	v1 =	vadd.f32 v35, v1  }
0x84: {  	v4 =	vmul.f32 v32, v30;
	v3 =	vadd.f32 v36, v3  }
0x85: {  	v39 =	vor.u32 $0x10, v0;
	v38 =	vmul.f32 v34, v30;
	v1 =	vadd.f32 v37, v1  }
0x86: {  	v3 =	vadd.f32 v4, v3  }
0x87: {  	v1 =	vadd.f32 v38, v1  }
0x88: {  	v40 =	vor.u32 $0x11, v0;
	[tilespmem:s13+$0xFFFFFFC0] =	vst v3  }
0x89: {  	[tilespmem:s13+$0xFFFFFFD0] =	vst v1  }
0x8a: {  	v1 =	vld.idx.msk [tilespmem:v39+s2+$0x0], $0xffff  }
0x8b: {  	v41 =	vor.u32 $0x12, v0;
	v3 =	vld [tilespmem:s14+$0xFFFFFE00]  }
0x8c: {  	v42 =	vld [tilespmem:s14+$0xFFFFFE10]  }
0x8d: {  	v2 =	vld.idx.msk [tilespmem:v40+s2+$0x0], $0xffff  }
0x8e: {  	v44 =	vor.u32 $0x13, v0;
	v43 =	vld [tilespmem:s14+$0xFFFFFE20]  }
0x8f: {  	v45 =	vld [tilespmem:s14+$0xFFFFFE30]  }
0x90: {  	v4 =	vld.idx.msk [tilespmem:v41+s2+$0x0], $0xffff  }
0x91: {  	v47 =	vor.u32 $0x14, v0;
	v46 =	vld [tilespmem:s14+$0xFFFFFE40]  }
0x92: {  	v48 =	vld [tilespmem:s14+$0xFFFFFE50]  }
0x93: {  	v7 =	vld.idx.msk [tilespmem:v44+s2+$0x0], $0xffff  }
0x94: {  	v50 =	vor.u32 $0x15, v0;
	v49 =	vld [tilespmem:s14+$0xFFFFFE60]  }
0x95: {  	v51 =	vld [tilespmem:s14+$0xFFFFFE70]  }
0x96: {  	v10 =	vld.idx.msk [tilespmem:v47+s2+$0x0], $0xffff  }
0x97: {  	v53 =	vor.u32 $0x16, v0;
	v52 =	vld [tilespmem:s14+$0xFFFFFE80]  }
0x98: {  	v54 =	vld [tilespmem:s14+$0xFFFFFE90]  }
0x99: {  	v13 =	vld.idx.msk [tilespmem:v50+s2+$0x0], $0xffff  }
0x9a: {  	v56 =	vor.u32 $0x17, v0;
	v55 =	vld [tilespmem:s14+$0xFFFFFEA0]  }
0x9b: {  	v57 =	vld [tilespmem:s14+$0xFFFFFEB0]  }
0x9c: {  	v16 =	vld.idx.msk [tilespmem:v53+s2+$0x0], $0xffff  }
0x9d: {  	v59 =	vor.u32 $0x18, v0;
	v58 =	vld [tilespmem:s14+$0xFFFFFEC0]  }
0x9e: {  	v60 =	vld [tilespmem:s14+$0xFFFFFED0]  }
0x9f: {  	v19 =	vld.idx.msk [tilespmem:v56+s2+$0x0], $0xffff;
	v3 =	vmul.f32 v3, v1  }
0xa0: {  	v62 =	vor.u32 $0x19, v0;
	v61 =	vld [tilespmem:s14+$0xFFFFFEE0];
	v1 =	vmul.f32 v42, v1  }
0xa1: {  	v63 =	vld [tilespmem:s14+$0xFFFFFEF0];
	v6 =	vmul.f32 v43, v2;
	v3 =	vadd.f32 $0.0e+00, v3  }
0xa2: {  	v26 =	vld.idx.msk [tilespmem:v59+s2+$0x0], $0xffff;
	v2 =	vmul.f32 v45, v2;
	v1 =	vadd.f32 $0.0e+00, v1  }
0xa3: {  	v29 =	vor.u32 $0x1A, v0;
	v28 =	vld [tilespmem:s14+$0xFFFFFF00];
	v27 =	vmul.f32 v46, v4;
	v3 =	vadd.f32 v6, v3  }
0xa4: {  	v36 =	vor.u32 $0x1B, v0;
	v31 =	vld [tilespmem:s14+$0xFFFFFF10];
	v30 =	vmul.f32 v48, v4;
	v1 =	vadd.f32 v2, v1  }
0xa5: {  	v33 =	vld.idx.msk [tilespmem:v62+s2+$0x0], $0xffff;
	v32 =	vmul.f32 v49, v7;
	v3 =	vadd.f32 v27, v3  }
0xa6: {  	v35 =	vld [tilespmem:s14+$0xFFFFFF20];
	v34 =	vmul.f32 v51, v7;
	v1 =	vadd.f32 v30, v1  }
0xa7: {  	v38 =	vld [tilespmem:s14+$0xFFFFFF30];
	v37 =	vmul.f32 v52, v10;
	v3 =	vadd.f32 v32, v3  }
0xa8: {  	v40 =	vld.idx.msk [tilespmem:v29+s2+$0x0], $0xffff;
	v39 =	vmul.f32 v54, v10;
	v1 =	vadd.f32 v34, v1  }
0xa9: {  	v12 =	vld.idx.msk [tilespmem:v36+s2+$0x0], $0xffff;
	v41 =	vmul.f32 v55, v13;
	v3 =	vadd.f32 v37, v3  }
0xaa: {  	v50 =	vld [tilespmem:s14+$0xFFFFFF70];
	v44 =	vmul.f32 v57, v13;
	v1 =	vadd.f32 v39, v1  }
0xab: {  	v53 =	vld [tilespmem:s14+$0xFFFFFF80];
	v46 =	vmul.f32 v58, v16;
	v3 =	vadd.f32 v41, v3  }
0xac: {  	v56 =	vld [tilespmem:s14+$0xFFFFFF90];
	v47 =	vmul.f32 v60, v16;
	v1 =	vadd.f32 v44, v1  }
0xad: {  	v21 =	vld [tilespmem:s14+$0xFFFFFFC0];
	v43 =	vor.u32 $0x1C, v0;
	v5 =	vmul.f32 v61, v19;
	v3 =	vadd.f32 v46, v3  }
0xae: {  	v42 =	vld [tilespmem:s14+$0xFFFFFF40];
	v51 =	vmul.f32 v63, v19;
	v1 =	vadd.f32 v47, v1  }
0xaf: {  	v45 =	vld [tilespmem:s14+$0xFFFFFF50];
	v49 =	vor.u32 $0x1D, v0;
	v52 =	vmul.f32 v28, v26;
	v3 =	vadd.f32 v5, v3  }
0xb0: {  	v48 =	vld [tilespmem:s14+$0xFFFFFF60];
	v55 =	vmul.f32 v31, v26;
	v1 =	vadd.f32 v51, v1  }
0xb1: {  	v23 =	vld [tilespmem:s14+$0xFFFFFFD0];
	v54 =	vor.u32 $0x1E, v0;
	v57 =	vmul.f32 v35, v33;
	v3 =	vadd.f32 v52, v3  }
0xb2: {  	v59 =	vmul.f32 v38, v33;
	v61 =	vor.u32 $0x1F, v0;
	v17 =	vld.idx.msk [tilespmem:v43+s2+$0x0], $0xffff;
	v1 =	vadd.f32 v55, v1  }
0xb3: {  	v60 =	vld [tilespmem:s14+$0xFFFFFFA0];
	v62 =	vmul.f32 v42, v40;
	v3 =	vadd.f32 v57, v3  }
0xb4: {  	v58 =	vld.idx.msk [tilespmem:v49+s2+$0x0], $0xffff;
	v18 =	vmul.f32 v45, v40;
	v1 =	vadd.f32 v59, v1  }
0xb5: {  	v63 =	vld [tilespmem:s14+$0xFFFFFFB0];
	v20 =	vmul.f32 v48, v12;
	v3 =	vadd.f32 v62, v3  }
0xb6: {  	v22 =	vmul.f32 v50, v12;
	v19 =	vld.idx.msk [tilespmem:v54+s2+$0x0], $0xffff;
	v1 =	vadd.f32 v18, v1  }
0xb7: {  	v25 =	vld.idx.msk [tilespmem:v61+s2+$0x0], $0xffff;
	v24 =	vmul.f32 v53, v17;
	v3 =	vadd.f32 v20, v3  }
0xb8: {  	v27 =	vld [tilespmem:s14+$0xFFFFFFE0];
	v26 =	vmul.f32 v56, v17;
	v1 =	vadd.f32 v22, v1  }
0xb9: {  	v29 =	vld [tilespmem:s14+$0xFFFFFFF0];
	v28 =	vmul.f32 v60, v58;
	v3 =	vadd.f32 v24, v3  }
0xba: {  	v30 =	vmul.f32 v63, v58;
	v1 =	vadd.f32 v26, v1  }
0xbb: {  	v31 =	vmul.f32 v21, v19;
	v3 =	vadd.f32 v28, v3  }
0xbc: {  	v32 =	vmul.f32 v23, v19;
	v1 =	vadd.f32 v30, v1  }
0xbd: {  	v4 =	vmul.f32 v27, v25;
	v3 =	vadd.f32 v31, v3  }
0xbe: {  	v34 =	vor.u32 $0x20, v0;
	v33 =	vmul.f32 v29, v25;
	v1 =	vadd.f32 v32, v1  }
0xbf: {  	v3 =	vadd.f32 v4, v3  }
0xc0: {  	v1 =	vadd.f32 v33, v1  }
0xc1: {  	v35 =	vor.u32 $0x21, v0;
	[tilespmem:s13+$0xFFFFFFE0] =	vst v3  }
0xc2: {  	[tilespmem:s13+$0xFFFFFFF0] =	vst v1  }
0xc3: {  	v1 =	vld.idx.msk [tilespmem:v34+s2+$0x0], $0xffff  }
0xc4: {  	v36 =	vor.u32 $0x22, v0;
	v3 =	vld [tilespmem:s14+$0x0]  }
0xc5: {  	v37 =	vld [tilespmem:s14+$0x10]  }
0xc6: {  	v2 =	vld.idx.msk [tilespmem:v35+s2+$0x0], $0xffff  }
0xc7: {  	v39 =	vor.u32 $0x23, v0;
	v38 =	vld [tilespmem:s14+$0x20]  }
0xc8: {  	v40 =	vld [tilespmem:s14+$0x30]  }
0xc9: {  	v4 =	vld.idx.msk [tilespmem:v36+s2+$0x0], $0xffff  }
0xca: {  	v42 =	vor.u32 $0x24, v0;
	v41 =	vld [tilespmem:s14+$0x40]  }
0xcb: {  	v43 =	vld [tilespmem:s14+$0x50]  }
0xcc: {  	v7 =	vld.idx.msk [tilespmem:v39+s2+$0x0], $0xffff  }
0xcd: {  	v45 =	vor.u32 $0x25, v0;
	v44 =	vld [tilespmem:s14+$0x60]  }
0xce: {  	v46 =	vld [tilespmem:s14+$0x70]  }
0xcf: {  	v10 =	vld.idx.msk [tilespmem:v42+s2+$0x0], $0xffff  }
0xd0: {  	v48 =	vor.u32 $0x26, v0;
	v47 =	vld [tilespmem:s14+$0x80]  }
0xd1: {  	v49 =	vld [tilespmem:s14+$0x90]  }
0xd2: {  	v13 =	vld.idx.msk [tilespmem:v45+s2+$0x0], $0xffff  }
0xd3: {  	v51 =	vor.u32 $0x27, v0;
	v50 =	vld [tilespmem:s14+$0xA0]  }
0xd4: {  	v52 =	vld [tilespmem:s14+$0xB0]  }
0xd5: {  	v16 =	vld.idx.msk [tilespmem:v48+s2+$0x0], $0xffff  }
0xd6: {  	v54 =	vor.u32 $0x28, v0;
	v53 =	vld [tilespmem:s14+$0xC0]  }
0xd7: {  	v55 =	vld [tilespmem:s14+$0xD0]  }
0xd8: {  	v19 =	vld.idx.msk [tilespmem:v51+s2+$0x0], $0xffff;
	v3 =	vmul.f32 v3, v1  }
0xd9: {  	v57 =	vor.u32 $0x29, v0;
	v56 =	vld [tilespmem:s14+$0xE0];
	v1 =	vmul.f32 v37, v1  }
0xda: {  	v58 =	vld [tilespmem:s14+$0xF0];
	v6 =	vmul.f32 v38, v2;
	v3 =	vadd.f32 $0.0e+00, v3  }
0xdb: {  	v59 =	vld.idx.msk [tilespmem:v54+s2+$0x0], $0xffff;
	v2 =	vmul.f32 v40, v2;
	v1 =	vadd.f32 $0.0e+00, v1  }
0xdc: {  	v62 =	vor.u32 $0x2A, v0;
	v61 =	vld [tilespmem:s14+$0x100];
	v60 =	vmul.f32 v41, v4;
	v3 =	vadd.f32 v6, v3  }
0xdd: {  	v31 =	vor.u32 $0x2B, v0;
	v26 =	vld [tilespmem:s14+$0x110];
	v63 =	vmul.f32 v43, v4;
	v1 =	vadd.f32 v2, v1  }
0xde: {  	v28 =	vld.idx.msk [tilespmem:v57+s2+$0x0], $0xffff;
	v27 =	vmul.f32 v44, v7;
	v3 =	vadd.f32 v60, v3  }
0xdf: {  	v30 =	vld [tilespmem:s14+$0x120];
	v29 =	vmul.f32 v46, v7;
	v1 =	vadd.f32 v63, v1  }
0xe0: {  	v33 =	vld [tilespmem:s14+$0x130];
	v32 =	vmul.f32 v47, v10;
	v3 =	vadd.f32 v27, v3  }
0xe1: {  	v35 =	vld.idx.msk [tilespmem:v62+s2+$0x0], $0xffff;
	v34 =	vmul.f32 v49, v10;
	v1 =	vadd.f32 v29, v1  }
0xe2: {  	v12 =	vld.idx.msk [tilespmem:v31+s2+$0x0], $0xffff;
	v36 =	vmul.f32 v50, v13;
	v3 =	vadd.f32 v32, v3  }
0xe3: {  	v45 =	vld [tilespmem:s14+$0x170];
	v39 =	vmul.f32 v52, v13;
	v1 =	vadd.f32 v34, v1  }
0xe4: {  	v48 =	vld [tilespmem:s14+$0x180];
	v41 =	vmul.f32 v53, v16;
	v3 =	vadd.f32 v36, v3  }
0xe5: {  	v51 =	vld [tilespmem:s14+$0x190];
	v42 =	vmul.f32 v55, v16;
	v1 =	vadd.f32 v39, v1  }
0xe6: {  	v62 =	vld [tilespmem:s14+$0x1C0];
	v38 =	vor.u32 $0x2C, v0;
	v5 =	vmul.f32 v56, v19;
	v3 =	vadd.f32 v41, v3  }
0xe7: {  	v37 =	vld [tilespmem:s14+$0x140];
	v46 =	vmul.f32 v58, v19;
	v1 =	vadd.f32 v42, v1  }
0xe8: {  	v40 =	vld [tilespmem:s14+$0x150];
	v44 =	vor.u32 $0x2D, v0;
	v47 =	vmul.f32 v61, v59;
	v3 =	vadd.f32 v5, v3  }
0xe9: {  	v43 =	vld [tilespmem:s14+$0x160];
	v50 =	vmul.f32 v26, v59;
	v1 =	vadd.f32 v46, v1  }
0xea: {  	v49 =	vor.u32 $0x2E, v0;
	v52 =	vmul.f32 v30, v28;
	v55 =	vld [tilespmem:s14+$0x1A0];
	v3 =	vadd.f32 v47, v3  }
0xeb: {  	v54 =	vmul.f32 v33, v28;
	v17 =	vld.idx.msk [tilespmem:v38+s2+$0x0], $0xffff;
	v1 =	vadd.f32 v50, v1  }
0xec: {  	v56 =	vor.u32 $0x2F, v0;
	v58 =	vld [tilespmem:s14+$0x1B0];
	v57 =	vmul.f32 v37, v35;
	v3 =	vadd.f32 v52, v3  }
0xed: {  	v53 =	vld.idx.msk [tilespmem:v44+s2+$0x0], $0xffff;
	v59 =	vmul.f32 v40, v35;
	v1 =	vadd.f32 v54, v1  }
0xee: {  	v19 =	vld [tilespmem:s14+$0x1E0];
	v61 =	vmul.f32 v43, v12;
	v3 =	vadd.f32 v57, v3  }
0xef: {  	v60 =	vld.idx.msk [tilespmem:v49+s2+$0x0], $0xffff;
	v63 =	vmul.f32 v45, v12;
	v1 =	vadd.f32 v59, v1  }
0xf0: {  	v12 =	vld [tilespmem:s14+$0x1D0];
	v15 =	vmul.f32 v48, v17;
	v3 =	vadd.f32 v61, v3  }
0xf1: {  	v16 =	vld.idx.msk [tilespmem:v56+s2+$0x0], $0xffff;
	v18 =	vmul.f32 v51, v17;
	v1 =	vadd.f32 v63, v1  }
0xf2: {  	v21 =	vld [tilespmem:s14+$0x1F0];
	v20 =	vmul.f32 v55, v53;
	v3 =	vadd.f32 v15, v3  }
0xf3: {  	v22 =	vmul.f32 v58, v53;
	v1 =	vadd.f32 v18, v1  }
0xf4: {  	v23 =	vmul.f32 v62, v60;
	v3 =	vadd.f32 v20, v3  }
0xf5: {  	v24 =	vmul.f32 v12, v60;
	v1 =	vadd.f32 v22, v1  }
0xf6: {  	v4 =	vmul.f32 v19, v16;
	v3 =	vadd.f32 v23, v3  }
0xf7: {  	v26 =	vor.u32 $0x30, v0;
	v25 =	vmul.f32 v21, v16;
	v1 =	vadd.f32 v24, v1  }
0xf8: {  	v3 =	vadd.f32 v4, v3  }
0xf9: {  	v1 =	vadd.f32 v25, v1  }
0xfa: {  	v27 =	vor.u32 $0x31, v0;
	[tilespmem:s13+$0x0] =	vst v3  }
0xfb: {  	[tilespmem:s13+$0x10] =	vst v1  }
0xfc: {  	v1 =	vld.idx.msk [tilespmem:v26+s2+$0x0], $0xffff  }
0xfd: {  	v28 =	vor.u32 $0x32, v0;
	v3 =	vld [tilespmem:s14+$0x200]  }
0xfe: {  	v29 =	vld [tilespmem:s14+$0x210]  }
0xff: {  	v2 =	vld.idx.msk [tilespmem:v27+s2+$0x0], $0xffff  }
0x100: {  	v31 =	vor.u32 $0x33, v0;
	v30 =	vld [tilespmem:s14+$0x220]  }
0x101: {  	v32 =	vld [tilespmem:s14+$0x230]  }
0x102: {  	v4 =	vld.idx.msk [tilespmem:v28+s2+$0x0], $0xffff  }
0x103: {  	v34 =	vor.u32 $0x34, v0;
	v33 =	vld [tilespmem:s14+$0x240]  }
0x104: {  	v35 =	vld [tilespmem:s14+$0x250]  }
0x105: {  	v7 =	vld.idx.msk [tilespmem:v31+s2+$0x0], $0xffff  }
0x106: {  	v37 =	vor.u32 $0x35, v0;
	v36 =	vld [tilespmem:s14+$0x260]  }
0x107: {  	v38 =	vld [tilespmem:s14+$0x270]  }
0x108: {  	v10 =	vld.idx.msk [tilespmem:v34+s2+$0x0], $0xffff  }
0x109: {  	v40 =	vor.u32 $0x36, v0;
	v39 =	vld [tilespmem:s14+$0x280]  }
0x10a: {  	v41 =	vld [tilespmem:s14+$0x290]  }
0x10b: {  	v13 =	vld.idx.msk [tilespmem:v37+s2+$0x0], $0xffff  }
0x10c: {  	v43 =	vor.u32 $0x37, v0;
	v42 =	vld [tilespmem:s14+$0x2A0]  }
0x10d: {  	v44 =	vld [tilespmem:s14+$0x2B0]  }
0x10e: {  	v16 =	vld.idx.msk [tilespmem:v40+s2+$0x0], $0xffff  }
0x10f: {  	v46 =	vor.u32 $0x38, v0;
	v45 =	vld [tilespmem:s14+$0x2C0]  }
0x110: {  	v47 =	vld [tilespmem:s14+$0x2D0]  }
0x111: {  	v19 =	vld.idx.msk [tilespmem:v43+s2+$0x0], $0xffff;
	v3 =	vmul.f32 v3, v1  }
0x112: {  	v49 =	vor.u32 $0x39, v0;
	v48 =	vld [tilespmem:s14+$0x2E0];
	v1 =	vmul.f32 v29, v1  }
0x113: {  	v50 =	vld [tilespmem:s14+$0x2F0];
	v6 =	vmul.f32 v30, v2;
	v3 =	vadd.f32 $0.0e+00, v3  }
0x114: {  	v51 =	vld.idx.msk [tilespmem:v46+s2+$0x0], $0xffff;
	v2 =	vmul.f32 v32, v2;
	v1 =	vadd.f32 $0.0e+00, v1  }
0x115: {  	v54 =	vor.u32 $0x3A, v0;
	v53 =	vld [tilespmem:s14+$0x300];
	v52 =	vmul.f32 v33, v4;
	v3 =	vadd.f32 v6, v3  }
0x116: {  	v56 =	vld [tilespmem:s14+$0x310];
	v55 =	vmul.f32 v35, v4;
	v1 =	vadd.f32 v2, v1  }
0x117: {  	v58 =	vld.idx.msk [tilespmem:v49+s2+$0x0], $0xffff;
	v57 =	vmul.f32 v36, v7;
	v3 =	vadd.f32 v52, v3  }
0x118: {  	v61 =	vor.u32 $0x3B, v0;
	v60 =	vld [tilespmem:s14+$0x320];
	v59 =	vmul.f32 v38, v7;
	v1 =	vadd.f32 v55, v1  }
0x119: {  	v63 =	vld [tilespmem:s14+$0x330];
	v62 =	vmul.f32 v39, v10;
	v3 =	vadd.f32 v57, v3  }
0x11a: {  	v26 =	vld.idx.msk [tilespmem:v54+s2+$0x0], $0xffff;
	v24 =	vmul.f32 v41, v10;
	v1 =	vadd.f32 v59, v1  }
0x11b: {  	v28 =	vld [tilespmem:s14+$0x340];
	v27 =	vmul.f32 v42, v13;
	v3 =	vadd.f32 v62, v3  }
0x11c: {  	v31 =	vld [tilespmem:s14+$0x350];
	v30 =	vmul.f32 v44, v13;
	v1 =	vadd.f32 v24, v1  }
0x11d: {  	v12 =	vld.idx.msk [tilespmem:v61+s2+$0x0], $0xffff;
	v32 =	vmul.f32 v45, v16;
	v3 =	vadd.f32 v27, v3  }
0x11e: {  	v34 =	vld [tilespmem:s14+$0x360];
	v33 =	vmul.f32 v47, v16;
	v1 =	vadd.f32 v30, v1  }
0x11f: {  	v46 =	vld [tilespmem:s14+$0x3A0];
	v29 =	vor.u32 $0x3C, v0;
	v5 =	vmul.f32 v48, v19;
	v3 =	vadd.f32 v32, v3  }
0x120: {  	v54 =	vld [tilespmem:s14+$0x3D0];
	v37 =	vmul.f32 v50, v19;
	v1 =	vadd.f32 v33, v1  }
0x121: {  	v35 =	vor.u32 $0x3D, v0;
	v36 =	vld [tilespmem:s14+$0x370];
	v38 =	vmul.f32 v53, v51;
	v3 =	vadd.f32 v5, v3  }
0x122: {  	v40 =	vor.u32 $0x3E, v0;
	v39 =	vld [tilespmem:s14+$0x380];
	v41 =	vmul.f32 v56, v51;
	v1 =	vadd.f32 v37, v1  }
0x123: {  	v42 =	vld [tilespmem:s14+$0x390];
	v43 =	vmul.f32 v60, v58;
	v3 =	vadd.f32 v38, v3  }
0x124: {  	v45 =	vmul.f32 v63, v58;
	v0 =	vor.u32 $0x3F, v0;
	v17 =	vld.idx.msk [tilespmem:v29+s2+$0x0], $0xffff;
	v1 =	vadd.f32 v41, v1  }
0x125: {  	v47 =	vmul.f32 v28, v26;
	v48 =	vld [tilespmem:s14+$0x3B0];
	v3 =	vadd.f32 v43, v3  }
0x126: {  	v49 =	vmul.f32 v31, v26;
	v44 =	vld.idx.msk [tilespmem:v35+s2+$0x0], $0xffff;
	v1 =	vadd.f32 v45, v1  }
0x127: {  	v50 =	vld.idx.msk [tilespmem:v40+s2+$0x0], $0xffff;
	v51 =	vmul.f32 v34, v12;
	v3 =	vadd.f32 v47, v3  }
0x128: {  	v53 =	vmul.f32 v36, v12;
	v52 =	vld [tilespmem:s14+$0x3C0];
	v1 =	vadd.f32 v49, v1  }
0x129: {  	v0 =	vld.idx.msk [tilespmem:v0+s2+$0x0], $0xffff;
	v55 =	vmul.f32 v39, v17;
	v3 =	vadd.f32 v51, v3  }
0x12a: {  	v57 =	vld [tilespmem:s14+$0x3E0];
	v56 =	vmul.f32 v42, v17;
	v1 =	vadd.f32 v53, v1  }
0x12b: {  	v59 =	vld [tilespmem:s14+$0x3F0];
	v58 =	vmul.f32 v46, v44;
	v3 =	vadd.f32 v55, v3  }
0x12c: {  	v60 =	vmul.f32 v48, v44;
	v1 =	vadd.f32 v56, v1  }
0x12d: {  	v61 =	vmul.f32 v52, v50;
	v3 =	vadd.f32 v58, v3  }
0x12e: {  	v62 =	vmul.f32 v54, v50;
	v1 =	vadd.f32 v60, v1  }
0x12f: {  	p1 =	sne.s32 s1, $0xF;
	v4 =	vmul.f32 v57, v0;
	v3 =	vadd.f32 v61, v3  }
.Ltmp0:
0x130: {  	v0 =	vmul.f32 v59, v0;
	v1 =	vadd.f32 v62, v1;
	(pc) =	sbr.rel @p1 .LBB2_3-.Ltmp0, $4  }
0x131: {  	v63 =	vadd.f32 v4, v3  }
0x132: {  	v0 =	vadd.f32 v0, v1  }
0x133: {  	[tilespmem:s13+$0x20] =	vst v63  }
0x134: {  	s1 =	sadd.s32 $0x1, s1;
	s14 =	sadd.s32 $0x800, s14;
	[tilespmem:s13+$0x30] =	vst v0;
	s13 =	sadd.s32 $0x80, s13  }
0x135: {  	s1 =	sadd.s32 s5, s0;
	p1 =	seq.s32 s30, $0x61  }
0x136: {  	s1 =	sshrl.u32 s1, $0x3;
	s0 =	sadd.s32 @!p1 s0, s8  }
0x137: {  	s1 =	sadd.s32 s6, s1;
	s0 =	sshrl.u32 @!p1 s0, $0x3  }
0x138: {  	[hbm4b:s1+s2] =	stream.linear.scatter [tilespmem:s23], [sflag:$0x3], $0x800, $0x38;
	[tilespmem:$0x12200] =	vst v63  }
0x139: {  	s0 =	sadd.s32 @!p1 s4, s0;
	s1 =	simm.s32 @!p1 $0x0  }
0x13a: {  	[tilespmem:s1], [sflag:$0x5] =	stream.linear.gather @!p1 [hbm4b:s0+s1], $0x800, $0x38;
	[tilespmem:$0x12200] =	vst v63  }
0x13b: {  	s0 =	simm.s32 @!p1 $0x5  }
0x13c: {  	_ =	swait.ge @!p1 [sflag:s0], $0x800  }
0x13d: {  	[sflag:s0] =	ssyncset.done @!p1 $0x0  }
0x13e: {  	[sflag:s0] =	ssyncadd.s32 @!p1 $0xFFFFF800  }
0x13f: {  	v0 =	vld @!p1 [tilespmem:$0x40]  }
0x140: {  	v1 =	vld @!p1 [tilespmem:$0xC0]  }
0x141: {  	v2 =	vld @!p1 [tilespmem:$0x140]  }
0x142: {  	v3 =	vld @!p1 [tilespmem:$0x1C0]  }
0x143: {  	v4 =	vld @!p1 [tilespmem:$0x240]  }
0x144: {  	[tilespmem:$0x1000] =	vst @!p1 v0;
	v0 =	vld @!p1 [tilespmem:$0x2C0]  }
0x145: {  	[tilespmem:$0x1010] =	vst @!p1 v1;
	v1 =	vld @!p1 [tilespmem:$0x340]  }
0x146: {  	[tilespmem:$0x1020] =	vst @!p1 v2;
	v2 =	vld @!p1 [tilespmem:$0x3C0]  }
0x147: {  	[tilespmem:$0x1030] =	vst @!p1 v3;
	v3 =	vld @!p1 [tilespmem:$0x440]  }
0x148: {  	[tilespmem:$0x1040] =	vst @!p1 v4;
	v4 =	vld @!p1 [tilespmem:$0x4C0]  }
0x149: {  	[tilespmem:$0x1050] =	vst @!p1 v0;
	v0 =	vld @!p1 [tilespmem:$0x540]  }
0x14a: {  	[tilespmem:$0x1060] =	vst @!p1 v1;
	v1 =	vld @!p1 [tilespmem:$0x5C0]  }
0x14b: {  	[tilespmem:$0x1070] =	vst @!p1 v2;
	v2 =	vld @!p1 [tilespmem:$0x640]  }
0x14c: {  	[tilespmem:$0x1080] =	vst @!p1 v3;
	v3 =	vld @!p1 [tilespmem:$0x6C0]  }
0x14d: {  	[tilespmem:$0x1090] =	vst @!p1 v4;
	v4 =	vld @!p1 [tilespmem:$0x740]  }
0x14e: {  	[tilespmem:$0x10A0] =	vst @!p1 v0;
	v0 =	vld @!p1 [tilespmem:$0x7C0]  }
0x14f: {  	[tilespmem:$0x10B0] =	vst @!p1 v1  }
0x150: {  	[tilespmem:$0x10C0] =	vst @!p1 v2  }
0x151: {  	[tilespmem:$0x10D0] =	vst @!p1 v3  }
0x152: {  	[tilespmem:$0x10E0] =	vst @!p1 v4  }
0x153: {  	s13 =	simm.s32 @!p1 $0x1200;
	s1 =	simm.s32 @!p1 $0x1000;
	s0 =	simm.s32 @!p1 $0x80;
	[tilespmem:$0x10F0] =	vst @!p1 v0  }
0x154: {  	[tilespmem:s13], [sflag:$0x1] =	stream.indirect.gather @!p1 [hbm4b:s3+s0], $0x80, s1, s0, $0xb8;
	[tilespmem:$0x12200] =	vst v63  }
0x155: {  	s1 =	simm.s32 @!p1 $0x1080;
	s13 =	simm.s32 @!p1 $0x5200  }
0x156: {  	[tilespmem:s13], [sflag:$0x1] =	stream.indirect.gather @!p1 [hbm4b:s3+s0], $0x80, s1, s0, $0xb8;
	[tilespmem:$0x12200] =	vst v63  }
0x157: {  	_ =	swait.ge [sflag:s24], $0x4000  }
0x158: {  	[sflag:s24] =	ssyncset.done $0x0  }
0x159: {  	[sflag:s24] =	ssyncadd.s32 $0xFFFFC000  }
0x15a: {  	_ =	swait.ge [sflag:s24], $0x4000  }
0x15b: {  	[sflag:s24] =	ssyncset.done $0x0  }
0x15c: {  	s0 =	simm.s32 @!p0 $0x4;
	[sflag:s24] =	ssyncadd.s32 $0xFFFFC000  }
0x15d: {  	_ =	swait.ge @!p0 [sflag:s0], $0x800  }
0x15e: {  	s1 =	simm.s32 $0x11A40;
	[sflag:s0] =	ssyncset.done @!p0 $0x0  }
0x15f: {  	s13 =	simm.s32 $0x9600;
	[sflag:s0] =	ssyncadd.s32 @!p0 $0xFFFFF800;
	s0 =	simm.s32 $0x0  }
.LBB2_5:
0x160: {  	v3 =	vld [tilespmem:s13+$0xFFFFFC00]  }
0x161: {  	v5 =	vld [tilespmem:s13+$0xFFFFFC10]  }
0x162: {  	v6 =	vld [tilespmem:s13+$0xFFFFFC20]  }
0x163: {  	v8 =	vld [tilespmem:s13+$0xFFFFFC30]  }
0x164: {  	v9 =	vld [tilespmem:s13+$0xFFFFFC40]  }
0x165: {  	v11 =	vld [tilespmem:s13+$0xFFFFFC50]  }
0x166: {  	v12 =	vld [tilespmem:s13+$0xFFFFFC60]  }
0x167: {  	v14 =	vld [tilespmem:s13+$0xFFFFFC70]  }
0x168: {  	v15 =	vld [tilespmem:s13+$0xFFFFFC80]  }
0x169: {  	v17 =	vld [tilespmem:s13+$0xFFFFFC90]  }
0x16a: {  	s14 =	sshll.u32 s0, $0x7;
	v18 =	vld [tilespmem:s13+$0xFFFFFCA0]  }
0x16b: {  	v20 =	vld [tilespmem:s13+$0xFFFFFCB0];
	v0 =	vmov s14  }
0x16c: {  	v21 =	vld [tilespmem:s13+$0xFFFFFCC0]  }
0x16d: {  	v23 =	vld [tilespmem:s13+$0xFFFFFCD0];
	v1 =	vor.u32 $0x1, v0  }
0x16e: {  	v29 =	vld [tilespmem:s13+$0xFFFFFCE0]  }
0x16f: {  	v25 =	vld [tilespmem:s13+$0xFFFFFCF0];
	v4 =	vor.u32 $0x2, v0  }
0x170: {  	v2 =	vld.idx.msk [tilespmem:v0+s17+$0x0], $0xffff  }
0x171: {  	v32 =	vld [tilespmem:s13+$0xFFFFFD00];
	v7 =	vor.u32 $0x3, v0  }
0x172: {  	v1 =	vld.idx.msk [tilespmem:v1+s17+$0x0], $0xffff  }
0x173: {  	v35 =	vld [tilespmem:s13+$0xFFFFFD10];
	v10 =	vor.u32 $0x4, v0  }
0x174: {  	v4 =	vld.idx.msk [tilespmem:v4+s17+$0x0], $0xffff  }
0x175: {  	v39 =	vld [tilespmem:s13+$0xFFFFFD20];
	v13 =	vor.u32 $0x5, v0;
	v3 =	vmul.f32 v3, v2  }
0x176: {  	v7 =	vld.idx.msk [tilespmem:v7+s17+$0x0], $0xffff;
	v2 =	vmul.f32 v5, v2  }
0x177: {  	v42 =	vld [tilespmem:s13+$0xFFFFFD30];
	v16 =	vor.u32 $0x6, v0;
	v6 =	vmul.f32 v6, v1;
	v3 =	vadd.f32 $0.0e+00, v3  }
0x178: {  	v10 =	vld.idx.msk [tilespmem:v10+s17+$0x0], $0xffff;
	v1 =	vmul.f32 v8, v1;
	v2 =	vadd.f32 $0.0e+00, v2  }
0x179: {  	v46 =	vld [tilespmem:s13+$0xFFFFFD40];
	v19 =	vor.u32 $0x7, v0;
	v31 =	vmul.f32 v9, v4;
	v3 =	vadd.f32 v6, v3  }
0x17a: {  	v13 =	vld.idx.msk [tilespmem:v13+s17+$0x0], $0xffff;
	v34 =	vmul.f32 v11, v4;
	v1 =	vadd.f32 v1, v2  }
0x17b: {  	v49 =	vld [tilespmem:s13+$0xFFFFFD50];
	v22 =	vor.u32 $0x8, v0;
	v36 =	vmul.f32 v12, v7;
	v3 =	vadd.f32 v31, v3  }
0x17c: {  	v16 =	vld.idx.msk [tilespmem:v16+s17+$0x0], $0xffff;
	v38 =	vmul.f32 v14, v7;
	v1 =	vadd.f32 v34, v1  }
0x17d: {  	v52 =	vld [tilespmem:s13+$0xFFFFFD60];
	v24 =	vor.u32 $0x9, v0;
	v41 =	vmul.f32 v15, v10;
	v3 =	vadd.f32 v36, v3  }
0x17e: {  	v19 =	vld.idx.msk [tilespmem:v19+s17+$0x0], $0xffff;
	v43 =	vmul.f32 v17, v10;
	v1 =	vadd.f32 v38, v1  }
0x17f: {  	v54 =	vld [tilespmem:s13+$0xFFFFFD70];
	v33 =	vor.u32 $0xA, v0;
	v45 =	vmul.f32 v18, v13;
	v3 =	vadd.f32 v41, v3  }
0x180: {  	v30 =	vld.idx.msk [tilespmem:v22+s17+$0x0], $0xffff;
	v48 =	vmul.f32 v20, v13;
	v1 =	vadd.f32 v43, v1  }
0x181: {  	v57 =	vld [tilespmem:s13+$0xFFFFFD80];
	v40 =	vor.u32 $0xB, v0;
	v50 =	vmul.f32 v21, v16;
	v3 =	vadd.f32 v45, v3  }
0x182: {  	v37 =	vld.idx.msk [tilespmem:v24+s17+$0x0], $0xffff;
	v51 =	vmul.f32 v23, v16;
	v1 =	vadd.f32 v48, v1  }
0x183: {  	v60 =	vld [tilespmem:s13+$0xFFFFFD90];
	v47 =	vor.u32 $0xC, v0;
	v5 =	vmul.f32 v29, v19;
	v3 =	vadd.f32 v50, v3  }
0x184: {  	v53 =	vor.u32 $0xD, v0;
	v44 =	vld.idx.msk [tilespmem:v33+s17+$0x0], $0xffff;
	v55 =	vmul.f32 v25, v19;
	v1 =	vadd.f32 v51, v1  }
0x185: {  	v26 =	vld [tilespmem:s13+$0xFFFFFDC0];
	v56 =	vmul.f32 v32, v30;
	v3 =	vadd.f32 v5, v3  }
0x186: {  	v12 =	vld.idx.msk [tilespmem:v40+s17+$0x0], $0xffff;
	v59 =	vmul.f32 v35, v30;
	v1 =	vadd.f32 v55, v1  }
0x187: {  	v28 =	vld [tilespmem:s13+$0xFFFFFDD0];
	v58 =	vor.u32 $0xE, v0;
	v61 =	vmul.f32 v39, v37;
	v3 =	vadd.f32 v56, v3  }
0x188: {  	v17 =	vld.idx.msk [tilespmem:v47+s17+$0x0], $0xffff;
	v63 =	vmul.f32 v42, v37;
	v1 =	vadd.f32 v59, v1  }
0x189: {  	v62 =	vld.idx.msk [tilespmem:v53+s17+$0x0], $0xffff;
	v20 =	vor.u32 $0xF, v0;
	v21 =	vmul.f32 v46, v44;
	v3 =	vadd.f32 v61, v3  }
0x18a: {  	v18 =	vld [tilespmem:s13+$0xFFFFFDA0];
	v23 =	vmul.f32 v49, v44;
	v1 =	vadd.f32 v63, v1  }
0x18b: {  	v22 =	vld [tilespmem:s13+$0xFFFFFDB0];
	v25 =	vmul.f32 v52, v12;
	v3 =	vadd.f32 v21, v3  }
0x18c: {  	v24 =	vld.idx.msk [tilespmem:v58+s17+$0x0], $0xffff;
	v27 =	vmul.f32 v54, v12;
	v1 =	vadd.f32 v23, v1  }
0x18d: {  	v32 =	vld [tilespmem:s13+$0xFFFFFDE0];
	v29 =	vmul.f32 v57, v17;
	v3 =	vadd.f32 v25, v3  }
0x18e: {  	v30 =	vld.idx.msk [tilespmem:v20+s17+$0x0], $0xffff;
	v31 =	vmul.f32 v60, v17;
	v1 =	vadd.f32 v27, v1  }
0x18f: {  	v33 =	vmul.f32 v18, v62;
	v34 =	vld [tilespmem:s13+$0xFFFFFDF0];
	v3 =	vadd.f32 v29, v3  }
0x190: {  	v35 =	vmul.f32 v22, v62;
	v1 =	vadd.f32 v31, v1  }
0x191: {  	v36 =	vmul.f32 v26, v24;
	v3 =	vadd.f32 v33, v3  }
0x192: {  	v37 =	vmul.f32 v28, v24;
	v1 =	vadd.f32 v35, v1  }
0x193: {  	v4 =	vmul.f32 v32, v30;
	v3 =	vadd.f32 v36, v3  }
0x194: {  	v39 =	vor.u32 $0x10, v0;
	v38 =	vmul.f32 v34, v30;
	v1 =	vadd.f32 v37, v1  }
0x195: {  	v3 =	vadd.f32 v4, v3  }
0x196: {  	v1 =	vadd.f32 v38, v1  }
0x197: {  	v40 =	vor.u32 $0x11, v0;
	[tilespmem:s1+$0xFFFFFFC0] =	vst v3  }
0x198: {  	[tilespmem:s1+$0xFFFFFFD0] =	vst v1  }
0x199: {  	v1 =	vld.idx.msk [tilespmem:v39+s17+$0x0], $0xffff  }
0x19a: {  	v41 =	vor.u32 $0x12, v0;
	v3 =	vld [tilespmem:s13+$0xFFFFFE00]  }
0x19b: {  	v42 =	vld [tilespmem:s13+$0xFFFFFE10]  }
0x19c: {  	v2 =	vld.idx.msk [tilespmem:v40+s17+$0x0], $0xffff  }
0x19d: {  	v44 =	vor.u32 $0x13, v0;
	v43 =	vld [tilespmem:s13+$0xFFFFFE20]  }
0x19e: {  	v45 =	vld [tilespmem:s13+$0xFFFFFE30]  }
0x19f: {  	v4 =	vld.idx.msk [tilespmem:v41+s17+$0x0], $0xffff  }
0x1a0: {  	v47 =	vor.u32 $0x14, v0;
	v46 =	vld [tilespmem:s13+$0xFFFFFE40]  }
0x1a1: {  	v48 =	vld [tilespmem:s13+$0xFFFFFE50]  }
0x1a2: {  	v7 =	vld.idx.msk [tilespmem:v44+s17+$0x0], $0xffff  }
0x1a3: {  	v50 =	vor.u32 $0x15, v0;
	v49 =	vld [tilespmem:s13+$0xFFFFFE60]  }
0x1a4: {  	v51 =	vld [tilespmem:s13+$0xFFFFFE70]  }
0x1a5: {  	v10 =	vld.idx.msk [tilespmem:v47+s17+$0x0], $0xffff  }
0x1a6: {  	v53 =	vor.u32 $0x16, v0;
	v52 =	vld [tilespmem:s13+$0xFFFFFE80]  }
0x1a7: {  	v54 =	vld [tilespmem:s13+$0xFFFFFE90]  }
0x1a8: {  	v13 =	vld.idx.msk [tilespmem:v50+s17+$0x0], $0xffff  }
0x1a9: {  	v56 =	vor.u32 $0x17, v0;
	v55 =	vld [tilespmem:s13+$0xFFFFFEA0]  }
0x1aa: {  	v57 =	vld [tilespmem:s13+$0xFFFFFEB0]  }
0x1ab: {  	v16 =	vld.idx.msk [tilespmem:v53+s17+$0x0], $0xffff  }
0x1ac: {  	v59 =	vor.u32 $0x18, v0;
	v58 =	vld [tilespmem:s13+$0xFFFFFEC0]  }
0x1ad: {  	v60 =	vld [tilespmem:s13+$0xFFFFFED0]  }
0x1ae: {  	v19 =	vld.idx.msk [tilespmem:v56+s17+$0x0], $0xffff;
	v3 =	vmul.f32 v3, v1  }
0x1af: {  	v62 =	vor.u32 $0x19, v0;
	v61 =	vld [tilespmem:s13+$0xFFFFFEE0];
	v1 =	vmul.f32 v42, v1  }
0x1b0: {  	v63 =	vld [tilespmem:s13+$0xFFFFFEF0];
	v6 =	vmul.f32 v43, v2;
	v3 =	vadd.f32 $0.0e+00, v3  }
0x1b1: {  	v26 =	vld.idx.msk [tilespmem:v59+s17+$0x0], $0xffff;
	v2 =	vmul.f32 v45, v2;
	v1 =	vadd.f32 $0.0e+00, v1  }
0x1b2: {  	v29 =	vor.u32 $0x1A, v0;
	v28 =	vld [tilespmem:s13+$0xFFFFFF00];
	v27 =	vmul.f32 v46, v4;
	v3 =	vadd.f32 v6, v3  }
0x1b3: {  	v36 =	vor.u32 $0x1B, v0;
	v31 =	vld [tilespmem:s13+$0xFFFFFF10];
	v30 =	vmul.f32 v48, v4;
	v1 =	vadd.f32 v2, v1  }
0x1b4: {  	v33 =	vld.idx.msk [tilespmem:v62+s17+$0x0], $0xffff;
	v32 =	vmul.f32 v49, v7;
	v3 =	vadd.f32 v27, v3  }
0x1b5: {  	v35 =	vld [tilespmem:s13+$0xFFFFFF20];
	v34 =	vmul.f32 v51, v7;
	v1 =	vadd.f32 v30, v1  }
0x1b6: {  	v38 =	vld [tilespmem:s13+$0xFFFFFF30];
	v37 =	vmul.f32 v52, v10;
	v3 =	vadd.f32 v32, v3  }
0x1b7: {  	v40 =	vld.idx.msk [tilespmem:v29+s17+$0x0], $0xffff;
	v39 =	vmul.f32 v54, v10;
	v1 =	vadd.f32 v34, v1  }
0x1b8: {  	v12 =	vld.idx.msk [tilespmem:v36+s17+$0x0], $0xffff;
	v41 =	vmul.f32 v55, v13;
	v3 =	vadd.f32 v37, v3  }
0x1b9: {  	v50 =	vld [tilespmem:s13+$0xFFFFFF70];
	v44 =	vmul.f32 v57, v13;
	v1 =	vadd.f32 v39, v1  }
0x1ba: {  	v53 =	vld [tilespmem:s13+$0xFFFFFF80];
	v46 =	vmul.f32 v58, v16;
	v3 =	vadd.f32 v41, v3  }
0x1bb: {  	v56 =	vld [tilespmem:s13+$0xFFFFFF90];
	v47 =	vmul.f32 v60, v16;
	v1 =	vadd.f32 v44, v1  }
0x1bc: {  	v21 =	vld [tilespmem:s13+$0xFFFFFFC0];
	v43 =	vor.u32 $0x1C, v0;
	v5 =	vmul.f32 v61, v19;
	v3 =	vadd.f32 v46, v3  }
0x1bd: {  	v42 =	vld [tilespmem:s13+$0xFFFFFF40];
	v51 =	vmul.f32 v63, v19;
	v1 =	vadd.f32 v47, v1  }
0x1be: {  	v45 =	vld [tilespmem:s13+$0xFFFFFF50];
	v49 =	vor.u32 $0x1D, v0;
	v52 =	vmul.f32 v28, v26;
	v3 =	vadd.f32 v5, v3  }
0x1bf: {  	v48 =	vld [tilespmem:s13+$0xFFFFFF60];
	v55 =	vmul.f32 v31, v26;
	v1 =	vadd.f32 v51, v1  }
0x1c0: {  	v23 =	vld [tilespmem:s13+$0xFFFFFFD0];
	v54 =	vor.u32 $0x1E, v0;
	v57 =	vmul.f32 v35, v33;
	v3 =	vadd.f32 v52, v3  }
0x1c1: {  	v59 =	vmul.f32 v38, v33;
	v61 =	vor.u32 $0x1F, v0;
	v17 =	vld.idx.msk [tilespmem:v43+s17+$0x0], $0xffff;
	v1 =	vadd.f32 v55, v1  }
0x1c2: {  	v60 =	vld [tilespmem:s13+$0xFFFFFFA0];
	v62 =	vmul.f32 v42, v40;
	v3 =	vadd.f32 v57, v3  }
0x1c3: {  	v58 =	vld.idx.msk [tilespmem:v49+s17+$0x0], $0xffff;
	v18 =	vmul.f32 v45, v40;
	v1 =	vadd.f32 v59, v1  }
0x1c4: {  	v63 =	vld [tilespmem:s13+$0xFFFFFFB0];
	v20 =	vmul.f32 v48, v12;
	v3 =	vadd.f32 v62, v3  }
0x1c5: {  	v22 =	vmul.f32 v50, v12;
	v19 =	vld.idx.msk [tilespmem:v54+s17+$0x0], $0xffff;
	v1 =	vadd.f32 v18, v1  }
0x1c6: {  	v25 =	vld.idx.msk [tilespmem:v61+s17+$0x0], $0xffff;
	v24 =	vmul.f32 v53, v17;
	v3 =	vadd.f32 v20, v3  }
0x1c7: {  	v27 =	vld [tilespmem:s13+$0xFFFFFFE0];
	v26 =	vmul.f32 v56, v17;
	v1 =	vadd.f32 v22, v1  }
0x1c8: {  	v29 =	vld [tilespmem:s13+$0xFFFFFFF0];
	v28 =	vmul.f32 v60, v58;
	v3 =	vadd.f32 v24, v3  }
0x1c9: {  	v30 =	vmul.f32 v63, v58;
	v1 =	vadd.f32 v26, v1  }
0x1ca: {  	v31 =	vmul.f32 v21, v19;
	v3 =	vadd.f32 v28, v3  }
0x1cb: {  	v32 =	vmul.f32 v23, v19;
	v1 =	vadd.f32 v30, v1  }
0x1cc: {  	v4 =	vmul.f32 v27, v25;
	v3 =	vadd.f32 v31, v3  }
0x1cd: {  	v34 =	vor.u32 $0x20, v0;
	v33 =	vmul.f32 v29, v25;
	v1 =	vadd.f32 v32, v1  }
0x1ce: {  	v3 =	vadd.f32 v4, v3  }
0x1cf: {  	v1 =	vadd.f32 v33, v1  }
0x1d0: {  	v35 =	vor.u32 $0x21, v0;
	[tilespmem:s1+$0xFFFFFFE0] =	vst v3  }
0x1d1: {  	[tilespmem:s1+$0xFFFFFFF0] =	vst v1  }
0x1d2: {  	v1 =	vld.idx.msk [tilespmem:v34+s17+$0x0], $0xffff  }
0x1d3: {  	v36 =	vor.u32 $0x22, v0;
	v3 =	vld [tilespmem:s13+$0x0]  }
0x1d4: {  	v37 =	vld [tilespmem:s13+$0x10]  }
0x1d5: {  	v2 =	vld.idx.msk [tilespmem:v35+s17+$0x0], $0xffff  }
0x1d6: {  	v39 =	vor.u32 $0x23, v0;
	v38 =	vld [tilespmem:s13+$0x20]  }
0x1d7: {  	v40 =	vld [tilespmem:s13+$0x30]  }
0x1d8: {  	v4 =	vld.idx.msk [tilespmem:v36+s17+$0x0], $0xffff  }
0x1d9: {  	v42 =	vor.u32 $0x24, v0;
	v41 =	vld [tilespmem:s13+$0x40]  }
0x1da: {  	v43 =	vld [tilespmem:s13+$0x50]  }
0x1db: {  	v7 =	vld.idx.msk [tilespmem:v39+s17+$0x0], $0xffff  }
0x1dc: {  	v45 =	vor.u32 $0x25, v0;
	v44 =	vld [tilespmem:s13+$0x60]  }
0x1dd: {  	v46 =	vld [tilespmem:s13+$0x70]  }
0x1de: {  	v10 =	vld.idx.msk [tilespmem:v42+s17+$0x0], $0xffff  }
0x1df: {  	v48 =	vor.u32 $0x26, v0;
	v47 =	vld [tilespmem:s13+$0x80]  }
0x1e0: {  	v49 =	vld [tilespmem:s13+$0x90]  }
0x1e1: {  	v13 =	vld.idx.msk [tilespmem:v45+s17+$0x0], $0xffff  }
0x1e2: {  	v51 =	vor.u32 $0x27, v0;
	v50 =	vld [tilespmem:s13+$0xA0]  }
0x1e3: {  	v52 =	vld [tilespmem:s13+$0xB0]  }
0x1e4: {  	v16 =	vld.idx.msk [tilespmem:v48+s17+$0x0], $0xffff  }
0x1e5: {  	v54 =	vor.u32 $0x28, v0;
	v53 =	vld [tilespmem:s13+$0xC0]  }
0x1e6: {  	v55 =	vld [tilespmem:s13+$0xD0]  }
0x1e7: {  	v19 =	vld.idx.msk [tilespmem:v51+s17+$0x0], $0xffff;
	v3 =	vmul.f32 v3, v1  }
0x1e8: {  	v57 =	vor.u32 $0x29, v0;
	v56 =	vld [tilespmem:s13+$0xE0];
	v1 =	vmul.f32 v37, v1  }
0x1e9: {  	v58 =	vld [tilespmem:s13+$0xF0];
	v6 =	vmul.f32 v38, v2;
	v3 =	vadd.f32 $0.0e+00, v3  }
0x1ea: {  	v59 =	vld.idx.msk [tilespmem:v54+s17+$0x0], $0xffff;
	v2 =	vmul.f32 v40, v2;
	v1 =	vadd.f32 $0.0e+00, v1  }
0x1eb: {  	v62 =	vor.u32 $0x2A, v0;
	v61 =	vld [tilespmem:s13+$0x100];
	v60 =	vmul.f32 v41, v4;
	v3 =	vadd.f32 v6, v3  }
0x1ec: {  	v31 =	vor.u32 $0x2B, v0;
	v26 =	vld [tilespmem:s13+$0x110];
	v63 =	vmul.f32 v43, v4;
	v1 =	vadd.f32 v2, v1  }
0x1ed: {  	v28 =	vld.idx.msk [tilespmem:v57+s17+$0x0], $0xffff;
	v27 =	vmul.f32 v44, v7;
	v3 =	vadd.f32 v60, v3  }
0x1ee: {  	v30 =	vld [tilespmem:s13+$0x120];
	v29 =	vmul.f32 v46, v7;
	v1 =	vadd.f32 v63, v1  }
0x1ef: {  	v33 =	vld [tilespmem:s13+$0x130];
	v32 =	vmul.f32 v47, v10;
	v3 =	vadd.f32 v27, v3  }
0x1f0: {  	v35 =	vld.idx.msk [tilespmem:v62+s17+$0x0], $0xffff;
	v34 =	vmul.f32 v49, v10;
	v1 =	vadd.f32 v29, v1  }
0x1f1: {  	v12 =	vld.idx.msk [tilespmem:v31+s17+$0x0], $0xffff;
	v36 =	vmul.f32 v50, v13;
	v3 =	vadd.f32 v32, v3  }
0x1f2: {  	v45 =	vld [tilespmem:s13+$0x170];
	v39 =	vmul.f32 v52, v13;
	v1 =	vadd.f32 v34, v1  }
0x1f3: {  	v48 =	vld [tilespmem:s13+$0x180];
	v41 =	vmul.f32 v53, v16;
	v3 =	vadd.f32 v36, v3  }
0x1f4: {  	v51 =	vld [tilespmem:s13+$0x190];
	v42 =	vmul.f32 v55, v16;
	v1 =	vadd.f32 v39, v1  }
0x1f5: {  	v62 =	vld [tilespmem:s13+$0x1C0];
	v38 =	vor.u32 $0x2C, v0;
	v5 =	vmul.f32 v56, v19;
	v3 =	vadd.f32 v41, v3  }
0x1f6: {  	v37 =	vld [tilespmem:s13+$0x140];
	v46 =	vmul.f32 v58, v19;
	v1 =	vadd.f32 v42, v1  }
0x1f7: {  	v40 =	vld [tilespmem:s13+$0x150];
	v44 =	vor.u32 $0x2D, v0;
	v47 =	vmul.f32 v61, v59;
	v3 =	vadd.f32 v5, v3  }
0x1f8: {  	v43 =	vld [tilespmem:s13+$0x160];
	v50 =	vmul.f32 v26, v59;
	v1 =	vadd.f32 v46, v1  }
0x1f9: {  	v49 =	vor.u32 $0x2E, v0;
	v52 =	vmul.f32 v30, v28;
	v55 =	vld [tilespmem:s13+$0x1A0];
	v3 =	vadd.f32 v47, v3  }
0x1fa: {  	v54 =	vmul.f32 v33, v28;
	v17 =	vld.idx.msk [tilespmem:v38+s17+$0x0], $0xffff;
	v1 =	vadd.f32 v50, v1  }
0x1fb: {  	v56 =	vor.u32 $0x2F, v0;
	v58 =	vld [tilespmem:s13+$0x1B0];
	v57 =	vmul.f32 v37, v35;
	v3 =	vadd.f32 v52, v3  }
0x1fc: {  	v53 =	vld.idx.msk [tilespmem:v44+s17+$0x0], $0xffff;
	v59 =	vmul.f32 v40, v35;
	v1 =	vadd.f32 v54, v1  }
0x1fd: {  	v19 =	vld [tilespmem:s13+$0x1E0];
	v61 =	vmul.f32 v43, v12;
	v3 =	vadd.f32 v57, v3  }
0x1fe: {  	v60 =	vld.idx.msk [tilespmem:v49+s17+$0x0], $0xffff;
	v63 =	vmul.f32 v45, v12;
	v1 =	vadd.f32 v59, v1  }
0x1ff: {  	v12 =	vld [tilespmem:s13+$0x1D0];
	v15 =	vmul.f32 v48, v17;
	v3 =	vadd.f32 v61, v3  }
0x200: {  	v16 =	vld.idx.msk [tilespmem:v56+s17+$0x0], $0xffff;
	v18 =	vmul.f32 v51, v17;
	v1 =	vadd.f32 v63, v1  }
0x201: {  	v21 =	vld [tilespmem:s13+$0x1F0];
	v20 =	vmul.f32 v55, v53;
	v3 =	vadd.f32 v15, v3  }
0x202: {  	v22 =	vmul.f32 v58, v53;
	v1 =	vadd.f32 v18, v1  }
0x203: {  	v23 =	vmul.f32 v62, v60;
	v3 =	vadd.f32 v20, v3  }
0x204: {  	v24 =	vmul.f32 v12, v60;
	v1 =	vadd.f32 v22, v1  }
0x205: {  	v4 =	vmul.f32 v19, v16;
	v3 =	vadd.f32 v23, v3  }
0x206: {  	v26 =	vor.u32 $0x30, v0;
	v25 =	vmul.f32 v21, v16;
	v1 =	vadd.f32 v24, v1  }
0x207: {  	v3 =	vadd.f32 v4, v3  }
0x208: {  	v1 =	vadd.f32 v25, v1  }
0x209: {  	v27 =	vor.u32 $0x31, v0;
	[tilespmem:s1+$0x0] =	vst v3  }
0x20a: {  	[tilespmem:s1+$0x10] =	vst v1  }
0x20b: {  	v1 =	vld.idx.msk [tilespmem:v26+s17+$0x0], $0xffff  }
0x20c: {  	v28 =	vor.u32 $0x32, v0;
	v3 =	vld [tilespmem:s13+$0x200]  }
0x20d: {  	v29 =	vld [tilespmem:s13+$0x210]  }
0x20e: {  	v2 =	vld.idx.msk [tilespmem:v27+s17+$0x0], $0xffff  }
0x20f: {  	v31 =	vor.u32 $0x33, v0;
	v30 =	vld [tilespmem:s13+$0x220]  }
0x210: {  	v32 =	vld [tilespmem:s13+$0x230]  }
0x211: {  	v4 =	vld.idx.msk [tilespmem:v28+s17+$0x0], $0xffff  }
0x212: {  	v34 =	vor.u32 $0x34, v0;
	v33 =	vld [tilespmem:s13+$0x240]  }
0x213: {  	v35 =	vld [tilespmem:s13+$0x250]  }
0x214: {  	v7 =	vld.idx.msk [tilespmem:v31+s17+$0x0], $0xffff  }
0x215: {  	v37 =	vor.u32 $0x35, v0;
	v36 =	vld [tilespmem:s13+$0x260]  }
0x216: {  	v38 =	vld [tilespmem:s13+$0x270]  }
0x217: {  	v10 =	vld.idx.msk [tilespmem:v34+s17+$0x0], $0xffff  }
0x218: {  	v40 =	vor.u32 $0x36, v0;
	v39 =	vld [tilespmem:s13+$0x280]  }
0x219: {  	v41 =	vld [tilespmem:s13+$0x290]  }
0x21a: {  	v13 =	vld.idx.msk [tilespmem:v37+s17+$0x0], $0xffff  }
0x21b: {  	v43 =	vor.u32 $0x37, v0;
	v42 =	vld [tilespmem:s13+$0x2A0]  }
0x21c: {  	v44 =	vld [tilespmem:s13+$0x2B0]  }
0x21d: {  	v16 =	vld.idx.msk [tilespmem:v40+s17+$0x0], $0xffff  }
0x21e: {  	v46 =	vor.u32 $0x38, v0;
	v45 =	vld [tilespmem:s13+$0x2C0]  }
0x21f: {  	v47 =	vld [tilespmem:s13+$0x2D0]  }
0x220: {  	v19 =	vld.idx.msk [tilespmem:v43+s17+$0x0], $0xffff;
	v3 =	vmul.f32 v3, v1  }
0x221: {  	v49 =	vor.u32 $0x39, v0;
	v48 =	vld [tilespmem:s13+$0x2E0];
	v1 =	vmul.f32 v29, v1  }
0x222: {  	v50 =	vld [tilespmem:s13+$0x2F0];
	v6 =	vmul.f32 v30, v2;
	v3 =	vadd.f32 $0.0e+00, v3  }
0x223: {  	v51 =	vld.idx.msk [tilespmem:v46+s17+$0x0], $0xffff;
	v2 =	vmul.f32 v32, v2;
	v1 =	vadd.f32 $0.0e+00, v1  }
0x224: {  	v54 =	vor.u32 $0x3A, v0;
	v53 =	vld [tilespmem:s13+$0x300];
	v52 =	vmul.f32 v33, v4;
	v3 =	vadd.f32 v6, v3  }
0x225: {  	v56 =	vld [tilespmem:s13+$0x310];
	v55 =	vmul.f32 v35, v4;
	v1 =	vadd.f32 v2, v1  }
0x226: {  	v58 =	vld.idx.msk [tilespmem:v49+s17+$0x0], $0xffff;
	v57 =	vmul.f32 v36, v7;
	v3 =	vadd.f32 v52, v3  }
0x227: {  	v61 =	vor.u32 $0x3B, v0;
	v60 =	vld [tilespmem:s13+$0x320];
	v59 =	vmul.f32 v38, v7;
	v1 =	vadd.f32 v55, v1  }
0x228: {  	v63 =	vld [tilespmem:s13+$0x330];
	v62 =	vmul.f32 v39, v10;
	v3 =	vadd.f32 v57, v3  }
0x229: {  	v26 =	vld.idx.msk [tilespmem:v54+s17+$0x0], $0xffff;
	v24 =	vmul.f32 v41, v10;
	v1 =	vadd.f32 v59, v1  }
0x22a: {  	v28 =	vld [tilespmem:s13+$0x340];
	v27 =	vmul.f32 v42, v13;
	v3 =	vadd.f32 v62, v3  }
0x22b: {  	v31 =	vld [tilespmem:s13+$0x350];
	v30 =	vmul.f32 v44, v13;
	v1 =	vadd.f32 v24, v1  }
0x22c: {  	v12 =	vld.idx.msk [tilespmem:v61+s17+$0x0], $0xffff;
	v32 =	vmul.f32 v45, v16;
	v3 =	vadd.f32 v27, v3  }
0x22d: {  	v34 =	vld [tilespmem:s13+$0x360];
	v33 =	vmul.f32 v47, v16;
	v1 =	vadd.f32 v30, v1  }
0x22e: {  	v46 =	vld [tilespmem:s13+$0x3A0];
	v29 =	vor.u32 $0x3C, v0;
	v5 =	vmul.f32 v48, v19;
	v3 =	vadd.f32 v32, v3  }
0x22f: {  	v54 =	vld [tilespmem:s13+$0x3D0];
	v37 =	vmul.f32 v50, v19;
	v1 =	vadd.f32 v33, v1  }
0x230: {  	v35 =	vor.u32 $0x3D, v0;
	v36 =	vld [tilespmem:s13+$0x370];
	v38 =	vmul.f32 v53, v51;
	v3 =	vadd.f32 v5, v3  }
0x231: {  	v40 =	vor.u32 $0x3E, v0;
	v39 =	vld [tilespmem:s13+$0x380];
	v41 =	vmul.f32 v56, v51;
	v1 =	vadd.f32 v37, v1  }
0x232: {  	v42 =	vld [tilespmem:s13+$0x390];
	v43 =	vmul.f32 v60, v58;
	v3 =	vadd.f32 v38, v3  }
0x233: {  	v45 =	vmul.f32 v63, v58;
	v0 =	vor.u32 $0x3F, v0;
	v17 =	vld.idx.msk [tilespmem:v29+s17+$0x0], $0xffff;
	v1 =	vadd.f32 v41, v1  }
0x234: {  	v47 =	vmul.f32 v28, v26;
	v48 =	vld [tilespmem:s13+$0x3B0];
	v3 =	vadd.f32 v43, v3  }
0x235: {  	v49 =	vmul.f32 v31, v26;
	v44 =	vld.idx.msk [tilespmem:v35+s17+$0x0], $0xffff;
	v1 =	vadd.f32 v45, v1  }
0x236: {  	v50 =	vld.idx.msk [tilespmem:v40+s17+$0x0], $0xffff;
	v51 =	vmul.f32 v34, v12;
	v3 =	vadd.f32 v47, v3  }
0x237: {  	v53 =	vmul.f32 v36, v12;
	v52 =	vld [tilespmem:s13+$0x3C0];
	v1 =	vadd.f32 v49, v1  }
0x238: {  	v0 =	vld.idx.msk [tilespmem:v0+s17+$0x0], $0xffff;
	v55 =	vmul.f32 v39, v17;
	v3 =	vadd.f32 v51, v3  }
0x239: {  	v57 =	vld [tilespmem:s13+$0x3E0];
	v56 =	vmul.f32 v42, v17;
	v1 =	vadd.f32 v53, v1  }
0x23a: {  	v59 =	vld [tilespmem:s13+$0x3F0];
	v58 =	vmul.f32 v46, v44;
	v3 =	vadd.f32 v55, v3  }
0x23b: {  	v60 =	vmul.f32 v48, v44;
	v1 =	vadd.f32 v56, v1  }
0x23c: {  	v61 =	vmul.f32 v52, v50;
	v3 =	vadd.f32 v58, v3  }
0x23d: {  	v62 =	vmul.f32 v54, v50;
	v1 =	vadd.f32 v60, v1  }
0x23e: {  	p0 =	sne.s32 s0, $0xF;
	v4 =	vmul.f32 v57, v0;
	v3 =	vadd.f32 v61, v3  }
.Ltmp1:
0x23f: {  	v0 =	vmul.f32 v59, v0;
	v1 =	vadd.f32 v62, v1;
	(pc) =	sbr.rel @p0 .LBB2_5-.Ltmp1, $4  }
0x240: {  	v63 =	vadd.f32 v4, v3  }
0x241: {  	v0 =	vadd.f32 v0, v1  }
0x242: {  	[tilespmem:s1+$0x20] =	vst v63  }
0x243: {  	s0 =	sadd.s32 $0x1, s0;
	s13 =	sadd.s32 $0x800, s13;
	[tilespmem:s1+$0x30] =	vst v0;
	s1 =	sadd.s32 $0x80, s1  }
0x244: {  	s30 =	sadd.s32 $0x1, s30  }
0x245: {  	p0 =	sne.s32 s30, $0x62  }
.Ltmp2:
0x246: {  	_ = 	snop;
	(pc) =	sbr.rel @p0 .LBB2_2-.Ltmp2, $3  }
0x247: {  	_ =	sdelay $0x1  }
0x248: {  	s0 =	sadd.s32 s6, s31  }
0x249: {  	[hbm4b:s0+s2] =	stream.linear.scatter [tilespmem:s25], [sflag:$0x4], $0x800, $0x38;
	[tilespmem:$0x12200] =	vst v63  }
0x24a: {  	s29 =	sadd.s32 $0x1, s29  }
0x24b: {  	_ =	swait.ge [sflag:s26], $0x800;
	p0 =	sne.s32 s29, s9  }
.Ltmp3:
0x24c: {  	[sflag:s26] =	ssyncset.done $0x0;
	(pc) =	sbr.rel @p0 .LBB2_1-.Ltmp3, $4  }
0x24d: {  	[sflag:s26] =	ssyncadd.s32 $0xFFFFF800  }
0x24e: {  	_ =	swait.ge [sflag:s28], $0x800  }
0x24f: {  	[sflag:s28] =	ssyncset.done $0x0  }
0x250: {  	[sflag:s28] =	ssyncadd.s32 $0xFFFFF800  }
0x251: {  	_ =	sfence.sel $0x180000  }
0x252: {  	[bflag:$0x0] =	sbarrier.arrive $0xFFFF  }
0x253: {  	_ =	strace $0x90000047  }
0x254: {  	s0 =	stileid.u32;
	[bflag:$0x2] =	sbarrier.arrive $0xFFFF  }
0x255: {  	p0 =	sne.s32 s0, $0x0;
	s0 =	rddreg [dreg:$0x1]  }
0x256: {  	s0 =	sadd.s32 @!p0 $0x100000, s0  }
0x257: {  	[sflag:s0] =	ssyncadd.tile.s32 @!p0 $0x1;
	_ =	shalt  }
.Lfunc_end2:
_tile_overlayer_lowered:
.L_overlay_start_2:
0x258: {  	(tag) =	ssettag $0x2  }
0x259: {  	s0 =	rddreg [dreg:$0x0];
	s2 =	stileid.u32  }
0x25a: {  	s1 =	rddreg [dreg:$0x1];
	p0 =	sne.s32 s2, $0x0  }
0x25b: {  	s3 =	rddreg [dreg:$0x2];
	[bflag:$0x3] =	sbarrier.arrive $0xFFFF;
	s2 =	simm.s32 @!p0 $0x1C05  }
0x25c: {  	[timem:s3], [sflag:s2] =	dma.local @!p0 [hbm:s0], s1  }
0x25d: {  	s0 =	simm.s32 @!p0 $0x5  }
0x25e: {  	_ =	swait.ge @!p0 [sflag:s0], s1  }
0x25f: {  	s1 =	ssub.s32 @!p0 $0x0, s1;
	[sflag:s0] =	ssyncset.done @!p0 $0x0  }
0x260: {  	[sflag:s0] =	ssyncadd.s32 @!p0 s1  }
0x261: {  	[bflag:$0x3] =	sbarrier.arrive $0xFFFF  }
0x262: {  	_ =	shalt  }

</sc_bundles>
